<compile_context>
chip_gen: v7x
topology: tpu7x:2x2x1
jax: 0.10.2.dev20260603
libtpu: 0.0.44.dev20260713+nightly
codegen_flags: <defaults>
</compile_context>

<pallas_src>
import functools

import jax
import jax.numpy as jnp
from jax import lax
from jax.experimental import pallas as pl
from jax.experimental.pallas import tpu as pltpu
from jax.experimental.pallas import tpu_sc as plsc

N_NODES = 10000
N_EDGES = 320000
D = 128
N_RELS = 64

NC = 2
NS = 16
NW = NC * NS
EPW = N_EDGES // NW
C = 80
NCH = EPW // C
G = C // 16


def _build():
    mesh = plsc.VectorSubcoreMesh(core_axis_name="c", subcore_axis_name="s")

    @functools.partial(
        pl.kernel,
        mesh=mesh,
        compiler_params=pltpu.CompilerParams(needs_layout_passes=False, use_tc_tiling_on_sc=False),
        out_type=jax.ShapeDtypeStruct((N_EDGES,), jnp.float32),
        scratch_types=[
            pltpu.VMEM((EPW,), jnp.int32),
            pltpu.VMEM((EPW,), jnp.int32),
            pltpu.VMEM((EPW,), jnp.int32),
            pltpu.VMEM_SHARED((N_RELS, D // 2), jnp.int32),
            pltpu.VMEM((C, D // 2), jnp.int32),
            pltpu.VMEM((C, D // 2), jnp.int32),
            pltpu.VMEM((C, D // 2), jnp.int32),
            pltpu.VMEM((C, D // 2), jnp.int32),
            pltpu.VMEM((C, D // 2), jnp.int32),
            pltpu.VMEM((C, D // 2), jnp.int32),
            pltpu.VMEM((C, D // 2), jnp.int32),
            pltpu.VMEM((C, D // 2), jnp.int32),
            pltpu.VMEM((C, D // 2), jnp.int32),
            pltpu.VMEM((EPW,), jnp.float32),
            pltpu.VMEM((1296,), jnp.float32),
            pltpu.SemaphoreType.DMA,
            pltpu.SemaphoreType.DMA,
            pltpu.SemaphoreType.DMA,
            pltpu.SemaphoreType.DMA,
            pltpu.SemaphoreType.DMA,
            pltpu.SemaphoreType.DMA,
            pltpu.SemaphoreType.DMA,
            pltpu.SemaphoreType.DMA,
            pltpu.SemaphoreType.DMA,
        ],
    )
    def scorer(emb, wrel, src, tgt, et, out,
               src_v, tgt_v, et_v, w_sh, s0_v, s1_v, s2_v, o0_v, o1_v, o2_v,
               w0_v, w1_v, w2_v, out_v, t_v,
               sem_s0, sem_s1, sem_s2, sem_o0, sem_o1, sem_o2,
               sem_w0, sem_w1, sem_w2):
        wid = lax.axis_index("s") * NC + lax.axis_index("c")
        base = wid * EPW
        pltpu.sync_copy(src.at[pl.ds(base, EPW)], src_v)
        pltpu.sync_copy(tgt.at[pl.ds(base, EPW)], tgt_v)
        pltpu.sync_copy(et.at[pl.ds(base, EPW)], et_v)
        @pl.when(lax.axis_index("s") == 0)
        def _init_w():
            pltpu.sync_copy(wrel, w_sh)
        plsc.subcore_barrier()

        sbufs = (s0_v, s1_v, s2_v)
        obufs = (o0_v, o1_v, o2_v)
        wbufs = (w0_v, w1_v, w2_v)
        ssems = (sem_s0, sem_s1, sem_s2)
        osems = (sem_o0, sem_o1, sem_o2)
        wsems = (sem_w0, sem_w1, sem_w2)

        lane = lax.iota(jnp.int32, 16)

        def start(c, b):
            off = c * C
            pltpu.async_copy(emb.at[src_v.at[pl.ds(off, C)]], sbufs[b], ssems[b])
            pltpu.async_copy(emb.at[tgt_v.at[pl.ds(off, C)]], obufs[b], osems[b])
            pltpu.async_copy(w_sh.at[et_v.at[pl.ds(off, C)]], wbufs[b], wsems[b])

        def wait(b):
            dummy = emb.at[src_v.at[pl.ds(0, C)]]
            pltpu.make_async_copy(dummy, sbufs[b], ssems[b]).wait()
            pltpu.make_async_copy(dummy, obufs[b], osems[b]).wait()
            pltpu.make_async_copy(dummy, wbufs[b], wsems[b]).wait()

        lane81 = lane * 81

        def compute(c, b):
            s_v = sbufs[b]
            o_v = obufs[b]
            w_v = wbufs[b]

            @plsc.parallel_loop(0, C, unroll=4)
            def ebody(e):
                pair = []
                for j in range(4):
                    sv32 = plsc.bitcast(s_v[e, pl.ds(j * 16, 16)],
                                        jnp.bfloat16)
                    ov32 = plsc.bitcast(o_v[e, pl.ds(j * 16, 16)],
                                        jnp.bfloat16)
                    wv32 = plsc.bitcast(w_v[e, pl.ds(j * 16, 16)],
                                        jnp.bfloat16)
                    pair.append((sv32 * ov32) * wv32)
                ta, tb = plsc.unpack(pair[0] + pair[1],
                                     format=plsc.PackFormat.INTERLEAVED)
                tc, td = plsc.unpack(pair[2] + pair[3],
                                     format=plsc.PackFormat.INTERLEAVED)
                plsc.store_scatter(t_v, [lane81 + e], (ta + tb) + (tc + td))
            for g in range(G):
                z = jnp.zeros((16,), jnp.float32)
                parts = [z, z, z, z]
                for l in range(16):
                    parts[l % 4] = parts[l % 4] + t_v[pl.ds(l * 81 + g * 16, 16)]
                out_v[pl.ds(c * C + g * 16, 16)] = (
                    (parts[0] + parts[1]) + (parts[2] + parts[3]))

        start(0, 0)
        start(1, 1)
        def trip_body(c3, carry):
            c = c3 * 3
            for b in range(3):
                wait(b)
                start(c + b + 2, (b + 2) % 3)
                compute(c + b, b)
            return carry

        lax.fori_loop(0, NCH // 3, trip_body, jnp.int32(0))
        wait((NCH - 2) % 3)
        compute(NCH - 2, (NCH - 2) % 3)
        wait((NCH - 1) % 3)
        compute(NCH - 1, (NCH - 1) % 3)

        pltpu.sync_copy(out_v, out.at[pl.ds(base, EPW)])

    return scorer


_scorer_cache = []


@jax.jit
def kernel(embedding, w_relation, source, target, edge_types):
    if not _scorer_cache:
        _scorer_cache.append(_build())
    emb_packed = jax.lax.bitcast_convert_type(
        embedding.astype(jnp.bfloat16).reshape(N_NODES, D // 2, 2), jnp.int32)
    w_packed = jax.lax.bitcast_convert_type(
        w_relation.astype(jnp.bfloat16).reshape(N_RELS, D // 2, 2),
        jnp.int32)
    return _scorer_cache[0](emb_packed, w_packed,
                            source, target, edge_types)

# --- scband reference (transcript-rebuilt; emitter-appended) ---
"""Pipeline reference for scband-link-predictor-22187801051465 (READ-ONLY COPY).

The authoritative reference and input builder live on the scoring server;
editing this copy changes nothing except your own understanding.
"""

import jax, jax.numpy as jnp
import numpy as np

N_NODES = 10000
N_EDGES = 320000
D = 128
N_RELS = 64


def setup_inputs(seed: int = 0) -> dict:
    key = jax.random.key(seed)
    k_emb, k_rel, k_src, k_dst, k_et = jax.random.split(key, 5)
    embedding = jax.random.normal(k_emb, (N_NODES, D), dtype=jnp.float32)
    # w_relation is a learned parameter (xavier_uniform in torch); materialize here
    gain = float(np.sqrt(2.0))  # calculate_gain('relu')
    bound = gain * float(np.sqrt(6.0 / (N_RELS + D)))
    w_relation = jax.random.uniform(k_rel, (N_RELS, D), dtype=jnp.float32, minval=-bound, maxval=bound)
    source = jax.random.randint(k_src, (N_EDGES,), 0, N_NODES, dtype=jnp.int64 if jax.config.jax_enable_x64 else jnp.int32).astype(jnp.int32)
    target = jax.random.randint(k_dst, (N_EDGES,), 0, N_NODES, dtype=jnp.int32)
    edge_types = jax.random.randint(k_et, (N_EDGES,), 0, N_RELS, dtype=jnp.int32)
    return {
        'embedding': embedding,
        'w_relation': w_relation,
        'source': source,
        'target': target,
        'edge_types': edge_types,
    }


def reference(embedding, w_relation, source, target, edge_types):
    # Faithful translation of LinkPredictor.calc_score (DistMult scoring):
    #   s = embedding[source]; r = w_relation[edge_types]; o = embedding[target]
    #   score = sum(s * r * o, dim=1)
    s = jnp.take(embedding, source, axis=0)
    r = jnp.take(w_relation, edge_types, axis=0)
    o = jnp.take(embedding, target, axis=0)
    score = jnp.sum(s * r * o, axis=1)
    return score

if __name__ == "__main__":
    import jax
    _d = setup_inputs()
    print(jax.jit(kernel)(*tuple(_d.values())))

</pallas_src>

<mosaic_0001>
#map = affine_map<(d0, d1) -> (0, 0)>
#map1 = affine_map<(d0, d1) -> (0)>
module attributes {stable_mosaic.version = 14 : i64} {
  func.func @scorer(%arg0: i32, %arg1: i32, %arg2: memref<10000x64xi32, #tpu.memory_space<hbm>>, %arg3: memref<64x64xi32, #tpu.memory_space<hbm>>, %arg4: memref<320000xi32, #tpu.memory_space<hbm>>, %arg5: memref<320000xi32, #tpu.memory_space<hbm>>, %arg6: memref<320000xi32, #tpu.memory_space<hbm>>, %arg7: memref<320000xf32, #tpu.memory_space<hbm>>, %arg8: memref<10000xi32, #tpu.memory_space<vmem>>, %arg9: memref<10000xi32, #tpu.memory_space<vmem>>, %arg10: memref<10000xi32, #tpu.memory_space<vmem>>, %arg11: memref<64x64xi32, #tpu.memory_space<vmem_shared>>, %arg12: memref<80x64xi32, #tpu.memory_space<vmem>>, %arg13: memref<80x64xi32, #tpu.memory_space<vmem>>, %arg14: memref<80x64xi32, #tpu.memory_space<vmem>>, %arg15: memref<80x64xi32, #tpu.memory_space<vmem>>, %arg16: memref<80x64xi32, #tpu.memory_space<vmem>>, %arg17: memref<80x64xi32, #tpu.memory_space<vmem>>, %arg18: memref<80x64xi32, #tpu.memory_space<vmem>>, %arg19: memref<80x64xi32, #tpu.memory_space<vmem>>, %arg20: memref<80x64xi32, #tpu.memory_space<vmem>>, %arg21: memref<10000xf32, #tpu.memory_space<vmem>>, %arg22: memref<1296xf32, #tpu.memory_space<vmem>>, %arg23: memref<!tpu.dma_semaphore, #tpu.memory_space<semaphore_mem>>, %arg24: memref<!tpu.dma_semaphore, #tpu.memory_space<semaphore_mem>>, %arg25: memref<!tpu.dma_semaphore, #tpu.memory_space<semaphore_mem>>, %arg26: memref<!tpu.dma_semaphore, #tpu.memory_space<semaphore_mem>>, %arg27: memref<!tpu.dma_semaphore, #tpu.memory_space<semaphore_mem>>, %arg28: memref<!tpu.dma_semaphore, #tpu.memory_space<semaphore_mem>>, %arg29: memref<!tpu.dma_semaphore, #tpu.memory_space<semaphore_mem>>, %arg30: memref<!tpu.dma_semaphore, #tpu.memory_space<semaphore_mem>>, %arg31: memref<!tpu.dma_semaphore, #tpu.memory_space<semaphore_mem>>) attributes {dimension_semantics = [#tpu.dimension_semantics<core_parallel>, #tpu.dimension_semantics<subcore_parallel>], iteration_bounds = array<i64: 2, 16>, scalar_prefetch = 0 : i64, scratch_operands = 24 : i64, tpu.core_type = #tpu.core_type<sc_vector_subcore>, window_params = [{transform_indices = #map}, {transform_indices = #map}, {transform_indices = #map1}, {transform_indices = #map1}, {transform_indices = #map1}, {transform_indices = #map1}]} {
    %mul3A = arith.constant 2 : i32
    %mul3A_0 = arith.muli %arg1, %mul3A : i32
    %add3A = arith.addi %mul3A_0, %arg0 : i32
    %mul3A_1 = arith.constant 10000 : i32
    %mul3A_2 = arith.muli %add3A, %mul3A_1 : i32
    "tpu.region"() ({
      %run_scoped3A = tpu.sem_alloc : memref<!tpu.dma_semaphore, #tpu.memory_space<semaphore_mem>>
      %dma_start3A_623 = tpu.memref_slice %arg4[%mul3A_2] : memref<320000xi32, #tpu.memory_space<hbm>> -> memref<10000xi32, #tpu.memory_space<hbm>>
      %dma_start3A_624 = tpu.memref_slice %arg4[%mul3A_2] : memref<320000xi32, #tpu.memory_space<hbm>> -> memref<10000xi32, #tpu.memory_space<hbm>>
      tpu.enqueue_dma source(%dma_start3A_624 : memref<10000xi32, #tpu.memory_space<hbm>>) target(%arg8 : memref<10000xi32, #tpu.memory_space<vmem>>) target_semaphore(%run_scoped3A : memref<!tpu.dma_semaphore, #tpu.memory_space<semaphore_mem>>)
      %dma_wait3A_625 = tpu.memref_slice %arg4[%mul3A_2] : memref<320000xi32, #tpu.memory_space<hbm>> -> memref<10000xi32, #tpu.memory_space<hbm>>
      %dma_wait3A_626 = tpu.memref_slice %arg4[%mul3A_2] : memref<320000xi32, #tpu.memory_space<hbm>> -> memref<10000xi32, #tpu.memory_space<hbm>>
      tpu.wait_dma2 semaphore(%run_scoped3A : memref<!tpu.dma_semaphore, #tpu.memory_space<semaphore_mem>>) src(%dma_wait3A_626 : memref<10000xi32, #tpu.memory_space<hbm>>) dst(%arg8 : memref<10000xi32, #tpu.memory_space<vmem>>)
      tpu.yield
    }) : () -> ()
    "tpu.region"() ({
      %run_scoped3A = tpu.sem_alloc : memref<!tpu.dma_semaphore, #tpu.memory_space<semaphore_mem>>
      %dma_start3A_623 = tpu.memref_slice %arg5[%mul3A_2] : memref<320000xi32, #tpu.memory_space<hbm>> -> memref<10000xi32, #tpu.memory_space<hbm>>
      %dma_start3A_624 = tpu.memref_slice %arg5[%mul3A_2] : memref<320000xi32, #tpu.memory_space<hbm>> -> memref<10000xi32, #tpu.memory_space<hbm>>
      tpu.enqueue_dma source(%dma_start3A_624 : memref<10000xi32, #tpu.memory_space<hbm>>) target(%arg9 : memref<10000xi32, #tpu.memory_space<vmem>>) target_semaphore(%run_scoped3A : memref<!tpu.dma_semaphore, #tpu.memory_space<semaphore_mem>>)
      %dma_wait3A_625 = tpu.memref_slice %arg5[%mul3A_2] : memref<320000xi32, #tpu.memory_space<hbm>> -> memref<10000xi32, #tpu.memory_space<hbm>>
      %dma_wait3A_626 = tpu.memref_slice %arg5[%mul3A_2] : memref<320000xi32, #tpu.memory_space<hbm>> -> memref<10000xi32, #tpu.memory_space<hbm>>
      tpu.wait_dma2 semaphore(%run_scoped3A : memref<!tpu.dma_semaphore, #tpu.memory_space<semaphore_mem>>) src(%dma_wait3A_626 : memref<10000xi32, #tpu.memory_space<hbm>>) dst(%arg9 : memref<10000xi32, #tpu.memory_space<vmem>>)
      tpu.yield
    }) : () -> ()
    "tpu.region"() ({
      %run_scoped3A = tpu.sem_alloc : memref<!tpu.dma_semaphore, #tpu.memory_space<semaphore_mem>>
      %dma_start3A_623 = tpu.memref_slice %arg6[%mul3A_2] : memref<320000xi32, #tpu.memory_space<hbm>> -> memref<10000xi32, #tpu.memory_space<hbm>>
      %dma_start3A_624 = tpu.memref_slice %arg6[%mul3A_2] : memref<320000xi32, #tpu.memory_space<hbm>> -> memref<10000xi32, #tpu.memory_space<hbm>>
      tpu.enqueue_dma source(%dma_start3A_624 : memref<10000xi32, #tpu.memory_space<hbm>>) target(%arg10 : memref<10000xi32, #tpu.memory_space<vmem>>) target_semaphore(%run_scoped3A : memref<!tpu.dma_semaphore, #tpu.memory_space<semaphore_mem>>)
      %dma_wait3A_625 = tpu.memref_slice %arg6[%mul3A_2] : memref<320000xi32, #tpu.memory_space<hbm>> -> memref<10000xi32, #tpu.memory_space<hbm>>
      %dma_wait3A_626 = tpu.memref_slice %arg6[%mul3A_2] : memref<320000xi32, #tpu.memory_space<hbm>> -> memref<10000xi32, #tpu.memory_space<hbm>>
      tpu.wait_dma2 semaphore(%run_scoped3A : memref<!tpu.dma_semaphore, #tpu.memory_space<semaphore_mem>>) src(%dma_wait3A_626 : memref<10000xi32, #tpu.memory_space<hbm>>) dst(%arg10 : memref<10000xi32, #tpu.memory_space<vmem>>)
      tpu.yield
    }) : () -> ()
    %eq3A = arith.constant 0 : i32
    %eq3A_3 = arith.cmpi eq, %arg1, %eq3A : i32
    %convert_element_type3A = arith.extui %eq3A_3 : i1 to i32
    %cond3A = arith.constant 0 : i32
    %cond3A_4 = arith.cmpi ne, %convert_element_type3A, %cond3A : i32
    scf.if %cond3A_4 {
      "tpu.region"() ({
        %run_scoped3A = tpu.sem_alloc : memref<!tpu.dma_semaphore, #tpu.memory_space<semaphore_mem>>
        tpu.enqueue_dma source(%arg3 : memref<64x64xi32, #tpu.memory_space<hbm>>) target(%arg11 : memref<64x64xi32, #tpu.memory_space<vmem_shared>>) target_semaphore(%run_scoped3A : memref<!tpu.dma_semaphore, #tpu.memory_space<semaphore_mem>>)
        tpu.wait_dma2 semaphore(%run_scoped3A : memref<!tpu.dma_semaphore, #tpu.memory_space<semaphore_mem>>) src(%arg3 : memref<64x64xi32, #tpu.memory_space<hbm>>) dst(%arg11 : memref<64x64xi32, #tpu.memory_space<vmem_shared>>)
        tpu.yield
      }) : () -> ()
    } else {
    }
    %barrier3A = arith.constant 0 : index
    tpu.barrier barrier_id(%barrier3A)
    %iota3A = tpu.iota {dimensions = array<i32: 0>} : vector<16xi32>
    %mul3A_5 = arith.constant 81 : i32
    %mul3A_6 = vector.broadcast %mul3A_5 : i32 to vector<16xi32>
    %mul3A_7 = arith.muli %iota3A, %mul3A_6 : vector<16xi32>
    %dma_start3A = arith.constant 0 : i32
    %dma_start3A_8 = tpu.memref_slice %arg8[%dma_start3A] : memref<10000xi32, #tpu.memory_space<vmem>> -> memref<80xi32, #tpu.memory_space<vmem>>
    %dma_start3A_9 = arith.constant 0 : i32
    %dma_start3A_10 = arith.constant 0 : i32
    %dma_start3A_11 = tpu.memref_slice %arg2[%dma_start3A_9, %dma_start3A_10] : memref<10000x64xi32, #tpu.memory_space<hbm>> -> memref<10000x64xi32, #tpu.memory_space<hbm>>
    tpu.enqueue_indirect_dma source(%dma_start3A_11 : memref<10000x64xi32, #tpu.memory_space<hbm>>) target(%arg12 : memref<80x64xi32, #tpu.memory_space<vmem>>) offsets(%dma_start3A_8 : memref<80xi32, #tpu.memory_space<vmem>>) semaphore(%arg23 : memref<!tpu.dma_semaphore, #tpu.memory_space<semaphore_mem>>)
    %dma_start3A_12 = arith.constant 0 : i32
    %dma_start3A_13 = tpu.memref_slice %arg9[%dma_start3A_12] : memref<10000xi32, #tpu.memory_space<vmem>> -> memref<80xi32, #tpu.memory_space<vmem>>
    %dma_start3A_14 = arith.constant 0 : i32
    %dma_start3A_15 = arith.constant 0 : i32
    %dma_start3A_16 = tpu.memref_slice %arg2[%dma_start3A_14, %dma_start3A_15] : memref<10000x64xi32, #tpu.memory_space<hbm>> -> memref<10000x64xi32, #tpu.memory_space<hbm>>
    tpu.enqueue_indirect_dma source(%dma_start3A_16 : memref<10000x64xi32, #tpu.memory_space<hbm>>) target(%arg15 : memref<80x64xi32, #tpu.memory_space<vmem>>) offsets(%dma_start3A_13 : memref<80xi32, #tpu.memory_space<vmem>>) semaphore(%arg26 : memref<!tpu.dma_semaphore, #tpu.memory_space<semaphore_mem>>)
    %dma_start3A_17 = arith.constant 0 : i32
    %dma_start3A_18 = tpu.memref_slice %arg10[%dma_start3A_17] : memref<10000xi32, #tpu.memory_space<vmem>> -> memref<80xi32, #tpu.memory_space<vmem>>
    %dma_start3A_19 = arith.constant 0 : i32
    %dma_start3A_20 = arith.constant 0 : i32
    %dma_start3A_21 = tpu.memref_slice %arg11[%dma_start3A_19, %dma_start3A_20] : memref<64x64xi32, #tpu.memory_space<vmem_shared>> -> memref<64x64xi32, #tpu.memory_space<vmem_shared>>
    tpu.enqueue_indirect_dma source(%dma_start3A_21 : memref<64x64xi32, #tpu.memory_space<vmem_shared>>) target(%arg18 : memref<80x64xi32, #tpu.memory_space<vmem>>) offsets(%dma_start3A_18 : memref<80xi32, #tpu.memory_space<vmem>>) semaphore(%arg29 : memref<!tpu.dma_semaphore, #tpu.memory_space<semaphore_mem>>)
    %dma_start3A_22 = arith.constant 80 : i32
    %dma_start3A_23 = tpu.memref_slice %arg8[%dma_start3A_22] : memref<10000xi32, #tpu.memory_space<vmem>> -> memref<80xi32, #tpu.memory_space<vmem>>
    %dma_start3A_24 = arith.constant 0 : i32
    %dma_start3A_25 = arith.constant 0 : i32
    %dma_start3A_26 = tpu.memref_slice %arg2[%dma_start3A_24, %dma_start3A_25] : memref<10000x64xi32, #tpu.memory_space<hbm>> -> memref<10000x64xi32, #tpu.memory_space<hbm>>
    tpu.enqueue_indirect_dma source(%dma_start3A_26 : memref<10000x64xi32, #tpu.memory_space<hbm>>) target(%arg13 : memref<80x64xi32, #tpu.memory_space<vmem>>) offsets(%dma_start3A_23 : memref<80xi32, #tpu.memory_space<vmem>>) semaphore(%arg24 : memref<!tpu.dma_semaphore, #tpu.memory_space<semaphore_mem>>)
    %dma_start3A_27 = arith.constant 80 : i32
    %dma_start3A_28 = tpu.memref_slice %arg9[%dma_start3A_27] : memref<10000xi32, #tpu.memory_space<vmem>> -> memref<80xi32, #tpu.memory_space<vmem>>
    %dma_start3A_29 = arith.constant 0 : i32
    %dma_start3A_30 = arith.constant 0 : i32
    %dma_start3A_31 = tpu.memref_slice %arg2[%dma_start3A_29, %dma_start3A_30] : memref<10000x64xi32, #tpu.memory_space<hbm>> -> memref<10000x64xi32, #tpu.memory_space<hbm>>
    tpu.enqueue_indirect_dma source(%dma_start3A_31 : memref<10000x64xi32, #tpu.memory_space<hbm>>) target(%arg16 : memref<80x64xi32, #tpu.memory_space<vmem>>) offsets(%dma_start3A_28 : memref<80xi32, #tpu.memory_space<vmem>>) semaphore(%arg27 : memref<!tpu.dma_semaphore, #tpu.memory_space<semaphore_mem>>)
    %dma_start3A_32 = arith.constant 80 : i32
    %dma_start3A_33 = tpu.memref_slice %arg10[%dma_start3A_32] : memref<10000xi32, #tpu.memory_space<vmem>> -> memref<80xi32, #tpu.memory_space<vmem>>
    %dma_start3A_34 = arith.constant 0 : i32
    %dma_start3A_35 = arith.constant 0 : i32
    %dma_start3A_36 = tpu.memref_slice %arg11[%dma_start3A_34, %dma_start3A_35] : memref<64x64xi32, #tpu.memory_space<vmem_shared>> -> memref<64x64xi32, #tpu.memory_space<vmem_shared>>
    tpu.enqueue_indirect_dma source(%dma_start3A_36 : memref<64x64xi32, #tpu.memory_space<vmem_shared>>) target(%arg19 : memref<80x64xi32, #tpu.memory_space<vmem>>) offsets(%dma_start3A_33 : memref<80xi32, #tpu.memory_space<vmem>>) semaphore(%arg30 : memref<!tpu.dma_semaphore, #tpu.memory_space<semaphore_mem>>)
    %scan3A = arith.constant 0 : i32
    %scan3A_37 = arith.constant 0 : i32
    %scan3A_38 = arith.constant 41 : i32
    %scan3A_39 = arith.addi %scan3A_37, %scan3A_38 : i32
    %scan3A_40 = arith.constant 1 : i32
    scf.for %scan3A_623 = %scan3A_37 to %scan3A_39 step %scan3A_40  : i32 {
      %mul3A_624 = arith.constant 3 : i32
      %mul3A_625 = arith.muli %scan3A_623, %mul3A_624 : i32
      %dma_wait3A_626 = arith.constant 0 : i32
      %dma_wait3A_627 = tpu.memref_slice %arg8[%dma_wait3A_626] : memref<10000xi32, #tpu.memory_space<vmem>> -> memref<80xi32, #tpu.memory_space<vmem>>
      %dma_wait3A_628 = arith.constant 0 : i32
      %dma_wait3A_629 = arith.constant 0 : i32
      %dma_wait3A_630 = tpu.memref_slice %arg2[%dma_wait3A_628, %dma_wait3A_629] : memref<10000x64xi32, #tpu.memory_space<hbm>> -> memref<10000x64xi32, #tpu.memory_space<hbm>>
      tpu.wait_indirect_dma semaphore(%arg23 : memref<!tpu.dma_semaphore, #tpu.memory_space<semaphore_mem>>) src(%dma_wait3A_630 : memref<10000x64xi32, #tpu.memory_space<hbm>>) dst(%arg12 : memref<80x64xi32, #tpu.memory_space<vmem>>)
      %dma_wait3A_631 = arith.constant 0 : i32
      %dma_wait3A_632 = tpu.memref_slice %arg8[%dma_wait3A_631] : memref<10000xi32, #tpu.memory_space<vmem>> -> memref<80xi32, #tpu.memory_space<vmem>>
      %dma_wait3A_633 = arith.constant 0 : i32
      %dma_wait3A_634 = arith.constant 0 : i32
      %dma_wait3A_635 = tpu.memref_slice %arg2[%dma_wait3A_633, %dma_wait3A_634] : memref<10000x64xi32, #tpu.memory_space<hbm>> -> memref<10000x64xi32, #tpu.memory_space<hbm>>
      tpu.wait_indirect_dma semaphore(%arg26 : memref<!tpu.dma_semaphore, #tpu.memory_space<semaphore_mem>>) src(%dma_wait3A_635 : memref<10000x64xi32, #tpu.memory_space<hbm>>) dst(%arg15 : memref<80x64xi32, #tpu.memory_space<vmem>>)
      %dma_wait3A_636 = arith.constant 0 : i32
      %dma_wait3A_637 = tpu.memref_slice %arg8[%dma_wait3A_636] : memref<10000xi32, #tpu.memory_space<vmem>> -> memref<80xi32, #tpu.memory_space<vmem>>
      %dma_wait3A_638 = arith.constant 0 : i32
      %dma_wait3A_639 = arith.constant 0 : i32
      %dma_wait3A_640 = tpu.memref_slice %arg2[%dma_wait3A_638, %dma_wait3A_639] : memref<10000x64xi32, #tpu.memory_space<hbm>> -> memref<10000x64xi32, #tpu.memory_space<hbm>>
      tpu.wait_indirect_dma semaphore(%arg29 : memref<!tpu.dma_semaphore, #tpu.memory_space<semaphore_mem>>) src(%dma_wait3A_640 : memref<10000x64xi32, #tpu.memory_space<hbm>>) dst(%arg18 : memref<80x64xi32, #tpu.memory_space<vmem>>)
      %add3A_641 = arith.constant 0 : i32
      %add3A_642 = arith.addi %mul3A_625, %add3A_641 : i32
      %add3A_643 = arith.constant 2 : i32
      %add3A_644 = arith.addi %add3A_642, %add3A_643 : i32
      %mul3A_645 = arith.constant 80 : i32
      %mul3A_646 = arith.muli %add3A_644, %mul3A_645 : i32
      %dma_start3A_647 = tpu.memref_slice %arg8[%mul3A_646] : memref<10000xi32, #tpu.memory_space<vmem>> -> memref<80xi32, #tpu.memory_space<vmem>>
      %dma_start3A_648 = arith.constant 0 : i32
      %dma_start3A_649 = arith.constant 0 : i32
      %dma_start3A_650 = tpu.memref_slice %arg2[%dma_start3A_648, %dma_start3A_649] : memref<10000x64xi32, #tpu.memory_space<hbm>> -> memref<10000x64xi32, #tpu.memory_space<hbm>>
      tpu.enqueue_indirect_dma source(%dma_start3A_650 : memref<10000x64xi32, #tpu.memory_space<hbm>>) target(%arg14 : memref<80x64xi32, #tpu.memory_space<vmem>>) offsets(%dma_start3A_647 : memref<80xi32, #tpu.memory_space<vmem>>) semaphore(%arg25 : memref<!tpu.dma_semaphore, #tpu.memory_space<semaphore_mem>>)
      %dma_start3A_651 = tpu.memref_slice %arg9[%mul3A_646] : memref<10000xi32, #tpu.memory_space<vmem>> -> memref<80xi32, #tpu.memory_space<vmem>>
      %dma_start3A_652 = arith.constant 0 : i32
      %dma_start3A_653 = arith.constant 0 : i32
      %dma_start3A_654 = tpu.memref_slice %arg2[%dma_start3A_652, %dma_start3A_653] : memref<10000x64xi32, #tpu.memory_space<hbm>> -> memref<10000x64xi32, #tpu.memory_space<hbm>>
      tpu.enqueue_indirect_dma source(%dma_start3A_654 : memref<10000x64xi32, #tpu.memory_space<hbm>>) target(%arg17 : memref<80x64xi32, #tpu.memory_space<vmem>>) offsets(%dma_start3A_651 : memref<80xi32, #tpu.memory_space<vmem>>) semaphore(%arg28 : memref<!tpu.dma_semaphore, #tpu.memory_space<semaphore_mem>>)
      %dma_start3A_655 = tpu.memref_slice %arg10[%mul3A_646] : memref<10000xi32, #tpu.memory_space<vmem>> -> memref<80xi32, #tpu.memory_space<vmem>>
      %dma_start3A_656 = arith.constant 0 : i32
      %dma_start3A_657 = arith.constant 0 : i32
      %dma_start3A_658 = tpu.memref_slice %arg11[%dma_start3A_656, %dma_start3A_657] : memref<64x64xi32, #tpu.memory_space<vmem_shared>> -> memref<64x64xi32, #tpu.memory_space<vmem_shared>>
      tpu.enqueue_indirect_dma source(%dma_start3A_658 : memref<64x64xi32, #tpu.memory_space<vmem_shared>>) target(%arg20 : memref<80x64xi32, #tpu.memory_space<vmem>>) offsets(%dma_start3A_655 : memref<80xi32, #tpu.memory_space<vmem>>) semaphore(%arg31 : memref<!tpu.dma_semaphore, #tpu.memory_space<semaphore_mem>>)
      %add3A_659 = arith.constant 0 : i32
      %add3A_660 = arith.addi %mul3A_625, %add3A_659 : i32
      %parallel_loop3A_661 = arith.constant 0 : i32
      %parallel_loop3A_662 = arith.constant 80 : i32
      %parallel_loop3A_663 = arith.constant 1 : i32
      scf.for %parallel_loop3A_1625 = %parallel_loop3A_661 to %parallel_loop3A_662 step %parallel_loop3A_663  : i32 {
        %parallel_loop3A_1626 = arith.index_cast %parallel_loop3A_1625 : i32 to index
        %parallel_loop3A_1627 = arith.constant 0 : index
        %parallel_loop3A_1628 = tpu.vector_load %arg12[%parallel_loop3A_1626, %parallel_loop3A_1627] {strides = array<i32>} : memref<80x64xi32, #tpu.memory_space<vmem>>, vector<16xi32>,
        %parallel_loop3A_1629 = vector.bitcast %parallel_loop3A_1628 : vector<16xi32> to vector<32xbf16>
        %parallel_loop3A_1630 = arith.index_cast %parallel_loop3A_1625 : i32 to index
        %parallel_loop3A_1631 = arith.constant 0 : index
        %parallel_loop3A_1632 = tpu.vector_load %arg15[%parallel_loop3A_1630, %parallel_loop3A_1631] {strides = array<i32>} : memref<80x64xi32, #tpu.memory_space<vmem>>, vector<16xi32>,
        %parallel_loop3A_1633 = vector.bitcast %parallel_loop3A_1632 : vector<16xi32> to vector<32xbf16>
        %parallel_loop3A_1634 = arith.index_cast %parallel_loop3A_1625 : i32 to index
        %parallel_loop3A_1635 = arith.constant 0 : index
        %parallel_loop3A_1636 = tpu.vector_load %arg18[%parallel_loop3A_1634, %parallel_loop3A_1635] {strides = array<i32>} : memref<80x64xi32, #tpu.memory_space<vmem>>, vector<16xi32>,
        %parallel_loop3A_1637 = vector.bitcast %parallel_loop3A_1636 : vector<16xi32> to vector<32xbf16>
        %parallel_loop3A_1638 = arith.mulf %parallel_loop3A_1629, %parallel_loop3A_1633 : vector<32xbf16>
        %parallel_loop3A_1639 = arith.mulf %parallel_loop3A_1638, %parallel_loop3A_1637 : vector<32xbf16>
        %parallel_loop3A_1640 = arith.index_cast %parallel_loop3A_1625 : i32 to index
        %parallel_loop3A_1641 = arith.constant 16 : index
        %parallel_loop3A_1642 = tpu.vector_load %arg12[%parallel_loop3A_1640, %parallel_loop3A_1641] {strides = array<i32>} : memref<80x64xi32, #tpu.memory_space<vmem>>, vector<16xi32>,
        %parallel_loop3A_1643 = vector.bitcast %parallel_loop3A_1642 : vector<16xi32> to vector<32xbf16>
        %parallel_loop3A_1644 = arith.index_cast %parallel_loop3A_1625 : i32 to index
        %parallel_loop3A_1645 = arith.constant 16 : index
        %parallel_loop3A_1646 = tpu.vector_load %arg15[%parallel_loop3A_1644, %parallel_loop3A_1645] {strides = array<i32>} : memref<80x64xi32, #tpu.memory_space<vmem>>, vector<16xi32>,
        %parallel_loop3A_1647 = vector.bitcast %parallel_loop3A_1646 : vector<16xi32> to vector<32xbf16>
        %parallel_loop3A_1648 = arith.index_cast %parallel_loop3A_1625 : i32 to index
        %parallel_loop3A_1649 = arith.constant 16 : index
        %parallel_loop3A_1650 = tpu.vector_load %arg18[%parallel_loop3A_1648, %parallel_loop3A_1649] {strides = array<i32>} : memref<80x64xi32, #tpu.memory_space<vmem>>, vector<16xi32>,
        %parallel_loop3A_1651 = vector.bitcast %parallel_loop3A_1650 : vector<16xi32> to vector<32xbf16>
        %parallel_loop3A_1652 = arith.mulf %parallel_loop3A_1643, %parallel_loop3A_1647 : vector<32xbf16>
        %parallel_loop3A_1653 = arith.mulf %parallel_loop3A_1652, %parallel_loop3A_1651 : vector<32xbf16>
        %parallel_loop3A_1654 = arith.index_cast %parallel_loop3A_1625 : i32 to index
        %parallel_loop3A_1655 = arith.constant 32 : index
        %parallel_loop3A_1656 = tpu.vector_load %arg12[%parallel_loop3A_1654, %parallel_loop3A_1655] {strides = array<i32>} : memref<80x64xi32, #tpu.memory_space<vmem>>, vector<16xi32>,
        %parallel_loop3A_1657 = vector.bitcast %parallel_loop3A_1656 : vector<16xi32> to vector<32xbf16>
        %parallel_loop3A_1658 = arith.index_cast %parallel_loop3A_1625 : i32 to index
        %parallel_loop3A_1659 = arith.constant 32 : index
        %parallel_loop3A_1660 = tpu.vector_load %arg15[%parallel_loop3A_1658, %parallel_loop3A_1659] {strides = array<i32>} : memref<80x64xi32, #tpu.memory_space<vmem>>, vector<16xi32>,
        %parallel_loop3A_1661 = vector.bitcast %parallel_loop3A_1660 : vector<16xi32> to vector<32xbf16>
        %parallel_loop3A_1662 = arith.index_cast %parallel_loop3A_1625 : i32 to index
        %parallel_loop3A_1663 = arith.constant 32 : index
        %parallel_loop3A_1664 = tpu.vector_load %arg18[%parallel_loop3A_1662, %parallel_loop3A_1663] {strides = array<i32>} : memref<80x64xi32, #tpu.memory_space<vmem>>, vector<16xi32>,
        %parallel_loop3A_1665 = vector.bitcast %parallel_loop3A_1664 : vector<16xi32> to vector<32xbf16>
        %parallel_loop3A_1666 = arith.mulf %parallel_loop3A_1657, %parallel_loop3A_1661 : vector<32xbf16>
        %parallel_loop3A_1667 = arith.mulf %parallel_loop3A_1666, %parallel_loop3A_1665 : vector<32xbf16>
        %parallel_loop3A_1668 = arith.index_cast %parallel_loop3A_1625 : i32 to index
        %parallel_loop3A_1669 = arith.constant 48 : index
        %parallel_loop3A_1670 = tpu.vector_load %arg12[%parallel_loop3A_1668, %parallel_loop3A_1669] {strides = array<i32>} : memref<80x64xi32, #tpu.memory_space<vmem>>, vector<16xi32>,
        %parallel_loop3A_1671 = vector.bitcast %parallel_loop3A_1670 : vector<16xi32> to vector<32xbf16>
        %parallel_loop3A_1672 = arith.index_cast %parallel_loop3A_1625 : i32 to index
        %parallel_loop3A_1673 = arith.constant 48 : index
        %parallel_loop3A_1674 = tpu.vector_load %arg15[%parallel_loop3A_1672, %parallel_loop3A_1673] {strides = array<i32>} : memref<80x64xi32, #tpu.memory_space<vmem>>, vector<16xi32>,
        %parallel_loop3A_1675 = vector.bitcast %parallel_loop3A_1674 : vector<16xi32> to vector<32xbf16>
        %parallel_loop3A_1676 = arith.index_cast %parallel_loop3A_1625 : i32 to index
        %parallel_loop3A_1677 = arith.constant 48 : index
        %parallel_loop3A_1678 = tpu.vector_load %arg18[%parallel_loop3A_1676, %parallel_loop3A_1677] {strides = array<i32>} : memref<80x64xi32, #tpu.memory_space<vmem>>, vector<16xi32>,
        %parallel_loop3A_1679 = vector.bitcast %parallel_loop3A_1678 : vector<16xi32> to vector<32xbf16>
        %parallel_loop3A_1680 = arith.mulf %parallel_loop3A_1671, %parallel_loop3A_1675 : vector<32xbf16>
        %parallel_loop3A_1681 = arith.mulf %parallel_loop3A_1680, %parallel_loop3A_1679 : vector<32xbf16>
        %parallel_loop3A_1682 = arith.addf %parallel_loop3A_1639, %parallel_loop3A_1653 : vector<32xbf16>
        %parallel_loop3A_1683 = tpu.unpack_subelements %parallel_loop3A_1682, 0 {pack_format = #tpu.pack_format<interleaved>} : vector<32xbf16> -> vector<16xf32>
        %parallel_loop3A_1684 = tpu.unpack_subelements %parallel_loop3A_1682, 1 {pack_format = #tpu.pack_format<interleaved>} : vector<32xbf16> -> vector<16xf32>
        %parallel_loop3A_1685 = arith.addf %parallel_loop3A_1667, %parallel_loop3A_1681 : vector<32xbf16>
        %parallel_loop3A_1686 = tpu.unpack_subelements %parallel_loop3A_1685, 0 {pack_format = #tpu.pack_format<interleaved>} : vector<32xbf16> -> vector<16xf32>
        %parallel_loop3A_1687 = tpu.unpack_subelements %parallel_loop3A_1685, 1 {pack_format = #tpu.pack_format<interleaved>} : vector<32xbf16> -> vector<16xf32>
        %parallel_loop3A_1688 = vector.broadcast %parallel_loop3A_1625 : i32 to vector<16xi32>
        %parallel_loop3A_1689 = arith.addi %mul3A_7, %parallel_loop3A_1688 : vector<16xi32>
        %parallel_loop3A_1690 = arith.addf %parallel_loop3A_1683, %parallel_loop3A_1684 : vector<16xf32>
        %parallel_loop3A_1691 = arith.addf %parallel_loop3A_1686, %parallel_loop3A_1687 : vector<16xf32>
        %parallel_loop3A_1692 = arith.addf %parallel_loop3A_1690, %parallel_loop3A_1691 : vector<16xf32>
        tpu.vector_store_idx %arg22[%parallel_loop3A_1689], %parallel_loop3A_1692 : memref<1296xf32, #tpu.memory_space<vmem>>[vector<16xi32>], vector<16xf32>,
      } {sc.loop_unroll_factor = 4 : i64, sc.parallel_access}
      %broadcast_in_dim3A_664 = arith.constant 0.000000e+00 : f32
      %broadcast_in_dim3A_665 = vector.broadcast %broadcast_in_dim3A_664 : f32 to vector<16xf32>
      %get3A_666 = arith.constant 0 : index
      %get3A_667 = tpu.vector_load %arg22[%get3A_666] {strides = array<i32>} : memref<1296xf32, #tpu.memory_space<vmem>>, vector<16xf32>,
      %add3A_668 = arith.addf %broadcast_in_dim3A_665, %get3A_667 : vector<16xf32>
      %get3A_669 = arith.constant 81 : index
      %get3A_670 = tpu.vector_load %arg22[%get3A_669] {strides = array<i32>} : memref<1296xf32, #tpu.memory_space<vmem>>, vector<16xf32>,
      %add3A_671 = arith.addf %broadcast_in_dim3A_665, %get3A_670 : vector<16xf32>
      %get3A_672 = arith.constant 162 : index
      %get3A_673 = tpu.vector_load %arg22[%get3A_672] {strides = array<i32>} : memref<1296xf32, #tpu.memory_space<vmem>>, vector<16xf32>,
      %add3A_674 = arith.addf %broadcast_in_dim3A_665, %get3A_673 : vector<16xf32>
      %get3A_675 = arith.constant 243 : index
      %get3A_676 = tpu.vector_load %arg22[%get3A_675] {strides = array<i32>} : memref<1296xf32, #tpu.memory_space<vmem>>, vector<16xf32>,
      %add3A_677 = arith.addf %broadcast_in_dim3A_665, %get3A_676 : vector<16xf32>
      %get3A_678 = arith.constant 324 : index
      %get3A_679 = tpu.vector_load %arg22[%get3A_678] {strides = array<i32>} : memref<1296xf32, #tpu.memory_space<vmem>>, vector<16xf32>,
      %add3A_680 = arith.addf %add3A_668, %get3A_679 : vector<16xf32>
      %get3A_681 = arith.constant 405 : index
      %get3A_682 = tpu.vector_load %arg22[%get3A_681] {strides = array<i32>} : memref<1296xf32, #tpu.memory_space<vmem>>, vector<16xf32>,
      %add3A_683 = arith.addf %add3A_671, %get3A_682 : vector<16xf32>
      %get3A_684 = arith.constant 486 : index
      %get3A_685 = tpu.vector_load %arg22[%get3A_684] {strides = array<i32>} : memref<1296xf32, #tpu.memory_space<vmem>>, vector<16xf32>,
      %add3A_686 = arith.addf %add3A_674, %get3A_685 : vector<16xf32>
      %get3A_687 = arith.constant 567 : index
      %get3A_688 = tpu.vector_load %arg22[%get3A_687] {strides = array<i32>} : memref<1296xf32, #tpu.memory_space<vmem>>, vector<16xf32>,
      %add3A_689 = arith.addf %add3A_677, %get3A_688 : vector<16xf32>
      %get3A_690 = arith.constant 648 : index
      %get3A_691 = tpu.vector_load %arg22[%get3A_690] {strides = array<i32>} : memref<1296xf32, #tpu.memory_space<vmem>>, vector<16xf32>,
      %add3A_692 = arith.addf %add3A_680, %get3A_691 : vector<16xf32>
      %get3A_693 = arith.constant 729 : index
      %get3A_694 = tpu.vector_load %arg22[%get3A_693] {strides = array<i32>} : memref<1296xf32, #tpu.memory_space<vmem>>, vector<16xf32>,
      %add3A_695 = arith.addf %add3A_683, %get3A_694 : vector<16xf32>
      %get3A_696 = arith.constant 810 : index
      %get3A_697 = tpu.vector_load %arg22[%get3A_696] {strides = array<i32>} : memref<1296xf32, #tpu.memory_space<vmem>>, vector<16xf32>,
      %add3A_698 = arith.addf %add3A_686, %get3A_697 : vector<16xf32>
      %get3A_699 = arith.constant 891 : index
      %get3A_700 = tpu.vector_load %arg22[%get3A_699] {strides = array<i32>} : memref<1296xf32, #tpu.memory_space<vmem>>, vector<16xf32>,
      %add3A_701 = arith.addf %add3A_689, %get3A_700 : vector<16xf32>
      %get3A_702 = arith.constant 972 : index
      %get3A_703 = tpu.vector_load %arg22[%get3A_702] {strides = array<i32>} : memref<1296xf32, #tpu.memory_space<vmem>>, vector<16xf32>,
      %add3A_704 = arith.addf %add3A_692, %get3A_703 : vector<16xf32>
      %get3A_705 = arith.constant 1053 : index
      %get3A_706 = tpu.vector_load %arg22[%get3A_705] {strides = array<i32>} : memref<1296xf32, #tpu.memory_space<vmem>>, vector<16xf32>,
      %add3A_707 = arith.addf %add3A_695, %get3A_706 : vector<16xf32>
      %get3A_708 = arith.constant 1134 : index
      %get3A_709 = tpu.vector_load %arg22[%get3A_708] {strides = array<i32>} : memref<1296xf32, #tpu.memory_space<vmem>>, vector<16xf32>,
      %add3A_710 = arith.addf %add3A_698, %get3A_709 : vector<16xf32>
      %get3A_711 = arith.constant 1215 : index
      %get3A_712 = tpu.vector_load %arg22[%get3A_711] {strides = array<i32>} : memref<1296xf32, #tpu.memory_space<vmem>>, vector<16xf32>,
      %add3A_713 = arith.addf %add3A_701, %get3A_712 : vector<16xf32>
      %add3A_714 = arith.addf %add3A_704, %add3A_707 : vector<16xf32>
      %add3A_715 = arith.addf %add3A_710, %add3A_713 : vector<16xf32>
      %add3A_716 = arith.addf %add3A_714, %add3A_715 : vector<16xf32>
      %mul3A_717 = arith.constant 80 : i32
      %mul3A_718 = arith.muli %add3A_660, %mul3A_717 : i32
      %add3A_719 = arith.constant 0 : i32
      %add3A_720 = arith.addi %mul3A_718, %add3A_719 : i32
      %swap3A_721 = arith.index_cast %add3A_720 : i32 to index
      %swap3A_722 = tpu.vector_load %arg21[%swap3A_721] {strides = array<i32>} : memref<10000xf32, #tpu.memory_space<vmem>>, vector<16xf32>,
      tpu.vector_store %arg21[%swap3A_721], %add3A_716 {strides = array<i32>} : memref<10000xf32, #tpu.memory_space<vmem>>, vector<16xf32>,
      %broadcast_in_dim3A_723 = arith.constant 0.000000e+00 : f32
      %broadcast_in_dim3A_724 = vector.broadcast %broadcast_in_dim3A_723 : f32 to vector<16xf32>
      %get3A_725 = arith.constant 16 : index
      %get3A_726 = tpu.vector_load %arg22[%get3A_725] {strides = array<i32>} : memref<1296xf32, #tpu.memory_space<vmem>>, vector<16xf32>,
      %add3A_727 = arith.addf %broadcast_in_dim3A_724, %get3A_726 : vector<16xf32>
      %get3A_728 = arith.constant 97 : index
      %get3A_729 = tpu.vector_load %arg22[%get3A_728] {strides = array<i32>} : memref<1296xf32, #tpu.memory_space<vmem>>, vector<16xf32>,
      %add3A_730 = arith.addf %broadcast_in_dim3A_724, %get3A_729 : vector<16xf32>
      %get3A_731 = arith.constant 178 : index
      %get3A_732 = tpu.vector_load %arg22[%get3A_731] {strides = array<i32>} : memref<1296xf32, #tpu.memory_space<vmem>>, vector<16xf32>,
      %add3A_733 = arith.addf %broadcast_in_dim3A_724, %get3A_732 : vector<16xf32>
      %get3A_734 = arith.constant 259 : index
      %get3A_735 = tpu.vector_load %arg22[%get3A_734] {strides = array<i32>} : memref<1296xf32, #tpu.memory_space<vmem>>, vector<16xf32>,
      %add3A_736 = arith.addf %broadcast_in_dim3A_724, %get3A_735 : vector<16xf32>
      %get3A_737 = arith.constant 340 : index
      %get3A_738 = tpu.vector_load %arg22[%get3A_737] {strides = array<i32>} : memref<1296xf32, #tpu.memory_space<vmem>>, vector<16xf32>,
      %add3A_739 = arith.addf %add3A_727, %get3A_738 : vector<16xf32>
      %get3A_740 = arith.constant 421 : index
      %get3A_741 = tpu.vector_load %arg22[%get3A_740] {strides = array<i32>} : memref<1296xf32, #tpu.memory_space<vmem>>, vector<16xf32>,
      %add3A_742 = arith.addf %add3A_730, %get3A_741 : vector<16xf32>
      %get3A_743 = arith.constant 502 : index
      %get3A_744 = tpu.vector_load %arg22[%get3A_743] {strides = array<i32>} : memref<1296xf32, #tpu.memory_space<vmem>>, vector<16xf32>,
      %add3A_745 = arith.addf %add3A_733, %get3A_744 : vector<16xf32>
      %get3A_746 = arith.constant 583 : index
      %get3A_747 = tpu.vector_load %arg22[%get3A_746] {strides = array<i32>} : memref<1296xf32, #tpu.memory_space<vmem>>, vector<16xf32>,
      %add3A_748 = arith.addf %add3A_736, %get3A_747 : vector<16xf32>
      %get3A_749 = arith.constant 664 : index
      %get3A_750 = tpu.vector_load %arg22[%get3A_749] {strides = array<i32>} : memref<1296xf32, #tpu.memory_space<vmem>>, vector<16xf32>,
      %add3A_751 = arith.addf %add3A_739, %get3A_750 : vector<16xf32>
      %get3A_752 = arith.constant 745 : index
      %get3A_753 = tpu.vector_load %arg22[%get3A_752] {strides = array<i32>} : memref<1296xf32, #tpu.memory_space<vmem>>, vector<16xf32>,
      %add3A_754 = arith.addf %add3A_742, %get3A_753 : vector<16xf32>
      %get3A_755 = arith.constant 826 : index
      %get3A_756 = tpu.vector_load %arg22[%get3A_755] {strides = array<i32>} : memref<1296xf32, #tpu.memory_space<vmem>>, vector<16xf32>,
      %add3A_757 = arith.addf %add3A_745, %get3A_756 : vector<16xf32>
      %get3A_758 = arith.constant 907 : index
      %get3A_759 = tpu.vector_load %arg22[%get3A_758] {strides = array<i32>} : memref<1296xf32, #tpu.memory_space<vmem>>, vector<16xf32>,
      %add3A_760 = arith.addf %add3A_748, %get3A_759 : vector<16xf32>
      %get3A_761 = arith.constant 988 : index
      %get3A_762 = tpu.vector_load %arg22[%get3A_761] {strides = array<i32>} : memref<1296xf32, #tpu.memory_space<vmem>>, vector<16xf32>,
      %add3A_763 = arith.addf %add3A_751, %get3A_762 : vector<16xf32>
      %get3A_764 = arith.constant 1069 : index
      %get3A_765 = tpu.vector_load %arg22[%get3A_764] {strides = array<i32>} : memref<1296xf32, #tpu.memory_space<vmem>>, vector<16xf32>,
      %add3A_766 = arith.addf %add3A_754, %get3A_765 : vector<16xf32>
      %get3A_767 = arith.constant 1150 : index
      %get3A_768 = tpu.vector_load %arg22[%get3A_767] {strides = array<i32>} : memref<1296xf32, #tpu.memory_space<vmem>>, vector<16xf32>,
      %add3A_769 = arith.addf %add3A_757, %get3A_768 : vector<16xf32>
      %get3A_770 = arith.constant 1231 : index
      %get3A_771 = tpu.vector_load %arg22[%get3A_770] {strides = array<i32>} : memref<1296xf32, #tpu.memory_space<vmem>>, vector<16xf32>,
      %add3A_772 = arith.addf %add3A_760, %get3A_771 : vector<16xf32>
      %add3A_773 = arith.addf %add3A_763, %add3A_766 : vector<16xf32>
      %add3A_774 = arith.addf %add3A_769, %add3A_772 : vector<16xf32>
      %add3A_775 = arith.addf %add3A_773, %add3A_774 : vector<16xf32>
      %mul3A_776 = arith.constant 80 : i32
      %mul3A_777 = arith.muli %add3A_660, %mul3A_776 : i32
      %add3A_778 = arith.constant 16 : i32
      %add3A_779 = arith.addi %mul3A_777, %add3A_778 : i32
      %swap3A_780 = arith.index_cast %add3A_779 : i32 to index
      %swap3A_781 = tpu.vector_load %arg21[%swap3A_780] {strides = array<i32>} : memref<10000xf32, #tpu.memory_space<vmem>>, vector<16xf32>,
      tpu.vector_store %arg21[%swap3A_780], %add3A_775 {strides = array<i32>} : memref<10000xf32, #tpu.memory_space<vmem>>, vector<16xf32>,
      %broadcast_in_dim3A_782 = arith.constant 0.000000e+00 : f32
      %broadcast_in_dim3A_783 = vector.broadcast %broadcast_in_dim3A_782 : f32 to vector<16xf32>
      %get3A_784 = arith.constant 32 : index
      %get3A_785 = tpu.vector_load %arg22[%get3A_784] {strides = array<i32>} : memref<1296xf32, #tpu.memory_space<vmem>>, vector<16xf32>,
      %add3A_786 = arith.addf %broadcast_in_dim3A_783, %get3A_785 : vector<16xf32>
      %get3A_787 = arith.constant 113 : index
      %get3A_788 = tpu.vector_load %arg22[%get3A_787] {strides = array<i32>} : memref<1296xf32, #tpu.memory_space<vmem>>, vector<16xf32>,
      %add3A_789 = arith.addf %broadcast_in_dim3A_783, %get3A_788 : vector<16xf32>
      %get3A_790 = arith.constant 194 : index
      %get3A_791 = tpu.vector_load %arg22[%get3A_790] {strides = array<i32>} : memref<1296xf32, #tpu.memory_space<vmem>>, vector<16xf32>,
      %add3A_792 = arith.addf %broadcast_in_dim3A_783, %get3A_791 : vector<16xf32>
      %get3A_793 = arith.constant 275 : index
      %get3A_794 = tpu.vector_load %arg22[%get3A_793] {strides = array<i32>} : memref<1296xf32, #tpu.memory_space<vmem>>, vector<16xf32>,
      %add3A_795 = arith.addf %broadcast_in_dim3A_783, %get3A_794 : vector<16xf32>
      %get3A_796 = arith.constant 356 : index
      %get3A_797 = tpu.vector_load %arg22[%get3A_796] {strides = array<i32>} : memref<1296xf32, #tpu.memory_space<vmem>>, vector<16xf32>,
      %add3A_798 = arith.addf %add3A_786, %get3A_797 : vector<16xf32>
      %get3A_799 = arith.constant 437 : index
      %get3A_800 = tpu.vector_load %arg22[%get3A_799] {strides = array<i32>} : memref<1296xf32, #tpu.memory_space<vmem>>, vector<16xf32>,
      %add3A_801 = arith.addf %add3A_789, %get3A_800 : vector<16xf32>
      %get3A_802 = arith.constant 518 : index
      %get3A_803 = tpu.vector_load %arg22[%get3A_802] {strides = array<i32>} : memref<1296xf32, #tpu.memory_space<vmem>>, vector<16xf32>,
      %add3A_804 = arith.addf %add3A_792, %get3A_803 : vector<16xf32>
      %get3A_805 = arith.constant 599 : index
      %get3A_806 = tpu.vector_load %arg22[%get3A_805] {strides = array<i32>} : memref<1296xf32, #tpu.memory_space<vmem>>, vector<16xf32>,
      %add3A_807 = arith.addf %add3A_795, %get3A_806 : vector<16xf32>
      %get3A_808 = arith.constant 680 : index
      %get3A_809 = tpu.vector_load %arg22[%get3A_808] {strides = array<i32>} : memref<1296xf32, #tpu.memory_space<vmem>>, vector<16xf32>,
      %add3A_810 = arith.addf %add3A_798, %get3A_809 : vector<16xf32>
      %get3A_811 = arith.constant 761 : index
      %get3A_812 = tpu.vector_load %arg22[%get3A_811] {strides = array<i32>} : memref<1296xf32, #tpu.memory_space<vmem>>, vector<16xf32>,
      %add3A_813 = arith.addf %add3A_801, %get3A_812 : vector<16xf32>
      %get3A_814 = arith.constant 842 : index
      %get3A_815 = tpu.vector_load %arg22[%get3A_814] {strides = array<i32>} : memref<1296xf32, #tpu.memory_space<vmem>>, vector<16xf32>,
      %add3A_816 = arith.addf %add3A_804, %get3A_815 : vector<16xf32>
      %get3A_817 = arith.constant 923 : index
      %get3A_818 = tpu.vector_load %arg22[%get3A_817] {strides = array<i32>} : memref<1296xf32, #tpu.memory_space<vmem>>, vector<16xf32>,
      %add3A_819 = arith.addf %add3A_807, %get3A_818 : vector<16xf32>
      %get3A_820 = arith.constant 1004 : index
      %get3A_821 = tpu.vector_load %arg22[%get3A_820] {strides = array<i32>} : memref<1296xf32, #tpu.memory_space<vmem>>, vector<16xf32>,
      %add3A_822 = arith.addf %add3A_810, %get3A_821 : vector<16xf32>
      %get3A_823 = arith.constant 1085 : index
      %get3A_824 = tpu.vector_load %arg22[%get3A_823] {strides = array<i32>} : memref<1296xf32, #tpu.memory_space<vmem>>, vector<16xf32>,
      %add3A_825 = arith.addf %add3A_813, %get3A_824 : vector<16xf32>
      %get3A_826 = arith.constant 1166 : index
      %get3A_827 = tpu.vector_load %arg22[%get3A_826] {strides = array<i32>} : memref<1296xf32, #tpu.memory_space<vmem>>, vector<16xf32>,
      %add3A_828 = arith.addf %add3A_816, %get3A_827 : vector<16xf32>
      %get3A_829 = arith.constant 1247 : index
      %get3A_830 = tpu.vector_load %arg22[%get3A_829] {strides = array<i32>} : memref<1296xf32, #tpu.memory_space<vmem>>, vector<16xf32>,
      %add3A_831 = arith.addf %add3A_819, %get3A_830 : vector<16xf32>
      %add3A_832 = arith.addf %add3A_822, %add3A_825 : vector<16xf32>
      %add3A_833 = arith.addf %add3A_828, %add3A_831 : vector<16xf32>
      %add3A_834 = arith.addf %add3A_832, %add3A_833 : vector<16xf32>
      %mul3A_835 = arith.constant 80 : i32
      %mul3A_836 = arith.muli %add3A_660, %mul3A_835 : i32
      %add3A_837 = arith.constant 32 : i32
      %add3A_838 = arith.addi %mul3A_836, %add3A_837 : i32
      %swap3A_839 = arith.index_cast %add3A_838 : i32 to index
      %swap3A_840 = tpu.vector_load %arg21[%swap3A_839] {strides = array<i32>} : memref<10000xf32, #tpu.memory_space<vmem>>, vector<16xf32>,
      tpu.vector_store %arg21[%swap3A_839], %add3A_834 {strides = array<i32>} : memref<10000xf32, #tpu.memory_space<vmem>>, vector<16xf32>,
      %broadcast_in_dim3A_841 = arith.constant 0.000000e+00 : f32
      %broadcast_in_dim3A_842 = vector.broadcast %broadcast_in_dim3A_841 : f32 to vector<16xf32>
      %get3A_843 = arith.constant 48 : index
      %get3A_844 = tpu.vector_load %arg22[%get3A_843] {strides = array<i32>} : memref<1296xf32, #tpu.memory_space<vmem>>, vector<16xf32>,
      %add3A_845 = arith.addf %broadcast_in_dim3A_842, %get3A_844 : vector<16xf32>
      %get3A_846 = arith.constant 129 : index
      %get3A_847 = tpu.vector_load %arg22[%get3A_846] {strides = array<i32>} : memref<1296xf32, #tpu.memory_space<vmem>>, vector<16xf32>,
      %add3A_848 = arith.addf %broadcast_in_dim3A_842, %get3A_847 : vector<16xf32>
      %get3A_849 = arith.constant 210 : index
      %get3A_850 = tpu.vector_load %arg22[%get3A_849] {strides = array<i32>} : memref<1296xf32, #tpu.memory_space<vmem>>, vector<16xf32>,
      %add3A_851 = arith.addf %broadcast_in_dim3A_842, %get3A_850 : vector<16xf32>
      %get3A_852 = arith.constant 291 : index
      %get3A_853 = tpu.vector_load %arg22[%get3A_852] {strides = array<i32>} : memref<1296xf32, #tpu.memory_space<vmem>>, vector<16xf32>,
      %add3A_854 = arith.addf %broadcast_in_dim3A_842, %get3A_853 : vector<16xf32>
      %get3A_855 = arith.constant 372 : index
      %get3A_856 = tpu.vector_load %arg22[%get3A_855] {strides = array<i32>} : memref<1296xf32, #tpu.memory_space<vmem>>, vector<16xf32>,
      %add3A_857 = arith.addf %add3A_845, %get3A_856 : vector<16xf32>
      %get3A_858 = arith.constant 453 : index
      %get3A_859 = tpu.vector_load %arg22[%get3A_858] {strides = array<i32>} : memref<1296xf32, #tpu.memory_space<vmem>>, vector<16xf32>,
      %add3A_860 = arith.addf %add3A_848, %get3A_859 : vector<16xf32>
      %get3A_861 = arith.constant 534 : index
      %get3A_862 = tpu.vector_load %arg22[%get3A_861] {strides = array<i32>} : memref<1296xf32, #tpu.memory_space<vmem>>, vector<16xf32>,
      %add3A_863 = arith.addf %add3A_851, %get3A_862 : vector<16xf32>
      %get3A_864 = arith.constant 615 : index
      %get3A_865 = tpu.vector_load %arg22[%get3A_864] {strides = array<i32>} : memref<1296xf32, #tpu.memory_space<vmem>>, vector<16xf32>,
      %add3A_866 = arith.addf %add3A_854, %get3A_865 : vector<16xf32>
      %get3A_867 = arith.constant 696 : index
      %get3A_868 = tpu.vector_load %arg22[%get3A_867] {strides = array<i32>} : memref<1296xf32, #tpu.memory_space<vmem>>, vector<16xf32>,
      %add3A_869 = arith.addf %add3A_857, %get3A_868 : vector<16xf32>
      %get3A_870 = arith.constant 777 : index
      %get3A_871 = tpu.vector_load %arg22[%get3A_870] {strides = array<i32>} : memref<1296xf32, #tpu.memory_space<vmem>>, vector<16xf32>,
      %add3A_872 = arith.addf %add3A_860, %get3A_871 : vector<16xf32>
      %get3A_873 = arith.constant 858 : index
      %get3A_874 = tpu.vector_load %arg22[%get3A_873] {strides = array<i32>} : memref<1296xf32, #tpu.memory_space<vmem>>, vector<16xf32>,
      %add3A_875 = arith.addf %add3A_863, %get3A_874 : vector<16xf32>
      %get3A_876 = arith.constant 939 : index
      %get3A_877 = tpu.vector_load %arg22[%get3A_876] {strides = array<i32>} : memref<1296xf32, #tpu.memory_space<vmem>>, vector<16xf32>,
      %add3A_878 = arith.addf %add3A_866, %get3A_877 : vector<16xf32>
      %get3A_879 = arith.constant 1020 : index
      %get3A_880 = tpu.vector_load %arg22[%get3A_879] {strides = array<i32>} : memref<1296xf32, #tpu.memory_space<vmem>>, vector<16xf32>,
      %add3A_881 = arith.addf %add3A_869, %get3A_880 : vector<16xf32>
      %get3A_882 = arith.constant 1101 : index
      %get3A_883 = tpu.vector_load %arg22[%get3A_882] {strides = array<i32>} : memref<1296xf32, #tpu.memory_space<vmem>>, vector<16xf32>,
      %add3A_884 = arith.addf %add3A_872, %get3A_883 : vector<16xf32>
      %get3A_885 = arith.constant 1182 : index
      %get3A_886 = tpu.vector_load %arg22[%get3A_885] {strides = array<i32>} : memref<1296xf32, #tpu.memory_space<vmem>>, vector<16xf32>,
      %add3A_887 = arith.addf %add3A_875, %get3A_886 : vector<16xf32>
      %get3A_888 = arith.constant 1263 : index
      %get3A_889 = tpu.vector_load %arg22[%get3A_888] {strides = array<i32>} : memref<1296xf32, #tpu.memory_space<vmem>>, vector<16xf32>,
      %add3A_890 = arith.addf %add3A_878, %get3A_889 : vector<16xf32>
      %add3A_891 = arith.addf %add3A_881, %add3A_884 : vector<16xf32>
      %add3A_892 = arith.addf %add3A_887, %add3A_890 : vector<16xf32>
      %add3A_893 = arith.addf %add3A_891, %add3A_892 : vector<16xf32>
      %mul3A_894 = arith.constant 80 : i32
      %mul3A_895 = arith.muli %add3A_660, %mul3A_894 : i32
      %add3A_896 = arith.constant 48 : i32
      %add3A_897 = arith.addi %mul3A_895, %add3A_896 : i32
      %swap3A_898 = arith.index_cast %add3A_897 : i32 to index
      %swap3A_899 = tpu.vector_load %arg21[%swap3A_898] {strides = array<i32>} : memref<10000xf32, #tpu.memory_space<vmem>>, vector<16xf32>,
      tpu.vector_store %arg21[%swap3A_898], %add3A_893 {strides = array<i32>} : memref<10000xf32, #tpu.memory_space<vmem>>, vector<16xf32>,
      %broadcast_in_dim3A_900 = arith.constant 0.000000e+00 : f32
      %broadcast_in_dim3A_901 = vector.broadcast %broadcast_in_dim3A_900 : f32 to vector<16xf32>
      %get3A_902 = arith.constant 64 : index
      %get3A_903 = tpu.vector_load %arg22[%get3A_902] {strides = array<i32>} : memref<1296xf32, #tpu.memory_space<vmem>>, vector<16xf32>,
      %add3A_904 = arith.addf %broadcast_in_dim3A_901, %get3A_903 : vector<16xf32>
      %get3A_905 = arith.constant 145 : index
      %get3A_906 = tpu.vector_load %arg22[%get3A_905] {strides = array<i32>} : memref<1296xf32, #tpu.memory_space<vmem>>, vector<16xf32>,
      %add3A_907 = arith.addf %broadcast_in_dim3A_901, %get3A_906 : vector<16xf32>
      %get3A_908 = arith.constant 226 : index
      %get3A_909 = tpu.vector_load %arg22[%get3A_908] {strides = array<i32>} : memref<1296xf32, #tpu.memory_space<vmem>>, vector<16xf32>,
      %add3A_910 = arith.addf %broadcast_in_dim3A_901, %get3A_909 : vector<16xf32>
      %get3A_911 = arith.constant 307 : index
      %get3A_912 = tpu.vector_load %arg22[%get3A_911] {strides = array<i32>} : memref<1296xf32, #tpu.memory_space<vmem>>, vector<16xf32>,
      %add3A_913 = arith.addf %broadcast_in_dim3A_901, %get3A_912 : vector<16xf32>
      %get3A_914 = arith.constant 388 : index
      %get3A_915 = tpu.vector_load %arg22[%get3A_914] {strides = array<i32>} : memref<1296xf32, #tpu.memory_space<vmem>>, vector<16xf32>,
      %add3A_916 = arith.addf %add3A_904, %get3A_915 : vector<16xf32>
      %get3A_917 = arith.constant 469 : index
      %get3A_918 = tpu.vector_load %arg22[%get3A_917] {strides = array<i32>} : memref<1296xf32, #tpu.memory_space<vmem>>, vector<16xf32>,
      %add3A_919 = arith.addf %add3A_907, %get3A_918 : vector<16xf32>
      %get3A_920 = arith.constant 550 : index
      %get3A_921 = tpu.vector_load %arg22[%get3A_920] {strides = array<i32>} : memref<1296xf32, #tpu.memory_space<vmem>>, vector<16xf32>,
      %add3A_922 = arith.addf %add3A_910, %get3A_921 : vector<16xf32>
      %get3A_923 = arith.constant 631 : index
      %get3A_924 = tpu.vector_load %arg22[%get3A_923] {strides = array<i32>} : memref<1296xf32, #tpu.memory_space<vmem>>, vector<16xf32>,
      %add3A_925 = arith.addf %add3A_913, %get3A_924 : vector<16xf32>
      %get3A_926 = arith.constant 712 : index
      %get3A_927 = tpu.vector_load %arg22[%get3A_926] {strides = array<i32>} : memref<1296xf32, #tpu.memory_space<vmem>>, vector<16xf32>,
      %add3A_928 = arith.addf %add3A_916, %get3A_927 : vector<16xf32>
      %get3A_929 = arith.constant 793 : index
      %get3A_930 = tpu.vector_load %arg22[%get3A_929] {strides = array<i32>} : memref<1296xf32, #tpu.memory_space<vmem>>, vector<16xf32>,
      %add3A_931 = arith.addf %add3A_919, %get3A_930 : vector<16xf32>
      %get3A_932 = arith.constant 874 : index
      %get3A_933 = tpu.vector_load %arg22[%get3A_932] {strides = array<i32>} : memref<1296xf32, #tpu.memory_space<vmem>>, vector<16xf32>,
      %add3A_934 = arith.addf %add3A_922, %get3A_933 : vector<16xf32>
      %get3A_935 = arith.constant 955 : index
      %get3A_936 = tpu.vector_load %arg22[%get3A_935] {strides = array<i32>} : memref<1296xf32, #tpu.memory_space<vmem>>, vector<16xf32>,
      %add3A_937 = arith.addf %add3A_925, %get3A_936 : vector<16xf32>
      %get3A_938 = arith.constant 1036 : index
      %get3A_939 = tpu.vector_load %arg22[%get3A_938] {strides = array<i32>} : memref<1296xf32, #tpu.memory_space<vmem>>, vector<16xf32>,
      %add3A_940 = arith.addf %add3A_928, %get3A_939 : vector<16xf32>
      %get3A_941 = arith.constant 1117 : index
      %get3A_942 = tpu.vector_load %arg22[%get3A_941] {strides = array<i32>} : memref<1296xf32, #tpu.memory_space<vmem>>, vector<16xf32>,
      %add3A_943 = arith.addf %add3A_931, %get3A_942 : vector<16xf32>
      %get3A_944 = arith.constant 1198 : index
      %get3A_945 = tpu.vector_load %arg22[%get3A_944] {strides = array<i32>} : memref<1296xf32, #tpu.memory_space<vmem>>, vector<16xf32>,
      %add3A_946 = arith.addf %add3A_934, %get3A_945 : vector<16xf32>
      %get3A_947 = arith.constant 1279 : index
      %get3A_948 = tpu.vector_load %arg22[%get3A_947] {strides = array<i32>} : memref<1296xf32, #tpu.memory_space<vmem>>, vector<16xf32>,
      %add3A_949 = arith.addf %add3A_937, %get3A_948 : vector<16xf32>
      %add3A_950 = arith.addf %add3A_940, %add3A_943 : vector<16xf32>
      %add3A_951 = arith.addf %add3A_946, %add3A_949 : vector<16xf32>
      %add3A_952 = arith.addf %add3A_950, %add3A_951 : vector<16xf32>
      %mul3A_953 = arith.constant 80 : i32
      %mul3A_954 = arith.muli %add3A_660, %mul3A_953 : i32
      %add3A_955 = arith.constant 64 : i32
      %add3A_956 = arith.addi %mul3A_954, %add3A_955 : i32
      %swap3A_957 = arith.index_cast %add3A_956 : i32 to index
      %swap3A_958 = tpu.vector_load %arg21[%swap3A_957] {strides = array<i32>} : memref<10000xf32, #tpu.memory_space<vmem>>, vector<16xf32>,
      tpu.vector_store %arg21[%swap3A_957], %add3A_952 {strides = array<i32>} : memref<10000xf32, #tpu.memory_space<vmem>>, vector<16xf32>,
      %dma_wait3A_959 = arith.constant 0 : i32
      %dma_wait3A_960 = tpu.memref_slice %arg8[%dma_wait3A_959] : memref<10000xi32, #tpu.memory_space<vmem>> -> memref<80xi32, #tpu.memory_space<vmem>>
      %dma_wait3A_961 = arith.constant 0 : i32
      %dma_wait3A_962 = arith.constant 0 : i32
      %dma_wait3A_963 = tpu.memref_slice %arg2[%dma_wait3A_961, %dma_wait3A_962] : memref<10000x64xi32, #tpu.memory_space<hbm>> -> memref<10000x64xi32, #tpu.memory_space<hbm>>
      tpu.wait_indirect_dma semaphore(%arg24 : memref<!tpu.dma_semaphore, #tpu.memory_space<semaphore_mem>>) src(%dma_wait3A_963 : memref<10000x64xi32, #tpu.memory_space<hbm>>) dst(%arg13 : memref<80x64xi32, #tpu.memory_space<vmem>>)
      %dma_wait3A_964 = arith.constant 0 : i32
      %dma_wait3A_965 = tpu.memref_slice %arg8[%dma_wait3A_964] : memref<10000xi32, #tpu.memory_space<vmem>> -> memref<80xi32, #tpu.memory_space<vmem>>
      %dma_wait3A_966 = arith.constant 0 : i32
      %dma_wait3A_967 = arith.constant 0 : i32
      %dma_wait3A_968 = tpu.memref_slice %arg2[%dma_wait3A_966, %dma_wait3A_967] : memref<10000x64xi32, #tpu.memory_space<hbm>> -> memref<10000x64xi32, #tpu.memory_space<hbm>>
      tpu.wait_indirect_dma semaphore(%arg27 : memref<!tpu.dma_semaphore, #tpu.memory_space<semaphore_mem>>) src(%dma_wait3A_968 : memref<10000x64xi32, #tpu.memory_space<hbm>>) dst(%arg16 : memref<80x64xi32, #tpu.memory_space<vmem>>)
      %dma_wait3A_969 = arith.constant 0 : i32
      %dma_wait3A_970 = tpu.memref_slice %arg8[%dma_wait3A_969] : memref<10000xi32, #tpu.memory_space<vmem>> -> memref<80xi32, #tpu.memory_space<vmem>>
      %dma_wait3A_971 = arith.constant 0 : i32
      %dma_wait3A_972 = arith.constant 0 : i32
      %dma_wait3A_973 = tpu.memref_slice %arg2[%dma_wait3A_971, %dma_wait3A_972] : memref<10000x64xi32, #tpu.memory_space<hbm>> -> memref<10000x64xi32, #tpu.memory_space<hbm>>
      tpu.wait_indirect_dma semaphore(%arg30 : memref<!tpu.dma_semaphore, #tpu.memory_space<semaphore_mem>>) src(%dma_wait3A_973 : memref<10000x64xi32, #tpu.memory_space<hbm>>) dst(%arg19 : memref<80x64xi32, #tpu.memory_space<vmem>>)
      %add3A_974 = arith.constant 1 : i32
      %add3A_975 = arith.addi %mul3A_625, %add3A_974 : i32
      %add3A_976 = arith.constant 2 : i32
      %add3A_977 = arith.addi %add3A_975, %add3A_976 : i32
      %mul3A_978 = arith.constant 80 : i32
      %mul3A_979 = arith.muli %add3A_977, %mul3A_978 : i32
      %dma_start3A_980 = tpu.memref_slice %arg8[%mul3A_979] : memref<10000xi32, #tpu.memory_space<vmem>> -> memref<80xi32, #tpu.memory_space<vmem>>
      %dma_start3A_981 = arith.constant 0 : i32
      %dma_start3A_982 = arith.constant 0 : i32
      %dma_start3A_983 = tpu.memref_slice %arg2[%dma_start3A_981, %dma_start3A_982] : memref<10000x64xi32, #tpu.memory_space<hbm>> -> memref<10000x64xi32, #tpu.memory_space<hbm>>
      tpu.enqueue_indirect_dma source(%dma_start3A_983 : memref<10000x64xi32, #tpu.memory_space<hbm>>) target(%arg12 : memref<80x64xi32, #tpu.memory_space<vmem>>) offsets(%dma_start3A_980 : memref<80xi32, #tpu.memory_space<vmem>>) semaphore(%arg23 : memref<!tpu.dma_semaphore, #tpu.memory_space<semaphore_mem>>)
      %dma_start3A_984 = tpu.memref_slice %arg9[%mul3A_979] : memref<10000xi32, #tpu.memory_space<vmem>> -> memref<80xi32, #tpu.memory_space<vmem>>
      %dma_start3A_985 = arith.constant 0 : i32
      %dma_start3A_986 = arith.constant 0 : i32
      %dma_start3A_987 = tpu.memref_slice %arg2[%dma_start3A_985, %dma_start3A_986] : memref<10000x64xi32, #tpu.memory_space<hbm>> -> memref<10000x64xi32, #tpu.memory_space<hbm>>
      tpu.enqueue_indirect_dma source(%dma_start3A_987 : memref<10000x64xi32, #tpu.memory_space<hbm>>) target(%arg15 : memref<80x64xi32, #tpu.memory_space<vmem>>) offsets(%dma_start3A_984 : memref<80xi32, #tpu.memory_space<vmem>>) semaphore(%arg26 : memref<!tpu.dma_semaphore, #tpu.memory_space<semaphore_mem>>)
      %dma_start3A_988 = tpu.memref_slice %arg10[%mul3A_979] : memref<10000xi32, #tpu.memory_space<vmem>> -> memref<80xi32, #tpu.memory_space<vmem>>
      %dma_start3A_989 = arith.constant 0 : i32
      %dma_start3A_990 = arith.constant 0 : i32
      %dma_start3A_991 = tpu.memref_slice %arg11[%dma_start3A_989, %dma_start3A_990] : memref<64x64xi32, #tpu.memory_space<vmem_shared>> -> memref<64x64xi32, #tpu.memory_space<vmem_shared>>
      tpu.enqueue_indirect_dma source(%dma_start3A_991 : memref<64x64xi32, #tpu.memory_space<vmem_shared>>) target(%arg18 : memref<80x64xi32, #tpu.memory_space<vmem>>) offsets(%dma_start3A_988 : memref<80xi32, #tpu.memory_space<vmem>>) semaphore(%arg29 : memref<!tpu.dma_semaphore, #tpu.memory_space<semaphore_mem>>)
      %add3A_992 = arith.constant 1 : i32
      %add3A_993 = arith.addi %mul3A_625, %add3A_992 : i32
      %parallel_loop3A_994 = arith.constant 0 : i32
      %parallel_loop3A_995 = arith.constant 80 : i32
      %parallel_loop3A_996 = arith.constant 1 : i32
      scf.for %parallel_loop3A_1625 = %parallel_loop3A_994 to %parallel_loop3A_995 step %parallel_loop3A_996  : i32 {
        %parallel_loop3A_1626 = arith.index_cast %parallel_loop3A_1625 : i32 to index
        %parallel_loop3A_1627 = arith.constant 0 : index
        %parallel_loop3A_1628 = tpu.vector_load %arg13[%parallel_loop3A_1626, %parallel_loop3A_1627] {strides = array<i32>} : memref<80x64xi32, #tpu.memory_space<vmem>>, vector<16xi32>,
        %parallel_loop3A_1629 = vector.bitcast %parallel_loop3A_1628 : vector<16xi32> to vector<32xbf16>
        %parallel_loop3A_1630 = arith.index_cast %parallel_loop3A_1625 : i32 to index
        %parallel_loop3A_1631 = arith.constant 0 : index
        %parallel_loop3A_1632 = tpu.vector_load %arg16[%parallel_loop3A_1630, %parallel_loop3A_1631] {strides = array<i32>} : memref<80x64xi32, #tpu.memory_space<vmem>>, vector<16xi32>,
        %parallel_loop3A_1633 = vector.bitcast %parallel_loop3A_1632 : vector<16xi32> to vector<32xbf16>
        %parallel_loop3A_1634 = arith.index_cast %parallel_loop3A_1625 : i32 to index
        %parallel_loop3A_1635 = arith.constant 0 : index
        %parallel_loop3A_1636 = tpu.vector_load %arg19[%parallel_loop3A_1634, %parallel_loop3A_1635] {strides = array<i32>} : memref<80x64xi32, #tpu.memory_space<vmem>>, vector<16xi32>,
        %parallel_loop3A_1637 = vector.bitcast %parallel_loop3A_1636 : vector<16xi32> to vector<32xbf16>
        %parallel_loop3A_1638 = arith.mulf %parallel_loop3A_1629, %parallel_loop3A_1633 : vector<32xbf16>
        %parallel_loop3A_1639 = arith.mulf %parallel_loop3A_1638, %parallel_loop3A_1637 : vector<32xbf16>
        %parallel_loop3A_1640 = arith.index_cast %parallel_loop3A_1625 : i32 to index
        %parallel_loop3A_1641 = arith.constant 16 : index
        %parallel_loop3A_1642 = tpu.vector_load %arg13[%parallel_loop3A_1640, %parallel_loop3A_1641] {strides = array<i32>} : memref<80x64xi32, #tpu.memory_space<vmem>>, vector<16xi32>,
        %parallel_loop3A_1643 = vector.bitcast %parallel_loop3A_1642 : vector<16xi32> to vector<32xbf16>
        %parallel_loop3A_1644 = arith.index_cast %parallel_loop3A_1625 : i32 to index
        %parallel_loop3A_1645 = arith.constant 16 : index
        %parallel_loop3A_1646 = tpu.vector_load %arg16[%parallel_loop3A_1644, %parallel_loop3A_1645] {strides = array<i32>} : memref<80x64xi32, #tpu.memory_space<vmem>>, vector<16xi32>,
        %parallel_loop3A_1647 = vector.bitcast %parallel_loop3A_1646 : vector<16xi32> to vector<32xbf16>
        %parallel_loop3A_1648 = arith.index_cast %parallel_loop3A_1625 : i32 to index
        %parallel_loop3A_1649 = arith.constant 16 : index
        %parallel_loop3A_1650 = tpu.vector_load %arg19[%parallel_loop3A_1648, %parallel_loop3A_1649] {strides = array<i32>} : memref<80x64xi32, #tpu.memory_space<vmem>>, vector<16xi32>,
        %parallel_loop3A_1651 = vector.bitcast %parallel_loop3A_1650 : vector<16xi32> to vector<32xbf16>
        %parallel_loop3A_1652 = arith.mulf %parallel_loop3A_1643, %parallel_loop3A_1647 : vector<32xbf16>
        %parallel_loop3A_1653 = arith.mulf %parallel_loop3A_1652, %parallel_loop3A_1651 : vector<32xbf16>
        %parallel_loop3A_1654 = arith.index_cast %parallel_loop3A_1625 : i32 to index
        %parallel_loop3A_1655 = arith.constant 32 : index
        %parallel_loop3A_1656 = tpu.vector_load %arg13[%parallel_loop3A_1654, %parallel_loop3A_1655] {strides = array<i32>} : memref<80x64xi32, #tpu.memory_space<vmem>>, vector<16xi32>,
        %parallel_loop3A_1657 = vector.bitcast %parallel_loop3A_1656 : vector<16xi32> to vector<32xbf16>
        %parallel_loop3A_1658 = arith.index_cast %parallel_loop3A_1625 : i32 to index
        %parallel_loop3A_1659 = arith.constant 32 : index
        %parallel_loop3A_1660 = tpu.vector_load %arg16[%parallel_loop3A_1658, %parallel_loop3A_1659] {strides = array<i32>} : memref<80x64xi32, #tpu.memory_space<vmem>>, vector<16xi32>,
        %parallel_loop3A_1661 = vector.bitcast %parallel_loop3A_1660 : vector<16xi32> to vector<32xbf16>
        %parallel_loop3A_1662 = arith.index_cast %parallel_loop3A_1625 : i32 to index
        %parallel_loop3A_1663 = arith.constant 32 : index
        %parallel_loop3A_1664 = tpu.vector_load %arg19[%parallel_loop3A_1662, %parallel_loop3A_1663] {strides = array<i32>} : memref<80x64xi32, #tpu.memory_space<vmem>>, vector<16xi32>,
        %parallel_loop3A_1665 = vector.bitcast %parallel_loop3A_1664 : vector<16xi32> to vector<32xbf16>
        %parallel_loop3A_1666 = arith.mulf %parallel_loop3A_1657, %parallel_loop3A_1661 : vector<32xbf16>
        %parallel_loop3A_1667 = arith.mulf %parallel_loop3A_1666, %parallel_loop3A_1665 : vector<32xbf16>
        %parallel_loop3A_1668 = arith.index_cast %parallel_loop3A_1625 : i32 to index
        %parallel_loop3A_1669 = arith.constant 48 : index
        %parallel_loop3A_1670 = tpu.vector_load %arg13[%parallel_loop3A_1668, %parallel_loop3A_1669] {strides = array<i32>} : memref<80x64xi32, #tpu.memory_space<vmem>>, vector<16xi32>,
        %parallel_loop3A_1671 = vector.bitcast %parallel_loop3A_1670 : vector<16xi32> to vector<32xbf16>
        %parallel_loop3A_1672 = arith.index_cast %parallel_loop3A_1625 : i32 to index
        %parallel_loop3A_1673 = arith.constant 48 : index
        %parallel_loop3A_1674 = tpu.vector_load %arg16[%parallel_loop3A_1672, %parallel_loop3A_1673] {strides = array<i32>} : memref<80x64xi32, #tpu.memory_space<vmem>>, vector<16xi32>,
        %parallel_loop3A_1675 = vector.bitcast %parallel_loop3A_1674 : vector<16xi32> to vector<32xbf16>
        %parallel_loop3A_1676 = arith.index_cast %parallel_loop3A_1625 : i32 to index
        %parallel_loop3A_1677 = arith.constant 48 : index
        %parallel_loop3A_1678 = tpu.vector_load %arg19[%parallel_loop3A_1676, %parallel_loop3A_1677] {strides = array<i32>} : memref<80x64xi32, #tpu.memory_space<vmem>>, vector<16xi32>,
        %parallel_loop3A_1679 = vector.bitcast %parallel_loop3A_1678 : vector<16xi32> to vector<32xbf16>
        %parallel_loop3A_1680 = arith.mulf %parallel_loop3A_1671, %parallel_loop3A_1675 : vector<32xbf16>
        %parallel_loop3A_1681 = arith.mulf %parallel_loop3A_1680, %parallel_loop3A_1679 : vector<32xbf16>
        %parallel_loop3A_1682 = arith.addf %parallel_loop3A_1639, %parallel_loop3A_1653 : vector<32xbf16>
        %parallel_loop3A_1683 = tpu.unpack_subelements %parallel_loop3A_1682, 0 {pack_format = #tpu.pack_format<interleaved>} : vector<32xbf16> -> vector<16xf32>
        %parallel_loop3A_1684 = tpu.unpack_subelements %parallel_loop3A_1682, 1 {pack_format = #tpu.pack_format<interleaved>} : vector<32xbf16> -> vector<16xf32>
        %parallel_loop3A_1685 = arith.addf %parallel_loop3A_1667, %parallel_loop3A_1681 : vector<32xbf16>
        %parallel_loop3A_1686 = tpu.unpack_subelements %parallel_loop3A_1685, 0 {pack_format = #tpu.pack_format<interleaved>} : vector<32xbf16> -> vector<16xf32>
        %parallel_loop3A_1687 = tpu.unpack_subelements %parallel_loop3A_1685, 1 {pack_format = #tpu.pack_format<interleaved>} : vector<32xbf16> -> vector<16xf32>
        %parallel_loop3A_1688 = vector.broadcast %parallel_loop3A_1625 : i32 to vector<16xi32>
        %parallel_loop3A_1689 = arith.addi %mul3A_7, %parallel_loop3A_1688 : vector<16xi32>
        %parallel_loop3A_1690 = arith.addf %parallel_loop3A_1683, %parallel_loop3A_1684 : vector<16xf32>
        %parallel_loop3A_1691 = arith.addf %parallel_loop3A_1686, %parallel_loop3A_1687 : vector<16xf32>
        %parallel_loop3A_1692 = arith.addf %parallel_loop3A_1690, %parallel_loop3A_1691 : vector<16xf32>
        tpu.vector_store_idx %arg22[%parallel_loop3A_1689], %parallel_loop3A_1692 : memref<1296xf32, #tpu.memory_space<vmem>>[vector<16xi32>], vector<16xf32>,
      } {sc.loop_unroll_factor = 4 : i64, sc.parallel_access}
      %broadcast_in_dim3A_997 = arith.constant 0.000000e+00 : f32
      %broadcast_in_dim3A_998 = vector.broadcast %broadcast_in_dim3A_997 : f32 to vector<16xf32>
      %get3A_999 = arith.constant 0 : index
      %get3A_1000 = tpu.vector_load %arg22[%get3A_999] {strides = array<i32>} : memref<1296xf32, #tpu.memory_space<vmem>>, vector<16xf32>,
      %add3A_1001 = arith.addf %broadcast_in_dim3A_998, %get3A_1000 : vector<16xf32>
      %get3A_1002 = arith.constant 81 : index
      %get3A_1003 = tpu.vector_load %arg22[%get3A_1002] {strides = array<i32>} : memref<1296xf32, #tpu.memory_space<vmem>>, vector<16xf32>,
      %add3A_1004 = arith.addf %broadcast_in_dim3A_998, %get3A_1003 : vector<16xf32>
      %get3A_1005 = arith.constant 162 : index
      %get3A_1006 = tpu.vector_load %arg22[%get3A_1005] {strides = array<i32>} : memref<1296xf32, #tpu.memory_space<vmem>>, vector<16xf32>,
      %add3A_1007 = arith.addf %broadcast_in_dim3A_998, %get3A_1006 : vector<16xf32>
      %get3A_1008 = arith.constant 243 : index
      %get3A_1009 = tpu.vector_load %arg22[%get3A_1008] {strides = array<i32>} : memref<1296xf32, #tpu.memory_space<vmem>>, vector<16xf32>,
      %add3A_1010 = arith.addf %broadcast_in_dim3A_998, %get3A_1009 : vector<16xf32>
      %get3A_1011 = arith.constant 324 : index
      %get3A_1012 = tpu.vector_load %arg22[%get3A_1011] {strides = array<i32>} : memref<1296xf32, #tpu.memory_space<vmem>>, vector<16xf32>,
      %add3A_1013 = arith.addf %add3A_1001, %get3A_1012 : vector<16xf32>
      %get3A_1014 = arith.constant 405 : index
      %get3A_1015 = tpu.vector_load %arg22[%get3A_1014] {strides = array<i32>} : memref<1296xf32, #tpu.memory_space<vmem>>, vector<16xf32>,
      %add3A_1016 = arith.addf %add3A_1004, %get3A_1015 : vector<16xf32>
      %get3A_1017 = arith.constant 486 : index
      %get3A_1018 = tpu.vector_load %arg22[%get3A_1017] {strides = array<i32>} : memref<1296xf32, #tpu.memory_space<vmem>>, vector<16xf32>,
      %add3A_1019 = arith.addf %add3A_1007, %get3A_1018 : vector<16xf32>
      %get3A_1020 = arith.constant 567 : index
      %get3A_1021 = tpu.vector_load %arg22[%get3A_1020] {strides = array<i32>} : memref<1296xf32, #tpu.memory_space<vmem>>, vector<16xf32>,
      %add3A_1022 = arith.addf %add3A_1010, %get3A_1021 : vector<16xf32>
      %get3A_1023 = arith.constant 648 : index
      %get3A_1024 = tpu.vector_load %arg22[%get3A_1023] {strides = array<i32>} : memref<1296xf32, #tpu.memory_space<vmem>>, vector<16xf32>,
      %add3A_1025 = arith.addf %add3A_1013, %get3A_1024 : vector<16xf32>
      %get3A_1026 = arith.constant 729 : index
      %get3A_1027 = tpu.vector_load %arg22[%get3A_1026] {strides = array<i32>} : memref<1296xf32, #tpu.memory_space<vmem>>, vector<16xf32>,
      %add3A_1028 = arith.addf %add3A_1016, %get3A_1027 : vector<16xf32>
      %get3A_1029 = arith.constant 810 : index
      %get3A_1030 = tpu.vector_load %arg22[%get3A_1029] {strides = array<i32>} : memref<1296xf32, #tpu.memory_space<vmem>>, vector<16xf32>,
      %add3A_1031 = arith.addf %add3A_1019, %get3A_1030 : vector<16xf32>
      %get3A_1032 = arith.constant 891 : index
      %get3A_1033 = tpu.vector_load %arg22[%get3A_1032] {strides = array<i32>} : memref<1296xf32, #tpu.memory_space<vmem>>, vector<16xf32>,
      %add3A_1034 = arith.addf %add3A_1022, %get3A_1033 : vector<16xf32>
      %get3A_1035 = arith.constant 972 : index
      %get3A_1036 = tpu.vector_load %arg22[%get3A_1035] {strides = array<i32>} : memref<1296xf32, #tpu.memory_space<vmem>>, vector<16xf32>,
      %add3A_1037 = arith.addf %add3A_1025, %get3A_1036 : vector<16xf32>
      %get3A_1038 = arith.constant 1053 : index
      %get3A_1039 = tpu.vector_load %arg22[%get3A_1038] {strides = array<i32>} : memref<1296xf32, #tpu.memory_space<vmem>>, vector<16xf32>,
      %add3A_1040 = arith.addf %add3A_1028, %get3A_1039 : vector<16xf32>
      %get3A_1041 = arith.constant 1134 : index
      %get3A_1042 = tpu.vector_load %arg22[%get3A_1041] {strides = array<i32>} : memref<1296xf32, #tpu.memory_space<vmem>>, vector<16xf32>,
      %add3A_1043 = arith.addf %add3A_1031, %get3A_1042 : vector<16xf32>
      %get3A_1044 = arith.constant 1215 : index
      %get3A_1045 = tpu.vector_load %arg22[%get3A_1044] {strides = array<i32>} : memref<1296xf32, #tpu.memory_space<vmem>>, vector<16xf32>,
      %add3A_1046 = arith.addf %add3A_1034, %get3A_1045 : vector<16xf32>
      %add3A_1047 = arith.addf %add3A_1037, %add3A_1040 : vector<16xf32>
      %add3A_1048 = arith.addf %add3A_1043, %add3A_1046 : vector<16xf32>
      %add3A_1049 = arith.addf %add3A_1047, %add3A_1048 : vector<16xf32>
      %mul3A_1050 = arith.constant 80 : i32
      %mul3A_1051 = arith.muli %add3A_993, %mul3A_1050 : i32
      %add3A_1052 = arith.constant 0 : i32
      %add3A_1053 = arith.addi %mul3A_1051, %add3A_1052 : i32
      %swap3A_1054 = arith.index_cast %add3A_1053 : i32 to index
      %swap3A_1055 = tpu.vector_load %arg21[%swap3A_1054] {strides = array<i32>} : memref<10000xf32, #tpu.memory_space<vmem>>, vector<16xf32>,
      tpu.vector_store %arg21[%swap3A_1054], %add3A_1049 {strides = array<i32>} : memref<10000xf32, #tpu.memory_space<vmem>>, vector<16xf32>,
      %broadcast_in_dim3A_1056 = arith.constant 0.000000e+00 : f32
      %broadcast_in_dim3A_1057 = vector.broadcast %broadcast_in_dim3A_1056 : f32 to vector<16xf32>
      %get3A_1058 = arith.constant 16 : index
      %get3A_1059 = tpu.vector_load %arg22[%get3A_1058] {strides = array<i32>} : memref<1296xf32, #tpu.memory_space<vmem>>, vector<16xf32>,
      %add3A_1060 = arith.addf %broadcast_in_dim3A_1057, %get3A_1059 : vector<16xf32>
      %get3A_1061 = arith.constant 97 : index
      %get3A_1062 = tpu.vector_load %arg22[%get3A_1061] {strides = array<i32>} : memref<1296xf32, #tpu.memory_space<vmem>>, vector<16xf32>,
      %add3A_1063 = arith.addf %broadcast_in_dim3A_1057, %get3A_1062 : vector<16xf32>
      %get3A_1064 = arith.constant 178 : index
      %get3A_1065 = tpu.vector_load %arg22[%get3A_1064] {strides = array<i32>} : memref<1296xf32, #tpu.memory_space<vmem>>, vector<16xf32>,
      %add3A_1066 = arith.addf %broadcast_in_dim3A_1057, %get3A_1065 : vector<16xf32>
      %get3A_1067 = arith.constant 259 : index
      %get3A_1068 = tpu.vector_load %arg22[%get3A_1067] {strides = array<i32>} : memref<1296xf32, #tpu.memory_space<vmem>>, vector<16xf32>,
      %add3A_1069 = arith.addf %broadcast_in_dim3A_1057, %get3A_1068 : vector<16xf32>
      %get3A_1070 = arith.constant 340 : index
      %get3A_1071 = tpu.vector_load %arg22[%get3A_1070] {strides = array<i32>} : memref<1296xf32, #tpu.memory_space<vmem>>, vector<16xf32>,
      %add3A_1072 = arith.addf %add3A_1060, %get3A_1071 : vector<16xf32>
      %get3A_1073 = arith.constant 421 : index
      %get3A_1074 = tpu.vector_load %arg22[%get3A_1073] {strides = array<i32>} : memref<1296xf32, #tpu.memory_space<vmem>>, vector<16xf32>,
      %add3A_1075 = arith.addf %add3A_1063, %get3A_1074 : vector<16xf32>
      %get3A_1076 = arith.constant 502 : index
      %get3A_1077 = tpu.vector_load %arg22[%get3A_1076] {strides = array<i32>} : memref<1296xf32, #tpu.memory_space<vmem>>, vector<16xf32>,
      %add3A_1078 = arith.addf %add3A_1066, %get3A_1077 : vector<16xf32>
      %get3A_1079 = arith.constant 583 : index
      %get3A_1080 = tpu.vector_load %arg22[%get3A_1079] {strides = array<i32>} : memref<1296xf32, #tpu.memory_space<vmem>>, vector<16xf32>,
      %add3A_1081 = arith.addf %add3A_1069, %get3A_1080 : vector<16xf32>
      %get3A_1082 = arith.constant 664 : index
      %get3A_1083 = tpu.vector_load %arg22[%get3A_1082] {strides = array<i32>} : memref<1296xf32, #tpu.memory_space<vmem>>, vector<16xf32>,
      %add3A_1084 = arith.addf %add3A_1072, %get3A_1083 : vector<16xf32>
      %get3A_1085 = arith.constant 745 : index
      %get3A_1086 = tpu.vector_load %arg22[%get3A_1085] {strides = array<i32>} : memref<1296xf32, #tpu.memory_space<vmem>>, vector<16xf32>,
      %add3A_1087 = arith.addf %add3A_1075, %get3A_1086 : vector<16xf32>
      %get3A_1088 = arith.constant 826 : index
      %get3A_1089 = tpu.vector_load %arg22[%get3A_1088] {strides = array<i32>} : memref<1296xf32, #tpu.memory_space<vmem>>, vector<16xf32>,
      %add3A_1090 = arith.addf %add3A_1078, %get3A_1089 : vector<16xf32>
      %get3A_1091 = arith.constant 907 : index
      %get3A_1092 = tpu.vector_load %arg22[%get3A_1091] {strides = array<i32>} : memref<1296xf32, #tpu.memory_space<vmem>>, vector<16xf32>,
      %add3A_1093 = arith.addf %add3A_1081, %get3A_1092 : vector<16xf32>
      %get3A_1094 = arith.constant 988 : index
      %get3A_1095 = tpu.vector_load %arg22[%get3A_1094] {strides = array<i32>} : memref<1296xf32, #tpu.memory_space<vmem>>, vector<16xf32>,
      %add3A_1096 = arith.addf %add3A_1084, %get3A_1095 : vector<16xf32>
      %get3A_1097 = arith.constant 1069 : index
      %get3A_1098 = tpu.vector_load %arg22[%get3A_1097] {strides = array<i32>} : memref<1296xf32, #tpu.memory_space<vmem>>, vector<16xf32>,
      %add3A_1099 = arith.addf %add3A_1087, %get3A_1098 : vector<16xf32>
      %get3A_1100 = arith.constant 1150 : index
      %get3A_1101 = tpu.vector_load %arg22[%get3A_1100] {strides = array<i32>} : memref<1296xf32, #tpu.memory_space<vmem>>, vector<16xf32>,
      %add3A_1102 = arith.addf %add3A_1090, %get3A_1101 : vector<16xf32>
      %get3A_1103 = arith.constant 1231 : index
      %get3A_1104 = tpu.vector_load %arg22[%get3A_1103] {strides = array<i32>} : memref<1296xf32, #tpu.memory_space<vmem>>, vector<16xf32>,
      %add3A_1105 = arith.addf %add3A_1093, %get3A_1104 : vector<16xf32>
      %add3A_1106 = arith.addf %add3A_1096, %add3A_1099 : vector<16xf32>
      %add3A_1107 = arith.addf %add3A_1102, %add3A_1105 : vector<16xf32>
      %add3A_1108 = arith.addf %add3A_1106, %add3A_1107 : vector<16xf32>
      %mul3A_1109 = arith.constant 80 : i32
      %mul3A_1110 = arith.muli %add3A_993, %mul3A_1109 : i32
      %add3A_1111 = arith.constant 16 : i32
      %add3A_1112 = arith.addi %mul3A_1110, %add3A_1111 : i32
      %swap3A_1113 = arith.index_cast %add3A_1112 : i32 to index
      %swap3A_1114 = tpu.vector_load %arg21[%swap3A_1113] {strides = array<i32>} : memref<10000xf32, #tpu.memory_space<vmem>>, vector<16xf32>,
      tpu.vector_store %arg21[%swap3A_1113], %add3A_1108 {strides = array<i32>} : memref<10000xf32, #tpu.memory_space<vmem>>, vector<16xf32>,
      %broadcast_in_dim3A_1115 = arith.constant 0.000000e+00 : f32
      %broadcast_in_dim3A_1116 = vector.broadcast %broadcast_in_dim3A_1115 : f32 to vector<16xf32>
      %get3A_1117 = arith.constant 32 : index
      %get3A_1118 = tpu.vector_load %arg22[%get3A_1117] {strides = array<i32>} : memref<1296xf32, #tpu.memory_space<vmem>>, vector<16xf32>,
      %add3A_1119 = arith.addf %broadcast_in_dim3A_1116, %get3A_1118 : vector<16xf32>
      %get3A_1120 = arith.constant 113 : index
      %get3A_1121 = tpu.vector_load %arg22[%get3A_1120] {strides = array<i32>} : memref<1296xf32, #tpu.memory_space<vmem>>, vector<16xf32>,
      %add3A_1122 = arith.addf %broadcast_in_dim3A_1116, %get3A_1121 : vector<16xf32>
      %get3A_1123 = arith.constant 194 : index
      %get3A_1124 = tpu.vector_load %arg22[%get3A_1123] {strides = array<i32>} : memref<1296xf32, #tpu.memory_space<vmem>>, vector<16xf32>,
      %add3A_1125 = arith.addf %broadcast_in_dim3A_1116, %get3A_1124 : vector<16xf32>
      %get3A_1126 = arith.constant 275 : index
      %get3A_1127 = tpu.vector_load %arg22[%get3A_1126] {strides = array<i32>} : memref<1296xf32, #tpu.memory_space<vmem>>, vector<16xf32>,
      %add3A_1128 = arith.addf %broadcast_in_dim3A_1116, %get3A_1127 : vector<16xf32>
      %get3A_1129 = arith.constant 356 : index
      %get3A_1130 = tpu.vector_load %arg22[%get3A_1129] {strides = array<i32>} : memref<1296xf32, #tpu.memory_space<vmem>>, vector<16xf32>,
      %add3A_1131 = arith.addf %add3A_1119, %get3A_1130 : vector<16xf32>
      %get3A_1132 = arith.constant 437 : index
      %get3A_1133 = tpu.vector_load %arg22[%get3A_1132] {strides = array<i32>} : memref<1296xf32, #tpu.memory_space<vmem>>, vector<16xf32>,
      %add3A_1134 = arith.addf %add3A_1122, %get3A_1133 : vector<16xf32>
      %get3A_1135 = arith.constant 518 : index
      %get3A_1136 = tpu.vector_load %arg22[%get3A_1135] {strides = array<i32>} : memref<1296xf32, #tpu.memory_space<vmem>>, vector<16xf32>,
      %add3A_1137 = arith.addf %add3A_1125, %get3A_1136 : vector<16xf32>
      %get3A_1138 = arith.constant 599 : index
      %get3A_1139 = tpu.vector_load %arg22[%get3A_1138] {strides = array<i32>} : memref<1296xf32, #tpu.memory_space<vmem>>, vector<16xf32>,
      %add3A_1140 = arith.addf %add3A_1128, %get3A_1139 : vector<16xf32>
      %get3A_1141 = arith.constant 680 : index
      %get3A_1142 = tpu.vector_load %arg22[%get3A_1141] {strides = array<i32>} : memref<1296xf32, #tpu.memory_space<vmem>>, vector<16xf32>,
      %add3A_1143 = arith.addf %add3A_1131, %get3A_1142 : vector<16xf32>
      %get3A_1144 = arith.constant 761 : index
      %get3A_1145 = tpu.vector_load %arg22[%get3A_1144] {strides = array<i32>} : memref<1296xf32, #tpu.memory_space<vmem>>, vector<16xf32>,
      %add3A_1146 = arith.addf %add3A_1134, %get3A_1145 : vector<16xf32>
      %get3A_1147 = arith.constant 842 : index
      %get3A_1148 = tpu.vector_load %arg22[%get3A_1147] {strides = array<i32>} : memref<1296xf32, #tpu.memory_space<vmem>>, vector<16xf32>,
      %add3A_1149 = arith.addf %add3A_1137, %get3A_1148 : vector<16xf32>
      %get3A_1150 = arith.constant 923 : index
      %get3A_1151 = tpu.vector_load %arg22[%get3A_1150] {strides = array<i32>} : memref<1296xf32, #tpu.memory_space<vmem>>, vector<16xf32>,
      %add3A_1152 = arith.addf %add3A_1140, %get3A_1151 : vector<16xf32>
      %get3A_1153 = arith.constant 1004 : index
      %get3A_1154 = tpu.vector_load %arg22[%get3A_1153] {strides = array<i32>} : memref<1296xf32, #tpu.memory_space<vmem>>, vector<16xf32>,
      %add3A_1155 = arith.addf %add3A_1143, %get3A_1154 : vector<16xf32>
      %get3A_1156 = arith.constant 1085 : index
      %get3A_1157 = tpu.vector_load %arg22[%get3A_1156] {strides = array<i32>} : memref<1296xf32, #tpu.memory_space<vmem>>, vector<16xf32>,
      %add3A_1158 = arith.addf %add3A_1146, %get3A_1157 : vector<16xf32>
      %get3A_1159 = arith.constant 1166 : index
      %get3A_1160 = tpu.vector_load %arg22[%get3A_1159] {strides = array<i32>} : memref<1296xf32, #tpu.memory_space<vmem>>, vector<16xf32>,
      %add3A_1161 = arith.addf %add3A_1149, %get3A_1160 : vector<16xf32>
      %get3A_1162 = arith.constant 1247 : index
      %get3A_1163 = tpu.vector_load %arg22[%get3A_1162] {strides = array<i32>} : memref<1296xf32, #tpu.memory_space<vmem>>, vector<16xf32>,
      %add3A_1164 = arith.addf %add3A_1152, %get3A_1163 : vector<16xf32>
      %add3A_1165 = arith.addf %add3A_1155, %add3A_1158 : vector<16xf32>
      %add3A_1166 = arith.addf %add3A_1161, %add3A_1164 : vector<16xf32>
      %add3A_1167 = arith.addf %add3A_1165, %add3A_1166 : vector<16xf32>
      %mul3A_1168 = arith.constant 80 : i32
      %mul3A_1169 = arith.muli %add3A_993, %mul3A_1168 : i32
      %add3A_1170 = arith.constant 32 : i32
      %add3A_1171 = arith.addi %mul3A_1169, %add3A_1170 : i32
      %swap3A_1172 = arith.index_cast %add3A_1171 : i32 to index
      %swap3A_1173 = tpu.vector_load %arg21[%swap3A_1172] {strides = array<i32>} : memref<10000xf32, #tpu.memory_space<vmem>>, vector<16xf32>,
      tpu.vector_store %arg21[%swap3A_1172], %add3A_1167 {strides = array<i32>} : memref<10000xf32, #tpu.memory_space<vmem>>, vector<16xf32>,
      %broadcast_in_dim3A_1174 = arith.constant 0.000000e+00 : f32
      %broadcast_in_dim3A_1175 = vector.broadcast %broadcast_in_dim3A_1174 : f32 to vector<16xf32>
      %get3A_1176 = arith.constant 48 : index
      %get3A_1177 = tpu.vector_load %arg22[%get3A_1176] {strides = array<i32>} : memref<1296xf32, #tpu.memory_space<vmem>>, vector<16xf32>,
      %add3A_1178 = arith.addf %broadcast_in_dim3A_1175, %get3A_1177 : vector<16xf32>
      %get3A_1179 = arith.constant 129 : index
      %get3A_1180 = tpu.vector_load %arg22[%get3A_1179] {strides = array<i32>} : memref<1296xf32, #tpu.memory_space<vmem>>, vector<16xf32>,
      %add3A_1181 = arith.addf %broadcast_in_dim3A_1175, %get3A_1180 : vector<16xf32>
      %get3A_1182 = arith.constant 210 : index
      %get3A_1183 = tpu.vector_load %arg22[%get3A_1182] {strides = array<i32>} : memref<1296xf32, #tpu.memory_space<vmem>>, vector<16xf32>,
      %add3A_1184 = arith.addf %broadcast_in_dim3A_1175, %get3A_1183 : vector<16xf32>
      %get3A_1185 = arith.constant 291 : index
      %get3A_1186 = tpu.vector_load %arg22[%get3A_1185] {strides = array<i32>} : memref<1296xf32, #tpu.memory_space<vmem>>, vector<16xf32>,
      %add3A_1187 = arith.addf %broadcast_in_dim3A_1175, %get3A_1186 : vector<16xf32>
      %get3A_1188 = arith.constant 372 : index
      %get3A_1189 = tpu.vector_load %arg22[%get3A_1188] {strides = array<i32>} : memref<1296xf32, #tpu.memory_space<vmem>>, vector<16xf32>,
      %add3A_1190 = arith.addf %add3A_1178, %get3A_1189 : vector<16xf32>
      %get3A_1191 = arith.constant 453 : index
      %get3A_1192 = tpu.vector_load %arg22[%get3A_1191] {strides = array<i32>} : memref<1296xf32, #tpu.memory_space<vmem>>, vector<16xf32>,
      %add3A_1193 = arith.addf %add3A_1181, %get3A_1192 : vector<16xf32>
      %get3A_1194 = arith.constant 534 : index
      %get3A_1195 = tpu.vector_load %arg22[%get3A_1194] {strides = array<i32>} : memref<1296xf32, #tpu.memory_space<vmem>>, vector<16xf32>,
      %add3A_1196 = arith.addf %add3A_1184, %get3A_1195 : vector<16xf32>
      %get3A_1197 = arith.constant 615 : index
      %get3A_1198 = tpu.vector_load %arg22[%get3A_1197] {strides = array<i32>} : memref<1296xf32, #tpu.memory_space<vmem>>, vector<16xf32>,
      %add3A_1199 = arith.addf %add3A_1187, %get3A_1198 : vector<16xf32>
      %get3A_1200 = arith.constant 696 : index
      %get3A_1201 = tpu.vector_load %arg22[%get3A_1200] {strides = array<i32>} : memref<1296xf32, #tpu.memory_space<vmem>>, vector<16xf32>,
      %add3A_1202 = arith.addf %add3A_1190, %get3A_1201 : vector<16xf32>
      %get3A_1203 = arith.constant 777 : index
      %get3A_1204 = tpu.vector_load %arg22[%get3A_1203] {strides = array<i32>} : memref<1296xf32, #tpu.memory_space<vmem>>, vector<16xf32>,
      %add3A_1205 = arith.addf %add3A_1193, %get3A_1204 : vector<16xf32>
      %get3A_1206 = arith.constant 858 : index
      %get3A_1207 = tpu.vector_load %arg22[%get3A_1206] {strides = array<i32>} : memref<1296xf32, #tpu.memory_space<vmem>>, vector<16xf32>,
      %add3A_1208 = arith.addf %add3A_1196, %get3A_1207 : vector<16xf32>
      %get3A_1209 = arith.constant 939 : index
      %get3A_1210 = tpu.vector_load %arg22[%get3A_1209] {strides = array<i32>} : memref<1296xf32, #tpu.memory_space<vmem>>, vector<16xf32>,
      %add3A_1211 = arith.addf %add3A_1199, %get3A_1210 : vector<16xf32>
      %get3A_1212 = arith.constant 1020 : index
      %get3A_1213 = tpu.vector_load %arg22[%get3A_1212] {strides = array<i32>} : memref<1296xf32, #tpu.memory_space<vmem>>, vector<16xf32>,
      %add3A_1214 = arith.addf %add3A_1202, %get3A_1213 : vector<16xf32>
      %get3A_1215 = arith.constant 1101 : index
      %get3A_1216 = tpu.vector_load %arg22[%get3A_1215] {strides = array<i32>} : memref<1296xf32, #tpu.memory_space<vmem>>, vector<16xf32>,
      %add3A_1217 = arith.addf %add3A_1205, %get3A_1216 : vector<16xf32>
      %get3A_1218 = arith.constant 1182 : index
      %get3A_1219 = tpu.vector_load %arg22[%get3A_1218] {strides = array<i32>} : memref<1296xf32, #tpu.memory_space<vmem>>, vector<16xf32>,
      %add3A_1220 = arith.addf %add3A_1208, %get3A_1219 : vector<16xf32>
      %get3A_1221 = arith.constant 1263 : index
      %get3A_1222 = tpu.vector_load %arg22[%get3A_1221] {strides = array<i32>} : memref<1296xf32, #tpu.memory_space<vmem>>, vector<16xf32>,
      %add3A_1223 = arith.addf %add3A_1211, %get3A_1222 : vector<16xf32>
      %add3A_1224 = arith.addf %add3A_1214, %add3A_1217 : vector<16xf32>
      %add3A_1225 = arith.addf %add3A_1220, %add3A_1223 : vector<16xf32>
      %add3A_1226 = arith.addf %add3A_1224, %add3A_1225 : vector<16xf32>
      %mul3A_1227 = arith.constant 80 : i32
      %mul3A_1228 = arith.muli %add3A_993, %mul3A_1227 : i32
      %add3A_1229 = arith.constant 48 : i32
      %add3A_1230 = arith.addi %mul3A_1228, %add3A_1229 : i32
      %swap3A_1231 = arith.index_cast %add3A_1230 : i32 to index
      %swap3A_1232 = tpu.vector_load %arg21[%swap3A_1231] {strides = array<i32>} : memref<10000xf32, #tpu.memory_space<vmem>>, vector<16xf32>,
      tpu.vector_store %arg21[%swap3A_1231], %add3A_1226 {strides = array<i32>} : memref<10000xf32, #tpu.memory_space<vmem>>, vector<16xf32>,
      %broadcast_in_dim3A_1233 = arith.constant 0.000000e+00 : f32
      %broadcast_in_dim3A_1234 = vector.broadcast %broadcast_in_dim3A_1233 : f32 to vector<16xf32>
      %get3A_1235 = arith.constant 64 : index
      %get3A_1236 = tpu.vector_load %arg22[%get3A_1235] {strides = array<i32>} : memref<1296xf32, #tpu.memory_space<vmem>>, vector<16xf32>,
      %add3A_1237 = arith.addf %broadcast_in_dim3A_1234, %get3A_1236 : vector<16xf32>
      %get3A_1238 = arith.constant 145 : index
      %get3A_1239 = tpu.vector_load %arg22[%get3A_1238] {strides = array<i32>} : memref<1296xf32, #tpu.memory_space<vmem>>, vector<16xf32>,
      %add3A_1240 = arith.addf %broadcast_in_dim3A_1234, %get3A_1239 : vector<16xf32>
      %get3A_1241 = arith.constant 226 : index
      %get3A_1242 = tpu.vector_load %arg22[%get3A_1241] {strides = array<i32>} : memref<1296xf32, #tpu.memory_space<vmem>>, vector<16xf32>,
      %add3A_1243 = arith.addf %broadcast_in_dim3A_1234, %get3A_1242 : vector<16xf32>
      %get3A_1244 = arith.constant 307 : index
      %get3A_1245 = tpu.vector_load %arg22[%get3A_1244] {strides = array<i32>} : memref<1296xf32, #tpu.memory_space<vmem>>, vector<16xf32>,
      %add3A_1246 = arith.addf %broadcast_in_dim3A_1234, %get3A_1245 : vector<16xf32>
      %get3A_1247 = arith.constant 388 : index
      %get3A_1248 = tpu.vector_load %arg22[%get3A_1247] {strides = array<i32>} : memref<1296xf32, #tpu.memory_space<vmem>>, vector<16xf32>,
      %add3A_1249 = arith.addf %add3A_1237, %get3A_1248 : vector<16xf32>
      %get3A_1250 = arith.constant 469 : index
      %get3A_1251 = tpu.vector_load %arg22[%get3A_1250] {strides = array<i32>} : memref<1296xf32, #tpu.memory_space<vmem>>, vector<16xf32>,
      %add3A_1252 = arith.addf %add3A_1240, %get3A_1251 : vector<16xf32>
      %get3A_1253 = arith.constant 550 : index
      %get3A_1254 = tpu.vector_load %arg22[%get3A_1253] {strides = array<i32>} : memref<1296xf32, #tpu.memory_space<vmem>>, vector<16xf32>,
      %add3A_1255 = arith.addf %add3A_1243, %get3A_1254 : vector<16xf32>
      %get3A_1256 = arith.constant 631 : index
      %get3A_1257 = tpu.vector_load %arg22[%get3A_1256] {strides = array<i32>} : memref<1296xf32, #tpu.memory_space<vmem>>, vector<16xf32>,
      %add3A_1258 = arith.addf %add3A_1246, %get3A_1257 : vector<16xf32>
      %get3A_1259 = arith.constant 712 : index
      %get3A_1260 = tpu.vector_load %arg22[%get3A_1259] {strides = array<i32>} : memref<1296xf32, #tpu.memory_space<vmem>>, vector<16xf32>,
      %add3A_1261 = arith.addf %add3A_1249, %get3A_1260 : vector<16xf32>
      %get3A_1262 = arith.constant 793 : index
      %get3A_1263 = tpu.vector_load %arg22[%get3A_1262] {strides = array<i32>} : memref<1296xf32, #tpu.memory_space<vmem>>, vector<16xf32>,
      %add3A_1264 = arith.addf %add3A_1252, %get3A_1263 : vector<16xf32>
      %get3A_1265 = arith.constant 874 : index
      %get3A_1266 = tpu.vector_load %arg22[%get3A_1265] {strides = array<i32>} : memref<1296xf32, #tpu.memory_space<vmem>>, vector<16xf32>,
      %add3A_1267 = arith.addf %add3A_1255, %get3A_1266 : vector<16xf32>
      %get3A_1268 = arith.constant 955 : index
      %get3A_1269 = tpu.vector_load %arg22[%get3A_1268] {strides = array<i32>} : memref<1296xf32, #tpu.memory_space<vmem>>, vector<16xf32>,
      %add3A_1270 = arith.addf %add3A_1258, %get3A_1269 : vector<16xf32>
      %get3A_1271 = arith.constant 1036 : index
      %get3A_1272 = tpu.vector_load %arg22[%get3A_1271] {strides = array<i32>} : memref<1296xf32, #tpu.memory_space<vmem>>, vector<16xf32>,
      %add3A_1273 = arith.addf %add3A_1261, %get3A_1272 : vector<16xf32>
      %get3A_1274 = arith.constant 1117 : index
      %get3A_1275 = tpu.vector_load %arg22[%get3A_1274] {strides = array<i32>} : memref<1296xf32, #tpu.memory_space<vmem>>, vector<16xf32>,
      %add3A_1276 = arith.addf %add3A_1264, %get3A_1275 : vector<16xf32>
      %get3A_1277 = arith.constant 1198 : index
      %get3A_1278 = tpu.vector_load %arg22[%get3A_1277] {strides = array<i32>} : memref<1296xf32, #tpu.memory_space<vmem>>, vector<16xf32>,
      %add3A_1279 = arith.addf %add3A_1267, %get3A_1278 : vector<16xf32>
      %get3A_1280 = arith.constant 1279 : index
      %get3A_1281 = tpu.vector_load %arg22[%get3A_1280] {strides = array<i32>} : memref<1296xf32, #tpu.memory_space<vmem>>, vector<16xf32>,
      %add3A_1282 = arith.addf %add3A_1270, %get3A_1281 : vector<16xf32>
      %add3A_1283 = arith.addf %add3A_1273, %add3A_1276 : vector<16xf32>
      %add3A_1284 = arith.addf %add3A_1279, %add3A_1282 : vector<16xf32>
      %add3A_1285 = arith.addf %add3A_1283, %add3A_1284 : vector<16xf32>
      %mul3A_1286 = arith.constant 80 : i32
      %mul3A_1287 = arith.muli %add3A_993, %mul3A_1286 : i32
      %add3A_1288 = arith.constant 64 : i32
      %add3A_1289 = arith.addi %mul3A_1287, %add3A_1288 : i32
      %swap3A_1290 = arith.index_cast %add3A_1289 : i32 to index
      %swap3A_1291 = tpu.vector_load %arg21[%swap3A_1290] {strides = array<i32>} : memref<10000xf32, #tpu.memory_space<vmem>>, vector<16xf32>,
      tpu.vector_store %arg21[%swap3A_1290], %add3A_1285 {strides = array<i32>} : memref<10000xf32, #tpu.memory_space<vmem>>, vector<16xf32>,
      %dma_wait3A_1292 = arith.constant 0 : i32
      %dma_wait3A_1293 = tpu.memref_slice %arg8[%dma_wait3A_1292] : memref<10000xi32, #tpu.memory_space<vmem>> -> memref<80xi32, #tpu.memory_space<vmem>>
      %dma_wait3A_1294 = arith.constant 0 : i32
      %dma_wait3A_1295 = arith.constant 0 : i32
      %dma_wait3A_1296 = tpu.memref_slice %arg2[%dma_wait3A_1294, %dma_wait3A_1295] : memref<10000x64xi32, #tpu.memory_space<hbm>> -> memref<10000x64xi32, #tpu.memory_space<hbm>>
      tpu.wait_indirect_dma semaphore(%arg25 : memref<!tpu.dma_semaphore, #tpu.memory_space<semaphore_mem>>) src(%dma_wait3A_1296 : memref<10000x64xi32, #tpu.memory_space<hbm>>) dst(%arg14 : memref<80x64xi32, #tpu.memory_space<vmem>>)
      %dma_wait3A_1297 = arith.constant 0 : i32
      %dma_wait3A_1298 = tpu.memref_slice %arg8[%dma_wait3A_1297] : memref<10000xi32, #tpu.memory_space<vmem>> -> memref<80xi32, #tpu.memory_space<vmem>>
      %dma_wait3A_1299 = arith.constant 0 : i32
      %dma_wait3A_1300 = arith.constant 0 : i32
      %dma_wait3A_1301 = tpu.memref_slice %arg2[%dma_wait3A_1299, %dma_wait3A_1300] : memref<10000x64xi32, #tpu.memory_space<hbm>> -> memref<10000x64xi32, #tpu.memory_space<hbm>>
      tpu.wait_indirect_dma semaphore(%arg28 : memref<!tpu.dma_semaphore, #tpu.memory_space<semaphore_mem>>) src(%dma_wait3A_1301 : memref<10000x64xi32, #tpu.memory_space<hbm>>) dst(%arg17 : memref<80x64xi32, #tpu.memory_space<vmem>>)
      %dma_wait3A_1302 = arith.constant 0 : i32
      %dma_wait3A_1303 = tpu.memref_slice %arg8[%dma_wait3A_1302] : memref<10000xi32, #tpu.memory_space<vmem>> -> memref<80xi32, #tpu.memory_space<vmem>>
      %dma_wait3A_1304 = arith.constant 0 : i32
      %dma_wait3A_1305 = arith.constant 0 : i32
      %dma_wait3A_1306 = tpu.memref_slice %arg2[%dma_wait3A_1304, %dma_wait3A_1305] : memref<10000x64xi32, #tpu.memory_space<hbm>> -> memref<10000x64xi32, #tpu.memory_space<hbm>>
      tpu.wait_indirect_dma semaphore(%arg31 : memref<!tpu.dma_semaphore, #tpu.memory_space<semaphore_mem>>) src(%dma_wait3A_1306 : memref<10000x64xi32, #tpu.memory_space<hbm>>) dst(%arg20 : memref<80x64xi32, #tpu.memory_space<vmem>>)
      %add3A_1307 = arith.constant 2 : i32
      %add3A_1308 = arith.addi %mul3A_625, %add3A_1307 : i32
      %add3A_1309 = arith.constant 2 : i32
      %add3A_1310 = arith.addi %add3A_1308, %add3A_1309 : i32
      %mul3A_1311 = arith.constant 80 : i32
      %mul3A_1312 = arith.muli %add3A_1310, %mul3A_1311 : i32
      %dma_start3A_1313 = tpu.memref_slice %arg8[%mul3A_1312] : memref<10000xi32, #tpu.memory_space<vmem>> -> memref<80xi32, #tpu.memory_space<vmem>>
      %dma_start3A_1314 = arith.constant 0 : i32
      %dma_start3A_1315 = arith.constant 0 : i32
      %dma_start3A_1316 = tpu.memref_slice %arg2[%dma_start3A_1314, %dma_start3A_1315] : memref<10000x64xi32, #tpu.memory_space<hbm>> -> memref<10000x64xi32, #tpu.memory_space<hbm>>
      tpu.enqueue_indirect_dma source(%dma_start3A_1316 : memref<10000x64xi32, #tpu.memory_space<hbm>>) target(%arg13 : memref<80x64xi32, #tpu.memory_space<vmem>>) offsets(%dma_start3A_1313 : memref<80xi32, #tpu.memory_space<vmem>>) semaphore(%arg24 : memref<!tpu.dma_semaphore, #tpu.memory_space<semaphore_mem>>)
      %dma_start3A_1317 = tpu.memref_slice %arg9[%mul3A_1312] : memref<10000xi32, #tpu.memory_space<vmem>> -> memref<80xi32, #tpu.memory_space<vmem>>
      %dma_start3A_1318 = arith.constant 0 : i32
      %dma_start3A_1319 = arith.constant 0 : i32
      %dma_start3A_1320 = tpu.memref_slice %arg2[%dma_start3A_1318, %dma_start3A_1319] : memref<10000x64xi32, #tpu.memory_space<hbm>> -> memref<10000x64xi32, #tpu.memory_space<hbm>>
      tpu.enqueue_indirect_dma source(%dma_start3A_1320 : memref<10000x64xi32, #tpu.memory_space<hbm>>) target(%arg16 : memref<80x64xi32, #tpu.memory_space<vmem>>) offsets(%dma_start3A_1317 : memref<80xi32, #tpu.memory_space<vmem>>) semaphore(%arg27 : memref<!tpu.dma_semaphore, #tpu.memory_space<semaphore_mem>>)
      %dma_start3A_1321 = tpu.memref_slice %arg10[%mul3A_1312] : memref<10000xi32, #tpu.memory_space<vmem>> -> memref<80xi32, #tpu.memory_space<vmem>>
      %dma_start3A_1322 = arith.constant 0 : i32
      %dma_start3A_1323 = arith.constant 0 : i32
      %dma_start3A_1324 = tpu.memref_slice %arg11[%dma_start3A_1322, %dma_start3A_1323] : memref<64x64xi32, #tpu.memory_space<vmem_shared>> -> memref<64x64xi32, #tpu.memory_space<vmem_shared>>
      tpu.enqueue_indirect_dma source(%dma_start3A_1324 : memref<64x64xi32, #tpu.memory_space<vmem_shared>>) target(%arg19 : memref<80x64xi32, #tpu.memory_space<vmem>>) offsets(%dma_start3A_1321 : memref<80xi32, #tpu.memory_space<vmem>>) semaphore(%arg30 : memref<!tpu.dma_semaphore, #tpu.memory_space<semaphore_mem>>)
      %add3A_1325 = arith.constant 2 : i32
      %add3A_1326 = arith.addi %mul3A_625, %add3A_1325 : i32
      %parallel_loop3A_1327 = arith.constant 0 : i32
      %parallel_loop3A_1328 = arith.constant 80 : i32
      %parallel_loop3A_1329 = arith.constant 1 : i32
      scf.for %parallel_loop3A_1625 = %parallel_loop3A_1327 to %parallel_loop3A_1328 step %parallel_loop3A_1329  : i32 {
        %parallel_loop3A_1626 = arith.index_cast %parallel_loop3A_1625 : i32 to index
        %parallel_loop3A_1627 = arith.constant 0 : index
        %parallel_loop3A_1628 = tpu.vector_load %arg14[%parallel_loop3A_1626, %parallel_loop3A_1627] {strides = array<i32>} : memref<80x64xi32, #tpu.memory_space<vmem>>, vector<16xi32>,
        %parallel_loop3A_1629 = vector.bitcast %parallel_loop3A_1628 : vector<16xi32> to vector<32xbf16>
        %parallel_loop3A_1630 = arith.index_cast %parallel_loop3A_1625 : i32 to index
        %parallel_loop3A_1631 = arith.constant 0 : index
        %parallel_loop3A_1632 = tpu.vector_load %arg17[%parallel_loop3A_1630, %parallel_loop3A_1631] {strides = array<i32>} : memref<80x64xi32, #tpu.memory_space<vmem>>, vector<16xi32>,
        %parallel_loop3A_1633 = vector.bitcast %parallel_loop3A_1632 : vector<16xi32> to vector<32xbf16>
        %parallel_loop3A_1634 = arith.index_cast %parallel_loop3A_1625 : i32 to index
        %parallel_loop3A_1635 = arith.constant 0 : index
        %parallel_loop3A_1636 = tpu.vector_load %arg20[%parallel_loop3A_1634, %parallel_loop3A_1635] {strides = array<i32>} : memref<80x64xi32, #tpu.memory_space<vmem>>, vector<16xi32>,
        %parallel_loop3A_1637 = vector.bitcast %parallel_loop3A_1636 : vector<16xi32> to vector<32xbf16>
        %parallel_loop3A_1638 = arith.mulf %parallel_loop3A_1629, %parallel_loop3A_1633 : vector<32xbf16>
        %parallel_loop3A_1639 = arith.mulf %parallel_loop3A_1638, %parallel_loop3A_1637 : vector<32xbf16>
        %parallel_loop3A_1640 = arith.index_cast %parallel_loop3A_1625 : i32 to index
        %parallel_loop3A_1641 = arith.constant 16 : index
        %parallel_loop3A_1642 = tpu.vector_load %arg14[%parallel_loop3A_1640, %parallel_loop3A_1641] {strides = array<i32>} : memref<80x64xi32, #tpu.memory_space<vmem>>, vector<16xi32>,
        %parallel_loop3A_1643 = vector.bitcast %parallel_loop3A_1642 : vector<16xi32> to vector<32xbf16>
        %parallel_loop3A_1644 = arith.index_cast %parallel_loop3A_1625 : i32 to index
        %parallel_loop3A_1645 = arith.constant 16 : index
        %parallel_loop3A_1646 = tpu.vector_load %arg17[%parallel_loop3A_1644, %parallel_loop3A_1645] {strides = array<i32>} : memref<80x64xi32, #tpu.memory_space<vmem>>, vector<16xi32>,
        %parallel_loop3A_1647 = vector.bitcast %parallel_loop3A_1646 : vector<16xi32> to vector<32xbf16>
        %parallel_loop3A_1648 = arith.index_cast %parallel_loop3A_1625 : i32 to index
        %parallel_loop3A_1649 = arith.constant 16 : index
        %parallel_loop3A_1650 = tpu.vector_load %arg20[%parallel_loop3A_1648, %parallel_loop3A_1649] {strides = array<i32>} : memref<80x64xi32, #tpu.memory_space<vmem>>, vector<16xi32>,
        %parallel_loop3A_1651 = vector.bitcast %parallel_loop3A_1650 : vector<16xi32> to vector<32xbf16>
        %parallel_loop3A_1652 = arith.mulf %parallel_loop3A_1643, %parallel_loop3A_1647 : vector<32xbf16>
        %parallel_loop3A_1653 = arith.mulf %parallel_loop3A_1652, %parallel_loop3A_1651 : vector<32xbf16>
        %parallel_loop3A_1654 = arith.index_cast %parallel_loop3A_1625 : i32 to index
        %parallel_loop3A_1655 = arith.constant 32 : index
        %parallel_loop3A_1656 = tpu.vector_load %arg14[%parallel_loop3A_1654, %parallel_loop3A_1655] {strides = array<i32>} : memref<80x64xi32, #tpu.memory_space<vmem>>, vector<16xi32>,
        %parallel_loop3A_1657 = vector.bitcast %parallel_loop3A_1656 : vector<16xi32> to vector<32xbf16>
        %parallel_loop3A_1658 = arith.index_cast %parallel_loop3A_1625 : i32 to index
        %parallel_loop3A_1659 = arith.constant 32 : index
        %parallel_loop3A_1660 = tpu.vector_load %arg17[%parallel_loop3A_1658, %parallel_loop3A_1659] {strides = array<i32>} : memref<80x64xi32, #tpu.memory_space<vmem>>, vector<16xi32>,
        %parallel_loop3A_1661 = vector.bitcast %parallel_loop3A_1660 : vector<16xi32> to vector<32xbf16>
        %parallel_loop3A_1662 = arith.index_cast %parallel_loop3A_1625 : i32 to index
        %parallel_loop3A_1663 = arith.constant 32 : index
        %parallel_loop3A_1664 = tpu.vector_load %arg20[%parallel_loop3A_1662, %parallel_loop3A_1663] {strides = array<i32>} : memref<80x64xi32, #tpu.memory_space<vmem>>, vector<16xi32>,
        %parallel_loop3A_1665 = vector.bitcast %parallel_loop3A_1664 : vector<16xi32> to vector<32xbf16>
        %parallel_loop3A_1666 = arith.mulf %parallel_loop3A_1657, %parallel_loop3A_1661 : vector<32xbf16>
        %parallel_loop3A_1667 = arith.mulf %parallel_loop3A_1666, %parallel_loop3A_1665 : vector<32xbf16>
        %parallel_loop3A_1668 = arith.index_cast %parallel_loop3A_1625 : i32 to index
        %parallel_loop3A_1669 = arith.constant 48 : index
        %parallel_loop3A_1670 = tpu.vector_load %arg14[%parallel_loop3A_1668, %parallel_loop3A_1669] {strides = array<i32>} : memref<80x64xi32, #tpu.memory_space<vmem>>, vector<16xi32>,
        %parallel_loop3A_1671 = vector.bitcast %parallel_loop3A_1670 : vector<16xi32> to vector<32xbf16>
        %parallel_loop3A_1672 = arith.index_cast %parallel_loop3A_1625 : i32 to index
        %parallel_loop3A_1673 = arith.constant 48 : index
        %parallel_loop3A_1674 = tpu.vector_load %arg17[%parallel_loop3A_1672, %parallel_loop3A_1673] {strides = array<i32>} : memref<80x64xi32, #tpu.memory_space<vmem>>, vector<16xi32>,
        %parallel_loop3A_1675 = vector.bitcast %parallel_loop3A_1674 : vector<16xi32> to vector<32xbf16>
        %parallel_loop3A_1676 = arith.index_cast %parallel_loop3A_1625 : i32 to index
        %parallel_loop3A_1677 = arith.constant 48 : index
        %parallel_loop3A_1678 = tpu.vector_load %arg20[%parallel_loop3A_1676, %parallel_loop3A_1677] {strides = array<i32>} : memref<80x64xi32, #tpu.memory_space<vmem>>, vector<16xi32>,
        %parallel_loop3A_1679 = vector.bitcast %parallel_loop3A_1678 : vector<16xi32> to vector<32xbf16>
        %parallel_loop3A_1680 = arith.mulf %parallel_loop3A_1671, %parallel_loop3A_1675 : vector<32xbf16>
        %parallel_loop3A_1681 = arith.mulf %parallel_loop3A_1680, %parallel_loop3A_1679 : vector<32xbf16>
        %parallel_loop3A_1682 = arith.addf %parallel_loop3A_1639, %parallel_loop3A_1653 : vector<32xbf16>
        %parallel_loop3A_1683 = tpu.unpack_subelements %parallel_loop3A_1682, 0 {pack_format = #tpu.pack_format<interleaved>} : vector<32xbf16> -> vector<16xf32>
        %parallel_loop3A_1684 = tpu.unpack_subelements %parallel_loop3A_1682, 1 {pack_format = #tpu.pack_format<interleaved>} : vector<32xbf16> -> vector<16xf32>
        %parallel_loop3A_1685 = arith.addf %parallel_loop3A_1667, %parallel_loop3A_1681 : vector<32xbf16>
        %parallel_loop3A_1686 = tpu.unpack_subelements %parallel_loop3A_1685, 0 {pack_format = #tpu.pack_format<interleaved>} : vector<32xbf16> -> vector<16xf32>
        %parallel_loop3A_1687 = tpu.unpack_subelements %parallel_loop3A_1685, 1 {pack_format = #tpu.pack_format<interleaved>} : vector<32xbf16> -> vector<16xf32>
        %parallel_loop3A_1688 = vector.broadcast %parallel_loop3A_1625 : i32 to vector<16xi32>
        %parallel_loop3A_1689 = arith.addi %mul3A_7, %parallel_loop3A_1688 : vector<16xi32>
        %parallel_loop3A_1690 = arith.addf %parallel_loop3A_1683, %parallel_loop3A_1684 : vector<16xf32>
        %parallel_loop3A_1691 = arith.addf %parallel_loop3A_1686, %parallel_loop3A_1687 : vector<16xf32>
        %parallel_loop3A_1692 = arith.addf %parallel_loop3A_1690, %parallel_loop3A_1691 : vector<16xf32>
        tpu.vector_store_idx %arg22[%parallel_loop3A_1689], %parallel_loop3A_1692 : memref<1296xf32, #tpu.memory_space<vmem>>[vector<16xi32>], vector<16xf32>,
      } {sc.loop_unroll_factor = 4 : i64, sc.parallel_access}
      %broadcast_in_dim3A_1330 = arith.constant 0.000000e+00 : f32
      %broadcast_in_dim3A_1331 = vector.broadcast %broadcast_in_dim3A_1330 : f32 to vector<16xf32>
      %get3A_1332 = arith.constant 0 : index
      %get3A_1333 = tpu.vector_load %arg22[%get3A_1332] {strides = array<i32>} : memref<1296xf32, #tpu.memory_space<vmem>>, vector<16xf32>,
      %add3A_1334 = arith.addf %broadcast_in_dim3A_1331, %get3A_1333 : vector<16xf32>
      %get3A_1335 = arith.constant 81 : index
      %get3A_1336 = tpu.vector_load %arg22[%get3A_1335] {strides = array<i32>} : memref<1296xf32, #tpu.memory_space<vmem>>, vector<16xf32>,
      %add3A_1337 = arith.addf %broadcast_in_dim3A_1331, %get3A_1336 : vector<16xf32>
      %get3A_1338 = arith.constant 162 : index
      %get3A_1339 = tpu.vector_load %arg22[%get3A_1338] {strides = array<i32>} : memref<1296xf32, #tpu.memory_space<vmem>>, vector<16xf32>,
      %add3A_1340 = arith.addf %broadcast_in_dim3A_1331, %get3A_1339 : vector<16xf32>
      %get3A_1341 = arith.constant 243 : index
      %get3A_1342 = tpu.vector_load %arg22[%get3A_1341] {strides = array<i32>} : memref<1296xf32, #tpu.memory_space<vmem>>, vector<16xf32>,
      %add3A_1343 = arith.addf %broadcast_in_dim3A_1331, %get3A_1342 : vector<16xf32>
      %get3A_1344 = arith.constant 324 : index
      %get3A_1345 = tpu.vector_load %arg22[%get3A_1344] {strides = array<i32>} : memref<1296xf32, #tpu.memory_space<vmem>>, vector<16xf32>,
      %add3A_1346 = arith.addf %add3A_1334, %get3A_1345 : vector<16xf32>
      %get3A_1347 = arith.constant 405 : index
      %get3A_1348 = tpu.vector_load %arg22[%get3A_1347] {strides = array<i32>} : memref<1296xf32, #tpu.memory_space<vmem>>, vector<16xf32>,
      %add3A_1349 = arith.addf %add3A_1337, %get3A_1348 : vector<16xf32>
      %get3A_1350 = arith.constant 486 : index
      %get3A_1351 = tpu.vector_load %arg22[%get3A_1350] {strides = array<i32>} : memref<1296xf32, #tpu.memory_space<vmem>>, vector<16xf32>,
      %add3A_1352 = arith.addf %add3A_1340, %get3A_1351 : vector<16xf32>
      %get3A_1353 = arith.constant 567 : index
      %get3A_1354 = tpu.vector_load %arg22[%get3A_1353] {strides = array<i32>} : memref<1296xf32, #tpu.memory_space<vmem>>, vector<16xf32>,
      %add3A_1355 = arith.addf %add3A_1343, %get3A_1354 : vector<16xf32>
      %get3A_1356 = arith.constant 648 : index
      %get3A_1357 = tpu.vector_load %arg22[%get3A_1356] {strides = array<i32>} : memref<1296xf32, #tpu.memory_space<vmem>>, vector<16xf32>,
      %add3A_1358 = arith.addf %add3A_1346, %get3A_1357 : vector<16xf32>
      %get3A_1359 = arith.constant 729 : index
      %get3A_1360 = tpu.vector_load %arg22[%get3A_1359] {strides = array<i32>} : memref<1296xf32, #tpu.memory_space<vmem>>, vector<16xf32>,
      %add3A_1361 = arith.addf %add3A_1349, %get3A_1360 : vector<16xf32>
      %get3A_1362 = arith.constant 810 : index
      %get3A_1363 = tpu.vector_load %arg22[%get3A_1362] {strides = array<i32>} : memref<1296xf32, #tpu.memory_space<vmem>>, vector<16xf32>,
      %add3A_1364 = arith.addf %add3A_1352, %get3A_1363 : vector<16xf32>
      %get3A_1365 = arith.constant 891 : index
      %get3A_1366 = tpu.vector_load %arg22[%get3A_1365] {strides = array<i32>} : memref<1296xf32, #tpu.memory_space<vmem>>, vector<16xf32>,
      %add3A_1367 = arith.addf %add3A_1355, %get3A_1366 : vector<16xf32>
      %get3A_1368 = arith.constant 972 : index
      %get3A_1369 = tpu.vector_load %arg22[%get3A_1368] {strides = array<i32>} : memref<1296xf32, #tpu.memory_space<vmem>>, vector<16xf32>,
      %add3A_1370 = arith.addf %add3A_1358, %get3A_1369 : vector<16xf32>
      %get3A_1371 = arith.constant 1053 : index
      %get3A_1372 = tpu.vector_load %arg22[%get3A_1371] {strides = array<i32>} : memref<1296xf32, #tpu.memory_space<vmem>>, vector<16xf32>,
      %add3A_1373 = arith.addf %add3A_1361, %get3A_1372 : vector<16xf32>
      %get3A_1374 = arith.constant 1134 : index
      %get3A_1375 = tpu.vector_load %arg22[%get3A_1374] {strides = array<i32>} : memref<1296xf32, #tpu.memory_space<vmem>>, vector<16xf32>,
      %add3A_1376 = arith.addf %add3A_1364, %get3A_1375 : vector<16xf32>
      %get3A_1377 = arith.constant 1215 : index
      %get3A_1378 = tpu.vector_load %arg22[%get3A_1377] {strides = array<i32>} : memref<1296xf32, #tpu.memory_space<vmem>>, vector<16xf32>,
      %add3A_1379 = arith.addf %add3A_1367, %get3A_1378 : vector<16xf32>
      %add3A_1380 = arith.addf %add3A_1370, %add3A_1373 : vector<16xf32>
      %add3A_1381 = arith.addf %add3A_1376, %add3A_1379 : vector<16xf32>
      %add3A_1382 = arith.addf %add3A_1380, %add3A_1381 : vector<16xf32>
      %mul3A_1383 = arith.constant 80 : i32
      %mul3A_1384 = arith.muli %add3A_1326, %mul3A_1383 : i32
      %add3A_1385 = arith.constant 0 : i32
      %add3A_1386 = arith.addi %mul3A_1384, %add3A_1385 : i32
      %swap3A_1387 = arith.index_cast %add3A_1386 : i32 to index
      %swap3A_1388 = tpu.vector_load %arg21[%swap3A_1387] {strides = array<i32>} : memref<10000xf32, #tpu.memory_space<vmem>>, vector<16xf32>,
      tpu.vector_store %arg21[%swap3A_1387], %add3A_1382 {strides = array<i32>} : memref<10000xf32, #tpu.memory_space<vmem>>, vector<16xf32>,
      %broadcast_in_dim3A_1389 = arith.constant 0.000000e+00 : f32
      %broadcast_in_dim3A_1390 = vector.broadcast %broadcast_in_dim3A_1389 : f32 to vector<16xf32>
      %get3A_1391 = arith.constant 16 : index
      %get3A_1392 = tpu.vector_load %arg22[%get3A_1391] {strides = array<i32>} : memref<1296xf32, #tpu.memory_space<vmem>>, vector<16xf32>,
      %add3A_1393 = arith.addf %broadcast_in_dim3A_1390, %get3A_1392 : vector<16xf32>
      %get3A_1394 = arith.constant 97 : index
      %get3A_1395 = tpu.vector_load %arg22[%get3A_1394] {strides = array<i32>} : memref<1296xf32, #tpu.memory_space<vmem>>, vector<16xf32>,
      %add3A_1396 = arith.addf %broadcast_in_dim3A_1390, %get3A_1395 : vector<16xf32>
      %get3A_1397 = arith.constant 178 : index
      %get3A_1398 = tpu.vector_load %arg22[%get3A_1397] {strides = array<i32>} : memref<1296xf32, #tpu.memory_space<vmem>>, vector<16xf32>,
      %add3A_1399 = arith.addf %broadcast_in_dim3A_1390, %get3A_1398 : vector<16xf32>
      %get3A_1400 = arith.constant 259 : index
      %get3A_1401 = tpu.vector_load %arg22[%get3A_1400] {strides = array<i32>} : memref<1296xf32, #tpu.memory_space<vmem>>, vector<16xf32>,
      %add3A_1402 = arith.addf %broadcast_in_dim3A_1390, %get3A_1401 : vector<16xf32>
      %get3A_1403 = arith.constant 340 : index
      %get3A_1404 = tpu.vector_load %arg22[%get3A_1403] {strides = array<i32>} : memref<1296xf32, #tpu.memory_space<vmem>>, vector<16xf32>,
      %add3A_1405 = arith.addf %add3A_1393, %get3A_1404 : vector<16xf32>
      %get3A_1406 = arith.constant 421 : index
      %get3A_1407 = tpu.vector_load %arg22[%get3A_1406] {strides = array<i32>} : memref<1296xf32, #tpu.memory_space<vmem>>, vector<16xf32>,
      %add3A_1408 = arith.addf %add3A_1396, %get3A_1407 : vector<16xf32>
      %get3A_1409 = arith.constant 502 : index
      %get3A_1410 = tpu.vector_load %arg22[%get3A_1409] {strides = array<i32>} : memref<1296xf32, #tpu.memory_space<vmem>>, vector<16xf32>,
      %add3A_1411 = arith.addf %add3A_1399, %get3A_1410 : vector<16xf32>
      %get3A_1412 = arith.constant 583 : index
      %get3A_1413 = tpu.vector_load %arg22[%get3A_1412] {strides = array<i32>} : memref<1296xf32, #tpu.memory_space<vmem>>, vector<16xf32>,
      %add3A_1414 = arith.addf %add3A_1402, %get3A_1413 : vector<16xf32>
      %get3A_1415 = arith.constant 664 : index
      %get3A_1416 = tpu.vector_load %arg22[%get3A_1415] {strides = array<i32>} : memref<1296xf32, #tpu.memory_space<vmem>>, vector<16xf32>,
      %add3A_1417 = arith.addf %add3A_1405, %get3A_1416 : vector<16xf32>
      %get3A_1418 = arith.constant 745 : index
      %get3A_1419 = tpu.vector_load %arg22[%get3A_1418] {strides = array<i32>} : memref<1296xf32, #tpu.memory_space<vmem>>, vector<16xf32>,
      %add3A_1420 = arith.addf %add3A_1408, %get3A_1419 : vector<16xf32>
      %get3A_1421 = arith.constant 826 : index
      %get3A_1422 = tpu.vector_load %arg22[%get3A_1421] {strides = array<i32>} : memref<1296xf32, #tpu.memory_space<vmem>>, vector<16xf32>,
      %add3A_1423 = arith.addf %add3A_1411, %get3A_1422 : vector<16xf32>
      %get3A_1424 = arith.constant 907 : index
      %get3A_1425 = tpu.vector_load %arg22[%get3A_1424] {strides = array<i32>} : memref<1296xf32, #tpu.memory_space<vmem>>, vector<16xf32>,
      %add3A_1426 = arith.addf %add3A_1414, %get3A_1425 : vector<16xf32>
      %get3A_1427 = arith.constant 988 : index
      %get3A_1428 = tpu.vector_load %arg22[%get3A_1427] {strides = array<i32>} : memref<1296xf32, #tpu.memory_space<vmem>>, vector<16xf32>,
      %add3A_1429 = arith.addf %add3A_1417, %get3A_1428 : vector<16xf32>
      %get3A_1430 = arith.constant 1069 : index
      %get3A_1431 = tpu.vector_load %arg22[%get3A_1430] {strides = array<i32>} : memref<1296xf32, #tpu.memory_space<vmem>>, vector<16xf32>,
      %add3A_1432 = arith.addf %add3A_1420, %get3A_1431 : vector<16xf32>
      %get3A_1433 = arith.constant 1150 : index
      %get3A_1434 = tpu.vector_load %arg22[%get3A_1433] {strides = array<i32>} : memref<1296xf32, #tpu.memory_space<vmem>>, vector<16xf32>,
      %add3A_1435 = arith.addf %add3A_1423, %get3A_1434 : vector<16xf32>
      %get3A_1436 = arith.constant 1231 : index
      %get3A_1437 = tpu.vector_load %arg22[%get3A_1436] {strides = array<i32>} : memref<1296xf32, #tpu.memory_space<vmem>>, vector<16xf32>,
      %add3A_1438 = arith.addf %add3A_1426, %get3A_1437 : vector<16xf32>
      %add3A_1439 = arith.addf %add3A_1429, %add3A_1432 : vector<16xf32>
      %add3A_1440 = arith.addf %add3A_1435, %add3A_1438 : vector<16xf32>
      %add3A_1441 = arith.addf %add3A_1439, %add3A_1440 : vector<16xf32>
      %mul3A_1442 = arith.constant 80 : i32
      %mul3A_1443 = arith.muli %add3A_1326, %mul3A_1442 : i32
      %add3A_1444 = arith.constant 16 : i32
      %add3A_1445 = arith.addi %mul3A_1443, %add3A_1444 : i32
      %swap3A_1446 = arith.index_cast %add3A_1445 : i32 to index
      %swap3A_1447 = tpu.vector_load %arg21[%swap3A_1446] {strides = array<i32>} : memref<10000xf32, #tpu.memory_space<vmem>>, vector<16xf32>,
      tpu.vector_store %arg21[%swap3A_1446], %add3A_1441 {strides = array<i32>} : memref<10000xf32, #tpu.memory_space<vmem>>, vector<16xf32>,
      %broadcast_in_dim3A_1448 = arith.constant 0.000000e+00 : f32
      %broadcast_in_dim3A_1449 = vector.broadcast %broadcast_in_dim3A_1448 : f32 to vector<16xf32>
      %get3A_1450 = arith.constant 32 : index
      %get3A_1451 = tpu.vector_load %arg22[%get3A_1450] {strides = array<i32>} : memref<1296xf32, #tpu.memory_space<vmem>>, vector<16xf32>,
      %add3A_1452 = arith.addf %broadcast_in_dim3A_1449, %get3A_1451 : vector<16xf32>
      %get3A_1453 = arith.constant 113 : index
      %get3A_1454 = tpu.vector_load %arg22[%get3A_1453] {strides = array<i32>} : memref<1296xf32, #tpu.memory_space<vmem>>, vector<16xf32>,
      %add3A_1455 = arith.addf %broadcast_in_dim3A_1449, %get3A_1454 : vector<16xf32>
      %get3A_1456 = arith.constant 194 : index
      %get3A_1457 = tpu.vector_load %arg22[%get3A_1456] {strides = array<i32>} : memref<1296xf32, #tpu.memory_space<vmem>>, vector<16xf32>,
      %add3A_1458 = arith.addf %broadcast_in_dim3A_1449, %get3A_1457 : vector<16xf32>
      %get3A_1459 = arith.constant 275 : index
      %get3A_1460 = tpu.vector_load %arg22[%get3A_1459] {strides = array<i32>} : memref<1296xf32, #tpu.memory_space<vmem>>, vector<16xf32>,
      %add3A_1461 = arith.addf %broadcast_in_dim3A_1449, %get3A_1460 : vector<16xf32>
      %get3A_1462 = arith.constant 356 : index
      %get3A_1463 = tpu.vector_load %arg22[%get3A_1462] {strides = array<i32>} : memref<1296xf32, #tpu.memory_space<vmem>>, vector<16xf32>,
      %add3A_1464 = arith.addf %add3A_1452, %get3A_1463 : vector<16xf32>
      %get3A_1465 = arith.constant 437 : index
      %get3A_1466 = tpu.vector_load %arg22[%get3A_1465] {strides = array<i32>} : memref<1296xf32, #tpu.memory_space<vmem>>, vector<16xf32>,
      %add3A_1467 = arith.addf %add3A_1455, %get3A_1466 : vector<16xf32>
      %get3A_1468 = arith.constant 518 : index
      %get3A_1469 = tpu.vector_load %arg22[%get3A_1468] {strides = array<i32>} : memref<1296xf32, #tpu.memory_space<vmem>>, vector<16xf32>,
      %add3A_1470 = arith.addf %add3A_1458, %get3A_1469 : vector<16xf32>
      %get3A_1471 = arith.constant 599 : index
      %get3A_1472 = tpu.vector_load %arg22[%get3A_1471] {strides = array<i32>} : memref<1296xf32, #tpu.memory_space<vmem>>, vector<16xf32>,
      %add3A_1473 = arith.addf %add3A_1461, %get3A_1472 : vector<16xf32>
      %get3A_1474 = arith.constant 680 : index
      %get3A_1475 = tpu.vector_load %arg22[%get3A_1474] {strides = array<i32>} : memref<1296xf32, #tpu.memory_space<vmem>>, vector<16xf32>,
      %add3A_1476 = arith.addf %add3A_1464, %get3A_1475 : vector<16xf32>
      %get3A_1477 = arith.constant 761 : index
      %get3A_1478 = tpu.vector_load %arg22[%get3A_1477] {strides = array<i32>} : memref<1296xf32, #tpu.memory_space<vmem>>, vector<16xf32>,
      %add3A_1479 = arith.addf %add3A_1467, %get3A_1478 : vector<16xf32>
      %get3A_1480 = arith.constant 842 : index
      %get3A_1481 = tpu.vector_load %arg22[%get3A_1480] {strides = array<i32>} : memref<1296xf32, #tpu.memory_space<vmem>>, vector<16xf32>,
      %add3A_1482 = arith.addf %add3A_1470, %get3A_1481 : vector<16xf32>
      %get3A_1483 = arith.constant 923 : index
      %get3A_1484 = tpu.vector_load %arg22[%get3A_1483] {strides = array<i32>} : memref<1296xf32, #tpu.memory_space<vmem>>, vector<16xf32>,
      %add3A_1485 = arith.addf %add3A_1473, %get3A_1484 : vector<16xf32>
      %get3A_1486 = arith.constant 1004 : index
      %get3A_1487 = tpu.vector_load %arg22[%get3A_1486] {strides = array<i32>} : memref<1296xf32, #tpu.memory_space<vmem>>, vector<16xf32>,
      %add3A_1488 = arith.addf %add3A_1476, %get3A_1487 : vector<16xf32>
      %get3A_1489 = arith.constant 1085 : index
      %get3A_1490 = tpu.vector_load %arg22[%get3A_1489] {strides = array<i32>} : memref<1296xf32, #tpu.memory_space<vmem>>, vector<16xf32>,
      %add3A_1491 = arith.addf %add3A_1479, %get3A_1490 : vector<16xf32>
      %get3A_1492 = arith.constant 1166 : index
      %get3A_1493 = tpu.vector_load %arg22[%get3A_1492] {strides = array<i32>} : memref<1296xf32, #tpu.memory_space<vmem>>, vector<16xf32>,
      %add3A_1494 = arith.addf %add3A_1482, %get3A_1493 : vector<16xf32>
      %get3A_1495 = arith.constant 1247 : index
      %get3A_1496 = tpu.vector_load %arg22[%get3A_1495] {strides = array<i32>} : memref<1296xf32, #tpu.memory_space<vmem>>, vector<16xf32>,
      %add3A_1497 = arith.addf %add3A_1485, %get3A_1496 : vector<16xf32>
      %add3A_1498 = arith.addf %add3A_1488, %add3A_1491 : vector<16xf32>
      %add3A_1499 = arith.addf %add3A_1494, %add3A_1497 : vector<16xf32>
      %add3A_1500 = arith.addf %add3A_1498, %add3A_1499 : vector<16xf32>
      %mul3A_1501 = arith.constant 80 : i32
      %mul3A_1502 = arith.muli %add3A_1326, %mul3A_1501 : i32
      %add3A_1503 = arith.constant 32 : i32
      %add3A_1504 = arith.addi %mul3A_1502, %add3A_1503 : i32
      %swap3A_1505 = arith.index_cast %add3A_1504 : i32 to index
      %swap3A_1506 = tpu.vector_load %arg21[%swap3A_1505] {strides = array<i32>} : memref<10000xf32, #tpu.memory_space<vmem>>, vector<16xf32>,
      tpu.vector_store %arg21[%swap3A_1505], %add3A_1500 {strides = array<i32>} : memref<10000xf32, #tpu.memory_space<vmem>>, vector<16xf32>,
      %broadcast_in_dim3A_1507 = arith.constant 0.000000e+00 : f32
      %broadcast_in_dim3A_1508 = vector.broadcast %broadcast_in_dim3A_1507 : f32 to vector<16xf32>
      %get3A_1509 = arith.constant 48 : index
      %get3A_1510 = tpu.vector_load %arg22[%get3A_1509] {strides = array<i32>} : memref<1296xf32, #tpu.memory_space<vmem>>, vector<16xf32>,
      %add3A_1511 = arith.addf %broadcast_in_dim3A_1508, %get3A_1510 : vector<16xf32>
      %get3A_1512 = arith.constant 129 : index
      %get3A_1513 = tpu.vector_load %arg22[%get3A_1512] {strides = array<i32>} : memref<1296xf32, #tpu.memory_space<vmem>>, vector<16xf32>,
      %add3A_1514 = arith.addf %broadcast_in_dim3A_1508, %get3A_1513 : vector<16xf32>
      %get3A_1515 = arith.constant 210 : index
      %get3A_1516 = tpu.vector_load %arg22[%get3A_1515] {strides = array<i32>} : memref<1296xf32, #tpu.memory_space<vmem>>, vector<16xf32>,
      %add3A_1517 = arith.addf %broadcast_in_dim3A_1508, %get3A_1516 : vector<16xf32>
      %get3A_1518 = arith.constant 291 : index
      %get3A_1519 = tpu.vector_load %arg22[%get3A_1518] {strides = array<i32>} : memref<1296xf32, #tpu.memory_space<vmem>>, vector<16xf32>,
      %add3A_1520 = arith.addf %broadcast_in_dim3A_1508, %get3A_1519 : vector<16xf32>
      %get3A_1521 = arith.constant 372 : index
      %get3A_1522 = tpu.vector_load %arg22[%get3A_1521] {strides = array<i32>} : memref<1296xf32, #tpu.memory_space<vmem>>, vector<16xf32>,
      %add3A_1523 = arith.addf %add3A_1511, %get3A_1522 : vector<16xf32>
      %get3A_1524 = arith.constant 453 : index
      %get3A_1525 = tpu.vector_load %arg22[%get3A_1524] {strides = array<i32>} : memref<1296xf32, #tpu.memory_space<vmem>>, vector<16xf32>,
      %add3A_1526 = arith.addf %add3A_1514, %get3A_1525 : vector<16xf32>
      %get3A_1527 = arith.constant 534 : index
      %get3A_1528 = tpu.vector_load %arg22[%get3A_1527] {strides = array<i32>} : memref<1296xf32, #tpu.memory_space<vmem>>, vector<16xf32>,
      %add3A_1529 = arith.addf %add3A_1517, %get3A_1528 : vector<16xf32>
      %get3A_1530 = arith.constant 615 : index
      %get3A_1531 = tpu.vector_load %arg22[%get3A_1530] {strides = array<i32>} : memref<1296xf32, #tpu.memory_space<vmem>>, vector<16xf32>,
      %add3A_1532 = arith.addf %add3A_1520, %get3A_1531 : vector<16xf32>
      %get3A_1533 = arith.constant 696 : index
      %get3A_1534 = tpu.vector_load %arg22[%get3A_1533] {strides = array<i32>} : memref<1296xf32, #tpu.memory_space<vmem>>, vector<16xf32>,
      %add3A_1535 = arith.addf %add3A_1523, %get3A_1534 : vector<16xf32>
      %get3A_1536 = arith.constant 777 : index
      %get3A_1537 = tpu.vector_load %arg22[%get3A_1536] {strides = array<i32>} : memref<1296xf32, #tpu.memory_space<vmem>>, vector<16xf32>,
      %add3A_1538 = arith.addf %add3A_1526, %get3A_1537 : vector<16xf32>
      %get3A_1539 = arith.constant 858 : index
      %get3A_1540 = tpu.vector_load %arg22[%get3A_1539] {strides = array<i32>} : memref<1296xf32, #tpu.memory_space<vmem>>, vector<16xf32>,
      %add3A_1541 = arith.addf %add3A_1529, %get3A_1540 : vector<16xf32>
      %get3A_1542 = arith.constant 939 : index
      %get3A_1543 = tpu.vector_load %arg22[%get3A_1542] {strides = array<i32>} : memref<1296xf32, #tpu.memory_space<vmem>>, vector<16xf32>,
      %add3A_1544 = arith.addf %add3A_1532, %get3A_1543 : vector<16xf32>
      %get3A_1545 = arith.constant 1020 : index
      %get3A_1546 = tpu.vector_load %arg22[%get3A_1545] {strides = array<i32>} : memref<1296xf32, #tpu.memory_space<vmem>>, vector<16xf32>,
      %add3A_1547 = arith.addf %add3A_1535, %get3A_1546 : vector<16xf32>
      %get3A_1548 = arith.constant 1101 : index
      %get3A_1549 = tpu.vector_load %arg22[%get3A_1548] {strides = array<i32>} : memref<1296xf32, #tpu.memory_space<vmem>>, vector<16xf32>,
      %add3A_1550 = arith.addf %add3A_1538, %get3A_1549 : vector<16xf32>
      %get3A_1551 = arith.constant 1182 : index
      %get3A_1552 = tpu.vector_load %arg22[%get3A_1551] {strides = array<i32>} : memref<1296xf32, #tpu.memory_space<vmem>>, vector<16xf32>,
      %add3A_1553 = arith.addf %add3A_1541, %get3A_1552 : vector<16xf32>
      %get3A_1554 = arith.constant 1263 : index
      %get3A_1555 = tpu.vector_load %arg22[%get3A_1554] {strides = array<i32>} : memref<1296xf32, #tpu.memory_space<vmem>>, vector<16xf32>,
      %add3A_1556 = arith.addf %add3A_1544, %get3A_1555 : vector<16xf32>
      %add3A_1557 = arith.addf %add3A_1547, %add3A_1550 : vector<16xf32>
      %add3A_1558 = arith.addf %add3A_1553, %add3A_1556 : vector<16xf32>
      %add3A_1559 = arith.addf %add3A_1557, %add3A_1558 : vector<16xf32>
      %mul3A_1560 = arith.constant 80 : i32
      %mul3A_1561 = arith.muli %add3A_1326, %mul3A_1560 : i32
      %add3A_1562 = arith.constant 48 : i32
      %add3A_1563 = arith.addi %mul3A_1561, %add3A_1562 : i32
      %swap3A_1564 = arith.index_cast %add3A_1563 : i32 to index
      %swap3A_1565 = tpu.vector_load %arg21[%swap3A_1564] {strides = array<i32>} : memref<10000xf32, #tpu.memory_space<vmem>>, vector<16xf32>,
      tpu.vector_store %arg21[%swap3A_1564], %add3A_1559 {strides = array<i32>} : memref<10000xf32, #tpu.memory_space<vmem>>, vector<16xf32>,
      %broadcast_in_dim3A_1566 = arith.constant 0.000000e+00 : f32
      %broadcast_in_dim3A_1567 = vector.broadcast %broadcast_in_dim3A_1566 : f32 to vector<16xf32>
      %get3A_1568 = arith.constant 64 : index
      %get3A_1569 = tpu.vector_load %arg22[%get3A_1568] {strides = array<i32>} : memref<1296xf32, #tpu.memory_space<vmem>>, vector<16xf32>,
      %add3A_1570 = arith.addf %broadcast_in_dim3A_1567, %get3A_1569 : vector<16xf32>
      %get3A_1571 = arith.constant 145 : index
      %get3A_1572 = tpu.vector_load %arg22[%get3A_1571] {strides = array<i32>} : memref<1296xf32, #tpu.memory_space<vmem>>, vector<16xf32>,
      %add3A_1573 = arith.addf %broadcast_in_dim3A_1567, %get3A_1572 : vector<16xf32>
      %get3A_1574 = arith.constant 226 : index
      %get3A_1575 = tpu.vector_load %arg22[%get3A_1574] {strides = array<i32>} : memref<1296xf32, #tpu.memory_space<vmem>>, vector<16xf32>,
      %add3A_1576 = arith.addf %broadcast_in_dim3A_1567, %get3A_1575 : vector<16xf32>
      %get3A_1577 = arith.constant 307 : index
      %get3A_1578 = tpu.vector_load %arg22[%get3A_1577] {strides = array<i32>} : memref<1296xf32, #tpu.memory_space<vmem>>, vector<16xf32>,
      %add3A_1579 = arith.addf %broadcast_in_dim3A_1567, %get3A_1578 : vector<16xf32>
      %get3A_1580 = arith.constant 388 : index
      %get3A_1581 = tpu.vector_load %arg22[%get3A_1580] {strides = array<i32>} : memref<1296xf32, #tpu.memory_space<vmem>>, vector<16xf32>,
      %add3A_1582 = arith.addf %add3A_1570, %get3A_1581 : vector<16xf32>
      %get3A_1583 = arith.constant 469 : index
      %get3A_1584 = tpu.vector_load %arg22[%get3A_1583] {strides = array<i32>} : memref<1296xf32, #tpu.memory_space<vmem>>, vector<16xf32>,
      %add3A_1585 = arith.addf %add3A_1573, %get3A_1584 : vector<16xf32>
      %get3A_1586 = arith.constant 550 : index
      %get3A_1587 = tpu.vector_load %arg22[%get3A_1586] {strides = array<i32>} : memref<1296xf32, #tpu.memory_space<vmem>>, vector<16xf32>,
      %add3A_1588 = arith.addf %add3A_1576, %get3A_1587 : vector<16xf32>
      %get3A_1589 = arith.constant 631 : index
      %get3A_1590 = tpu.vector_load %arg22[%get3A_1589] {strides = array<i32>} : memref<1296xf32, #tpu.memory_space<vmem>>, vector<16xf32>,
      %add3A_1591 = arith.addf %add3A_1579, %get3A_1590 : vector<16xf32>
      %get3A_1592 = arith.constant 712 : index
      %get3A_1593 = tpu.vector_load %arg22[%get3A_1592] {strides = array<i32>} : memref<1296xf32, #tpu.memory_space<vmem>>, vector<16xf32>,
      %add3A_1594 = arith.addf %add3A_1582, %get3A_1593 : vector<16xf32>
      %get3A_1595 = arith.constant 793 : index
      %get3A_1596 = tpu.vector_load %arg22[%get3A_1595] {strides = array<i32>} : memref<1296xf32, #tpu.memory_space<vmem>>, vector<16xf32>,
      %add3A_1597 = arith.addf %add3A_1585, %get3A_1596 : vector<16xf32>
      %get3A_1598 = arith.constant 874 : index
      %get3A_1599 = tpu.vector_load %arg22[%get3A_1598] {strides = array<i32>} : memref<1296xf32, #tpu.memory_space<vmem>>, vector<16xf32>,
      %add3A_1600 = arith.addf %add3A_1588, %get3A_1599 : vector<16xf32>
      %get3A_1601 = arith.constant 955 : index
      %get3A_1602 = tpu.vector_load %arg22[%get3A_1601] {strides = array<i32>} : memref<1296xf32, #tpu.memory_space<vmem>>, vector<16xf32>,
      %add3A_1603 = arith.addf %add3A_1591, %get3A_1602 : vector<16xf32>
      %get3A_1604 = arith.constant 1036 : index
      %get3A_1605 = tpu.vector_load %arg22[%get3A_1604] {strides = array<i32>} : memref<1296xf32, #tpu.memory_space<vmem>>, vector<16xf32>,
      %add3A_1606 = arith.addf %add3A_1594, %get3A_1605 : vector<16xf32>
      %get3A_1607 = arith.constant 1117 : index
      %get3A_1608 = tpu.vector_load %arg22[%get3A_1607] {strides = array<i32>} : memref<1296xf32, #tpu.memory_space<vmem>>, vector<16xf32>,
      %add3A_1609 = arith.addf %add3A_1597, %get3A_1608 : vector<16xf32>
      %get3A_1610 = arith.constant 1198 : index
      %get3A_1611 = tpu.vector_load %arg22[%get3A_1610] {strides = array<i32>} : memref<1296xf32, #tpu.memory_space<vmem>>, vector<16xf32>,
      %add3A_1612 = arith.addf %add3A_1600, %get3A_1611 : vector<16xf32>
      %get3A_1613 = arith.constant 1279 : index
      %get3A_1614 = tpu.vector_load %arg22[%get3A_1613] {strides = array<i32>} : memref<1296xf32, #tpu.memory_space<vmem>>, vector<16xf32>,
      %add3A_1615 = arith.addf %add3A_1603, %get3A_1614 : vector<16xf32>
      %add3A_1616 = arith.addf %add3A_1606, %add3A_1609 : vector<16xf32>
      %add3A_1617 = arith.addf %add3A_1612, %add3A_1615 : vector<16xf32>
      %add3A_1618 = arith.addf %add3A_1616, %add3A_1617 : vector<16xf32>
      %mul3A_1619 = arith.constant 80 : i32
      %mul3A_1620 = arith.muli %add3A_1326, %mul3A_1619 : i32
      %add3A_1621 = arith.constant 64 : i32
      %add3A_1622 = arith.addi %mul3A_1620, %add3A_1621 : i32
      %swap3A_1623 = arith.index_cast %add3A_1622 : i32 to index
      %swap3A_1624 = tpu.vector_load %arg21[%swap3A_1623] {strides = array<i32>} : memref<10000xf32, #tpu.memory_space<vmem>>, vector<16xf32>,
      tpu.vector_store %arg21[%swap3A_1623], %add3A_1618 {strides = array<i32>} : memref<10000xf32, #tpu.memory_space<vmem>>, vector<16xf32>,
    }
    %scan3A_41 = arith.constant 41 : i32
    %dma_wait3A = arith.constant 0 : i32
    %dma_wait3A_42 = tpu.memref_slice %arg8[%dma_wait3A] : memref<10000xi32, #tpu.memory_space<vmem>> -> memref<80xi32, #tpu.memory_space<vmem>>
    %dma_wait3A_43 = arith.constant 0 : i32
    %dma_wait3A_44 = arith.constant 0 : i32
    %dma_wait3A_45 = tpu.memref_slice %arg2[%dma_wait3A_43, %dma_wait3A_44] : memref<10000x64xi32, #tpu.memory_space<hbm>> -> memref<10000x64xi32, #tpu.memory_space<hbm>>
    tpu.wait_indirect_dma semaphore(%arg23 : memref<!tpu.dma_semaphore, #tpu.memory_space<semaphore_mem>>) src(%dma_wait3A_45 : memref<10000x64xi32, #tpu.memory_space<hbm>>) dst(%arg12 : memref<80x64xi32, #tpu.memory_space<vmem>>)
    %dma_wait3A_46 = arith.constant 0 : i32
    %dma_wait3A_47 = tpu.memref_slice %arg8[%dma_wait3A_46] : memref<10000xi32, #tpu.memory_space<vmem>> -> memref<80xi32, #tpu.memory_space<vmem>>
    %dma_wait3A_48 = arith.constant 0 : i32
    %dma_wait3A_49 = arith.constant 0 : i32
    %dma_wait3A_50 = tpu.memref_slice %arg2[%dma_wait3A_48, %dma_wait3A_49] : memref<10000x64xi32, #tpu.memory_space<hbm>> -> memref<10000x64xi32, #tpu.memory_space<hbm>>
    tpu.wait_indirect_dma semaphore(%arg26 : memref<!tpu.dma_semaphore, #tpu.memory_space<semaphore_mem>>) src(%dma_wait3A_50 : memref<10000x64xi32, #tpu.memory_space<hbm>>) dst(%arg15 : memref<80x64xi32, #tpu.memory_space<vmem>>)
    %dma_wait3A_51 = arith.constant 0 : i32
    %dma_wait3A_52 = tpu.memref_slice %arg8[%dma_wait3A_51] : memref<10000xi32, #tpu.memory_space<vmem>> -> memref<80xi32, #tpu.memory_space<vmem>>
    %dma_wait3A_53 = arith.constant 0 : i32
    %dma_wait3A_54 = arith.constant 0 : i32
    %dma_wait3A_55 = tpu.memref_slice %arg2[%dma_wait3A_53, %dma_wait3A_54] : memref<10000x64xi32, #tpu.memory_space<hbm>> -> memref<10000x64xi32, #tpu.memory_space<hbm>>
    tpu.wait_indirect_dma semaphore(%arg29 : memref<!tpu.dma_semaphore, #tpu.memory_space<semaphore_mem>>) src(%dma_wait3A_55 : memref<10000x64xi32, #tpu.memory_space<hbm>>) dst(%arg18 : memref<80x64xi32, #tpu.memory_space<vmem>>)
    %parallel_loop3A = arith.constant 0 : i32
    %parallel_loop3A_56 = arith.constant 80 : i32
    %parallel_loop3A_57 = arith.constant 1 : i32
    scf.for %parallel_loop3A_623 = %parallel_loop3A to %parallel_loop3A_56 step %parallel_loop3A_57  : i32 {
      %parallel_loop3A_624 = arith.index_cast %parallel_loop3A_623 : i32 to index
      %parallel_loop3A_625 = arith.constant 0 : index
      %parallel_loop3A_626 = tpu.vector_load %arg12[%parallel_loop3A_624, %parallel_loop3A_625] {strides = array<i32>} : memref<80x64xi32, #tpu.memory_space<vmem>>, vector<16xi32>,
      %parallel_loop3A_627 = vector.bitcast %parallel_loop3A_626 : vector<16xi32> to vector<32xbf16>
      %parallel_loop3A_628 = arith.index_cast %parallel_loop3A_623 : i32 to index
      %parallel_loop3A_629 = arith.constant 0 : index
      %parallel_loop3A_630 = tpu.vector_load %arg15[%parallel_loop3A_628, %parallel_loop3A_629] {strides = array<i32>} : memref<80x64xi32, #tpu.memory_space<vmem>>, vector<16xi32>,
      %parallel_loop3A_631 = vector.bitcast %parallel_loop3A_630 : vector<16xi32> to vector<32xbf16>
      %parallel_loop3A_632 = arith.index_cast %parallel_loop3A_623 : i32 to index
      %parallel_loop3A_633 = arith.constant 0 : index
      %parallel_loop3A_634 = tpu.vector_load %arg18[%parallel_loop3A_632, %parallel_loop3A_633] {strides = array<i32>} : memref<80x64xi32, #tpu.memory_space<vmem>>, vector<16xi32>,
      %parallel_loop3A_635 = vector.bitcast %parallel_loop3A_634 : vector<16xi32> to vector<32xbf16>
      %parallel_loop3A_636 = arith.mulf %parallel_loop3A_627, %parallel_loop3A_631 : vector<32xbf16>
      %parallel_loop3A_637 = arith.mulf %parallel_loop3A_636, %parallel_loop3A_635 : vector<32xbf16>
      %parallel_loop3A_638 = arith.index_cast %parallel_loop3A_623 : i32 to index
      %parallel_loop3A_639 = arith.constant 16 : index
      %parallel_loop3A_640 = tpu.vector_load %arg12[%parallel_loop3A_638, %parallel_loop3A_639] {strides = array<i32>} : memref<80x64xi32, #tpu.memory_space<vmem>>, vector<16xi32>,
      %parallel_loop3A_641 = vector.bitcast %parallel_loop3A_640 : vector<16xi32> to vector<32xbf16>
      %parallel_loop3A_642 = arith.index_cast %parallel_loop3A_623 : i32 to index
      %parallel_loop3A_643 = arith.constant 16 : index
      %parallel_loop3A_644 = tpu.vector_load %arg15[%parallel_loop3A_642, %parallel_loop3A_643] {strides = array<i32>} : memref<80x64xi32, #tpu.memory_space<vmem>>, vector<16xi32>,
      %parallel_loop3A_645 = vector.bitcast %parallel_loop3A_644 : vector<16xi32> to vector<32xbf16>
      %parallel_loop3A_646 = arith.index_cast %parallel_loop3A_623 : i32 to index
      %parallel_loop3A_647 = arith.constant 16 : index
      %parallel_loop3A_648 = tpu.vector_load %arg18[%parallel_loop3A_646, %parallel_loop3A_647] {strides = array<i32>} : memref<80x64xi32, #tpu.memory_space<vmem>>, vector<16xi32>,
      %parallel_loop3A_649 = vector.bitcast %parallel_loop3A_648 : vector<16xi32> to vector<32xbf16>
      %parallel_loop3A_650 = arith.mulf %parallel_loop3A_641, %parallel_loop3A_645 : vector<32xbf16>
      %parallel_loop3A_651 = arith.mulf %parallel_loop3A_650, %parallel_loop3A_649 : vector<32xbf16>
      %parallel_loop3A_652 = arith.index_cast %parallel_loop3A_623 : i32 to index
      %parallel_loop3A_653 = arith.constant 32 : index
      %parallel_loop3A_654 = tpu.vector_load %arg12[%parallel_loop3A_652, %parallel_loop3A_653] {strides = array<i32>} : memref<80x64xi32, #tpu.memory_space<vmem>>, vector<16xi32>,
      %parallel_loop3A_655 = vector.bitcast %parallel_loop3A_654 : vector<16xi32> to vector<32xbf16>
      %parallel_loop3A_656 = arith.index_cast %parallel_loop3A_623 : i32 to index
      %parallel_loop3A_657 = arith.constant 32 : index
      %parallel_loop3A_658 = tpu.vector_load %arg15[%parallel_loop3A_656, %parallel_loop3A_657] {strides = array<i32>} : memref<80x64xi32, #tpu.memory_space<vmem>>, vector<16xi32>,
      %parallel_loop3A_659 = vector.bitcast %parallel_loop3A_658 : vector<16xi32> to vector<32xbf16>
      %parallel_loop3A_660 = arith.index_cast %parallel_loop3A_623 : i32 to index
      %parallel_loop3A_661 = arith.constant 32 : index
      %parallel_loop3A_662 = tpu.vector_load %arg18[%parallel_loop3A_660, %parallel_loop3A_661] {strides = array<i32>} : memref<80x64xi32, #tpu.memory_space<vmem>>, vector<16xi32>,
      %parallel_loop3A_663 = vector.bitcast %parallel_loop3A_662 : vector<16xi32> to vector<32xbf16>
      %parallel_loop3A_664 = arith.mulf %parallel_loop3A_655, %parallel_loop3A_659 : vector<32xbf16>
      %parallel_loop3A_665 = arith.mulf %parallel_loop3A_664, %parallel_loop3A_663 : vector<32xbf16>
      %parallel_loop3A_666 = arith.index_cast %parallel_loop3A_623 : i32 to index
      %parallel_loop3A_667 = arith.constant 48 : index
      %parallel_loop3A_668 = tpu.vector_load %arg12[%parallel_loop3A_666, %parallel_loop3A_667] {strides = array<i32>} : memref<80x64xi32, #tpu.memory_space<vmem>>, vector<16xi32>,
      %parallel_loop3A_669 = vector.bitcast %parallel_loop3A_668 : vector<16xi32> to vector<32xbf16>
      %parallel_loop3A_670 = arith.index_cast %parallel_loop3A_623 : i32 to index
      %parallel_loop3A_671 = arith.constant 48 : index
      %parallel_loop3A_672 = tpu.vector_load %arg15[%parallel_loop3A_670, %parallel_loop3A_671] {strides = array<i32>} : memref<80x64xi32, #tpu.memory_space<vmem>>, vector<16xi32>,
      %parallel_loop3A_673 = vector.bitcast %parallel_loop3A_672 : vector<16xi32> to vector<32xbf16>
      %parallel_loop3A_674 = arith.index_cast %parallel_loop3A_623 : i32 to index
      %parallel_loop3A_675 = arith.constant 48 : index
      %parallel_loop3A_676 = tpu.vector_load %arg18[%parallel_loop3A_674, %parallel_loop3A_675] {strides = array<i32>} : memref<80x64xi32, #tpu.memory_space<vmem>>, vector<16xi32>,
      %parallel_loop3A_677 = vector.bitcast %parallel_loop3A_676 : vector<16xi32> to vector<32xbf16>
      %parallel_loop3A_678 = arith.mulf %parallel_loop3A_669, %parallel_loop3A_673 : vector<32xbf16>
      %parallel_loop3A_679 = arith.mulf %parallel_loop3A_678, %parallel_loop3A_677 : vector<32xbf16>
      %parallel_loop3A_680 = arith.addf %parallel_loop3A_637, %parallel_loop3A_651 : vector<32xbf16>
      %parallel_loop3A_681 = tpu.unpack_subelements %parallel_loop3A_680, 0 {pack_format = #tpu.pack_format<interleaved>} : vector<32xbf16> -> vector<16xf32>
      %parallel_loop3A_682 = tpu.unpack_subelements %parallel_loop3A_680, 1 {pack_format = #tpu.pack_format<interleaved>} : vector<32xbf16> -> vector<16xf32>
      %parallel_loop3A_683 = arith.addf %parallel_loop3A_665, %parallel_loop3A_679 : vector<32xbf16>
      %parallel_loop3A_684 = tpu.unpack_subelements %parallel_loop3A_683, 0 {pack_format = #tpu.pack_format<interleaved>} : vector<32xbf16> -> vector<16xf32>
      %parallel_loop3A_685 = tpu.unpack_subelements %parallel_loop3A_683, 1 {pack_format = #tpu.pack_format<interleaved>} : vector<32xbf16> -> vector<16xf32>
      %parallel_loop3A_686 = vector.broadcast %parallel_loop3A_623 : i32 to vector<16xi32>
      %parallel_loop3A_687 = arith.addi %mul3A_7, %parallel_loop3A_686 : vector<16xi32>
      %parallel_loop3A_688 = arith.addf %parallel_loop3A_681, %parallel_loop3A_682 : vector<16xf32>
      %parallel_loop3A_689 = arith.addf %parallel_loop3A_684, %parallel_loop3A_685 : vector<16xf32>
      %parallel_loop3A_690 = arith.addf %parallel_loop3A_688, %parallel_loop3A_689 : vector<16xf32>
      tpu.vector_store_idx %arg22[%parallel_loop3A_687], %parallel_loop3A_690 : memref<1296xf32, #tpu.memory_space<vmem>>[vector<16xi32>], vector<16xf32>,
    } {sc.loop_unroll_factor = 4 : i64, sc.parallel_access}
    %broadcast_in_dim3A = arith.constant 0.000000e+00 : f32
    %broadcast_in_dim3A_58 = vector.broadcast %broadcast_in_dim3A : f32 to vector<16xf32>
    %get3A = arith.constant 0 : index
    %get3A_59 = tpu.vector_load %arg22[%get3A] {strides = array<i32>} : memref<1296xf32, #tpu.memory_space<vmem>>, vector<16xf32>,
    %add3A_60 = arith.addf %broadcast_in_dim3A_58, %get3A_59 : vector<16xf32>
    %get3A_61 = arith.constant 81 : index
    %get3A_62 = tpu.vector_load %arg22[%get3A_61] {strides = array<i32>} : memref<1296xf32, #tpu.memory_space<vmem>>, vector<16xf32>,
    %add3A_63 = arith.addf %broadcast_in_dim3A_58, %get3A_62 : vector<16xf32>
    %get3A_64 = arith.constant 162 : index
    %get3A_65 = tpu.vector_load %arg22[%get3A_64] {strides = array<i32>} : memref<1296xf32, #tpu.memory_space<vmem>>, vector<16xf32>,
    %add3A_66 = arith.addf %broadcast_in_dim3A_58, %get3A_65 : vector<16xf32>
    %get3A_67 = arith.constant 243 : index
    %get3A_68 = tpu.vector_load %arg22[%get3A_67] {strides = array<i32>} : memref<1296xf32, #tpu.memory_space<vmem>>, vector<16xf32>,
    %add3A_69 = arith.addf %broadcast_in_dim3A_58, %get3A_68 : vector<16xf32>
    %get3A_70 = arith.constant 324 : index
    %get3A_71 = tpu.vector_load %arg22[%get3A_70] {strides = array<i32>} : memref<1296xf32, #tpu.memory_space<vmem>>, vector<16xf32>,
    %add3A_72 = arith.addf %add3A_60, %get3A_71 : vector<16xf32>
    %get3A_73 = arith.constant 405 : index
    %get3A_74 = tpu.vector_load %arg22[%get3A_73] {strides = array<i32>} : memref<1296xf32, #tpu.memory_space<vmem>>, vector<16xf32>,
    %add3A_75 = arith.addf %add3A_63, %get3A_74 : vector<16xf32>
    %get3A_76 = arith.constant 486 : index
    %get3A_77 = tpu.vector_load %arg22[%get3A_76] {strides = array<i32>} : memref<1296xf32, #tpu.memory_space<vmem>>, vector<16xf32>,
    %add3A_78 = arith.addf %add3A_66, %get3A_77 : vector<16xf32>
    %get3A_79 = arith.constant 567 : index
    %get3A_80 = tpu.vector_load %arg22[%get3A_79] {strides = array<i32>} : memref<1296xf32, #tpu.memory_space<vmem>>, vector<16xf32>,
    %add3A_81 = arith.addf %add3A_69, %get3A_80 : vector<16xf32>
    %get3A_82 = arith.constant 648 : index
    %get3A_83 = tpu.vector_load %arg22[%get3A_82] {strides = array<i32>} : memref<1296xf32, #tpu.memory_space<vmem>>, vector<16xf32>,
    %add3A_84 = arith.addf %add3A_72, %get3A_83 : vector<16xf32>
    %get3A_85 = arith.constant 729 : index
    %get3A_86 = tpu.vector_load %arg22[%get3A_85] {strides = array<i32>} : memref<1296xf32, #tpu.memory_space<vmem>>, vector<16xf32>,
    %add3A_87 = arith.addf %add3A_75, %get3A_86 : vector<16xf32>
    %get3A_88 = arith.constant 810 : index
    %get3A_89 = tpu.vector_load %arg22[%get3A_88] {strides = array<i32>} : memref<1296xf32, #tpu.memory_space<vmem>>, vector<16xf32>,
    %add3A_90 = arith.addf %add3A_78, %get3A_89 : vector<16xf32>
    %get3A_91 = arith.constant 891 : index
    %get3A_92 = tpu.vector_load %arg22[%get3A_91] {strides = array<i32>} : memref<1296xf32, #tpu.memory_space<vmem>>, vector<16xf32>,
    %add3A_93 = arith.addf %add3A_81, %get3A_92 : vector<16xf32>
    %get3A_94 = arith.constant 972 : index
    %get3A_95 = tpu.vector_load %arg22[%get3A_94] {strides = array<i32>} : memref<1296xf32, #tpu.memory_space<vmem>>, vector<16xf32>,
    %add3A_96 = arith.addf %add3A_84, %get3A_95 : vector<16xf32>
    %get3A_97 = arith.constant 1053 : index
    %get3A_98 = tpu.vector_load %arg22[%get3A_97] {strides = array<i32>} : memref<1296xf32, #tpu.memory_space<vmem>>, vector<16xf32>,
    %add3A_99 = arith.addf %add3A_87, %get3A_98 : vector<16xf32>
    %get3A_100 = arith.constant 1134 : index
    %get3A_101 = tpu.vector_load %arg22[%get3A_100] {strides = array<i32>} : memref<1296xf32, #tpu.memory_space<vmem>>, vector<16xf32>,
    %add3A_102 = arith.addf %add3A_90, %get3A_101 : vector<16xf32>
    %get3A_103 = arith.constant 1215 : index
    %get3A_104 = tpu.vector_load %arg22[%get3A_103] {strides = array<i32>} : memref<1296xf32, #tpu.memory_space<vmem>>, vector<16xf32>,
    %add3A_105 = arith.addf %add3A_93, %get3A_104 : vector<16xf32>
    %add3A_106 = arith.addf %add3A_96, %add3A_99 : vector<16xf32>
    %add3A_107 = arith.addf %add3A_102, %add3A_105 : vector<16xf32>
    %add3A_108 = arith.addf %add3A_106, %add3A_107 : vector<16xf32>
    %swap3A = arith.constant 9840 : index
    %swap3A_109 = tpu.vector_load %arg21[%swap3A] {strides = array<i32>} : memref<10000xf32, #tpu.memory_space<vmem>>, vector<16xf32>,
    tpu.vector_store %arg21[%swap3A], %add3A_108 {strides = array<i32>} : memref<10000xf32, #tpu.memory_space<vmem>>, vector<16xf32>,
    %broadcast_in_dim3A_110 = arith.constant 0.000000e+00 : f32
    %broadcast_in_dim3A_111 = vector.broadcast %broadcast_in_dim3A_110 : f32 to vector<16xf32>
    %get3A_112 = arith.constant 16 : index
    %get3A_113 = tpu.vector_load %arg22[%get3A_112] {strides = array<i32>} : memref<1296xf32, #tpu.memory_space<vmem>>, vector<16xf32>,
    %add3A_114 = arith.addf %broadcast_in_dim3A_111, %get3A_113 : vector<16xf32>
    %get3A_115 = arith.constant 97 : index
    %get3A_116 = tpu.vector_load %arg22[%get3A_115] {strides = array<i32>} : memref<1296xf32, #tpu.memory_space<vmem>>, vector<16xf32>,
    %add3A_117 = arith.addf %broadcast_in_dim3A_111, %get3A_116 : vector<16xf32>
    %get3A_118 = arith.constant 178 : index
    %get3A_119 = tpu.vector_load %arg22[%get3A_118] {strides = array<i32>} : memref<1296xf32, #tpu.memory_space<vmem>>, vector<16xf32>,
    %add3A_120 = arith.addf %broadcast_in_dim3A_111, %get3A_119 : vector<16xf32>
    %get3A_121 = arith.constant 259 : index
    %get3A_122 = tpu.vector_load %arg22[%get3A_121] {strides = array<i32>} : memref<1296xf32, #tpu.memory_space<vmem>>, vector<16xf32>,
    %add3A_123 = arith.addf %broadcast_in_dim3A_111, %get3A_122 : vector<16xf32>
    %get3A_124 = arith.constant 340 : index
    %get3A_125 = tpu.vector_load %arg22[%get3A_124] {strides = array<i32>} : memref<1296xf32, #tpu.memory_space<vmem>>, vector<16xf32>,
    %add3A_126 = arith.addf %add3A_114, %get3A_125 : vector<16xf32>
    %get3A_127 = arith.constant 421 : index
    %get3A_128 = tpu.vector_load %arg22[%get3A_127] {strides = array<i32>} : memref<1296xf32, #tpu.memory_space<vmem>>, vector<16xf32>,
    %add3A_129 = arith.addf %add3A_117, %get3A_128 : vector<16xf32>
    %get3A_130 = arith.constant 502 : index
    %get3A_131 = tpu.vector_load %arg22[%get3A_130] {strides = array<i32>} : memref<1296xf32, #tpu.memory_space<vmem>>, vector<16xf32>,
    %add3A_132 = arith.addf %add3A_120, %get3A_131 : vector<16xf32>
    %get3A_133 = arith.constant 583 : index
    %get3A_134 = tpu.vector_load %arg22[%get3A_133] {strides = array<i32>} : memref<1296xf32, #tpu.memory_space<vmem>>, vector<16xf32>,
    %add3A_135 = arith.addf %add3A_123, %get3A_134 : vector<16xf32>
    %get3A_136 = arith.constant 664 : index
    %get3A_137 = tpu.vector_load %arg22[%get3A_136] {strides = array<i32>} : memref<1296xf32, #tpu.memory_space<vmem>>, vector<16xf32>,
    %add3A_138 = arith.addf %add3A_126, %get3A_137 : vector<16xf32>
    %get3A_139 = arith.constant 745 : index
    %get3A_140 = tpu.vector_load %arg22[%get3A_139] {strides = array<i32>} : memref<1296xf32, #tpu.memory_space<vmem>>, vector<16xf32>,
    %add3A_141 = arith.addf %add3A_129, %get3A_140 : vector<16xf32>
    %get3A_142 = arith.constant 826 : index
    %get3A_143 = tpu.vector_load %arg22[%get3A_142] {strides = array<i32>} : memref<1296xf32, #tpu.memory_space<vmem>>, vector<16xf32>,
    %add3A_144 = arith.addf %add3A_132, %get3A_143 : vector<16xf32>
    %get3A_145 = arith.constant 907 : index
    %get3A_146 = tpu.vector_load %arg22[%get3A_145] {strides = array<i32>} : memref<1296xf32, #tpu.memory_space<vmem>>, vector<16xf32>,
    %add3A_147 = arith.addf %add3A_135, %get3A_146 : vector<16xf32>
    %get3A_148 = arith.constant 988 : index
    %get3A_149 = tpu.vector_load %arg22[%get3A_148] {strides = array<i32>} : memref<1296xf32, #tpu.memory_space<vmem>>, vector<16xf32>,
    %add3A_150 = arith.addf %add3A_138, %get3A_149 : vector<16xf32>
    %get3A_151 = arith.constant 1069 : index
    %get3A_152 = tpu.vector_load %arg22[%get3A_151] {strides = array<i32>} : memref<1296xf32, #tpu.memory_space<vmem>>, vector<16xf32>,
    %add3A_153 = arith.addf %add3A_141, %get3A_152 : vector<16xf32>
    %get3A_154 = arith.constant 1150 : index
    %get3A_155 = tpu.vector_load %arg22[%get3A_154] {strides = array<i32>} : memref<1296xf32, #tpu.memory_space<vmem>>, vector<16xf32>,
    %add3A_156 = arith.addf %add3A_144, %get3A_155 : vector<16xf32>
    %get3A_157 = arith.constant 1231 : index
    %get3A_158 = tpu.vector_load %arg22[%get3A_157] {strides = array<i32>} : memref<1296xf32, #tpu.memory_space<vmem>>, vector<16xf32>,
    %add3A_159 = arith.addf %add3A_147, %get3A_158 : vector<16xf32>
    %add3A_160 = arith.addf %add3A_150, %add3A_153 : vector<16xf32>
    %add3A_161 = arith.addf %add3A_156, %add3A_159 : vector<16xf32>
    %add3A_162 = arith.addf %add3A_160, %add3A_161 : vector<16xf32>
    %swap3A_163 = arith.constant 9856 : index
    %swap3A_164 = tpu.vector_load %arg21[%swap3A_163] {strides = array<i32>} : memref<10000xf32, #tpu.memory_space<vmem>>, vector<16xf32>,
    tpu.vector_store %arg21[%swap3A_163], %add3A_162 {strides = array<i32>} : memref<10000xf32, #tpu.memory_space<vmem>>, vector<16xf32>,
    %broadcast_in_dim3A_165 = arith.constant 0.000000e+00 : f32
    %broadcast_in_dim3A_166 = vector.broadcast %broadcast_in_dim3A_165 : f32 to vector<16xf32>
    %get3A_167 = arith.constant 32 : index
    %get3A_168 = tpu.vector_load %arg22[%get3A_167] {strides = array<i32>} : memref<1296xf32, #tpu.memory_space<vmem>>, vector<16xf32>,
    %add3A_169 = arith.addf %broadcast_in_dim3A_166, %get3A_168 : vector<16xf32>
    %get3A_170 = arith.constant 113 : index
    %get3A_171 = tpu.vector_load %arg22[%get3A_170] {strides = array<i32>} : memref<1296xf32, #tpu.memory_space<vmem>>, vector<16xf32>,
    %add3A_172 = arith.addf %broadcast_in_dim3A_166, %get3A_171 : vector<16xf32>
    %get3A_173 = arith.constant 194 : index
    %get3A_174 = tpu.vector_load %arg22[%get3A_173] {strides = array<i32>} : memref<1296xf32, #tpu.memory_space<vmem>>, vector<16xf32>,
    %add3A_175 = arith.addf %broadcast_in_dim3A_166, %get3A_174 : vector<16xf32>
    %get3A_176 = arith.constant 275 : index
    %get3A_177 = tpu.vector_load %arg22[%get3A_176] {strides = array<i32>} : memref<1296xf32, #tpu.memory_space<vmem>>, vector<16xf32>,
    %add3A_178 = arith.addf %broadcast_in_dim3A_166, %get3A_177 : vector<16xf32>
    %get3A_179 = arith.constant 356 : index
    %get3A_180 = tpu.vector_load %arg22[%get3A_179] {strides = array<i32>} : memref<1296xf32, #tpu.memory_space<vmem>>, vector<16xf32>,
    %add3A_181 = arith.addf %add3A_169, %get3A_180 : vector<16xf32>
    %get3A_182 = arith.constant 437 : index
    %get3A_183 = tpu.vector_load %arg22[%get3A_182] {strides = array<i32>} : memref<1296xf32, #tpu.memory_space<vmem>>, vector<16xf32>,
    %add3A_184 = arith.addf %add3A_172, %get3A_183 : vector<16xf32>
    %get3A_185 = arith.constant 518 : index
    %get3A_186 = tpu.vector_load %arg22[%get3A_185] {strides = array<i32>} : memref<1296xf32, #tpu.memory_space<vmem>>, vector<16xf32>,
    %add3A_187 = arith.addf %add3A_175, %get3A_186 : vector<16xf32>
    %get3A_188 = arith.constant 599 : index
    %get3A_189 = tpu.vector_load %arg22[%get3A_188] {strides = array<i32>} : memref<1296xf32, #tpu.memory_space<vmem>>, vector<16xf32>,
    %add3A_190 = arith.addf %add3A_178, %get3A_189 : vector<16xf32>
    %get3A_191 = arith.constant 680 : index
    %get3A_192 = tpu.vector_load %arg22[%get3A_191] {strides = array<i32>} : memref<1296xf32, #tpu.memory_space<vmem>>, vector<16xf32>,
    %add3A_193 = arith.addf %add3A_181, %get3A_192 : vector<16xf32>
    %get3A_194 = arith.constant 761 : index
    %get3A_195 = tpu.vector_load %arg22[%get3A_194] {strides = array<i32>} : memref<1296xf32, #tpu.memory_space<vmem>>, vector<16xf32>,
    %add3A_196 = arith.addf %add3A_184, %get3A_195 : vector<16xf32>
    %get3A_197 = arith.constant 842 : index
    %get3A_198 = tpu.vector_load %arg22[%get3A_197] {strides = array<i32>} : memref<1296xf32, #tpu.memory_space<vmem>>, vector<16xf32>,
    %add3A_199 = arith.addf %add3A_187, %get3A_198 : vector<16xf32>
    %get3A_200 = arith.constant 923 : index
    %get3A_201 = tpu.vector_load %arg22[%get3A_200] {strides = array<i32>} : memref<1296xf32, #tpu.memory_space<vmem>>, vector<16xf32>,
    %add3A_202 = arith.addf %add3A_190, %get3A_201 : vector<16xf32>
    %get3A_203 = arith.constant 1004 : index
    %get3A_204 = tpu.vector_load %arg22[%get3A_203] {strides = array<i32>} : memref<1296xf32, #tpu.memory_space<vmem>>, vector<16xf32>,
    %add3A_205 = arith.addf %add3A_193, %get3A_204 : vector<16xf32>
    %get3A_206 = arith.constant 1085 : index
    %get3A_207 = tpu.vector_load %arg22[%get3A_206] {strides = array<i32>} : memref<1296xf32, #tpu.memory_space<vmem>>, vector<16xf32>,
    %add3A_208 = arith.addf %add3A_196, %get3A_207 : vector<16xf32>
    %get3A_209 = arith.constant 1166 : index
    %get3A_210 = tpu.vector_load %arg22[%get3A_209] {strides = array<i32>} : memref<1296xf32, #tpu.memory_space<vmem>>, vector<16xf32>,
    %add3A_211 = arith.addf %add3A_199, %get3A_210 : vector<16xf32>
    %get3A_212 = arith.constant 1247 : index
    %get3A_213 = tpu.vector_load %arg22[%get3A_212] {strides = array<i32>} : memref<1296xf32, #tpu.memory_space<vmem>>, vector<16xf32>,
    %add3A_214 = arith.addf %add3A_202, %get3A_213 : vector<16xf32>
    %add3A_215 = arith.addf %add3A_205, %add3A_208 : vector<16xf32>
    %add3A_216 = arith.addf %add3A_211, %add3A_214 : vector<16xf32>
    %add3A_217 = arith.addf %add3A_215, %add3A_216 : vector<16xf32>
    %swap3A_218 = arith.constant 9872 : index
    %swap3A_219 = tpu.vector_load %arg21[%swap3A_218] {strides = array<i32>} : memref<10000xf32, #tpu.memory_space<vmem>>, vector<16xf32>,
    tpu.vector_store %arg21[%swap3A_218], %add3A_217 {strides = array<i32>} : memref<10000xf32, #tpu.memory_space<vmem>>, vector<16xf32>,
    %broadcast_in_dim3A_220 = arith.constant 0.000000e+00 : f32
    %broadcast_in_dim3A_221 = vector.broadcast %broadcast_in_dim3A_220 : f32 to vector<16xf32>
    %get3A_222 = arith.constant 48 : index
    %get3A_223 = tpu.vector_load %arg22[%get3A_222] {strides = array<i32>} : memref<1296xf32, #tpu.memory_space<vmem>>, vector<16xf32>,
    %add3A_224 = arith.addf %broadcast_in_dim3A_221, %get3A_223 : vector<16xf32>
    %get3A_225 = arith.constant 129 : index
    %get3A_226 = tpu.vector_load %arg22[%get3A_225] {strides = array<i32>} : memref<1296xf32, #tpu.memory_space<vmem>>, vector<16xf32>,
    %add3A_227 = arith.addf %broadcast_in_dim3A_221, %get3A_226 : vector<16xf32>
    %get3A_228 = arith.constant 210 : index
    %get3A_229 = tpu.vector_load %arg22[%get3A_228] {strides = array<i32>} : memref<1296xf32, #tpu.memory_space<vmem>>, vector<16xf32>,
    %add3A_230 = arith.addf %broadcast_in_dim3A_221, %get3A_229 : vector<16xf32>
    %get3A_231 = arith.constant 291 : index
    %get3A_232 = tpu.vector_load %arg22[%get3A_231] {strides = array<i32>} : memref<1296xf32, #tpu.memory_space<vmem>>, vector<16xf32>,
    %add3A_233 = arith.addf %broadcast_in_dim3A_221, %get3A_232 : vector<16xf32>
    %get3A_234 = arith.constant 372 : index
    %get3A_235 = tpu.vector_load %arg22[%get3A_234] {strides = array<i32>} : memref<1296xf32, #tpu.memory_space<vmem>>, vector<16xf32>,
    %add3A_236 = arith.addf %add3A_224, %get3A_235 : vector<16xf32>
    %get3A_237 = arith.constant 453 : index
    %get3A_238 = tpu.vector_load %arg22[%get3A_237] {strides = array<i32>} : memref<1296xf32, #tpu.memory_space<vmem>>, vector<16xf32>,
    %add3A_239 = arith.addf %add3A_227, %get3A_238 : vector<16xf32>
    %get3A_240 = arith.constant 534 : index
    %get3A_241 = tpu.vector_load %arg22[%get3A_240] {strides = array<i32>} : memref<1296xf32, #tpu.memory_space<vmem>>, vector<16xf32>,
    %add3A_242 = arith.addf %add3A_230, %get3A_241 : vector<16xf32>
    %get3A_243 = arith.constant 615 : index
    %get3A_244 = tpu.vector_load %arg22[%get3A_243] {strides = array<i32>} : memref<1296xf32, #tpu.memory_space<vmem>>, vector<16xf32>,
    %add3A_245 = arith.addf %add3A_233, %get3A_244 : vector<16xf32>
    %get3A_246 = arith.constant 696 : index
    %get3A_247 = tpu.vector_load %arg22[%get3A_246] {strides = array<i32>} : memref<1296xf32, #tpu.memory_space<vmem>>, vector<16xf32>,
    %add3A_248 = arith.addf %add3A_236, %get3A_247 : vector<16xf32>
    %get3A_249 = arith.constant 777 : index
    %get3A_250 = tpu.vector_load %arg22[%get3A_249] {strides = array<i32>} : memref<1296xf32, #tpu.memory_space<vmem>>, vector<16xf32>,
    %add3A_251 = arith.addf %add3A_239, %get3A_250 : vector<16xf32>
    %get3A_252 = arith.constant 858 : index
    %get3A_253 = tpu.vector_load %arg22[%get3A_252] {strides = array<i32>} : memref<1296xf32, #tpu.memory_space<vmem>>, vector<16xf32>,
    %add3A_254 = arith.addf %add3A_242, %get3A_253 : vector<16xf32>
    %get3A_255 = arith.constant 939 : index
    %get3A_256 = tpu.vector_load %arg22[%get3A_255] {strides = array<i32>} : memref<1296xf32, #tpu.memory_space<vmem>>, vector<16xf32>,
    %add3A_257 = arith.addf %add3A_245, %get3A_256 : vector<16xf32>
    %get3A_258 = arith.constant 1020 : index
    %get3A_259 = tpu.vector_load %arg22[%get3A_258] {strides = array<i32>} : memref<1296xf32, #tpu.memory_space<vmem>>, vector<16xf32>,
    %add3A_260 = arith.addf %add3A_248, %get3A_259 : vector<16xf32>
    %get3A_261 = arith.constant 1101 : index
    %get3A_262 = tpu.vector_load %arg22[%get3A_261] {strides = array<i32>} : memref<1296xf32, #tpu.memory_space<vmem>>, vector<16xf32>,
    %add3A_263 = arith.addf %add3A_251, %get3A_262 : vector<16xf32>
    %get3A_264 = arith.constant 1182 : index
    %get3A_265 = tpu.vector_load %arg22[%get3A_264] {strides = array<i32>} : memref<1296xf32, #tpu.memory_space<vmem>>, vector<16xf32>,
    %add3A_266 = arith.addf %add3A_254, %get3A_265 : vector<16xf32>
    %get3A_267 = arith.constant 1263 : index
    %get3A_268 = tpu.vector_load %arg22[%get3A_267] {strides = array<i32>} : memref<1296xf32, #tpu.memory_space<vmem>>, vector<16xf32>,
    %add3A_269 = arith.addf %add3A_257, %get3A_268 : vector<16xf32>
    %add3A_270 = arith.addf %add3A_260, %add3A_263 : vector<16xf32>
    %add3A_271 = arith.addf %add3A_266, %add3A_269 : vector<16xf32>
    %add3A_272 = arith.addf %add3A_270, %add3A_271 : vector<16xf32>
    %swap3A_273 = arith.constant 9888 : index
    %swap3A_274 = tpu.vector_load %arg21[%swap3A_273] {strides = array<i32>} : memref<10000xf32, #tpu.memory_space<vmem>>, vector<16xf32>,
    tpu.vector_store %arg21[%swap3A_273], %add3A_272 {strides = array<i32>} : memref<10000xf32, #tpu.memory_space<vmem>>, vector<16xf32>,
    %broadcast_in_dim3A_275 = arith.constant 0.000000e+00 : f32
    %broadcast_in_dim3A_276 = vector.broadcast %broadcast_in_dim3A_275 : f32 to vector<16xf32>
    %get3A_277 = arith.constant 64 : index
    %get3A_278 = tpu.vector_load %arg22[%get3A_277] {strides = array<i32>} : memref<1296xf32, #tpu.memory_space<vmem>>, vector<16xf32>,
    %add3A_279 = arith.addf %broadcast_in_dim3A_276, %get3A_278 : vector<16xf32>
    %get3A_280 = arith.constant 145 : index
    %get3A_281 = tpu.vector_load %arg22[%get3A_280] {strides = array<i32>} : memref<1296xf32, #tpu.memory_space<vmem>>, vector<16xf32>,
    %add3A_282 = arith.addf %broadcast_in_dim3A_276, %get3A_281 : vector<16xf32>
    %get3A_283 = arith.constant 226 : index
    %get3A_284 = tpu.vector_load %arg22[%get3A_283] {strides = array<i32>} : memref<1296xf32, #tpu.memory_space<vmem>>, vector<16xf32>,
    %add3A_285 = arith.addf %broadcast_in_dim3A_276, %get3A_284 : vector<16xf32>
    %get3A_286 = arith.constant 307 : index
    %get3A_287 = tpu.vector_load %arg22[%get3A_286] {strides = array<i32>} : memref<1296xf32, #tpu.memory_space<vmem>>, vector<16xf32>,
    %add3A_288 = arith.addf %broadcast_in_dim3A_276, %get3A_287 : vector<16xf32>
    %get3A_289 = arith.constant 388 : index
    %get3A_290 = tpu.vector_load %arg22[%get3A_289] {strides = array<i32>} : memref<1296xf32, #tpu.memory_space<vmem>>, vector<16xf32>,
    %add3A_291 = arith.addf %add3A_279, %get3A_290 : vector<16xf32>
    %get3A_292 = arith.constant 469 : index
    %get3A_293 = tpu.vector_load %arg22[%get3A_292] {strides = array<i32>} : memref<1296xf32, #tpu.memory_space<vmem>>, vector<16xf32>,
    %add3A_294 = arith.addf %add3A_282, %get3A_293 : vector<16xf32>
    %get3A_295 = arith.constant 550 : index
    %get3A_296 = tpu.vector_load %arg22[%get3A_295] {strides = array<i32>} : memref<1296xf32, #tpu.memory_space<vmem>>, vector<16xf32>,
    %add3A_297 = arith.addf %add3A_285, %get3A_296 : vector<16xf32>
    %get3A_298 = arith.constant 631 : index
    %get3A_299 = tpu.vector_load %arg22[%get3A_298] {strides = array<i32>} : memref<1296xf32, #tpu.memory_space<vmem>>, vector<16xf32>,
    %add3A_300 = arith.addf %add3A_288, %get3A_299 : vector<16xf32>
    %get3A_301 = arith.constant 712 : index
    %get3A_302 = tpu.vector_load %arg22[%get3A_301] {strides = array<i32>} : memref<1296xf32, #tpu.memory_space<vmem>>, vector<16xf32>,
    %add3A_303 = arith.addf %add3A_291, %get3A_302 : vector<16xf32>
    %get3A_304 = arith.constant 793 : index
    %get3A_305 = tpu.vector_load %arg22[%get3A_304] {strides = array<i32>} : memref<1296xf32, #tpu.memory_space<vmem>>, vector<16xf32>,
    %add3A_306 = arith.addf %add3A_294, %get3A_305 : vector<16xf32>
    %get3A_307 = arith.constant 874 : index
    %get3A_308 = tpu.vector_load %arg22[%get3A_307] {strides = array<i32>} : memref<1296xf32, #tpu.memory_space<vmem>>, vector<16xf32>,
    %add3A_309 = arith.addf %add3A_297, %get3A_308 : vector<16xf32>
    %get3A_310 = arith.constant 955 : index
    %get3A_311 = tpu.vector_load %arg22[%get3A_310] {strides = array<i32>} : memref<1296xf32, #tpu.memory_space<vmem>>, vector<16xf32>,
    %add3A_312 = arith.addf %add3A_300, %get3A_311 : vector<16xf32>
    %get3A_313 = arith.constant 1036 : index
    %get3A_314 = tpu.vector_load %arg22[%get3A_313] {strides = array<i32>} : memref<1296xf32, #tpu.memory_space<vmem>>, vector<16xf32>,
    %add3A_315 = arith.addf %add3A_303, %get3A_314 : vector<16xf32>
    %get3A_316 = arith.constant 1117 : index
    %get3A_317 = tpu.vector_load %arg22[%get3A_316] {strides = array<i32>} : memref<1296xf32, #tpu.memory_space<vmem>>, vector<16xf32>,
    %add3A_318 = arith.addf %add3A_306, %get3A_317 : vector<16xf32>
    %get3A_319 = arith.constant 1198 : index
    %get3A_320 = tpu.vector_load %arg22[%get3A_319] {strides = array<i32>} : memref<1296xf32, #tpu.memory_space<vmem>>, vector<16xf32>,
    %add3A_321 = arith.addf %add3A_309, %get3A_320 : vector<16xf32>
    %get3A_322 = arith.constant 1279 : index
    %get3A_323 = tpu.vector_load %arg22[%get3A_322] {strides = array<i32>} : memref<1296xf32, #tpu.memory_space<vmem>>, vector<16xf32>,
    %add3A_324 = arith.addf %add3A_312, %get3A_323 : vector<16xf32>
    %add3A_325 = arith.addf %add3A_315, %add3A_318 : vector<16xf32>
    %add3A_326 = arith.addf %add3A_321, %add3A_324 : vector<16xf32>
    %add3A_327 = arith.addf %add3A_325, %add3A_326 : vector<16xf32>
    %swap3A_328 = arith.constant 9904 : index
    %swap3A_329 = tpu.vector_load %arg21[%swap3A_328] {strides = array<i32>} : memref<10000xf32, #tpu.memory_space<vmem>>, vector<16xf32>,
    tpu.vector_store %arg21[%swap3A_328], %add3A_327 {strides = array<i32>} : memref<10000xf32, #tpu.memory_space<vmem>>, vector<16xf32>,
    %dma_wait3A_330 = arith.constant 0 : i32
    %dma_wait3A_331 = tpu.memref_slice %arg8[%dma_wait3A_330] : memref<10000xi32, #tpu.memory_space<vmem>> -> memref<80xi32, #tpu.memory_space<vmem>>
    %dma_wait3A_332 = arith.constant 0 : i32
    %dma_wait3A_333 = arith.constant 0 : i32
    %dma_wait3A_334 = tpu.memref_slice %arg2[%dma_wait3A_332, %dma_wait3A_333] : memref<10000x64xi32, #tpu.memory_space<hbm>> -> memref<10000x64xi32, #tpu.memory_space<hbm>>
    tpu.wait_indirect_dma semaphore(%arg24 : memref<!tpu.dma_semaphore, #tpu.memory_space<semaphore_mem>>) src(%dma_wait3A_334 : memref<10000x64xi32, #tpu.memory_space<hbm>>) dst(%arg13 : memref<80x64xi32, #tpu.memory_space<vmem>>)
    %dma_wait3A_335 = arith.constant 0 : i32
    %dma_wait3A_336 = tpu.memref_slice %arg8[%dma_wait3A_335] : memref<10000xi32, #tpu.memory_space<vmem>> -> memref<80xi32, #tpu.memory_space<vmem>>
    %dma_wait3A_337 = arith.constant 0 : i32
    %dma_wait3A_338 = arith.constant 0 : i32
    %dma_wait3A_339 = tpu.memref_slice %arg2[%dma_wait3A_337, %dma_wait3A_338] : memref<10000x64xi32, #tpu.memory_space<hbm>> -> memref<10000x64xi32, #tpu.memory_space<hbm>>
    tpu.wait_indirect_dma semaphore(%arg27 : memref<!tpu.dma_semaphore, #tpu.memory_space<semaphore_mem>>) src(%dma_wait3A_339 : memref<10000x64xi32, #tpu.memory_space<hbm>>) dst(%arg16 : memref<80x64xi32, #tpu.memory_space<vmem>>)
    %dma_wait3A_340 = arith.constant 0 : i32
    %dma_wait3A_341 = tpu.memref_slice %arg8[%dma_wait3A_340] : memref<10000xi32, #tpu.memory_space<vmem>> -> memref<80xi32, #tpu.memory_space<vmem>>
    %dma_wait3A_342 = arith.constant 0 : i32
    %dma_wait3A_343 = arith.constant 0 : i32
    %dma_wait3A_344 = tpu.memref_slice %arg2[%dma_wait3A_342, %dma_wait3A_343] : memref<10000x64xi32, #tpu.memory_space<hbm>> -> memref<10000x64xi32, #tpu.memory_space<hbm>>
    tpu.wait_indirect_dma semaphore(%arg30 : memref<!tpu.dma_semaphore, #tpu.memory_space<semaphore_mem>>) src(%dma_wait3A_344 : memref<10000x64xi32, #tpu.memory_space<hbm>>) dst(%arg19 : memref<80x64xi32, #tpu.memory_space<vmem>>)
    %parallel_loop3A_345 = arith.constant 0 : i32
    %parallel_loop3A_346 = arith.constant 80 : i32
    %parallel_loop3A_347 = arith.constant 1 : i32
    scf.for %parallel_loop3A_623 = %parallel_loop3A_345 to %parallel_loop3A_346 step %parallel_loop3A_347  : i32 {
      %parallel_loop3A_624 = arith.index_cast %parallel_loop3A_623 : i32 to index
      %parallel_loop3A_625 = arith.constant 0 : index
      %parallel_loop3A_626 = tpu.vector_load %arg13[%parallel_loop3A_624, %parallel_loop3A_625] {strides = array<i32>} : memref<80x64xi32, #tpu.memory_space<vmem>>, vector<16xi32>,
      %parallel_loop3A_627 = vector.bitcast %parallel_loop3A_626 : vector<16xi32> to vector<32xbf16>
      %parallel_loop3A_628 = arith.index_cast %parallel_loop3A_623 : i32 to index
      %parallel_loop3A_629 = arith.constant 0 : index
      %parallel_loop3A_630 = tpu.vector_load %arg16[%parallel_loop3A_628, %parallel_loop3A_629] {strides = array<i32>} : memref<80x64xi32, #tpu.memory_space<vmem>>, vector<16xi32>,
      %parallel_loop3A_631 = vector.bitcast %parallel_loop3A_630 : vector<16xi32> to vector<32xbf16>
      %parallel_loop3A_632 = arith.index_cast %parallel_loop3A_623 : i32 to index
      %parallel_loop3A_633 = arith.constant 0 : index
      %parallel_loop3A_634 = tpu.vector_load %arg19[%parallel_loop3A_632, %parallel_loop3A_633] {strides = array<i32>} : memref<80x64xi32, #tpu.memory_space<vmem>>, vector<16xi32>,
      %parallel_loop3A_635 = vector.bitcast %parallel_loop3A_634 : vector<16xi32> to vector<32xbf16>
      %parallel_loop3A_636 = arith.mulf %parallel_loop3A_627, %parallel_loop3A_631 : vector<32xbf16>
      %parallel_loop3A_637 = arith.mulf %parallel_loop3A_636, %parallel_loop3A_635 : vector<32xbf16>
      %parallel_loop3A_638 = arith.index_cast %parallel_loop3A_623 : i32 to index
      %parallel_loop3A_639 = arith.constant 16 : index
      %parallel_loop3A_640 = tpu.vector_load %arg13[%parallel_loop3A_638, %parallel_loop3A_639] {strides = array<i32>} : memref<80x64xi32, #tpu.memory_space<vmem>>, vector<16xi32>,
      %parallel_loop3A_641 = vector.bitcast %parallel_loop3A_640 : vector<16xi32> to vector<32xbf16>
      %parallel_loop3A_642 = arith.index_cast %parallel_loop3A_623 : i32 to index
      %parallel_loop3A_643 = arith.constant 16 : index
      %parallel_loop3A_644 = tpu.vector_load %arg16[%parallel_loop3A_642, %parallel_loop3A_643] {strides = array<i32>} : memref<80x64xi32, #tpu.memory_space<vmem>>, vector<16xi32>,
      %parallel_loop3A_645 = vector.bitcast %parallel_loop3A_644 : vector<16xi32> to vector<32xbf16>
      %parallel_loop3A_646 = arith.index_cast %parallel_loop3A_623 : i32 to index
      %parallel_loop3A_647 = arith.constant 16 : index
      %parallel_loop3A_648 = tpu.vector_load %arg19[%parallel_loop3A_646, %parallel_loop3A_647] {strides = array<i32>} : memref<80x64xi32, #tpu.memory_space<vmem>>, vector<16xi32>,
      %parallel_loop3A_649 = vector.bitcast %parallel_loop3A_648 : vector<16xi32> to vector<32xbf16>
      %parallel_loop3A_650 = arith.mulf %parallel_loop3A_641, %parallel_loop3A_645 : vector<32xbf16>
      %parallel_loop3A_651 = arith.mulf %parallel_loop3A_650, %parallel_loop3A_649 : vector<32xbf16>
      %parallel_loop3A_652 = arith.index_cast %parallel_loop3A_623 : i32 to index
      %parallel_loop3A_653 = arith.constant 32 : index
      %parallel_loop3A_654 = tpu.vector_load %arg13[%parallel_loop3A_652, %parallel_loop3A_653] {strides = array<i32>} : memref<80x64xi32, #tpu.memory_space<vmem>>, vector<16xi32>,
      %parallel_loop3A_655 = vector.bitcast %parallel_loop3A_654 : vector<16xi32> to vector<32xbf16>
      %parallel_loop3A_656 = arith.index_cast %parallel_loop3A_623 : i32 to index
      %parallel_loop3A_657 = arith.constant 32 : index
      %parallel_loop3A_658 = tpu.vector_load %arg16[%parallel_loop3A_656, %parallel_loop3A_657] {strides = array<i32>} : memref<80x64xi32, #tpu.memory_space<vmem>>, vector<16xi32>,
      %parallel_loop3A_659 = vector.bitcast %parallel_loop3A_658 : vector<16xi32> to vector<32xbf16>
      %parallel_loop3A_660 = arith.index_cast %parallel_loop3A_623 : i32 to index
      %parallel_loop3A_661 = arith.constant 32 : index
      %parallel_loop3A_662 = tpu.vector_load %arg19[%parallel_loop3A_660, %parallel_loop3A_661] {strides = array<i32>} : memref<80x64xi32, #tpu.memory_space<vmem>>, vector<16xi32>,
      %parallel_loop3A_663 = vector.bitcast %parallel_loop3A_662 : vector<16xi32> to vector<32xbf16>
      %parallel_loop3A_664 = arith.mulf %parallel_loop3A_655, %parallel_loop3A_659 : vector<32xbf16>
      %parallel_loop3A_665 = arith.mulf %parallel_loop3A_664, %parallel_loop3A_663 : vector<32xbf16>
      %parallel_loop3A_666 = arith.index_cast %parallel_loop3A_623 : i32 to index
      %parallel_loop3A_667 = arith.constant 48 : index
      %parallel_loop3A_668 = tpu.vector_load %arg13[%parallel_loop3A_666, %parallel_loop3A_667] {strides = array<i32>} : memref<80x64xi32, #tpu.memory_space<vmem>>, vector<16xi32>,
      %parallel_loop3A_669 = vector.bitcast %parallel_loop3A_668 : vector<16xi32> to vector<32xbf16>
      %parallel_loop3A_670 = arith.index_cast %parallel_loop3A_623 : i32 to index
      %parallel_loop3A_671 = arith.constant 48 : index
      %parallel_loop3A_672 = tpu.vector_load %arg16[%parallel_loop3A_670, %parallel_loop3A_671] {strides = array<i32>} : memref<80x64xi32, #tpu.memory_space<vmem>>, vector<16xi32>,
      %parallel_loop3A_673 = vector.bitcast %parallel_loop3A_672 : vector<16xi32> to vector<32xbf16>
      %parallel_loop3A_674 = arith.index_cast %parallel_loop3A_623 : i32 to index
      %parallel_loop3A_675 = arith.constant 48 : index
      %parallel_loop3A_676 = tpu.vector_load %arg19[%parallel_loop3A_674, %parallel_loop3A_675] {strides = array<i32>} : memref<80x64xi32, #tpu.memory_space<vmem>>, vector<16xi32>,
      %parallel_loop3A_677 = vector.bitcast %parallel_loop3A_676 : vector<16xi32> to vector<32xbf16>
      %parallel_loop3A_678 = arith.mulf %parallel_loop3A_669, %parallel_loop3A_673 : vector<32xbf16>
      %parallel_loop3A_679 = arith.mulf %parallel_loop3A_678, %parallel_loop3A_677 : vector<32xbf16>
      %parallel_loop3A_680 = arith.addf %parallel_loop3A_637, %parallel_loop3A_651 : vector<32xbf16>
      %parallel_loop3A_681 = tpu.unpack_subelements %parallel_loop3A_680, 0 {pack_format = #tpu.pack_format<interleaved>} : vector<32xbf16> -> vector<16xf32>
      %parallel_loop3A_682 = tpu.unpack_subelements %parallel_loop3A_680, 1 {pack_format = #tpu.pack_format<interleaved>} : vector<32xbf16> -> vector<16xf32>
      %parallel_loop3A_683 = arith.addf %parallel_loop3A_665, %parallel_loop3A_679 : vector<32xbf16>
      %parallel_loop3A_684 = tpu.unpack_subelements %parallel_loop3A_683, 0 {pack_format = #tpu.pack_format<interleaved>} : vector<32xbf16> -> vector<16xf32>
      %parallel_loop3A_685 = tpu.unpack_subelements %parallel_loop3A_683, 1 {pack_format = #tpu.pack_format<interleaved>} : vector<32xbf16> -> vector<16xf32>
      %parallel_loop3A_686 = vector.broadcast %parallel_loop3A_623 : i32 to vector<16xi32>
      %parallel_loop3A_687 = arith.addi %mul3A_7, %parallel_loop3A_686 : vector<16xi32>
      %parallel_loop3A_688 = arith.addf %parallel_loop3A_681, %parallel_loop3A_682 : vector<16xf32>
      %parallel_loop3A_689 = arith.addf %parallel_loop3A_684, %parallel_loop3A_685 : vector<16xf32>
      %parallel_loop3A_690 = arith.addf %parallel_loop3A_688, %parallel_loop3A_689 : vector<16xf32>
      tpu.vector_store_idx %arg22[%parallel_loop3A_687], %parallel_loop3A_690 : memref<1296xf32, #tpu.memory_space<vmem>>[vector<16xi32>], vector<16xf32>,
    } {sc.loop_unroll_factor = 4 : i64, sc.parallel_access}
    %broadcast_in_dim3A_348 = arith.constant 0.000000e+00 : f32
    %broadcast_in_dim3A_349 = vector.broadcast %broadcast_in_dim3A_348 : f32 to vector<16xf32>
    %get3A_350 = arith.constant 0 : index
    %get3A_351 = tpu.vector_load %arg22[%get3A_350] {strides = array<i32>} : memref<1296xf32, #tpu.memory_space<vmem>>, vector<16xf32>,
    %add3A_352 = arith.addf %broadcast_in_dim3A_349, %get3A_351 : vector<16xf32>
    %get3A_353 = arith.constant 81 : index
    %get3A_354 = tpu.vector_load %arg22[%get3A_353] {strides = array<i32>} : memref<1296xf32, #tpu.memory_space<vmem>>, vector<16xf32>,
    %add3A_355 = arith.addf %broadcast_in_dim3A_349, %get3A_354 : vector<16xf32>
    %get3A_356 = arith.constant 162 : index
    %get3A_357 = tpu.vector_load %arg22[%get3A_356] {strides = array<i32>} : memref<1296xf32, #tpu.memory_space<vmem>>, vector<16xf32>,
    %add3A_358 = arith.addf %broadcast_in_dim3A_349, %get3A_357 : vector<16xf32>
    %get3A_359 = arith.constant 243 : index
    %get3A_360 = tpu.vector_load %arg22[%get3A_359] {strides = array<i32>} : memref<1296xf32, #tpu.memory_space<vmem>>, vector<16xf32>,
    %add3A_361 = arith.addf %broadcast_in_dim3A_349, %get3A_360 : vector<16xf32>
    %get3A_362 = arith.constant 324 : index
    %get3A_363 = tpu.vector_load %arg22[%get3A_362] {strides = array<i32>} : memref<1296xf32, #tpu.memory_space<vmem>>, vector<16xf32>,
    %add3A_364 = arith.addf %add3A_352, %get3A_363 : vector<16xf32>
    %get3A_365 = arith.constant 405 : index
    %get3A_366 = tpu.vector_load %arg22[%get3A_365] {strides = array<i32>} : memref<1296xf32, #tpu.memory_space<vmem>>, vector<16xf32>,
    %add3A_367 = arith.addf %add3A_355, %get3A_366 : vector<16xf32>
    %get3A_368 = arith.constant 486 : index
    %get3A_369 = tpu.vector_load %arg22[%get3A_368] {strides = array<i32>} : memref<1296xf32, #tpu.memory_space<vmem>>, vector<16xf32>,
    %add3A_370 = arith.addf %add3A_358, %get3A_369 : vector<16xf32>
    %get3A_371 = arith.constant 567 : index
    %get3A_372 = tpu.vector_load %arg22[%get3A_371] {strides = array<i32>} : memref<1296xf32, #tpu.memory_space<vmem>>, vector<16xf32>,
    %add3A_373 = arith.addf %add3A_361, %get3A_372 : vector<16xf32>
    %get3A_374 = arith.constant 648 : index
    %get3A_375 = tpu.vector_load %arg22[%get3A_374] {strides = array<i32>} : memref<1296xf32, #tpu.memory_space<vmem>>, vector<16xf32>,
    %add3A_376 = arith.addf %add3A_364, %get3A_375 : vector<16xf32>
    %get3A_377 = arith.constant 729 : index
    %get3A_378 = tpu.vector_load %arg22[%get3A_377] {strides = array<i32>} : memref<1296xf32, #tpu.memory_space<vmem>>, vector<16xf32>,
    %add3A_379 = arith.addf %add3A_367, %get3A_378 : vector<16xf32>
    %get3A_380 = arith.constant 810 : index
    %get3A_381 = tpu.vector_load %arg22[%get3A_380] {strides = array<i32>} : memref<1296xf32, #tpu.memory_space<vmem>>, vector<16xf32>,
    %add3A_382 = arith.addf %add3A_370, %get3A_381 : vector<16xf32>
    %get3A_383 = arith.constant 891 : index
    %get3A_384 = tpu.vector_load %arg22[%get3A_383] {strides = array<i32>} : memref<1296xf32, #tpu.memory_space<vmem>>, vector<16xf32>,
    %add3A_385 = arith.addf %add3A_373, %get3A_384 : vector<16xf32>
    %get3A_386 = arith.constant 972 : index
    %get3A_387 = tpu.vector_load %arg22[%get3A_386] {strides = array<i32>} : memref<1296xf32, #tpu.memory_space<vmem>>, vector<16xf32>,
    %add3A_388 = arith.addf %add3A_376, %get3A_387 : vector<16xf32>
    %get3A_389 = arith.constant 1053 : index
    %get3A_390 = tpu.vector_load %arg22[%get3A_389] {strides = array<i32>} : memref<1296xf32, #tpu.memory_space<vmem>>, vector<16xf32>,
    %add3A_391 = arith.addf %add3A_379, %get3A_390 : vector<16xf32>
    %get3A_392 = arith.constant 1134 : index
    %get3A_393 = tpu.vector_load %arg22[%get3A_392] {strides = array<i32>} : memref<1296xf32, #tpu.memory_space<vmem>>, vector<16xf32>,
    %add3A_394 = arith.addf %add3A_382, %get3A_393 : vector<16xf32>
    %get3A_395 = arith.constant 1215 : index
    %get3A_396 = tpu.vector_load %arg22[%get3A_395] {strides = array<i32>} : memref<1296xf32, #tpu.memory_space<vmem>>, vector<16xf32>,
    %add3A_397 = arith.addf %add3A_385, %get3A_396 : vector<16xf32>
    %add3A_398 = arith.addf %add3A_388, %add3A_391 : vector<16xf32>
    %add3A_399 = arith.addf %add3A_394, %add3A_397 : vector<16xf32>
    %add3A_400 = arith.addf %add3A_398, %add3A_399 : vector<16xf32>
    %swap3A_401 = arith.constant 9920 : index
    %swap3A_402 = tpu.vector_load %arg21[%swap3A_401] {strides = array<i32>} : memref<10000xf32, #tpu.memory_space<vmem>>, vector<16xf32>,
    tpu.vector_store %arg21[%swap3A_401], %add3A_400 {strides = array<i32>} : memref<10000xf32, #tpu.memory_space<vmem>>, vector<16xf32>,
    %broadcast_in_dim3A_403 = arith.constant 0.000000e+00 : f32
    %broadcast_in_dim3A_404 = vector.broadcast %broadcast_in_dim3A_403 : f32 to vector<16xf32>
    %get3A_405 = arith.constant 16 : index
    %get3A_406 = tpu.vector_load %arg22[%get3A_405] {strides = array<i32>} : memref<1296xf32, #tpu.memory_space<vmem>>, vector<16xf32>,
    %add3A_407 = arith.addf %broadcast_in_dim3A_404, %get3A_406 : vector<16xf32>
    %get3A_408 = arith.constant 97 : index
    %get3A_409 = tpu.vector_load %arg22[%get3A_408] {strides = array<i32>} : memref<1296xf32, #tpu.memory_space<vmem>>, vector<16xf32>,
    %add3A_410 = arith.addf %broadcast_in_dim3A_404, %get3A_409 : vector<16xf32>
    %get3A_411 = arith.constant 178 : index
    %get3A_412 = tpu.vector_load %arg22[%get3A_411] {strides = array<i32>} : memref<1296xf32, #tpu.memory_space<vmem>>, vector<16xf32>,
    %add3A_413 = arith.addf %broadcast_in_dim3A_404, %get3A_412 : vector<16xf32>
    %get3A_414 = arith.constant 259 : index
    %get3A_415 = tpu.vector_load %arg22[%get3A_414] {strides = array<i32>} : memref<1296xf32, #tpu.memory_space<vmem>>, vector<16xf32>,
    %add3A_416 = arith.addf %broadcast_in_dim3A_404, %get3A_415 : vector<16xf32>
    %get3A_417 = arith.constant 340 : index
    %get3A_418 = tpu.vector_load %arg22[%get3A_417] {strides = array<i32>} : memref<1296xf32, #tpu.memory_space<vmem>>, vector<16xf32>,
    %add3A_419 = arith.addf %add3A_407, %get3A_418 : vector<16xf32>
    %get3A_420 = arith.constant 421 : index
    %get3A_421 = tpu.vector_load %arg22[%get3A_420] {strides = array<i32>} : memref<1296xf32, #tpu.memory_space<vmem>>, vector<16xf32>,
    %add3A_422 = arith.addf %add3A_410, %get3A_421 : vector<16xf32>
    %get3A_423 = arith.constant 502 : index
    %get3A_424 = tpu.vector_load %arg22[%get3A_423] {strides = array<i32>} : memref<1296xf32, #tpu.memory_space<vmem>>, vector<16xf32>,
    %add3A_425 = arith.addf %add3A_413, %get3A_424 : vector<16xf32>
    %get3A_426 = arith.constant 583 : index
    %get3A_427 = tpu.vector_load %arg22[%get3A_426] {strides = array<i32>} : memref<1296xf32, #tpu.memory_space<vmem>>, vector<16xf32>,
    %add3A_428 = arith.addf %add3A_416, %get3A_427 : vector<16xf32>
    %get3A_429 = arith.constant 664 : index
    %get3A_430 = tpu.vector_load %arg22[%get3A_429] {strides = array<i32>} : memref<1296xf32, #tpu.memory_space<vmem>>, vector<16xf32>,
    %add3A_431 = arith.addf %add3A_419, %get3A_430 : vector<16xf32>
    %get3A_432 = arith.constant 745 : index
    %get3A_433 = tpu.vector_load %arg22[%get3A_432] {strides = array<i32>} : memref<1296xf32, #tpu.memory_space<vmem>>, vector<16xf32>,
    %add3A_434 = arith.addf %add3A_422, %get3A_433 : vector<16xf32>
    %get3A_435 = arith.constant 826 : index
    %get3A_436 = tpu.vector_load %arg22[%get3A_435] {strides = array<i32>} : memref<1296xf32, #tpu.memory_space<vmem>>, vector<16xf32>,
    %add3A_437 = arith.addf %add3A_425, %get3A_436 : vector<16xf32>
    %get3A_438 = arith.constant 907 : index
    %get3A_439 = tpu.vector_load %arg22[%get3A_438] {strides = array<i32>} : memref<1296xf32, #tpu.memory_space<vmem>>, vector<16xf32>,
    %add3A_440 = arith.addf %add3A_428, %get3A_439 : vector<16xf32>
    %get3A_441 = arith.constant 988 : index
    %get3A_442 = tpu.vector_load %arg22[%get3A_441] {strides = array<i32>} : memref<1296xf32, #tpu.memory_space<vmem>>, vector<16xf32>,
    %add3A_443 = arith.addf %add3A_431, %get3A_442 : vector<16xf32>
    %get3A_444 = arith.constant 1069 : index
    %get3A_445 = tpu.vector_load %arg22[%get3A_444] {strides = array<i32>} : memref<1296xf32, #tpu.memory_space<vmem>>, vector<16xf32>,
    %add3A_446 = arith.addf %add3A_434, %get3A_445 : vector<16xf32>
    %get3A_447 = arith.constant 1150 : index
    %get3A_448 = tpu.vector_load %arg22[%get3A_447] {strides = array<i32>} : memref<1296xf32, #tpu.memory_space<vmem>>, vector<16xf32>,
    %add3A_449 = arith.addf %add3A_437, %get3A_448 : vector<16xf32>
    %get3A_450 = arith.constant 1231 : index
    %get3A_451 = tpu.vector_load %arg22[%get3A_450] {strides = array<i32>} : memref<1296xf32, #tpu.memory_space<vmem>>, vector<16xf32>,
    %add3A_452 = arith.addf %add3A_440, %get3A_451 : vector<16xf32>
    %add3A_453 = arith.addf %add3A_443, %add3A_446 : vector<16xf32>
    %add3A_454 = arith.addf %add3A_449, %add3A_452 : vector<16xf32>
    %add3A_455 = arith.addf %add3A_453, %add3A_454 : vector<16xf32>
    %swap3A_456 = arith.constant 9936 : index
    %swap3A_457 = tpu.vector_load %arg21[%swap3A_456] {strides = array<i32>} : memref<10000xf32, #tpu.memory_space<vmem>>, vector<16xf32>,
    tpu.vector_store %arg21[%swap3A_456], %add3A_455 {strides = array<i32>} : memref<10000xf32, #tpu.memory_space<vmem>>, vector<16xf32>,
    %broadcast_in_dim3A_458 = arith.constant 0.000000e+00 : f32
    %broadcast_in_dim3A_459 = vector.broadcast %broadcast_in_dim3A_458 : f32 to vector<16xf32>
    %get3A_460 = arith.constant 32 : index
    %get3A_461 = tpu.vector_load %arg22[%get3A_460] {strides = array<i32>} : memref<1296xf32, #tpu.memory_space<vmem>>, vector<16xf32>,
    %add3A_462 = arith.addf %broadcast_in_dim3A_459, %get3A_461 : vector<16xf32>
    %get3A_463 = arith.constant 113 : index
    %get3A_464 = tpu.vector_load %arg22[%get3A_463] {strides = array<i32>} : memref<1296xf32, #tpu.memory_space<vmem>>, vector<16xf32>,
    %add3A_465 = arith.addf %broadcast_in_dim3A_459, %get3A_464 : vector<16xf32>
    %get3A_466 = arith.constant 194 : index
    %get3A_467 = tpu.vector_load %arg22[%get3A_466] {strides = array<i32>} : memref<1296xf32, #tpu.memory_space<vmem>>, vector<16xf32>,
    %add3A_468 = arith.addf %broadcast_in_dim3A_459, %get3A_467 : vector<16xf32>
    %get3A_469 = arith.constant 275 : index
    %get3A_470 = tpu.vector_load %arg22[%get3A_469] {strides = array<i32>} : memref<1296xf32, #tpu.memory_space<vmem>>, vector<16xf32>,
    %add3A_471 = arith.addf %broadcast_in_dim3A_459, %get3A_470 : vector<16xf32>
    %get3A_472 = arith.constant 356 : index
    %get3A_473 = tpu.vector_load %arg22[%get3A_472] {strides = array<i32>} : memref<1296xf32, #tpu.memory_space<vmem>>, vector<16xf32>,
    %add3A_474 = arith.addf %add3A_462, %get3A_473 : vector<16xf32>
    %get3A_475 = arith.constant 437 : index
    %get3A_476 = tpu.vector_load %arg22[%get3A_475] {strides = array<i32>} : memref<1296xf32, #tpu.memory_space<vmem>>, vector<16xf32>,
    %add3A_477 = arith.addf %add3A_465, %get3A_476 : vector<16xf32>
    %get3A_478 = arith.constant 518 : index
    %get3A_479 = tpu.vector_load %arg22[%get3A_478] {strides = array<i32>} : memref<1296xf32, #tpu.memory_space<vmem>>, vector<16xf32>,
    %add3A_480 = arith.addf %add3A_468, %get3A_479 : vector<16xf32>
    %get3A_481 = arith.constant 599 : index
    %get3A_482 = tpu.vector_load %arg22[%get3A_481] {strides = array<i32>} : memref<1296xf32, #tpu.memory_space<vmem>>, vector<16xf32>,
    %add3A_483 = arith.addf %add3A_471, %get3A_482 : vector<16xf32>
    %get3A_484 = arith.constant 680 : index
    %get3A_485 = tpu.vector_load %arg22[%get3A_484] {strides = array<i32>} : memref<1296xf32, #tpu.memory_space<vmem>>, vector<16xf32>,
    %add3A_486 = arith.addf %add3A_474, %get3A_485 : vector<16xf32>
    %get3A_487 = arith.constant 761 : index
    %get3A_488 = tpu.vector_load %arg22[%get3A_487] {strides = array<i32>} : memref<1296xf32, #tpu.memory_space<vmem>>, vector<16xf32>,
    %add3A_489 = arith.addf %add3A_477, %get3A_488 : vector<16xf32>
    %get3A_490 = arith.constant 842 : index
    %get3A_491 = tpu.vector_load %arg22[%get3A_490] {strides = array<i32>} : memref<1296xf32, #tpu.memory_space<vmem>>, vector<16xf32>,
    %add3A_492 = arith.addf %add3A_480, %get3A_491 : vector<16xf32>
    %get3A_493 = arith.constant 923 : index
    %get3A_494 = tpu.vector_load %arg22[%get3A_493] {strides = array<i32>} : memref<1296xf32, #tpu.memory_space<vmem>>, vector<16xf32>,
    %add3A_495 = arith.addf %add3A_483, %get3A_494 : vector<16xf32>
    %get3A_496 = arith.constant 1004 : index
    %get3A_497 = tpu.vector_load %arg22[%get3A_496] {strides = array<i32>} : memref<1296xf32, #tpu.memory_space<vmem>>, vector<16xf32>,
    %add3A_498 = arith.addf %add3A_486, %get3A_497 : vector<16xf32>
    %get3A_499 = arith.constant 1085 : index
    %get3A_500 = tpu.vector_load %arg22[%get3A_499] {strides = array<i32>} : memref<1296xf32, #tpu.memory_space<vmem>>, vector<16xf32>,
    %add3A_501 = arith.addf %add3A_489, %get3A_500 : vector<16xf32>
    %get3A_502 = arith.constant 1166 : index
    %get3A_503 = tpu.vector_load %arg22[%get3A_502] {strides = array<i32>} : memref<1296xf32, #tpu.memory_space<vmem>>, vector<16xf32>,
    %add3A_504 = arith.addf %add3A_492, %get3A_503 : vector<16xf32>
    %get3A_505 = arith.constant 1247 : index
    %get3A_506 = tpu.vector_load %arg22[%get3A_505] {strides = array<i32>} : memref<1296xf32, #tpu.memory_space<vmem>>, vector<16xf32>,
    %add3A_507 = arith.addf %add3A_495, %get3A_506 : vector<16xf32>
    %add3A_508 = arith.addf %add3A_498, %add3A_501 : vector<16xf32>
    %add3A_509 = arith.addf %add3A_504, %add3A_507 : vector<16xf32>
    %add3A_510 = arith.addf %add3A_508, %add3A_509 : vector<16xf32>
    %swap3A_511 = arith.constant 9952 : index
    %swap3A_512 = tpu.vector_load %arg21[%swap3A_511] {strides = array<i32>} : memref<10000xf32, #tpu.memory_space<vmem>>, vector<16xf32>,
    tpu.vector_store %arg21[%swap3A_511], %add3A_510 {strides = array<i32>} : memref<10000xf32, #tpu.memory_space<vmem>>, vector<16xf32>,
    %broadcast_in_dim3A_513 = arith.constant 0.000000e+00 : f32
    %broadcast_in_dim3A_514 = vector.broadcast %broadcast_in_dim3A_513 : f32 to vector<16xf32>
    %get3A_515 = arith.constant 48 : index
    %get3A_516 = tpu.vector_load %arg22[%get3A_515] {strides = array<i32>} : memref<1296xf32, #tpu.memory_space<vmem>>, vector<16xf32>,
    %add3A_517 = arith.addf %broadcast_in_dim3A_514, %get3A_516 : vector<16xf32>
    %get3A_518 = arith.constant 129 : index
    %get3A_519 = tpu.vector_load %arg22[%get3A_518] {strides = array<i32>} : memref<1296xf32, #tpu.memory_space<vmem>>, vector<16xf32>,
    %add3A_520 = arith.addf %broadcast_in_dim3A_514, %get3A_519 : vector<16xf32>
    %get3A_521 = arith.constant 210 : index
    %get3A_522 = tpu.vector_load %arg22[%get3A_521] {strides = array<i32>} : memref<1296xf32, #tpu.memory_space<vmem>>, vector<16xf32>,
    %add3A_523 = arith.addf %broadcast_in_dim3A_514, %get3A_522 : vector<16xf32>
    %get3A_524 = arith.constant 291 : index
    %get3A_525 = tpu.vector_load %arg22[%get3A_524] {strides = array<i32>} : memref<1296xf32, #tpu.memory_space<vmem>>, vector<16xf32>,
    %add3A_526 = arith.addf %broadcast_in_dim3A_514, %get3A_525 : vector<16xf32>
    %get3A_527 = arith.constant 372 : index
    %get3A_528 = tpu.vector_load %arg22[%get3A_527] {strides = array<i32>} : memref<1296xf32, #tpu.memory_space<vmem>>, vector<16xf32>,
    %add3A_529 = arith.addf %add3A_517, %get3A_528 : vector<16xf32>
    %get3A_530 = arith.constant 453 : index
    %get3A_531 = tpu.vector_load %arg22[%get3A_530] {strides = array<i32>} : memref<1296xf32, #tpu.memory_space<vmem>>, vector<16xf32>,
    %add3A_532 = arith.addf %add3A_520, %get3A_531 : vector<16xf32>
    %get3A_533 = arith.constant 534 : index
    %get3A_534 = tpu.vector_load %arg22[%get3A_533] {strides = array<i32>} : memref<1296xf32, #tpu.memory_space<vmem>>, vector<16xf32>,
    %add3A_535 = arith.addf %add3A_523, %get3A_534 : vector<16xf32>
    %get3A_536 = arith.constant 615 : index
    %get3A_537 = tpu.vector_load %arg22[%get3A_536] {strides = array<i32>} : memref<1296xf32, #tpu.memory_space<vmem>>, vector<16xf32>,
    %add3A_538 = arith.addf %add3A_526, %get3A_537 : vector<16xf32>
    %get3A_539 = arith.constant 696 : index
    %get3A_540 = tpu.vector_load %arg22[%get3A_539] {strides = array<i32>} : memref<1296xf32, #tpu.memory_space<vmem>>, vector<16xf32>,
    %add3A_541 = arith.addf %add3A_529, %get3A_540 : vector<16xf32>
    %get3A_542 = arith.constant 777 : index
    %get3A_543 = tpu.vector_load %arg22[%get3A_542] {strides = array<i32>} : memref<1296xf32, #tpu.memory_space<vmem>>, vector<16xf32>,
    %add3A_544 = arith.addf %add3A_532, %get3A_543 : vector<16xf32>
    %get3A_545 = arith.constant 858 : index
    %get3A_546 = tpu.vector_load %arg22[%get3A_545] {strides = array<i32>} : memref<1296xf32, #tpu.memory_space<vmem>>, vector<16xf32>,
    %add3A_547 = arith.addf %add3A_535, %get3A_546 : vector<16xf32>
    %get3A_548 = arith.constant 939 : index
    %get3A_549 = tpu.vector_load %arg22[%get3A_548] {strides = array<i32>} : memref<1296xf32, #tpu.memory_space<vmem>>, vector<16xf32>,
    %add3A_550 = arith.addf %add3A_538, %get3A_549 : vector<16xf32>
    %get3A_551 = arith.constant 1020 : index
    %get3A_552 = tpu.vector_load %arg22[%get3A_551] {strides = array<i32>} : memref<1296xf32, #tpu.memory_space<vmem>>, vector<16xf32>,
    %add3A_553 = arith.addf %add3A_541, %get3A_552 : vector<16xf32>
    %get3A_554 = arith.constant 1101 : index
    %get3A_555 = tpu.vector_load %arg22[%get3A_554] {strides = array<i32>} : memref<1296xf32, #tpu.memory_space<vmem>>, vector<16xf32>,
    %add3A_556 = arith.addf %add3A_544, %get3A_555 : vector<16xf32>
    %get3A_557 = arith.constant 1182 : index
    %get3A_558 = tpu.vector_load %arg22[%get3A_557] {strides = array<i32>} : memref<1296xf32, #tpu.memory_space<vmem>>, vector<16xf32>,
    %add3A_559 = arith.addf %add3A_547, %get3A_558 : vector<16xf32>
    %get3A_560 = arith.constant 1263 : index
    %get3A_561 = tpu.vector_load %arg22[%get3A_560] {strides = array<i32>} : memref<1296xf32, #tpu.memory_space<vmem>>, vector<16xf32>,
    %add3A_562 = arith.addf %add3A_550, %get3A_561 : vector<16xf32>
    %add3A_563 = arith.addf %add3A_553, %add3A_556 : vector<16xf32>
    %add3A_564 = arith.addf %add3A_559, %add3A_562 : vector<16xf32>
    %add3A_565 = arith.addf %add3A_563, %add3A_564 : vector<16xf32>
    %swap3A_566 = arith.constant 9968 : index
    %swap3A_567 = tpu.vector_load %arg21[%swap3A_566] {strides = array<i32>} : memref<10000xf32, #tpu.memory_space<vmem>>, vector<16xf32>,
    tpu.vector_store %arg21[%swap3A_566], %add3A_565 {strides = array<i32>} : memref<10000xf32, #tpu.memory_space<vmem>>, vector<16xf32>,
    %broadcast_in_dim3A_568 = arith.constant 0.000000e+00 : f32
    %broadcast_in_dim3A_569 = vector.broadcast %broadcast_in_dim3A_568 : f32 to vector<16xf32>
    %get3A_570 = arith.constant 64 : index
    %get3A_571 = tpu.vector_load %arg22[%get3A_570] {strides = array<i32>} : memref<1296xf32, #tpu.memory_space<vmem>>, vector<16xf32>,
    %add3A_572 = arith.addf %broadcast_in_dim3A_569, %get3A_571 : vector<16xf32>
    %get3A_573 = arith.constant 145 : index
    %get3A_574 = tpu.vector_load %arg22[%get3A_573] {strides = array<i32>} : memref<1296xf32, #tpu.memory_space<vmem>>, vector<16xf32>,
    %add3A_575 = arith.addf %broadcast_in_dim3A_569, %get3A_574 : vector<16xf32>
    %get3A_576 = arith.constant 226 : index
    %get3A_577 = tpu.vector_load %arg22[%get3A_576] {strides = array<i32>} : memref<1296xf32, #tpu.memory_space<vmem>>, vector<16xf32>,
    %add3A_578 = arith.addf %broadcast_in_dim3A_569, %get3A_577 : vector<16xf32>
    %get3A_579 = arith.constant 307 : index
    %get3A_580 = tpu.vector_load %arg22[%get3A_579] {strides = array<i32>} : memref<1296xf32, #tpu.memory_space<vmem>>, vector<16xf32>,
    %add3A_581 = arith.addf %broadcast_in_dim3A_569, %get3A_580 : vector<16xf32>
    %get3A_582 = arith.constant 388 : index
    %get3A_583 = tpu.vector_load %arg22[%get3A_582] {strides = array<i32>} : memref<1296xf32, #tpu.memory_space<vmem>>, vector<16xf32>,
    %add3A_584 = arith.addf %add3A_572, %get3A_583 : vector<16xf32>
    %get3A_585 = arith.constant 469 : index
    %get3A_586 = tpu.vector_load %arg22[%get3A_585] {strides = array<i32>} : memref<1296xf32, #tpu.memory_space<vmem>>, vector<16xf32>,
    %add3A_587 = arith.addf %add3A_575, %get3A_586 : vector<16xf32>
    %get3A_588 = arith.constant 550 : index
    %get3A_589 = tpu.vector_load %arg22[%get3A_588] {strides = array<i32>} : memref<1296xf32, #tpu.memory_space<vmem>>, vector<16xf32>,
    %add3A_590 = arith.addf %add3A_578, %get3A_589 : vector<16xf32>
    %get3A_591 = arith.constant 631 : index
    %get3A_592 = tpu.vector_load %arg22[%get3A_591] {strides = array<i32>} : memref<1296xf32, #tpu.memory_space<vmem>>, vector<16xf32>,
    %add3A_593 = arith.addf %add3A_581, %get3A_592 : vector<16xf32>
    %get3A_594 = arith.constant 712 : index
    %get3A_595 = tpu.vector_load %arg22[%get3A_594] {strides = array<i32>} : memref<1296xf32, #tpu.memory_space<vmem>>, vector<16xf32>,
    %add3A_596 = arith.addf %add3A_584, %get3A_595 : vector<16xf32>
    %get3A_597 = arith.constant 793 : index
    %get3A_598 = tpu.vector_load %arg22[%get3A_597] {strides = array<i32>} : memref<1296xf32, #tpu.memory_space<vmem>>, vector<16xf32>,
    %add3A_599 = arith.addf %add3A_587, %get3A_598 : vector<16xf32>
    %get3A_600 = arith.constant 874 : index
    %get3A_601 = tpu.vector_load %arg22[%get3A_600] {strides = array<i32>} : memref<1296xf32, #tpu.memory_space<vmem>>, vector<16xf32>,
    %add3A_602 = arith.addf %add3A_590, %get3A_601 : vector<16xf32>
    %get3A_603 = arith.constant 955 : index
    %get3A_604 = tpu.vector_load %arg22[%get3A_603] {strides = array<i32>} : memref<1296xf32, #tpu.memory_space<vmem>>, vector<16xf32>,
    %add3A_605 = arith.addf %add3A_593, %get3A_604 : vector<16xf32>
    %get3A_606 = arith.constant 1036 : index
    %get3A_607 = tpu.vector_load %arg22[%get3A_606] {strides = array<i32>} : memref<1296xf32, #tpu.memory_space<vmem>>, vector<16xf32>,
    %add3A_608 = arith.addf %add3A_596, %get3A_607 : vector<16xf32>
    %get3A_609 = arith.constant 1117 : index
    %get3A_610 = tpu.vector_load %arg22[%get3A_609] {strides = array<i32>} : memref<1296xf32, #tpu.memory_space<vmem>>, vector<16xf32>,
    %add3A_611 = arith.addf %add3A_599, %get3A_610 : vector<16xf32>
    %get3A_612 = arith.constant 1198 : index
    %get3A_613 = tpu.vector_load %arg22[%get3A_612] {strides = array<i32>} : memref<1296xf32, #tpu.memory_space<vmem>>, vector<16xf32>,
    %add3A_614 = arith.addf %add3A_602, %get3A_613 : vector<16xf32>
    %get3A_615 = arith.constant 1279 : index
    %get3A_616 = tpu.vector_load %arg22[%get3A_615] {strides = array<i32>} : memref<1296xf32, #tpu.memory_space<vmem>>, vector<16xf32>,
    %add3A_617 = arith.addf %add3A_605, %get3A_616 : vector<16xf32>
    %add3A_618 = arith.addf %add3A_608, %add3A_611 : vector<16xf32>
    %add3A_619 = arith.addf %add3A_614, %add3A_617 : vector<16xf32>
    %add3A_620 = arith.addf %add3A_618, %add3A_619 : vector<16xf32>
    %swap3A_621 = arith.constant 9984 : index
    %swap3A_622 = tpu.vector_load %arg21[%swap3A_621] {strides = array<i32>} : memref<10000xf32, #tpu.memory_space<vmem>>, vector<16xf32>,
    tpu.vector_store %arg21[%swap3A_621], %add3A_620 {strides = array<i32>} : memref<10000xf32, #tpu.memory_space<vmem>>, vector<16xf32>,
    "tpu.region"() ({
      %run_scoped3A = tpu.sem_alloc : memref<!tpu.dma_semaphore, #tpu.memory_space<semaphore_mem>>
      %dma_start3A_623 = tpu.memref_slice %arg7[%mul3A_2] : memref<320000xf32, #tpu.memory_space<hbm>> -> memref<10000xf32, #tpu.memory_space<hbm>>
      %dma_start3A_624 = tpu.memref_slice %arg7[%mul3A_2] : memref<320000xf32, #tpu.memory_space<hbm>> -> memref<10000xf32, #tpu.memory_space<hbm>>
      tpu.enqueue_dma source(%arg21 : memref<10000xf32, #tpu.memory_space<vmem>>) target(%dma_start3A_624 : memref<10000xf32, #tpu.memory_space<hbm>>) target_semaphore(%run_scoped3A : memref<!tpu.dma_semaphore, #tpu.memory_space<semaphore_mem>>)
      %dma_wait3A_625 = tpu.memref_slice %arg7[%mul3A_2] : memref<320000xf32, #tpu.memory_space<hbm>> -> memref<10000xf32, #tpu.memory_space<hbm>>
      %dma_wait3A_626 = tpu.memref_slice %arg7[%mul3A_2] : memref<320000xf32, #tpu.memory_space<hbm>> -> memref<10000xf32, #tpu.memory_space<hbm>>
      tpu.wait_dma2 semaphore(%run_scoped3A : memref<!tpu.dma_semaphore, #tpu.memory_space<semaphore_mem>>) src(%arg21 : memref<10000xf32, #tpu.memory_space<vmem>>) dst(%dma_wait3A_626 : memref<10000xf32, #tpu.memory_space<hbm>>)
      tpu.yield
    }) : () -> ()
    return
  }
}

</mosaic_0001>

<sc_bundles>
// kernel: kernel.3.cloned.1.call-start
scs
__scs_entry_jumppad:
0x0: {  	(pc) =	sbr.rel $0x88, $3  }
0x1: {  	(tag) =	ssettag $0x0;
	lr =	simm.s32 $0x1  }
0x2: {  	[smem:$0x3F9C] =	sst lr;
	_ =	strace $0xD0000000  }
0x3: {  	_ = 	snop  }
0x4: {  	_ = 	snop  }
0x5: {  	_ = 	snop  }
0x6: {  	_ = 	snop  }
0x7: {  	_ = 	snop  }
__scs_overlays_trampoline_lowered:
0x8: {  	[smem:$0x3FAB] =	sst s0  }
0x9: {  	[smem:$0x3FAC] =	sst s1  }
0xa: {  	[smem:$0x3FAD] =	sst s2  }
0xb: {  	[smem:$0x3FAE] =	sst s3  }
0xc: {  	[smem:$0x3FAF] =	sst s4  }
0xd: {  	[smem:$0x3FB0] =	sst s5  }
0xe: {  	[smem:$0x3FB1] =	sst s6  }
0xf: {  	[smem:$0x3FB2] =	sst s7  }
0x10: {  	[smem:$0x3FB3] =	sst s8  }
0x11: {  	[smem:$0x3FB4] =	sst s9;
	s0 =	simm.s32 @!p0 $0x0  }
0x12: {  	s1 =	sld [smem:$0x3F9A];
	s0 =	simm.s32 @p0 $0x1  }
0x13: {  	[smem:$0x3FB5] =	sst s0;
	s0 =	simm.s32 @!p1 $0x0  }
0x14: {  	s2 =	sld [smem:$0x3F99];
	s0 =	simm.s32 @p1 $0x1  }
0x15: {  	[smem:$0x3FB6] =	sst s0;
	s0 =	simm.s32 @!p2 $0x0  }
0x16: {  	s3 =	sld [smem:$0x3FDB];
	s0 =	simm.s32 @p2 $0x1  }
0x17: {  	s4 =	simm.s32 $0x1BF5;
	[smem:$0x3FB8] =	sst s0  }
0x18: {  	s0 =	sld [smem:$0x3F9B];
	_ =	swait.ge [sflag:s4], $0x0  }
0x19: {  	s7 =	sld [smem:$0x3F9C]  }
0x1a: {  	s8 =	sadd.s32 $0xFFFFE003, lr  }
0x1b: {  	s9 =	sadd.s32 $0xFFFFFEF7, lr;
	s5 =	simm.s32 $0xFFFFFFFF;
	p2 =	slt.u32 s8, $0xFFFFF086  }
0x1c: {  	p1 =	slt.u32 s9, $0xF7A;
	s5 =	simm.s32 @!p2 $0x0  }
0x1d: {  	s5 =	simm.s32 @p1 $0x1;
	p0 =	seq.s32 s7, s2  }
0x1e: {  	s7 =	smul.u32 @!p0 $0xF7A, s2;
	p2 =	seq.s32 @!p0 s5, $0x0  }
0x1f: {  	s9 =	smul.u32 $0xF7A, s1;
	s8 =	simm.s32 @!p0 $0x1BF5;
	p2 =	por !p2, p0  }
0x20: {  	[sflag:s8] =	ssyncset.s32 @!p0 $0xFFFFF086;
	s6 =	sadd.s32 @!p0 s3, s7;
	s7 =	simm.s32 @!p0 $0x108  }
0x21: {  	s3 =	sadd.s32 s3, s9;
	s6 =	sadd.s32 @!p0 $0x88, s6;
	s7 =	simm.s32 @p2 $0x1082  }
0x22: {  	[simem:s7], [sflag:s8] =	dma.local @!p0 [hbm:s6], $0xF7A  }
0x23: {  	s9 =	sor.u32 $0xD0000000, s2;
	s6 =	simm.s32 $0x108;
	_ =	swait.ge @!p0 [sflag:s8], $0x0  }
0x24: {  	s3 =	sadd.s32 $0x88, s3;
	s6 =	simm.s32 @!p1 $0x1082;
	[sflag:s4] =	ssyncset.s32 $0xFFFFF086  }
0x25: {  	[simem:s6], [sflag:s4] =	dma.local [hbm:s3], $0xF7A  }
0x26: {  	[smem:$0x3F9C] =	sst s1;
	(tag) =	ssettag s2;
	_ =	strace s9  }
0x27: {  	s1 =	sld [smem:$0x3FAC]  }
0x28: {  	s2 =	sld [smem:$0x3FAD]  }
0x29: {  	s4 =	sld [smem:$0x3FAF]  }
0x2a: {  	p0 =	seq.s32 s5, $0x0;
	s5 =	sld [smem:$0x3FB0]  }
0x2b: {  	s6 =	sld [smem:$0x3FB1]  }
0x2c: {  	s7 =	sld [smem:$0x3FB2]  }
0x2d: {  	s3 =	simm.s32 $0x108;
	s8 =	sld [smem:$0x3FB3]  }
0x2e: {  	s3 =	simm.s32 @!p0 $0x1082;
	s9 =	sld [smem:$0x3FB4]  }
0x2f: {  	lr =	sadd.s32 s0, s3;
	s0 =	sld [smem:$0x3FAB]  }
0x30: {  	s3 =	sld [smem:$0x3FAE]  }
0x31: {  	[smem:$0x3FB7] =	sst s10  }
0x32: {  	s10 =	sld [smem:$0x3FB5];
	_ =	sdelay $0x3  }
0x33: {  	p0 =	seq.s32 s10, $0x1;
	s10 =	sld [smem:$0x3FB7];
	_ =	sdelay $0x3  }
0x34: {  	[smem:$0x3FB7] =	sst s10  }
0x35: {  	s10 =	sld [smem:$0x3FB6];
	_ =	sdelay $0x3  }
0x36: {  	p1 =	seq.s32 s10, $0x1;
	s10 =	sld [smem:$0x3FB7];
	_ =	sdelay $0x3  }
0x37: {  	[smem:$0x3FB7] =	sst s10  }
0x38: {  	s10 =	sld [smem:$0x3FB8]  }
0x39: {  	_ = 	snop;
	(pc) =	sbr.ind lr, $3  }
0x3a: {  	_ = 	snop  }
0x3b: {  	_ = 	snop  }
0x3c: {  	p2 =	seq.s32 s10, $0x1;
	s10 =	sld [smem:$0x3FB7]  }
0x3d: {  	_ =	shalt  }
0x3e: {  	_ =	shalt  }
0x3f: {  	_ =	shalt  }
0x40: {  	_ =	shalt  }
0x41: {  	_ =	shalt  }
0x42: {  	_ =	shalt  }
0x43: {  	_ =	shalt  }
0x44: {  	_ =	shalt  }
0x45: {  	_ =	shalt  }
0x46: {  	_ =	shalt  }
0x47: {  	_ =	shalt  }
0x48: {  	_ =	shalt  }
0x49: {  	_ =	shalt  }
0x4a: {  	_ =	shalt  }
0x4b: {  	_ =	shalt  }
0x4c: {  	_ =	shalt  }
0x4d: {  	_ =	shalt  }
0x4e: {  	_ =	shalt  }
0x4f: {  	_ =	shalt  }
0x50: {  	_ =	shalt  }
0x51: {  	_ =	shalt  }
0x52: {  	_ =	shalt  }
0x53: {  	_ =	shalt  }
0x54: {  	_ =	shalt  }
0x55: {  	_ =	shalt  }
0x56: {  	_ =	shalt  }
0x57: {  	_ =	shalt  }
0x58: {  	_ =	shalt  }
0x59: {  	_ =	shalt  }
0x5a: {  	_ =	shalt  }
0x5b: {  	_ =	shalt  }
0x5c: {  	_ =	shalt  }
0x5d: {  	_ =	shalt  }
0x5e: {  	_ =	shalt  }
0x5f: {  	_ =	shalt  }
0x60: {  	_ =	shalt  }
0x61: {  	_ =	shalt  }
0x62: {  	_ =	shalt  }
0x63: {  	_ =	shalt  }
0x64: {  	_ =	shalt  }
0x65: {  	_ =	shalt  }
0x66: {  	_ =	shalt  }
0x67: {  	_ =	shalt  }
0x68: {  	_ =	shalt  }
0x69: {  	_ =	shalt  }
0x6a: {  	_ =	shalt  }
0x6b: {  	_ =	shalt  }
0x6c: {  	_ =	shalt  }
0x6d: {  	_ =	shalt  }
0x6e: {  	_ =	shalt  }
0x6f: {  	_ =	shalt  }
0x70: {  	_ =	shalt  }
0x71: {  	_ =	shalt  }
0x72: {  	_ =	shalt  }
0x73: {  	_ =	shalt  }
0x74: {  	_ =	shalt  }
0x75: {  	_ =	shalt  }
0x76: {  	_ =	shalt  }
0x77: {  	_ =	shalt  }
0x78: {  	_ =	shalt  }
0x79: {  	_ =	shalt  }
0x7a: {  	_ =	shalt  }
0x7b: {  	_ =	shalt  }
0x7c: {  	_ =	shalt  }
0x7d: {  	_ =	shalt  }
0x7e: {  	_ =	shalt  }
0x7f: {  	_ =	shalt  }
0x80: {  	_ =	shalt  }
0x81: {  	_ =	shalt  }
0x82: {  	_ =	shalt  }
0x83: {  	_ =	shalt  }
0x84: {  	_ =	shalt  }
0x85: {  	_ =	shalt  }
0x86: {  	_ =	shalt  }
0x87: {  	_ =	shalt  }
.Lfunc_end0:
.L_simem_size_0:
called_computation_lowered:
.L_overlay_start_0:
0x88: {  	s2 =	sld [smem:$0x3FD9]  }
0x89: {  	s3 =	sld [smem:$0x3FFE];
	_ =	sdelay $0x1  }
0x8a: {  	s1 =	srdreg.scid  }
0x8b: {  	s0 =	sand.u32 $0x1, s1  }
0x8c: {  	s17 =	sshll.u32 s0, $0xA;
	s2 =	sadd.s32 s3, s2  }
0x8d: {  	s2 =	sadd.s32 s2, s17  }
0x8e: {  	[smem:$0x3FC3] =	sst s2  }
0x8f: {  	_ = 	snop  }
0x90: {  	s2 =	sld [smem:$0x3FC7]  }
0x91: {  	s18 =	sld [smem:$0x3FC6]  }
0x92: {  	s4 =	sld [smem:$0x3FC5]  }
0x93: {  	s5 =	sld [smem:$0x3FD0];
	(tm) =	ssettm $0x1  }
0x94: {  	s6 =	sld [smem:$0x3FFB];
	_ =	sdelay $0x3  }
0x95: {  	_ =	strace s6  }
0x96: {  	s6 =	sld [smem:$0x3FFC];
	_ =	sdelay $0x3  }
0x97: {  	_ =	strace s6  }
0x98: {  	s6 =	sld [smem:$0x3FFD];
	_ =	sdelay $0x3  }
0x99: {  	_ =	strace s6  }
0x9a: {  	_ =	strace $0x8FFFFFFF  }
0x9b: {  	s19 =	sld [smem:$0x3FDB];
	_ =	sdelay $0x1  }
0x9c: {  	s7 =	simm.s32 $_scs_section_size  }
0x9d: {  	s8 =	simm.s32 $_size__tile_overlayer_lowered;
	s9 =	simm.s32 $_tile_overlayer_lowered  }
0x9e: {  	s22 =	simm.s32 $0x1BFF;
	s21 =	sshll.u32 s9, $0x1;
	s6 =	sadd.s32 s7, s19  }
0x9f: {  	s10 =	simm.s32 $0x0;
	s20 =	sshll.u32 s8, $0x1;
	s8 =	sadd.s32 s21, s6  }
0xa0: {  	[timem:s10], [sflag:s22] =	dma.local [hbm:s8], s20  }
0xa1: {  	_ =	swait.ge [sflag:s22], s20  }
0xa2: {  	s7 =	ssub.s32 $0x0, s20;
	[sflag:s22] =	ssyncset.done $0x0  }
0xa3: {  	[sflag:s22] =	ssyncadd.s32 s7;
	_ =	sdelay $0x1  }
0xa4: {  	s23 =	simm.s32 $0x1B8B  }
0xa5: {  	_ =	swait.ge [sflag:s23], $0x1  }
0xa6: {  	[sflag:s23] =	ssyncset.done $0x0  }
0xa7: {  	s25 =	simm.s32 $0x1B8E;
	s24 =	sld [smem:$0x3FFE];
	[sflag:s23] =	ssyncadd.s32 $0xFFFFFFFF  }
0xa8: {  	s26 =	simm.s32 $execute0_lowered;
	[smem:$0x3FD2] =	sst s25  }
0xa9: {  	s8 =	sshll.u32 s26, $0x1;
	_ =	strace $0x80000046;
	[dreg:$0x1] =	wrdreg $0xFFFFFFFF  }
0xaa: {  	s28 =	simm.s32 $_size_execute0_lowered;
	s6 =	sadd.s32 s6, s8;
	[dreg:$0x0] =	wrdreg $0x0  }
0xab: {  	s8 =	sshll.u32 s28, $0x1;
	[dreg:$0x2] =	wrdreg s6  }
0xac: {  	[dreg:$0x3] =	wrdreg s8  }
0xad: {  	[dreg:$0x4] =	wrdreg $0xC0  }
0xae: {  	_ =	task [dreg:s10], $0x5FFFF  }
0xaf: {  	[dreg:$0x1] =	wrdreg $0xFFFFFFFF  }
0xb0: {  	[dreg:$0x0] =	wrdreg $0x60  }
0xb1: {  	[dreg:$0x2] =	wrdreg s24  }
0xb2: {  	[dreg:$0x3] =	wrdreg s2  }
0xb3: {  	[dreg:$0x4] =	wrdreg s18  }
0xb4: {  	[dreg:$0x5] =	wrdreg s4  }
0xb5: {  	[dreg:$0x6] =	wrdreg s5  }
0xb6: {  	[dreg:$0x7] =	wrdreg $0x75300  }
0xb7: {  	[dreg:$0x8] =	wrdreg $0x9  }
0xb8: {  	_ =	task.clear_ibuf [dreg:s10], $0x9FFFF;
	_ =	strace $0x90000046  }
0xb9: {  	s29 =	simm.s32 $0x9;
	_ =	strace $0x80000048  }
0xba: {  	_ =	swait.ge [sflag:s29], $0x1  }
0xbb: {  	[sflag:s29] =	ssyncadd.s32 $0xFFFFFFFF  }
0xbc: {  	_ =	strace $0x90000048  }
0xbd: {  	_ =	sfence  }
0xbe: {  	s30 =	sld [smem:$0x0];
	_ =	sdelay $0x2  }
0xbf: {  	s31 =	sshll.u32 s1, $0xD;
	s1 =	sshrl.u32 s1, $0x2  }
0xc0: {  	s3 =	sand.u32 $0x4000, s31;
	s1 =	sadd.s32 s1, s30  }
0xc1: {  	s0 =	sor.u32 s3, s0;
	s1 =	sshll.u32 s1, $0x11  }
0xc2: {  	s0 =	sor.u32 s1, s0  }
0xc3: {  	s0 =	sadd.s32 $0x8F2B, s0  }
0xc4: {  	[sflag:s0] =	ssyncadd.remote.s32 $0x1  }
0xc5: {  	_ =	sfence.sel $0xFFFF  }
0xc6: {  	[dreg:$0x0] =	wrdreg $0xFFFFFFFF;
	(pc) =	sbr.abs _section_cstart, $3  }
0xc7: {  	[dreg:$0x1] =	wrdreg $0xFFFFFFFF  }
0xc8: {  	_ =	task.clear_ibuf [dreg:s10], $0x2FFFF;
	_ =	strace $0x9FFFFFFF  }
0xc9: {  	(tm) =	ssettm $0x7FFFFFFF  }
tec
execute0_lowered:
.L_overlay_start_1:
0x0: {  	(tag) =	ssettag $0x1  }
0x1: {  	s0 =	rddreg [dreg:$0x0]  }
0x2: {  	s1 =	rddreg [dreg:$0x1]  }
0x3: {  	s3 =	rddreg [dreg:$0x2]  }
0x4: {  	s4 =	rddreg [dreg:$0x3]  }
0x5: {  	s5 =	rddreg [dreg:$0x4]  }
0x6: {  	s6 =	srdreg.scid;
	s7 =	stileid.u32  }
0x7: {  	s2 =	rddreg [dreg:$0x5];
	s10 =	simm.s32 $0x0;
	s14 =	simm.s32 $0x50  }
0x8: {  	s15 =	simm.s32 $0x7630;
	s16 =	simm.s32 $0xB230;
	s17 =	simm.s32 $0xEE30  }
0x9: {  	s18 =	simm.s32 $0x8A30;
	s20 =	simm.s32 $0xC630;
	s22 =	simm.s32 $0x10230  }
0xa: {  	s28 =	simm.s32 $0xDA30;
	s29 =	simm.s32 $0x11630;
	s30 =	simm.s32 $0x15140  }
0xb: {  	s31 =	simm.s32 $0x2;
	s6 =	sand.u32 $0x1, s6;
	s8 =	sshll.u32 s7, $0x1  }
0xc: {  	s19 =	simm.s32 $0x8;
	s21 =	simm.s32 $0x3;
	s8 =	sor.u32 s6, s8  }
0xd: {  	s12 =	simm.s32 $0x9;
	[smem:$0x7FF] =	sst s10;
	s8 =	smul.u32 $0x4E2, s8  }
0xe: {  	s11 =	sadd.s32 $0x13A00, s0;
	p0 =	sne.s32 s7, $0x0;
	s6 =	ssub.s32 $0x2, s6  }
0xf: {  	_ =	strace $0x80000047;
	[dreg:$0x7] =	wrdreg s11;
	s1 =	sadd.s32 s1, s8  }
0x10: {  	s11 =	simm.s32 $0x6;
	s23 =	sadd.s32 s3, s8;
	[dreg:$0x8] =	wrdreg s1  }
0x11: {  	s9 =	sshrl.u32 s6, $0x1;
	s24 =	sadd.s32 s4, s8;
	[dreg:$0x9] =	wrdreg s23  }
0x12: {  	s6 =	ssub.s32 s6, s9;
	s25 =	sadd.s32 s5, s8;
	[dreg:$0xa] =	wrdreg s24  }
0x13: {  	s26 =	smax.u32 s6, $0x1;
	s4 =	simm.s32 $0xA;
	[dreg:$0xb] =	wrdreg s25  }
0x14: {  	s5 =	simm.s32 $0x0;
	[dreg:$0xc] =	wrdreg s26;
	s1 =	sshrl.u32 @!p0 s2, $0x3  }
0x15: {  	v0 =	vlaneseq.u32;
	s23 =	simm.s32 $0x1;
	s24 =	simm.s32 $0x4;
	s25 =	simm.s32 $0x7  }
0x16: {  	v0 =	vmul.u32 $0x51, v0;
	s26 =	simm.s32 $0x9E30;
	[dreg:$0xd] =	wrdreg s1;
	s1 =	simm.s32 $0x5  }
.LBB2_1:
0x17: {  	[dreg:$0xe] =	wrdreg s5  }
0x18: {  	s3 =	rddreg [dreg:$0x8]  }
0x19: {  	[tilespmem:s10], [sflag:$0xA] =	stream.linear.gather [hbm4b:s3+s10], $0x2710, $0x38;
	[tilespmem:$0x15650] =	vst v63  }
0x1a: {  	_ =	swait.ge [sflag:s4], $0x2710  }
0x1b: {  	[sflag:s4] =	ssyncset.done $0x0  }
0x1c: {  	s8 =	simm.s32 $0x2710;
	s7 =	rddreg [dreg:$0x9];
	[sflag:s4] =	ssyncadd.s32 $0xFFFFD8F0  }
0x1d: {  	[tilespmem:s8], [sflag:$0xA] =	stream.linear.gather [hbm4b:s7+s10], $0x2710, $0x38;
	[tilespmem:$0x15650] =	vst v63  }
0x1e: {  	_ =	swait.ge [sflag:s4], $0x2710  }
0x1f: {  	[sflag:s4] =	ssyncset.done $0x0  }
0x20: {  	s6 =	simm.s32 $0x4E20;
	s9 =	rddreg [dreg:$0xa];
	[sflag:s4] =	ssyncadd.s32 $0xFFFFD8F0  }
0x21: {  	[tilespmem:s6], [sflag:$0xA] =	stream.linear.gather [hbm4b:s9+s10], $0x2710, $0x38;
	[tilespmem:$0x15650] =	vst v63  }
0x22: {  	_ =	swait.ge [sflag:s4], $0x2710  }
0x23: {  	[sflag:s4] =	ssyncset.done $0x0;
	s7 =	rddreg [dreg:$0xd]  }
0x24: {  	s3 =	simm.s32 @!p0 $0x1C0A;
	[sflag:s4] =	ssyncadd.s32 $0xFFFFD8F0;
	s4 =	rddreg [dreg:$0x7]  }
0x25: {  	[spmem:s7], [sflag:s3] =	dma.local @!p0 [hbm:s4], $0x200  }
0x26: {  	s3 =	simm.s32 @!p0 $0xA  }
0x27: {  	_ =	swait.ge @!p0 [sflag:s3], $0x200  }
0x28: {  	[sflag:s3] =	ssyncset.done @!p0 $0x0  }
0x29: {  	[sflag:s3] =	ssyncadd.s32 @!p0 $0xFFFFFE00  }
0x2a: {  	[bflag:$0x0] =	sbarrier.arrive $0xFFFF  }
0x2b: {  	[tilespmem:s15], [sflag:$0x1] =	stream.indirect.gather [hbm4b:s0+s14], $0x40, s10, s14, $0xb8;
	[tilespmem:$0x15650] =	vst v63  }
0x2c: {  	_ = 	snop  }
0x2d: {  	[tilespmem:s16], [sflag:$0x4] =	stream.indirect.gather [hbm4b:s0+s14], $0x40, s8, s14, $0xb8;
	[tilespmem:$0x15650] =	vst v63  }
0x2e: {  	_ = 	snop  }
0x2f: {  	[tilespmem:s17], [sflag:$0x7] =	stream.indirect.gather [spmem:s2], $0x40, s6, s14, $0xb8;
	[tilespmem:$0x15650] =	vst v63  }
0x30: {  	_ = 	snop  }
0x31: {  	[tilespmem:s18], [sflag:$0x2] =	stream.indirect.gather [hbm4b:s0+s14], $0x40, s14, s14, $0xb8;
	[tilespmem:$0x15650] =	vst v63  }
0x32: {  	s10 =	simm.s32 $0x2760  }
0x33: {  	[tilespmem:s20], [sflag:$0x5] =	stream.indirect.gather [hbm4b:s0+s14], $0x40, s10, s14, $0xb8;
	[tilespmem:$0x15650] =	vst v63  }
0x34: {  	s13 =	simm.s32 $0x4E70;
	s5 =	simm.s32 $0x0  }
0x35: {  	[tilespmem:s22], [sflag:$0x8] =	stream.indirect.gather [spmem:s2], $0x40, s13, s14, $0xb8;
	[tilespmem:$0x15650] =	vst v63  }
.LBB2_2:
0x36: {  	_ =	swait.ge [sflag:s23], $0x1400  }
0x37: {  	[sflag:s23] =	ssyncset.done $0x0  }
0x38: {  	[sflag:s23] =	ssyncadd.s32 $0xFFFFEC00  }
0x39: {  	_ =	swait.ge [sflag:s24], $0x1400  }
0x3a: {  	[sflag:s24] =	ssyncset.done $0x0  }
0x3b: {  	[sflag:s24] =	ssyncadd.s32 $0xFFFFEC00  }
0x3c: {  	s6 =	smul.u32 $0xF0, s5;
	_ =	swait.ge [sflag:s25], $0x1400  }
0x3d: {  	[sflag:s25] =	ssyncset.done $0x0  }
0x3e: {  	s7 =	sadd.s32 $0xA0, s6;
	[sflag:s25] =	ssyncadd.s32 $0xFFFFEC00  }
0x3f: {  	[tilespmem:s26], [sflag:$0x3] =	stream.indirect.gather [hbm4b:s0+s14], $0x40, s7, s14, $0xb8;
	[tilespmem:$0x15650] =	vst v63  }
0x40: {  	s3 =	sadd.s32 $0x27B0, s6  }
0x41: {  	[tilespmem:s28], [sflag:$0x6] =	stream.indirect.gather [hbm4b:s0+s14], $0x40, s3, s14, $0xb8;
	[tilespmem:$0x15650] =	vst v63  }
0x42: {  	s4 =	simm.s32 $0xEEB0;
	s13 =	sadd.s32 $0x4EC0, s6  }
0x43: {  	[tilespmem:s29], [sflag:$0x9] =	stream.indirect.gather [spmem:s2], $0x40, s13, s14, $0xb8;
	[tilespmem:$0x15650] =	vst v63  }
0x44: {  	v1 =	vld [tilespmem:s4+$0x40]  }
0x45: {  	s8 =	simm.s32 $0x76B0;
	v2 =	vld [tilespmem:s4+$0x50]  }
0x46: {  	s9 =	simm.s32 $0xB2B0;
	v3 =	vld [tilespmem:s8+$0x40]  }
0x47: {  	v4 =	vld [tilespmem:s9+$0x40]  }
0x48: {  	v5 =	vld [tilespmem:s8+$0x50]  }
0x49: {  	v6 =	vld [tilespmem:s9+$0x50]  }
0x4a: {  	v7 =	vld [tilespmem:s8+$0x60]  }
0x4b: {  	v8 =	vld [tilespmem:s9+$0x60]  }
0x4c: {  	v9 =	vld [tilespmem:s8+$0x70]  }
0x4d: {  	v10 =	vld [tilespmem:s9+$0x70]  }
0x4e: {  	v11 =	vld [tilespmem:s4+$0x60]  }
0x4f: {  	v12 =	vld [tilespmem:s4+$0x70]  }
0x50: {  	v13 =	vld [tilespmem:s9+$0xFFFFFF80]  }
0x51: {  	v14 =	vld [tilespmem:s8+$0xFFFFFF90]  }
0x52: {  	v15 =	vld [tilespmem:s9+$0xFFFFFF90]  }
0x53: {  	v16 =	vld [tilespmem:s8+$0xFFFFFFA0]  }
0x54: {  	v17 =	vld [tilespmem:s9+$0xFFFFFFA0]  }
0x55: {  	v18 =	vld [tilespmem:s8+$0xFFFFFFB0]  }
0x56: {  	v19 =	vld [tilespmem:s9+$0xFFFFFFB0]  }
0x57: {  	v20 =	vld [tilespmem:s8+$0xFFFFFFC0]  }
0x58: {  	v21 =	vld [tilespmem:s9+$0xFFFFFFC0]  }
0x59: {  	v22 =	vld [tilespmem:s8+$0xFFFFFFD0]  }
0x5a: {  	v23 =	vld [tilespmem:s9+$0xFFFFFFD0]  }
0x5b: {  	v24 =	vld [tilespmem:s8+$0xFFFFFFE0]  }
0x5c: {  	v25 =	vld [tilespmem:s9+$0xFFFFFFE0]  }
0x5d: {  	v26 =	vld [tilespmem:s8+$0xFFFFFFF0]  }
0x5e: {  	v27 =	vld [tilespmem:s9+$0xFFFFFFF0]  }
0x5f: {  	v28 =	vld [tilespmem:s8+$0x0]  }
0x60: {  	v29 =	vld [tilespmem:s9+$0x0]  }
0x61: {  	v30 =	vld [tilespmem:s8+$0x10]  }
0x62: {  	v31 =	vld [tilespmem:s9+$0x10]  }
0x63: {  	v32 =	vld [tilespmem:s8+$0x20]  }
0x64: {  	v52 =	vld [tilespmem:s4+$0xFFFFFFB0];
	v3 =	vmul.bf16 v4, v3  }
0x65: {  	v54 =	vld [tilespmem:s4+$0xFFFFFFC0];
	v5 =	vmul.bf16 v6, v5;
	v6 =	vmul.bf16 v8, v7  }
0x66: {  	v57 =	vld [tilespmem:s4+$0xFFFFFFE0];
	v8 =	vmul.bf16 v10, v9;
	v9 =	vmul.bf16 v15, v14  }
0x67: {  	v4 =	vld [tilespmem:s9+$0x20];
	v14 =	vmul.bf16 v23, v22;
	v53 =	vmul.bf16 v29, v28  }
0x68: {  	v7 =	vld [tilespmem:s8+$0x30];
	v1 =	vmul.bf16 v1, v3;
	v2 =	vmul.bf16 v2, v5  }
0x69: {  	v5 =	vmul.bf16 v11, v6;
	v6 =	vld [tilespmem:s8+$0xFFFFFF80];
	v8 =	vmul.bf16 v12, v8  }
0x6a: {  	v10 =	vld [tilespmem:s4+$0xFFFFFF80];
	v56 =	vmul.bf16 v31, v30;
	v11 =	vmul.bf16 v19, v18;
	v1 =	vadd.bf16 v2, v1  }
0x6b: {  	v12 =	vld [tilespmem:s4+$0xFFFFFF90];
	v2 =	vmul.bf16 v17, v16;
	v5 =	vadd.bf16 v8, v5;
	v8 =	vmul.bf16 v21, v20  }
0x6c: {  	v15 =	vld [tilespmem:s4+$0xFFFFFFA0];
	v17 =	vmul.bf16 v25, v24;
	v4 =	vmul.bf16 v4, v32  }
0x6d: {  	v3 =	vld [tilespmem:s9+$0x30];
	v16 =	vunpack.i.u.bf16.f32 v1;
	v1 =	vunpack.i.l.bf16.f32 v1;
	v55 =	vunpack.i.u.bf16.f32 v5  }
0x6e: {  	v5 =	vunpack.i.l.bf16.f32 v5;
	v17 =	vmul.bf16 v57, v17;
	v6 =	vmul.bf16 v13, v6;
	v13 =	vld [tilespmem:s4+$0xFFFFFFD0]  }
0x6f: {  	s10 =	simm.s32 $0x0;
	v1 =	vadd.f32 v1, v16;
	v16 =	vmul.bf16 v27, v26;
	v5 =	vadd.f32 v5, v55  }
0x70: {  	v58 =	vadd.s32 s10, v0;
	v9 =	vmul.bf16 v12, v9;
	v6 =	vmul.bf16 v10, v6;
	v10 =	vld [tilespmem:s4+$0xFFFFFFF0]  }
0x71: {  	s9 =	simm.s32 $0x3;
	v5 =	vadd.f32 v5, v1;
	v1 =	vmul.bf16 v15, v2;
	v2 =	vmul.bf16 v52, v11;
	v11 =	vld [tilespmem:s4+$0x0]  }
0x72: {  	v12 =	vadd.s32 s9, v0;
	v15 =	vmul.bf16 v3, v7;
	v7 =	vld [tilespmem:s4+$0x10];
	v3 =	vadd.bf16 v9, v6  }
0x73: {  	s13 =	simm.s32 $0x1;
	v6 =	vmul.bf16 v54, v8;
	v8 =	vadd.bf16 v2, v1;
	v9 =	vld [tilespmem:s4+$0x20];
	v13 =	vmul.bf16 v13, v14  }
0x74: {  	s8 =	simm.s32 $0xEFB0;
	v1 =	vadd.s32 s13, v0;
	v14 =	vld [tilespmem:s4+$0x30];
	v59 =	vunpack.i.u.bf16.f32 v3;
	v3 =	vunpack.i.l.bf16.f32 v3  }
0x75: {  	v2 =	vld [tilespmem:s8+$0x40];
	v10 =	vmul.bf16 v10, v16;
	v13 =	vadd.bf16 v13, v6;
	v16 =	vunpack.i.u.bf16.f32 v8  }
0x76: {  	s13 =	simm.s32 $0x77B0;
	v20 =	vadd.f32 v3, v59;
	v3 =	vld [tilespmem:s8+$0x50];
	v8 =	vunpack.i.l.bf16.f32 v8;
	v11 =	vmul.bf16 v11, v53  }
0x77: {  	s3 =	simm.s32 $0xB3B0;
	v6 =	vld [tilespmem:s13+$0x40];
	v60 =	vmul.bf16 v7, v56;
	v16 =	vadd.f32 v8, v16;
	v10 =	vadd.bf16 v10, v17  }
0x78: {  	v7 =	vld [tilespmem:s3+$0x40];
	v17 =	vunpack.i.u.bf16.f32 v13;
	v13 =	vunpack.i.l.bf16.f32 v13;
	v4 =	vmul.bf16 v9, v4  }
0x79: {  	v8 =	vld [tilespmem:s13+$0x50];
	v11 =	vadd.bf16 v60, v11;
	v14 =	vmul.bf16 v14, v15;
	v16 =	vadd.f32 v16, v20  }
0x7a: {  	v9 =	vld [tilespmem:s3+$0x50];
	v17 =	vadd.f32 v13, v17;
	v15 =	vunpack.i.u.bf16.f32 v10;
	v61 =	vunpack.i.l.bf16.f32 v10  }
0x7b: {  	v10 =	vld [tilespmem:s13+$0x60];
	v13 =	vunpack.i.u.bf16.f32 v11;
	v4 =	vadd.bf16 v14, v4;
	v14 =	vunpack.i.l.bf16.f32 v11  }
0x7c: {  	s10 =	simm.s32 $0x2;
	[tilespmem:v12+s30+$0x0] =	vst.idx.msk $0xffff, v5;
	v11 =	vld [tilespmem:s3+$0x60];
	v15 =	vadd.f32 v61, v15;
	v12 =	vadd.f32 v14, v13  }
0x7d: {  	v13 =	vld [tilespmem:s13+$0x70];
	v62 =	vunpack.i.u.bf16.f32 v4;
	v63 =	vunpack.i.l.bf16.f32 v4;
	v4 =	vadd.s32 s10, v0  }
0x7e: {  	s9 =	simm.s32 $0x4;
	[tilespmem:v58+s30+$0x0] =	vst.idx.msk $0xffff, v16;
	v14 =	vld [tilespmem:s3+$0x70];
	s10 =	simm.s32 $0x8;
	v5 =	vadd.f32 v15, v17;
	v15 =	vadd.f32 v63, v62  }
.LBB2_3:
0x7f: {  	p1 =	slt.u32 s10, $0x4C;
	v16 =	vld [tilespmem:s8+$0x60]  }
0x80: {  	v17 =	vld [tilespmem:s8+$0x70];
	[tilespmem:v1+s30+$0x0] =	vst.idx.msk $0xffff, v5;
	v1 =	vadd.f32 v15, v12  }
0x81: {  	v5 =	vld [tilespmem:s3+$0xFFFFFF80]  }
0x82: {  	v6 =	vmul.bf16 v7, v6;
	v7 =	vmul.bf16 v9, v8;
	v12 =	vld [tilespmem:s13+$0xFFFFFF90];
	[tilespmem:v4+s30+$0x0] =	vst.idx.msk $0xffff, v1  }
0x83: {  	v4 =	vmul.bf16 v11, v10;
	v1 =	vld [tilespmem:s3+$0xFFFFFF90];
	v8 =	vmul.bf16 v14, v13  }
0x84: {  	v2 =	vmul.bf16 v2, v6;
	v3 =	vmul.bf16 v3, v7;
	v9 =	vld [tilespmem:s13+$0xFFFFFFA0]  }
0x85: {  	v4 =	vmul.bf16 v16, v4;
	v6 =	vld [tilespmem:s3+$0xFFFFFFA0];
	v7 =	vmul.bf16 v17, v8  }
0x86: {  	v2 =	vadd.bf16 v3, v2;
	v8 =	vld [tilespmem:s13+$0xFFFFFFB0]  }
0x87: {  	s4 =	sadd.s32 $0x3, s9;
	v3 =	vld [tilespmem:s3+$0xFFFFFFB0];
	v4 =	vadd.bf16 v7, v4  }
0x88: {  	v11 =	vadd.s32 s4, v0;
	v10 =	vunpack.i.u.bf16.f32 v2;
	v1 =	vmul.bf16 v1, v12;
	v7 =	vld [tilespmem:s13+$0xFFFFFFC0]  }
0x89: {  	v2 =	vunpack.i.l.bf16.f32 v2;
	v12 =	vld [tilespmem:s3+$0xFFFFFFC0];
	v13 =	vunpack.i.u.bf16.f32 v4;
	v4 =	vunpack.i.l.bf16.f32 v4  }
0x8a: {  	v2 =	vadd.f32 v2, v10;
	v6 =	vmul.bf16 v6, v9;
	v9 =	vld [tilespmem:s13+$0xFFFFFFD0];
	v4 =	vadd.f32 v4, v13  }
0x8b: {  	v10 =	vld [tilespmem:s3+$0xFFFFFFD0]  }
0x8c: {  	v3 =	vmul.bf16 v3, v8;
	v8 =	vld [tilespmem:s13+$0xFFFFFFE0];
	v2 =	vadd.f32 v4, v2  }
0x8d: {  	v4 =	vld [tilespmem:s3+$0xFFFFFFE0]  }
0x8e: {  	v7 =	vmul.bf16 v12, v7;
	v12 =	vld [tilespmem:s13+$0xFFFFFFF0];
	[tilespmem:v11+s30+$0x0] =	vst.idx.msk $0xffff, v2  }
0x8f: {  	v2 =	vld [tilespmem:s3+$0xFFFFFFF0]  }
0x90: {  	v9 =	vmul.bf16 v10, v9;
	v10 =	vld [tilespmem:s13+$0x0]  }
0x91: {  	v11 =	vld [tilespmem:s3+$0x0]  }
0x92: {  	v4 =	vmul.bf16 v4, v8;
	v8 =	vld [tilespmem:s13+$0x10]  }
0x93: {  	v13 =	vld [tilespmem:s3+$0x10]  }
0x94: {  	v12 =	vmul.bf16 v2, v12;
	v2 =	vld [tilespmem:s13+$0x20]  }
0x95: {  	v14 =	vld [tilespmem:s3+$0x20]  }
0x96: {  	v10 =	vmul.bf16 v11, v10;
	v11 =	vld [tilespmem:s13+$0x30]  }
0x97: {  	v15 =	vld [tilespmem:s3+$0x30]  }
0x98: {  	v16 =	vld [tilespmem:s13+$0xFFFFFF80];
	v8 =	vmul.bf16 v13, v8  }
0x99: {  	v13 =	vld [tilespmem:s8+$0xFFFFFF80]  }
0x9a: {  	v17 =	vld [tilespmem:s8+$0xFFFFFF90];
	v14 =	vmul.bf16 v14, v2  }
0x9b: {  	v2 =	vld [tilespmem:s8+$0xFFFFFFA0]  }
0x9c: {  	v18 =	vld [tilespmem:s8+$0xFFFFFFB0];
	v11 =	vmul.bf16 v15, v11  }
0x9d: {  	v5 =	vmul.bf16 v5, v16;
	v15 =	vld [tilespmem:s8+$0xFFFFFFC0]  }
0x9e: {  	v16 =	vld [tilespmem:s8+$0xFFFFFFD0]  }
0x9f: {  	v5 =	vmul.bf16 v13, v5;
	v1 =	vmul.bf16 v17, v1;
	v13 =	vld [tilespmem:s8+$0xFFFFFFE0]  }
0xa0: {  	v2 =	vmul.bf16 v2, v6;
	v6 =	vld [tilespmem:s8+$0xFFFFFFF0]  }
0xa1: {  	v3 =	vmul.bf16 v18, v3;
	v1 =	vadd.bf16 v1, v5;
	v5 =	vld [tilespmem:s8+$0x0]  }
0xa2: {  	v17 =	vadd.s32 s9, v0;
	v7 =	vmul.bf16 v15, v7;
	v15 =	vld [tilespmem:s8+$0x10]  }
0xa3: {  	s4 =	sadd.s32 $0x1, s9;
	v18 =	vunpack.i.u.bf16.f32 v1;
	v19 =	vadd.bf16 v3, v2;
	v3 =	vmul.bf16 v16, v9;
	v9 =	vld [tilespmem:s8+$0x20]  }
0xa4: {  	v16 =	vunpack.i.l.bf16.f32 v1;
	v1 =	vadd.s32 s4, v0;
	v4 =	vmul.bf16 v13, v4;
	v13 =	vld [tilespmem:s8+$0x30];
	s8 =	sadd.s32 $0x100, s8  }
0xa5: {  	v2 =	vld [tilespmem:s8+$0x40];
	v20 =	vunpack.i.u.bf16.f32 v19;
	v12 =	vmul.bf16 v6, v12;
	v21 =	vadd.bf16 v3, v7  }
0xa6: {  	s13 =	sadd.s32 $0x100, s13;
	v16 =	vadd.f32 v16, v18;
	v19 =	vunpack.i.l.bf16.f32 v19;
	v3 =	vld [tilespmem:s8+$0x50];
	v5 =	vmul.bf16 v5, v10  }
0xa7: {  	s3 =	sadd.s32 $0x100, s3;
	v6 =	vld [tilespmem:s13+$0x40];
	v10 =	vunpack.i.u.bf16.f32 v21;
	v4 =	vadd.bf16 v12, v4;
	v12 =	vmul.bf16 v15, v8  }
0xa8: {  	v15 =	vadd.f32 v19, v20;
	v18 =	vunpack.i.l.bf16.f32 v21;
	v7 =	vld [tilespmem:s3+$0x40];
	v14 =	vmul.bf16 v9, v14  }
0xa9: {  	v8 =	vld [tilespmem:s13+$0x50];
	v19 =	vunpack.i.u.bf16.f32 v4;
	v11 =	vmul.bf16 v13, v11;
	v5 =	vadd.bf16 v12, v5  }
.Ltmp0:
0xaa: {  	v12 =	vadd.f32 v15, v16;
	v4 =	vunpack.i.l.bf16.f32 v4;
	v15 =	vadd.f32 v18, v10;
	v9 =	vld [tilespmem:s3+$0x50];
	(pc) =	sbr.rel @p1 .LBB2_3-.Ltmp0, $4  }
0xab: {  	v10 =	vld [tilespmem:s13+$0x60];
	v13 =	vunpack.i.u.bf16.f32 v5;
	v5 =	vunpack.i.l.bf16.f32 v5;
	v14 =	vadd.bf16 v11, v14  }
0xac: {  	s4 =	sadd.s32 $0x2, s9;
	s9 =	smov.u32 s10;
	v16 =	vadd.f32 v4, v19;
	v11 =	vld [tilespmem:s3+$0x60];
	[tilespmem:v17+s30+$0x0] =	vst.idx.msk $0xffff, v12;
	v12 =	vadd.f32 v5, v13  }
0xad: {  	v4 =	vadd.s32 s4, v0;
	v13 =	vld [tilespmem:s13+$0x70];
	v17 =	vunpack.i.u.bf16.f32 v14;
	v18 =	vunpack.i.l.bf16.f32 v14  }
0xae: {  	s10 =	sadd.s32 $0x4, s10;
	v5 =	vadd.f32 v16, v15;
	v14 =	vld [tilespmem:s3+$0x70];
	v15 =	vadd.f32 v18, v17  }
0xaf: {  	v16 =	vld [tilespmem:s8+$0x60]  }
0xb0: {  	v17 =	vld [tilespmem:s8+$0x70]  }
0xb1: {  	v18 =	vld [tilespmem:s3+$0xFFFFFF80]  }
0xb2: {  	v19 =	vld [tilespmem:s13+$0xFFFFFF90]  }
0xb3: {  	v20 =	vld [tilespmem:s3+$0xFFFFFF90]  }
0xb4: {  	v21 =	vld [tilespmem:s13+$0xFFFFFFA0]  }
0xb5: {  	v22 =	vld [tilespmem:s3+$0xFFFFFFA0]  }
0xb6: {  	v23 =	vld [tilespmem:s13+$0xFFFFFFB0]  }
0xb7: {  	v24 =	vld [tilespmem:s3+$0xFFFFFFB0]  }
0xb8: {  	v25 =	vld [tilespmem:s13+$0xFFFFFFC0]  }
0xb9: {  	v26 =	vld [tilespmem:s3+$0xFFFFFFC0]  }
0xba: {  	v27 =	vld [tilespmem:s13+$0xFFFFFFD0]  }
0xbb: {  	v28 =	vld [tilespmem:s3+$0xFFFFFFD0]  }
0xbc: {  	v29 =	vld [tilespmem:s13+$0xFFFFFFE0]  }
0xbd: {  	v30 =	vld [tilespmem:s3+$0xFFFFFFE0]  }
0xbe: {  	v31 =	vld [tilespmem:s13+$0xFFFFFFF0]  }
0xbf: {  	v32 =	vld [tilespmem:s3+$0xFFFFFFF0]  }
0xc0: {  	v33 =	vld [tilespmem:s13+$0x0]  }
0xc1: {  	v34 =	vld [tilespmem:s3+$0x0]  }
0xc2: {  	v35 =	vld [tilespmem:s13+$0x10]  }
0xc3: {  	v36 =	vld [tilespmem:s3+$0x10]  }
0xc4: {  	v37 =	vld [tilespmem:s13+$0x20];
	v6 =	vmul.bf16 v7, v6  }
0xc5: {  	v7 =	vmul.bf16 v9, v8;
	v8 =	vld [tilespmem:s3+$0x20]  }
0xc6: {  	v58 =	vld [tilespmem:s8+$0xFFFFFFB0];
	v9 =	vmul.bf16 v11, v10;
	v2 =	vmul.bf16 v2, v6  }
0xc7: {  	v11 =	vld [tilespmem:s13+$0x30];
	v3 =	vmul.bf16 v3, v7;
	v10 =	vmul.bf16 v14, v13  }
0xc8: {  	v12 =	vadd.f32 v15, v12;
	v6 =	vld [tilespmem:s3+$0x30];
	v7 =	vmul.bf16 v16, v9;
	v15 =	vmul.bf16 v22, v21  }
0xc9: {  	v2 =	vadd.bf16 v3, v2;
	v13 =	vld [tilespmem:s8+$0xFFFFFF90];
	v57 =	vmul.bf16 v26, v25;
	v59 =	vmul.bf16 v28, v27  }
0xca: {  	v16 =	vld [tilespmem:s8+$0xFFFFFFA0];
	v60 =	vmul.bf16 v30, v29;
	v9 =	vmul.bf16 v17, v10  }
0xcb: {  	v63 =	vmul.bf16 v34, v33;
	v30 =	vmul.bf16 v36, v35;
	v10 =	vld [tilespmem:s13+$0xFFFFFF80];
	v14 =	vunpack.i.u.bf16.f32 v2  }
0xcc: {  	v61 =	vld [tilespmem:s8+$0xFFFFFFC0];
	v2 =	vunpack.i.l.bf16.f32 v2;
	v7 =	vadd.bf16 v9, v7;
	v9 =	vmul.bf16 v20, v19  }
0xcd: {  	v3 =	vld [tilespmem:s8+$0xFFFFFF80];
	v17 =	vmul.bf16 v24, v23;
	v2 =	vadd.f32 v2, v14;
	v14 =	vmul.bf16 v32, v31  }
0xce: {  	v62 =	vld [tilespmem:s8+$0xFFFFFFD0];
	v6 =	vmul.bf16 v6, v11;
	v9 =	vmul.bf16 v13, v9  }
0xcf: {  	v31 =	vld [tilespmem:s8+$0xFFFFFFE0];
	v11 =	vmul.bf16 v16, v15;
	v13 =	vmul.bf16 v58, v17  }
0xd0: {  	s4 =	sadd.s32 $0x1, s9;
	v33 =	vld [tilespmem:s8+$0x20];
	v56 =	vunpack.i.u.bf16.f32 v7;
	v7 =	vunpack.i.l.bf16.f32 v7;
	v10 =	vmul.bf16 v18, v10  }
0xd1: {  	v36 =	vadd.s32 s4, v0;
	s13 =	sadd.s32 $0x3, s9;
	v7 =	vadd.f32 v7, v56;
	v11 =	vadd.bf16 v13, v11;
	v13 =	vld [tilespmem:s8+$0x30]  }
0xd2: {  	v32 =	vadd.s32 s13, v0;
	v16 =	vmul.bf16 v61, v57;
	v3 =	vmul.bf16 v3, v10;
	v10 =	vld [tilespmem:s8+$0xFFFFFFF0]  }
0xd3: {  	v17 =	vmul.bf16 v62, v59;
	v2 =	vadd.f32 v7, v2;
	v7 =	vmul.bf16 v8, v37;
	v8 =	vld [tilespmem:s8+$0x0]  }
0xd4: {  	v15 =	vadd.s32 s9, v0;
	v35 =	vmul.bf16 v31, v60;
	v3 =	vadd.bf16 v9, v3;
	v9 =	vld [tilespmem:s8+$0x10]  }
0xd5: {  	v16 =	vadd.bf16 v17, v16;
	v17 =	vunpack.i.u.bf16.f32 v11;
	v11 =	vunpack.i.l.bf16.f32 v11  }
0xd6: {  	v11 =	vadd.f32 v11, v17;
	v7 =	vmul.bf16 v33, v7;
	v6 =	vmul.bf16 v13, v6  }
0xd7: {  	v34 =	vunpack.i.u.bf16.f32 v3;
	v3 =	vunpack.i.l.bf16.f32 v3;
	v10 =	vmul.bf16 v10, v14  }
0xd8: {  	v3 =	vadd.f32 v3, v34;
	v8 =	vmul.bf16 v8, v63;
	v6 =	vadd.bf16 v6, v7  }
0xd9: {  	v14 =	vunpack.i.u.bf16.f32 v16;
	v16 =	vunpack.i.l.bf16.f32 v16;
	v9 =	vmul.bf16 v9, v30  }
0xda: {  	s10 =	sadd.s32 $0x2, s9;
	[tilespmem:v1+s30+$0x0] =	vst.idx.msk $0xffff, v5;
	v10 =	vadd.bf16 v10, v35;
	v3 =	vadd.f32 v11, v3;
	v1 =	vunpack.i.u.bf16.f32 v6  }
0xdb: {  	v5 =	vunpack.i.l.bf16.f32 v6;
	v6 =	vadd.s32 s10, v0;
	v8 =	vadd.bf16 v9, v8  }
0xdc: {  	v13 =	vunpack.i.u.bf16.f32 v10;
	v9 =	vunpack.i.l.bf16.f32 v10;
	v10 =	vadd.f32 v16, v14  }
0xdd: {  	v9 =	vadd.f32 v9, v13;
	v7 =	vunpack.i.u.bf16.f32 v8;
	v8 =	vunpack.i.l.bf16.f32 v8  }
0xde: {  	[tilespmem:v4+s30+$0x0] =	vst.idx.msk $0xffff, v12;
	v1 =	vadd.f32 v5, v1;
	v4 =	vadd.f32 v8, v7  }
0xdf: {  	[tilespmem:v32+s30+$0x0] =	vst.idx.msk $0xffff, v2;
	v2 =	vadd.f32 v9, v10  }
0xe0: {  	[tilespmem:v15+s30+$0x0] =	vst.idx.msk $0xffff, v3;
	v1 =	vadd.f32 v1, v4  }
0xe1: {  	[tilespmem:v36+s30+$0x0] =	vst.idx.msk $0xffff, v2  }
0xe2: {  	[tilespmem:v6+s30+$0x0] =	vst.idx.msk $0xffff, v1  }
0xe3: {  	v1 =	vld [tilespmem:$0x15140]  }
0xe4: {  	v2 =	vld [tilespmem:$0x15191]  }
0xe5: {  	v3 =	vld [tilespmem:$0x151E2]  }
0xe6: {  	v4 =	vld [tilespmem:$0x15233]  }
0xe7: {  	v5 =	vld [tilespmem:$0x15284]  }
0xe8: {  	v6 =	vld [tilespmem:$0x152D5]  }
0xe9: {  	v7 =	vld [tilespmem:$0x15326]  }
0xea: {  	v8 =	vld [tilespmem:$0x15377]  }
0xeb: {  	v9 =	vld [tilespmem:$0x153C8]  }
0xec: {  	v10 =	vld [tilespmem:$0x15419]  }
0xed: {  	v11 =	vld [tilespmem:$0x1546A]  }
0xee: {  	v12 =	vld [tilespmem:$0x154BB]  }
0xef: {  	v13 =	vld [tilespmem:$0x1550C]  }
0xf0: {  	v14 =	vld [tilespmem:$0x1555D];
	v1 =	vadd.f32 $0.0e+00, v1;
	v2 =	vadd.f32 $0.0e+00, v2  }
0xf1: {  	v15 =	vld [tilespmem:$0x155AE];
	v3 =	vadd.f32 $0.0e+00, v3;
	v4 =	vadd.f32 $0.0e+00, v4  }
0xf2: {  	v1 =	vadd.f32 v5, v1;
	v2 =	vadd.f32 v6, v2;
	v5 =	vld [tilespmem:$0x155FF]  }
0xf3: {  	v3 =	vadd.f32 v7, v3;
	v4 =	vadd.f32 v8, v4  }
0xf4: {  	v1 =	vadd.f32 v9, v1;
	v2 =	vadd.f32 v10, v2  }
0xf5: {  	v3 =	vadd.f32 v11, v3;
	v4 =	vadd.f32 v12, v4  }
0xf6: {  	v1 =	vadd.f32 v13, v1;
	v2 =	vadd.f32 v14, v2  }
0xf7: {  	v3 =	vadd.f32 v15, v3;
	v4 =	vadd.f32 v5, v4;
	_ =	sdelay $0x1  }
0xf8: {  	v1 =	vadd.f32 v2, v1;
	v2 =	vadd.f32 v4, v3;
	_ =	sdelay $0x1  }
0xf9: {  	v1 =	vadd.f32 v2, v1;
	_ =	sdelay $0x1  }
0xfa: {  	[tilespmem:s6+$0x12A30] =	vst v1  }
0xfb: {  	v1 =	vld [tilespmem:$0x15150]  }
0xfc: {  	v2 =	vld [tilespmem:$0x151A1]  }
0xfd: {  	v3 =	vld [tilespmem:$0x151F2]  }
0xfe: {  	v4 =	vld [tilespmem:$0x15243]  }
0xff: {  	v5 =	vld [tilespmem:$0x15294]  }
0x100: {  	v6 =	vld [tilespmem:$0x152E5]  }
0x101: {  	v7 =	vld [tilespmem:$0x15336]  }
0x102: {  	v8 =	vld [tilespmem:$0x15387]  }
0x103: {  	v9 =	vld [tilespmem:$0x153D8]  }
0x104: {  	v10 =	vld [tilespmem:$0x15429]  }
0x105: {  	v11 =	vld [tilespmem:$0x1547A]  }
0x106: {  	v12 =	vld [tilespmem:$0x154CB]  }
0x107: {  	v13 =	vld [tilespmem:$0x1551C]  }
0x108: {  	v14 =	vld [tilespmem:$0x1556D];
	v1 =	vadd.f32 $0.0e+00, v1;
	v2 =	vadd.f32 $0.0e+00, v2  }
0x109: {  	v15 =	vld [tilespmem:$0x155BE];
	v3 =	vadd.f32 $0.0e+00, v3;
	v4 =	vadd.f32 $0.0e+00, v4  }
0x10a: {  	v1 =	vadd.f32 v5, v1;
	v2 =	vadd.f32 v6, v2;
	v5 =	vld [tilespmem:$0x1560F]  }
0x10b: {  	v3 =	vadd.f32 v7, v3;
	v4 =	vadd.f32 v8, v4  }
0x10c: {  	v1 =	vadd.f32 v9, v1;
	v2 =	vadd.f32 v10, v2  }
0x10d: {  	v3 =	vadd.f32 v11, v3;
	v4 =	vadd.f32 v12, v4  }
0x10e: {  	v1 =	vadd.f32 v13, v1;
	v2 =	vadd.f32 v14, v2  }
0x10f: {  	v3 =	vadd.f32 v15, v3;
	v4 =	vadd.f32 v5, v4;
	_ =	sdelay $0x1  }
0x110: {  	v1 =	vadd.f32 v2, v1;
	v2 =	vadd.f32 v4, v3;
	_ =	sdelay $0x1  }
0x111: {  	v1 =	vadd.f32 v2, v1;
	_ =	sdelay $0x1  }
0x112: {  	[tilespmem:s6+$0x12A40] =	vst v1  }
0x113: {  	v1 =	vld [tilespmem:$0x15160]  }
0x114: {  	v2 =	vld [tilespmem:$0x151B1]  }
0x115: {  	v3 =	vld [tilespmem:$0x15202]  }
0x116: {  	v4 =	vld [tilespmem:$0x15253]  }
0x117: {  	v5 =	vld [tilespmem:$0x152A4]  }
0x118: {  	v6 =	vld [tilespmem:$0x152F5]  }
0x119: {  	v7 =	vld [tilespmem:$0x15346]  }
0x11a: {  	v8 =	vld [tilespmem:$0x15397]  }
0x11b: {  	v9 =	vld [tilespmem:$0x153E8]  }
0x11c: {  	v10 =	vld [tilespmem:$0x15439]  }
0x11d: {  	v11 =	vld [tilespmem:$0x1548A]  }
0x11e: {  	v12 =	vld [tilespmem:$0x154DB]  }
0x11f: {  	v13 =	vld [tilespmem:$0x1552C]  }
0x120: {  	v14 =	vld [tilespmem:$0x1557D];
	v1 =	vadd.f32 $0.0e+00, v1;
	v2 =	vadd.f32 $0.0e+00, v2  }
0x121: {  	v15 =	vld [tilespmem:$0x155CE];
	v3 =	vadd.f32 $0.0e+00, v3;
	v4 =	vadd.f32 $0.0e+00, v4  }
0x122: {  	v1 =	vadd.f32 v5, v1;
	v2 =	vadd.f32 v6, v2;
	v5 =	vld [tilespmem:$0x1561F]  }
0x123: {  	v3 =	vadd.f32 v7, v3;
	v4 =	vadd.f32 v8, v4  }
0x124: {  	v1 =	vadd.f32 v9, v1;
	v2 =	vadd.f32 v10, v2  }
0x125: {  	v3 =	vadd.f32 v11, v3;
	v4 =	vadd.f32 v12, v4  }
0x126: {  	v1 =	vadd.f32 v13, v1;
	v2 =	vadd.f32 v14, v2  }
0x127: {  	v3 =	vadd.f32 v15, v3;
	v4 =	vadd.f32 v5, v4;
	_ =	sdelay $0x1  }
0x128: {  	v1 =	vadd.f32 v2, v1;
	v2 =	vadd.f32 v4, v3;
	_ =	sdelay $0x1  }
0x129: {  	v1 =	vadd.f32 v2, v1;
	_ =	sdelay $0x1  }
0x12a: {  	[tilespmem:s6+$0x12A50] =	vst v1  }
0x12b: {  	v1 =	vld [tilespmem:$0x15170]  }
0x12c: {  	v2 =	vld [tilespmem:$0x151C1]  }
0x12d: {  	v3 =	vld [tilespmem:$0x15212]  }
0x12e: {  	v4 =	vld [tilespmem:$0x15263]  }
0x12f: {  	v5 =	vld [tilespmem:$0x152B4]  }
0x130: {  	v6 =	vld [tilespmem:$0x15305]  }
0x131: {  	v7 =	vld [tilespmem:$0x15356]  }
0x132: {  	v8 =	vld [tilespmem:$0x153A7]  }
0x133: {  	v9 =	vld [tilespmem:$0x153F8]  }
0x134: {  	v10 =	vld [tilespmem:$0x15449]  }
0x135: {  	v11 =	vld [tilespmem:$0x1549A]  }
0x136: {  	v12 =	vld [tilespmem:$0x154EB]  }
0x137: {  	v13 =	vld [tilespmem:$0x1553C]  }
0x138: {  	v14 =	vld [tilespmem:$0x1558D];
	v1 =	vadd.f32 $0.0e+00, v1;
	v2 =	vadd.f32 $0.0e+00, v2  }
0x139: {  	v15 =	vld [tilespmem:$0x155DE];
	v3 =	vadd.f32 $0.0e+00, v3;
	v4 =	vadd.f32 $0.0e+00, v4  }
0x13a: {  	v1 =	vadd.f32 v5, v1;
	v2 =	vadd.f32 v6, v2;
	v5 =	vld [tilespmem:$0x1562F]  }
0x13b: {  	v3 =	vadd.f32 v7, v3;
	v4 =	vadd.f32 v8, v4  }
0x13c: {  	v1 =	vadd.f32 v9, v1;
	v2 =	vadd.f32 v10, v2  }
0x13d: {  	v3 =	vadd.f32 v11, v3;
	v4 =	vadd.f32 v12, v4  }
0x13e: {  	v1 =	vadd.f32 v13, v1;
	v2 =	vadd.f32 v14, v2  }
0x13f: {  	v3 =	vadd.f32 v15, v3;
	v4 =	vadd.f32 v5, v4;
	_ =	sdelay $0x1  }
0x140: {  	v1 =	vadd.f32 v2, v1;
	v2 =	vadd.f32 v4, v3;
	_ =	sdelay $0x1  }
0x141: {  	v1 =	vadd.f32 v2, v1;
	_ =	sdelay $0x1  }
0x142: {  	[tilespmem:s6+$0x12A60] =	vst v1  }
0x143: {  	v1 =	vld [tilespmem:$0x15180]  }
0x144: {  	v2 =	vld [tilespmem:$0x151D1]  }
0x145: {  	v3 =	vld [tilespmem:$0x15222]  }
0x146: {  	v4 =	vld [tilespmem:$0x15273]  }
0x147: {  	v5 =	vld [tilespmem:$0x152C4]  }
0x148: {  	v6 =	vld [tilespmem:$0x15315]  }
0x149: {  	v7 =	vld [tilespmem:$0x15366]  }
0x14a: {  	v8 =	vld [tilespmem:$0x153B7]  }
0x14b: {  	v9 =	vld [tilespmem:$0x15408]  }
0x14c: {  	v10 =	vld [tilespmem:$0x15459]  }
0x14d: {  	v11 =	vld [tilespmem:$0x154AA]  }
0x14e: {  	v12 =	vld [tilespmem:$0x154FB]  }
0x14f: {  	v13 =	vld [tilespmem:$0x1554C]  }
0x150: {  	v14 =	vld [tilespmem:$0x1559D];
	v1 =	vadd.f32 $0.0e+00, v1;
	v2 =	vadd.f32 $0.0e+00, v2  }
0x151: {  	v15 =	vld [tilespmem:$0x155EE];
	v3 =	vadd.f32 $0.0e+00, v3;
	v4 =	vadd.f32 $0.0e+00, v4  }
0x152: {  	v1 =	vadd.f32 v5, v1;
	v2 =	vadd.f32 v6, v2;
	v5 =	vld [tilespmem:$0x1563F]  }
0x153: {  	v3 =	vadd.f32 v7, v3;
	v4 =	vadd.f32 v8, v4  }
0x154: {  	v1 =	vadd.f32 v9, v1;
	v2 =	vadd.f32 v10, v2  }
0x155: {  	v3 =	vadd.f32 v11, v3;
	v4 =	vadd.f32 v12, v4  }
0x156: {  	v1 =	vadd.f32 v13, v1;
	v2 =	vadd.f32 v14, v2  }
0x157: {  	v3 =	vadd.f32 v15, v3;
	v4 =	vadd.f32 v5, v4;
	_ =	sdelay $0x1  }
0x158: {  	v1 =	vadd.f32 v2, v1;
	v2 =	vadd.f32 v4, v3;
	_ =	sdelay $0x1  }
0x159: {  	v1 =	vadd.f32 v2, v1;
	_ =	sdelay $0x1  }
0x15a: {  	[tilespmem:s6+$0x12A70] =	vst v1  }
0x15b: {  	_ =	swait.ge [sflag:s31], $0x1400  }
0x15c: {  	[sflag:s31] =	ssyncset.done $0x0  }
0x15d: {  	[sflag:s31] =	ssyncadd.s32 $0xFFFFEC00  }
0x15e: {  	_ =	swait.ge [sflag:s1], $0x1400  }
0x15f: {  	[sflag:s1] =	ssyncset.done $0x0  }
0x160: {  	[sflag:s1] =	ssyncadd.s32 $0xFFFFEC00  }
0x161: {  	_ =	swait.ge [sflag:s19], $0x1400  }
0x162: {  	[sflag:s19] =	ssyncset.done $0x0  }
0x163: {  	s13 =	sadd.s32 $0xF0, s6;
	[sflag:s19] =	ssyncadd.s32 $0xFFFFEC00  }
0x164: {  	[tilespmem:s15], [sflag:$0x1] =	stream.indirect.gather [hbm4b:s0+s14], $0x40, s13, s14, $0xb8;
	[tilespmem:$0x15650] =	vst v63  }
0x165: {  	s4 =	sadd.s32 $0x2800, s6  }
0x166: {  	[tilespmem:s16], [sflag:$0x4] =	stream.indirect.gather [hbm4b:s0+s14], $0x40, s4, s14, $0xb8;
	[tilespmem:$0x15650] =	vst v63  }
0x167: {  	s3 =	simm.s32 $0x102B0;
	s8 =	sadd.s32 $0x4F10, s6  }
0x168: {  	[tilespmem:s17], [sflag:$0x7] =	stream.indirect.gather [spmem:s2], $0x40, s8, s14, $0xb8;
	[tilespmem:$0x15650] =	vst v63  }
0x169: {  	v1 =	vld [tilespmem:s3+$0x40]  }
0x16a: {  	s4 =	simm.s32 $0x8AB0;
	v2 =	vld [tilespmem:s3+$0x50]  }
0x16b: {  	s9 =	simm.s32 $0xC6B0;
	v3 =	vld [tilespmem:s4+$0x40]  }
0x16c: {  	v4 =	vld [tilespmem:s9+$0x40]  }
0x16d: {  	v5 =	vld [tilespmem:s4+$0x50]  }
0x16e: {  	v6 =	vld [tilespmem:s9+$0x50]  }
0x16f: {  	v7 =	vld [tilespmem:s4+$0x60]  }
0x170: {  	v8 =	vld [tilespmem:s9+$0x60]  }
0x171: {  	v9 =	vld [tilespmem:s4+$0x70]  }
0x172: {  	v10 =	vld [tilespmem:s9+$0x70]  }
0x173: {  	v11 =	vld [tilespmem:s3+$0x60]  }
0x174: {  	v12 =	vld [tilespmem:s3+$0x70]  }
0x175: {  	v13 =	vld [tilespmem:s9+$0xFFFFFF80]  }
0x176: {  	v14 =	vld [tilespmem:s4+$0xFFFFFF90]  }
0x177: {  	v15 =	vld [tilespmem:s9+$0xFFFFFF90]  }
0x178: {  	v16 =	vld [tilespmem:s4+$0xFFFFFFA0]  }
0x179: {  	v17 =	vld [tilespmem:s9+$0xFFFFFFA0]  }
0x17a: {  	v37 =	vld [tilespmem:s4+$0xFFFFFFB0]  }
0x17b: {  	v38 =	vld [tilespmem:s9+$0xFFFFFFB0]  }
0x17c: {  	v39 =	vld [tilespmem:s4+$0xFFFFFFC0]  }
0x17d: {  	v40 =	vld [tilespmem:s9+$0xFFFFFFC0]  }
0x17e: {  	v41 =	vld [tilespmem:s4+$0xFFFFFFD0]  }
0x17f: {  	v42 =	vld [tilespmem:s9+$0xFFFFFFD0]  }
0x180: {  	v43 =	vld [tilespmem:s4+$0xFFFFFFE0]  }
0x181: {  	v44 =	vld [tilespmem:s9+$0xFFFFFFE0]  }
0x182: {  	v45 =	vld [tilespmem:s4+$0xFFFFFFF0]  }
0x183: {  	v46 =	vld [tilespmem:s9+$0xFFFFFFF0]  }
0x184: {  	v47 =	vld [tilespmem:s4+$0x0]  }
0x185: {  	v48 =	vld [tilespmem:s9+$0x0]  }
0x186: {  	v49 =	vld [tilespmem:s4+$0x10]  }
0x187: {  	v50 =	vld [tilespmem:s9+$0x10]  }
0x188: {  	v51 =	vld [tilespmem:s4+$0x20]  }
0x189: {  	v52 =	vld [tilespmem:s3+$0xFFFFFFB0];
	v3 =	vmul.bf16 v4, v3  }
0x18a: {  	v54 =	vld [tilespmem:s3+$0xFFFFFFC0];
	v5 =	vmul.bf16 v6, v5;
	v6 =	vmul.bf16 v8, v7  }
0x18b: {  	v57 =	vld [tilespmem:s3+$0xFFFFFFE0];
	v8 =	vmul.bf16 v10, v9;
	v9 =	vmul.bf16 v15, v14  }
0x18c: {  	v4 =	vld [tilespmem:s9+$0x20];
	v14 =	vmul.bf16 v42, v41;
	v53 =	vmul.bf16 v48, v47  }
0x18d: {  	v7 =	vld [tilespmem:s4+$0x30];
	v1 =	vmul.bf16 v1, v3;
	v2 =	vmul.bf16 v2, v5  }
0x18e: {  	v5 =	vmul.bf16 v11, v6;
	v6 =	vld [tilespmem:s4+$0xFFFFFF80];
	v8 =	vmul.bf16 v12, v8  }
0x18f: {  	v10 =	vld [tilespmem:s3+$0xFFFFFF80];
	v56 =	vmul.bf16 v50, v49;
	v11 =	vmul.bf16 v38, v37;
	v1 =	vadd.bf16 v2, v1  }
0x190: {  	v12 =	vld [tilespmem:s3+$0xFFFFFF90];
	v2 =	vmul.bf16 v17, v16;
	v5 =	vadd.bf16 v8, v5;
	v8 =	vmul.bf16 v40, v39  }
0x191: {  	v15 =	vld [tilespmem:s3+$0xFFFFFFA0];
	v17 =	vmul.bf16 v44, v43;
	v4 =	vmul.bf16 v4, v51  }
0x192: {  	v3 =	vld [tilespmem:s9+$0x30];
	v16 =	vunpack.i.u.bf16.f32 v1;
	v1 =	vunpack.i.l.bf16.f32 v1;
	v55 =	vunpack.i.u.bf16.f32 v5  }
0x193: {  	v5 =	vunpack.i.l.bf16.f32 v5;
	v17 =	vmul.bf16 v57, v17;
	v6 =	vmul.bf16 v13, v6;
	v13 =	vld [tilespmem:s3+$0xFFFFFFD0]  }
0x194: {  	s13 =	simm.s32 $0x0;
	v1 =	vadd.f32 v1, v16;
	v16 =	vmul.bf16 v46, v45;
	v5 =	vadd.f32 v5, v55  }
0x195: {  	v58 =	vadd.s32 s13, v0;
	v9 =	vmul.bf16 v12, v9;
	v6 =	vmul.bf16 v10, v6;
	v10 =	vld [tilespmem:s3+$0xFFFFFFF0]  }
0x196: {  	s10 =	simm.s32 $0x3;
	v5 =	vadd.f32 v5, v1;
	v1 =	vmul.bf16 v15, v2;
	v2 =	vmul.bf16 v52, v11;
	v11 =	vld [tilespmem:s3+$0x0]  }
0x197: {  	v12 =	vadd.s32 s10, v0;
	v15 =	vmul.bf16 v3, v7;
	v7 =	vld [tilespmem:s3+$0x10];
	v3 =	vadd.bf16 v9, v6  }
0x198: {  	s9 =	simm.s32 $0x1;
	v6 =	vmul.bf16 v54, v8;
	v8 =	vadd.bf16 v2, v1;
	v9 =	vld [tilespmem:s3+$0x20];
	v13 =	vmul.bf16 v13, v14  }
0x199: {  	s8 =	simm.s32 $0x103B0;
	v1 =	vadd.s32 s9, v0;
	v14 =	vld [tilespmem:s3+$0x30];
	v59 =	vunpack.i.u.bf16.f32 v3;
	v3 =	vunpack.i.l.bf16.f32 v3  }
0x19a: {  	v2 =	vld [tilespmem:s8+$0x40];
	v10 =	vmul.bf16 v10, v16;
	v13 =	vadd.bf16 v13, v6;
	v16 =	vunpack.i.u.bf16.f32 v8  }
0x19b: {  	s13 =	simm.s32 $0x8BB0;
	v20 =	vadd.f32 v3, v59;
	v3 =	vld [tilespmem:s8+$0x50];
	v8 =	vunpack.i.l.bf16.f32 v8;
	v11 =	vmul.bf16 v11, v53  }
0x19c: {  	s3 =	simm.s32 $0xC7B0;
	v6 =	vld [tilespmem:s13+$0x40];
	v60 =	vmul.bf16 v7, v56;
	v16 =	vadd.f32 v8, v16;
	v10 =	vadd.bf16 v10, v17  }
0x19d: {  	v7 =	vld [tilespmem:s3+$0x40];
	v17 =	vunpack.i.u.bf16.f32 v13;
	v13 =	vunpack.i.l.bf16.f32 v13;
	v4 =	vmul.bf16 v9, v4  }
0x19e: {  	v8 =	vld [tilespmem:s13+$0x50];
	v11 =	vadd.bf16 v60, v11;
	v14 =	vmul.bf16 v14, v15;
	v16 =	vadd.f32 v16, v20  }
0x19f: {  	v9 =	vld [tilespmem:s3+$0x50];
	v17 =	vadd.f32 v13, v17;
	v15 =	vunpack.i.u.bf16.f32 v10;
	v61 =	vunpack.i.l.bf16.f32 v10  }
0x1a0: {  	v10 =	vld [tilespmem:s13+$0x60];
	v13 =	vunpack.i.u.bf16.f32 v11;
	v4 =	vadd.bf16 v14, v4;
	v14 =	vunpack.i.l.bf16.f32 v11  }
0x1a1: {  	s10 =	simm.s32 $0x2;
	[tilespmem:v12+s30+$0x0] =	vst.idx.msk $0xffff, v5;
	v11 =	vld [tilespmem:s3+$0x60];
	v15 =	vadd.f32 v61, v15;
	v12 =	vadd.f32 v14, v13  }
0x1a2: {  	v13 =	vld [tilespmem:s13+$0x70];
	v62 =	vunpack.i.u.bf16.f32 v4;
	v63 =	vunpack.i.l.bf16.f32 v4;
	v4 =	vadd.s32 s10, v0  }
0x1a3: {  	s9 =	simm.s32 $0x4;
	[tilespmem:v58+s30+$0x0] =	vst.idx.msk $0xffff, v16;
	v14 =	vld [tilespmem:s3+$0x70];
	s10 =	simm.s32 $0x8;
	v5 =	vadd.f32 v15, v17;
	v15 =	vadd.f32 v63, v62  }
.LBB2_5:
0x1a4: {  	p1 =	slt.u32 s10, $0x4C;
	v16 =	vld [tilespmem:s8+$0x60]  }
0x1a5: {  	v17 =	vld [tilespmem:s8+$0x70];
	[tilespmem:v1+s30+$0x0] =	vst.idx.msk $0xffff, v5;
	v1 =	vadd.f32 v15, v12  }
0x1a6: {  	v5 =	vld [tilespmem:s3+$0xFFFFFF80]  }
0x1a7: {  	v6 =	vmul.bf16 v7, v6;
	v7 =	vmul.bf16 v9, v8;
	v12 =	vld [tilespmem:s13+$0xFFFFFF90];
	[tilespmem:v4+s30+$0x0] =	vst.idx.msk $0xffff, v1  }
0x1a8: {  	v4 =	vmul.bf16 v11, v10;
	v1 =	vld [tilespmem:s3+$0xFFFFFF90];
	v8 =	vmul.bf16 v14, v13  }
0x1a9: {  	v2 =	vmul.bf16 v2, v6;
	v3 =	vmul.bf16 v3, v7;
	v9 =	vld [tilespmem:s13+$0xFFFFFFA0]  }
0x1aa: {  	v4 =	vmul.bf16 v16, v4;
	v6 =	vld [tilespmem:s3+$0xFFFFFFA0];
	v7 =	vmul.bf16 v17, v8  }
0x1ab: {  	v2 =	vadd.bf16 v3, v2;
	v8 =	vld [tilespmem:s13+$0xFFFFFFB0]  }
0x1ac: {  	s4 =	sadd.s32 $0x3, s9;
	v3 =	vld [tilespmem:s3+$0xFFFFFFB0];
	v4 =	vadd.bf16 v7, v4  }
0x1ad: {  	v11 =	vadd.s32 s4, v0;
	v10 =	vunpack.i.u.bf16.f32 v2;
	v1 =	vmul.bf16 v1, v12;
	v7 =	vld [tilespmem:s13+$0xFFFFFFC0]  }
0x1ae: {  	v2 =	vunpack.i.l.bf16.f32 v2;
	v12 =	vld [tilespmem:s3+$0xFFFFFFC0];
	v13 =	vunpack.i.u.bf16.f32 v4;
	v4 =	vunpack.i.l.bf16.f32 v4  }
0x1af: {  	v2 =	vadd.f32 v2, v10;
	v6 =	vmul.bf16 v6, v9;
	v9 =	vld [tilespmem:s13+$0xFFFFFFD0];
	v4 =	vadd.f32 v4, v13  }
0x1b0: {  	v10 =	vld [tilespmem:s3+$0xFFFFFFD0]  }
0x1b1: {  	v3 =	vmul.bf16 v3, v8;
	v8 =	vld [tilespmem:s13+$0xFFFFFFE0];
	v2 =	vadd.f32 v4, v2  }
0x1b2: {  	v4 =	vld [tilespmem:s3+$0xFFFFFFE0]  }
0x1b3: {  	v7 =	vmul.bf16 v12, v7;
	v12 =	vld [tilespmem:s13+$0xFFFFFFF0];
	[tilespmem:v11+s30+$0x0] =	vst.idx.msk $0xffff, v2  }
0x1b4: {  	v2 =	vld [tilespmem:s3+$0xFFFFFFF0]  }
0x1b5: {  	v9 =	vmul.bf16 v10, v9;
	v10 =	vld [tilespmem:s13+$0x0]  }
0x1b6: {  	v11 =	vld [tilespmem:s3+$0x0]  }
0x1b7: {  	v4 =	vmul.bf16 v4, v8;
	v8 =	vld [tilespmem:s13+$0x10]  }
0x1b8: {  	v13 =	vld [tilespmem:s3+$0x10]  }
0x1b9: {  	v12 =	vmul.bf16 v2, v12;
	v2 =	vld [tilespmem:s13+$0x20]  }
0x1ba: {  	v14 =	vld [tilespmem:s3+$0x20]  }
0x1bb: {  	v10 =	vmul.bf16 v11, v10;
	v11 =	vld [tilespmem:s13+$0x30]  }
0x1bc: {  	v15 =	vld [tilespmem:s3+$0x30]  }
0x1bd: {  	v16 =	vld [tilespmem:s13+$0xFFFFFF80];
	v8 =	vmul.bf16 v13, v8  }
0x1be: {  	v13 =	vld [tilespmem:s8+$0xFFFFFF80]  }
0x1bf: {  	v17 =	vld [tilespmem:s8+$0xFFFFFF90];
	v14 =	vmul.bf16 v14, v2  }
0x1c0: {  	v2 =	vld [tilespmem:s8+$0xFFFFFFA0]  }
0x1c1: {  	v18 =	vld [tilespmem:s8+$0xFFFFFFB0];
	v11 =	vmul.bf16 v15, v11  }
0x1c2: {  	v5 =	vmul.bf16 v5, v16;
	v15 =	vld [tilespmem:s8+$0xFFFFFFC0]  }
0x1c3: {  	v16 =	vld [tilespmem:s8+$0xFFFFFFD0]  }
0x1c4: {  	v5 =	vmul.bf16 v13, v5;
	v1 =	vmul.bf16 v17, v1;
	v13 =	vld [tilespmem:s8+$0xFFFFFFE0]  }
0x1c5: {  	v2 =	vmul.bf16 v2, v6;
	v6 =	vld [tilespmem:s8+$0xFFFFFFF0]  }
0x1c6: {  	v3 =	vmul.bf16 v18, v3;
	v1 =	vadd.bf16 v1, v5;
	v5 =	vld [tilespmem:s8+$0x0]  }
0x1c7: {  	v17 =	vadd.s32 s9, v0;
	v7 =	vmul.bf16 v15, v7;
	v15 =	vld [tilespmem:s8+$0x10]  }
0x1c8: {  	s4 =	sadd.s32 $0x1, s9;
	v18 =	vunpack.i.u.bf16.f32 v1;
	v19 =	vadd.bf16 v3, v2;
	v3 =	vmul.bf16 v16, v9;
	v9 =	vld [tilespmem:s8+$0x20]  }
0x1c9: {  	v16 =	vunpack.i.l.bf16.f32 v1;
	v1 =	vadd.s32 s4, v0;
	v4 =	vmul.bf16 v13, v4;
	v13 =	vld [tilespmem:s8+$0x30];
	s8 =	sadd.s32 $0x100, s8  }
0x1ca: {  	v2 =	vld [tilespmem:s8+$0x40];
	v20 =	vunpack.i.u.bf16.f32 v19;
	v12 =	vmul.bf16 v6, v12;
	v21 =	vadd.bf16 v3, v7  }
0x1cb: {  	s13 =	sadd.s32 $0x100, s13;
	v16 =	vadd.f32 v16, v18;
	v19 =	vunpack.i.l.bf16.f32 v19;
	v3 =	vld [tilespmem:s8+$0x50];
	v5 =	vmul.bf16 v5, v10  }
0x1cc: {  	s3 =	sadd.s32 $0x100, s3;
	v6 =	vld [tilespmem:s13+$0x40];
	v10 =	vunpack.i.u.bf16.f32 v21;
	v4 =	vadd.bf16 v12, v4;
	v12 =	vmul.bf16 v15, v8  }
0x1cd: {  	v15 =	vadd.f32 v19, v20;
	v18 =	vunpack.i.l.bf16.f32 v21;
	v7 =	vld [tilespmem:s3+$0x40];
	v14 =	vmul.bf16 v9, v14  }
0x1ce: {  	v8 =	vld [tilespmem:s13+$0x50];
	v19 =	vunpack.i.u.bf16.f32 v4;
	v11 =	vmul.bf16 v13, v11;
	v5 =	vadd.bf16 v12, v5  }
.Ltmp1:
0x1cf: {  	v12 =	vadd.f32 v15, v16;
	v4 =	vunpack.i.l.bf16.f32 v4;
	v15 =	vadd.f32 v18, v10;
	v9 =	vld [tilespmem:s3+$0x50];
	(pc) =	sbr.rel @p1 .LBB2_5-.Ltmp1, $4  }
0x1d0: {  	v10 =	vld [tilespmem:s13+$0x60];
	v13 =	vunpack.i.u.bf16.f32 v5;
	v5 =	vunpack.i.l.bf16.f32 v5;
	v14 =	vadd.bf16 v11, v14  }
0x1d1: {  	s4 =	sadd.s32 $0x2, s9;
	s9 =	smov.u32 s10;
	v16 =	vadd.f32 v4, v19;
	v11 =	vld [tilespmem:s3+$0x60];
	[tilespmem:v17+s30+$0x0] =	vst.idx.msk $0xffff, v12;
	v12 =	vadd.f32 v5, v13  }
0x1d2: {  	v4 =	vadd.s32 s4, v0;
	v13 =	vld [tilespmem:s13+$0x70];
	v17 =	vunpack.i.u.bf16.f32 v14;
	v18 =	vunpack.i.l.bf16.f32 v14  }
0x1d3: {  	s10 =	sadd.s32 $0x4, s10;
	v5 =	vadd.f32 v16, v15;
	v14 =	vld [tilespmem:s3+$0x70];
	v15 =	vadd.f32 v18, v17  }
0x1d4: {  	v16 =	vld [tilespmem:s8+$0x60]  }
0x1d5: {  	v17 =	vld [tilespmem:s8+$0x70]  }
0x1d6: {  	v18 =	vld [tilespmem:s3+$0xFFFFFF80]  }
0x1d7: {  	v19 =	vld [tilespmem:s13+$0xFFFFFF90]  }
0x1d8: {  	v20 =	vld [tilespmem:s3+$0xFFFFFF90]  }
0x1d9: {  	v21 =	vld [tilespmem:s13+$0xFFFFFFA0]  }
0x1da: {  	v22 =	vld [tilespmem:s3+$0xFFFFFFA0]  }
0x1db: {  	v23 =	vld [tilespmem:s13+$0xFFFFFFB0]  }
0x1dc: {  	v24 =	vld [tilespmem:s3+$0xFFFFFFB0]  }
0x1dd: {  	v25 =	vld [tilespmem:s13+$0xFFFFFFC0]  }
0x1de: {  	v26 =	vld [tilespmem:s3+$0xFFFFFFC0]  }
0x1df: {  	v27 =	vld [tilespmem:s13+$0xFFFFFFD0]  }
0x1e0: {  	v28 =	vld [tilespmem:s3+$0xFFFFFFD0]  }
0x1e1: {  	v29 =	vld [tilespmem:s13+$0xFFFFFFE0]  }
0x1e2: {  	v30 =	vld [tilespmem:s3+$0xFFFFFFE0]  }
0x1e3: {  	v31 =	vld [tilespmem:s13+$0xFFFFFFF0]  }
0x1e4: {  	v32 =	vld [tilespmem:s3+$0xFFFFFFF0]  }
0x1e5: {  	v33 =	vld [tilespmem:s13+$0x0]  }
0x1e6: {  	v34 =	vld [tilespmem:s3+$0x0]  }
0x1e7: {  	v35 =	vld [tilespmem:s13+$0x10]  }
0x1e8: {  	v36 =	vld [tilespmem:s3+$0x10]  }
0x1e9: {  	v37 =	vld [tilespmem:s13+$0x20];
	v6 =	vmul.bf16 v7, v6  }
0x1ea: {  	v7 =	vmul.bf16 v9, v8;
	v8 =	vld [tilespmem:s3+$0x20]  }
0x1eb: {  	v58 =	vld [tilespmem:s8+$0xFFFFFFB0];
	v9 =	vmul.bf16 v11, v10;
	v2 =	vmul.bf16 v2, v6  }
0x1ec: {  	v11 =	vld [tilespmem:s13+$0x30];
	v3 =	vmul.bf16 v3, v7;
	v10 =	vmul.bf16 v14, v13  }
0x1ed: {  	v12 =	vadd.f32 v15, v12;
	v6 =	vld [tilespmem:s3+$0x30];
	v7 =	vmul.bf16 v16, v9;
	v15 =	vmul.bf16 v22, v21  }
0x1ee: {  	v2 =	vadd.bf16 v3, v2;
	v13 =	vld [tilespmem:s8+$0xFFFFFF90];
	v57 =	vmul.bf16 v26, v25;
	v59 =	vmul.bf16 v28, v27  }
0x1ef: {  	v16 =	vld [tilespmem:s8+$0xFFFFFFA0];
	v60 =	vmul.bf16 v30, v29;
	v9 =	vmul.bf16 v17, v10  }
0x1f0: {  	v63 =	vmul.bf16 v34, v33;
	v30 =	vmul.bf16 v36, v35;
	v10 =	vld [tilespmem:s13+$0xFFFFFF80];
	v14 =	vunpack.i.u.bf16.f32 v2  }
0x1f1: {  	v61 =	vld [tilespmem:s8+$0xFFFFFFC0];
	v2 =	vunpack.i.l.bf16.f32 v2;
	v7 =	vadd.bf16 v9, v7;
	v9 =	vmul.bf16 v20, v19  }
0x1f2: {  	v3 =	vld [tilespmem:s8+$0xFFFFFF80];
	v17 =	vmul.bf16 v24, v23;
	v2 =	vadd.f32 v2, v14;
	v14 =	vmul.bf16 v32, v31  }
0x1f3: {  	v62 =	vld [tilespmem:s8+$0xFFFFFFD0];
	v6 =	vmul.bf16 v6, v11;
	v9 =	vmul.bf16 v13, v9  }
0x1f4: {  	v31 =	vld [tilespmem:s8+$0xFFFFFFE0];
	v11 =	vmul.bf16 v16, v15;
	v13 =	vmul.bf16 v58, v17  }
0x1f5: {  	s4 =	sadd.s32 $0x1, s9;
	v33 =	vld [tilespmem:s8+$0x20];
	v56 =	vunpack.i.u.bf16.f32 v7;
	v7 =	vunpack.i.l.bf16.f32 v7;
	v10 =	vmul.bf16 v18, v10  }
0x1f6: {  	v36 =	vadd.s32 s4, v0;
	s13 =	sadd.s32 $0x3, s9;
	v7 =	vadd.f32 v7, v56;
	v11 =	vadd.bf16 v13, v11;
	v13 =	vld [tilespmem:s8+$0x30]  }
0x1f7: {  	v32 =	vadd.s32 s13, v0;
	v16 =	vmul.bf16 v61, v57;
	v3 =	vmul.bf16 v3, v10;
	v10 =	vld [tilespmem:s8+$0xFFFFFFF0]  }
0x1f8: {  	v17 =	vmul.bf16 v62, v59;
	v2 =	vadd.f32 v7, v2;
	v7 =	vmul.bf16 v8, v37;
	v8 =	vld [tilespmem:s8+$0x0]  }
0x1f9: {  	v15 =	vadd.s32 s9, v0;
	v35 =	vmul.bf16 v31, v60;
	v3 =	vadd.bf16 v9, v3;
	v9 =	vld [tilespmem:s8+$0x10]  }
0x1fa: {  	v16 =	vadd.bf16 v17, v16;
	v17 =	vunpack.i.u.bf16.f32 v11;
	v11 =	vunpack.i.l.bf16.f32 v11  }
0x1fb: {  	v11 =	vadd.f32 v11, v17;
	v7 =	vmul.bf16 v33, v7;
	v6 =	vmul.bf16 v13, v6  }
0x1fc: {  	v34 =	vunpack.i.u.bf16.f32 v3;
	v3 =	vunpack.i.l.bf16.f32 v3;
	v10 =	vmul.bf16 v10, v14  }
0x1fd: {  	v3 =	vadd.f32 v3, v34;
	v8 =	vmul.bf16 v8, v63;
	v6 =	vadd.bf16 v6, v7  }
0x1fe: {  	v14 =	vunpack.i.u.bf16.f32 v16;
	v16 =	vunpack.i.l.bf16.f32 v16;
	v9 =	vmul.bf16 v9, v30  }
0x1ff: {  	s10 =	sadd.s32 $0x2, s9;
	[tilespmem:v1+s30+$0x0] =	vst.idx.msk $0xffff, v5;
	v10 =	vadd.bf16 v10, v35;
	v3 =	vadd.f32 v11, v3;
	v1 =	vunpack.i.u.bf16.f32 v6  }
0x200: {  	v5 =	vunpack.i.l.bf16.f32 v6;
	v6 =	vadd.s32 s10, v0;
	v8 =	vadd.bf16 v9, v8  }
0x201: {  	v13 =	vunpack.i.u.bf16.f32 v10;
	v9 =	vunpack.i.l.bf16.f32 v10;
	v10 =	vadd.f32 v16, v14  }
0x202: {  	v9 =	vadd.f32 v9, v13;
	v7 =	vunpack.i.u.bf16.f32 v8;
	v8 =	vunpack.i.l.bf16.f32 v8  }
0x203: {  	[tilespmem:v4+s30+$0x0] =	vst.idx.msk $0xffff, v12;
	v1 =	vadd.f32 v5, v1;
	v4 =	vadd.f32 v8, v7  }
0x204: {  	[tilespmem:v32+s30+$0x0] =	vst.idx.msk $0xffff, v2;
	v2 =	vadd.f32 v9, v10  }
0x205: {  	[tilespmem:v15+s30+$0x0] =	vst.idx.msk $0xffff, v3;
	v1 =	vadd.f32 v1, v4  }
0x206: {  	[tilespmem:v36+s30+$0x0] =	vst.idx.msk $0xffff, v2  }
0x207: {  	[tilespmem:v6+s30+$0x0] =	vst.idx.msk $0xffff, v1  }
0x208: {  	v1 =	vld [tilespmem:$0x15140]  }
0x209: {  	v2 =	vld [tilespmem:$0x15191]  }
0x20a: {  	v3 =	vld [tilespmem:$0x151E2]  }
0x20b: {  	v4 =	vld [tilespmem:$0x15233]  }
0x20c: {  	v5 =	vld [tilespmem:$0x15284]  }
0x20d: {  	v6 =	vld [tilespmem:$0x152D5]  }
0x20e: {  	v7 =	vld [tilespmem:$0x15326]  }
0x20f: {  	v8 =	vld [tilespmem:$0x15377]  }
0x210: {  	v9 =	vld [tilespmem:$0x153C8]  }
0x211: {  	v10 =	vld [tilespmem:$0x15419]  }
0x212: {  	v11 =	vld [tilespmem:$0x1546A]  }
0x213: {  	v12 =	vld [tilespmem:$0x154BB]  }
0x214: {  	v13 =	vld [tilespmem:$0x1550C]  }
0x215: {  	v14 =	vld [tilespmem:$0x1555D];
	v1 =	vadd.f32 $0.0e+00, v1;
	v2 =	vadd.f32 $0.0e+00, v2  }
0x216: {  	v15 =	vld [tilespmem:$0x155AE];
	v3 =	vadd.f32 $0.0e+00, v3;
	v4 =	vadd.f32 $0.0e+00, v4  }
0x217: {  	v1 =	vadd.f32 v5, v1;
	v2 =	vadd.f32 v6, v2;
	v5 =	vld [tilespmem:$0x155FF]  }
0x218: {  	v3 =	vadd.f32 v7, v3;
	v4 =	vadd.f32 v8, v4  }
0x219: {  	v1 =	vadd.f32 v9, v1;
	v2 =	vadd.f32 v10, v2  }
0x21a: {  	v3 =	vadd.f32 v11, v3;
	v4 =	vadd.f32 v12, v4  }
0x21b: {  	v1 =	vadd.f32 v13, v1;
	v2 =	vadd.f32 v14, v2  }
0x21c: {  	v3 =	vadd.f32 v15, v3;
	v4 =	vadd.f32 v5, v4;
	_ =	sdelay $0x1  }
0x21d: {  	v1 =	vadd.f32 v2, v1;
	v2 =	vadd.f32 v4, v3;
	_ =	sdelay $0x1  }
0x21e: {  	v1 =	vadd.f32 v2, v1;
	_ =	sdelay $0x1  }
0x21f: {  	[tilespmem:s6+$0x12A80] =	vst v1  }
0x220: {  	v1 =	vld [tilespmem:$0x15150]  }
0x221: {  	v2 =	vld [tilespmem:$0x151A1]  }
0x222: {  	v3 =	vld [tilespmem:$0x151F2]  }
0x223: {  	v4 =	vld [tilespmem:$0x15243]  }
0x224: {  	v5 =	vld [tilespmem:$0x15294]  }
0x225: {  	v6 =	vld [tilespmem:$0x152E5]  }
0x226: {  	v7 =	vld [tilespmem:$0x15336]  }
0x227: {  	v8 =	vld [tilespmem:$0x15387]  }
0x228: {  	v9 =	vld [tilespmem:$0x153D8]  }
0x229: {  	v10 =	vld [tilespmem:$0x15429]  }
0x22a: {  	v11 =	vld [tilespmem:$0x1547A]  }
0x22b: {  	v12 =	vld [tilespmem:$0x154CB]  }
0x22c: {  	v13 =	vld [tilespmem:$0x1551C]  }
0x22d: {  	v14 =	vld [tilespmem:$0x1556D];
	v1 =	vadd.f32 $0.0e+00, v1;
	v2 =	vadd.f32 $0.0e+00, v2  }
0x22e: {  	v15 =	vld [tilespmem:$0x155BE];
	v3 =	vadd.f32 $0.0e+00, v3;
	v4 =	vadd.f32 $0.0e+00, v4  }
0x22f: {  	v1 =	vadd.f32 v5, v1;
	v2 =	vadd.f32 v6, v2;
	v5 =	vld [tilespmem:$0x1560F]  }
0x230: {  	v3 =	vadd.f32 v7, v3;
	v4 =	vadd.f32 v8, v4  }
0x231: {  	v1 =	vadd.f32 v9, v1;
	v2 =	vadd.f32 v10, v2  }
0x232: {  	v3 =	vadd.f32 v11, v3;
	v4 =	vadd.f32 v12, v4  }
0x233: {  	v1 =	vadd.f32 v13, v1;
	v2 =	vadd.f32 v14, v2  }
0x234: {  	v3 =	vadd.f32 v15, v3;
	v4 =	vadd.f32 v5, v4;
	_ =	sdelay $0x1  }
0x235: {  	v1 =	vadd.f32 v2, v1;
	v2 =	vadd.f32 v4, v3;
	_ =	sdelay $0x1  }
0x236: {  	v1 =	vadd.f32 v2, v1;
	_ =	sdelay $0x1  }
0x237: {  	[tilespmem:s6+$0x12A90] =	vst v1  }
0x238: {  	v1 =	vld [tilespmem:$0x15160]  }
0x239: {  	v2 =	vld [tilespmem:$0x151B1]  }
0x23a: {  	v3 =	vld [tilespmem:$0x15202]  }
0x23b: {  	v4 =	vld [tilespmem:$0x15253]  }
0x23c: {  	v5 =	vld [tilespmem:$0x152A4]  }
0x23d: {  	v6 =	vld [tilespmem:$0x152F5]  }
0x23e: {  	v7 =	vld [tilespmem:$0x15346]  }
0x23f: {  	v8 =	vld [tilespmem:$0x15397]  }
0x240: {  	v9 =	vld [tilespmem:$0x153E8]  }
0x241: {  	v10 =	vld [tilespmem:$0x15439]  }
0x242: {  	v11 =	vld [tilespmem:$0x1548A]  }
0x243: {  	v12 =	vld [tilespmem:$0x154DB]  }
0x244: {  	v13 =	vld [tilespmem:$0x1552C]  }
0x245: {  	v14 =	vld [tilespmem:$0x1557D];
	v1 =	vadd.f32 $0.0e+00, v1;
	v2 =	vadd.f32 $0.0e+00, v2  }
0x246: {  	v15 =	vld [tilespmem:$0x155CE];
	v3 =	vadd.f32 $0.0e+00, v3;
	v4 =	vadd.f32 $0.0e+00, v4  }
0x247: {  	v1 =	vadd.f32 v5, v1;
	v2 =	vadd.f32 v6, v2;
	v5 =	vld [tilespmem:$0x1561F]  }
0x248: {  	v3 =	vadd.f32 v7, v3;
	v4 =	vadd.f32 v8, v4  }
0x249: {  	v1 =	vadd.f32 v9, v1;
	v2 =	vadd.f32 v10, v2  }
0x24a: {  	v3 =	vadd.f32 v11, v3;
	v4 =	vadd.f32 v12, v4  }
0x24b: {  	v1 =	vadd.f32 v13, v1;
	v2 =	vadd.f32 v14, v2  }
0x24c: {  	v3 =	vadd.f32 v15, v3;
	v4 =	vadd.f32 v5, v4;
	_ =	sdelay $0x1  }
0x24d: {  	v1 =	vadd.f32 v2, v1;
	v2 =	vadd.f32 v4, v3;
	_ =	sdelay $0x1  }
0x24e: {  	v1 =	vadd.f32 v2, v1;
	_ =	sdelay $0x1  }
0x24f: {  	[tilespmem:s6+$0x12AA0] =	vst v1  }
0x250: {  	v1 =	vld [tilespmem:$0x15170]  }
0x251: {  	v2 =	vld [tilespmem:$0x151C1]  }
0x252: {  	v3 =	vld [tilespmem:$0x15212]  }
0x253: {  	v4 =	vld [tilespmem:$0x15263]  }
0x254: {  	v5 =	vld [tilespmem:$0x152B4]  }
0x255: {  	v6 =	vld [tilespmem:$0x15305]  }
0x256: {  	v7 =	vld [tilespmem:$0x15356]  }
0x257: {  	v8 =	vld [tilespmem:$0x153A7]  }
0x258: {  	v9 =	vld [tilespmem:$0x153F8]  }
0x259: {  	v10 =	vld [tilespmem:$0x15449]  }
0x25a: {  	v11 =	vld [tilespmem:$0x1549A]  }
0x25b: {  	v12 =	vld [tilespmem:$0x154EB]  }
0x25c: {  	v13 =	vld [tilespmem:$0x1553C]  }
0x25d: {  	v14 =	vld [tilespmem:$0x1558D];
	v1 =	vadd.f32 $0.0e+00, v1;
	v2 =	vadd.f32 $0.0e+00, v2  }
0x25e: {  	v15 =	vld [tilespmem:$0x155DE];
	v3 =	vadd.f32 $0.0e+00, v3;
	v4 =	vadd.f32 $0.0e+00, v4  }
0x25f: {  	v1 =	vadd.f32 v5, v1;
	v2 =	vadd.f32 v6, v2;
	v5 =	vld [tilespmem:$0x1562F]  }
0x260: {  	v3 =	vadd.f32 v7, v3;
	v4 =	vadd.f32 v8, v4  }
0x261: {  	v1 =	vadd.f32 v9, v1;
	v2 =	vadd.f32 v10, v2  }
0x262: {  	v3 =	vadd.f32 v11, v3;
	v4 =	vadd.f32 v12, v4  }
0x263: {  	v1 =	vadd.f32 v13, v1;
	v2 =	vadd.f32 v14, v2  }
0x264: {  	v3 =	vadd.f32 v15, v3;
	v4 =	vadd.f32 v5, v4;
	_ =	sdelay $0x1  }
0x265: {  	v1 =	vadd.f32 v2, v1;
	v2 =	vadd.f32 v4, v3;
	_ =	sdelay $0x1  }
0x266: {  	v1 =	vadd.f32 v2, v1;
	_ =	sdelay $0x1  }
0x267: {  	[tilespmem:s6+$0x12AB0] =	vst v1  }
0x268: {  	v1 =	vld [tilespmem:$0x15180]  }
0x269: {  	v2 =	vld [tilespmem:$0x151D1]  }
0x26a: {  	v3 =	vld [tilespmem:$0x15222]  }
0x26b: {  	v4 =	vld [tilespmem:$0x15273]  }
0x26c: {  	v5 =	vld [tilespmem:$0x152C4]  }
0x26d: {  	v6 =	vld [tilespmem:$0x15315]  }
0x26e: {  	v7 =	vld [tilespmem:$0x15366]  }
0x26f: {  	v8 =	vld [tilespmem:$0x153B7]  }
0x270: {  	v9 =	vld [tilespmem:$0x15408]  }
0x271: {  	v10 =	vld [tilespmem:$0x15459]  }
0x272: {  	v11 =	vld [tilespmem:$0x154AA]  }
0x273: {  	v12 =	vld [tilespmem:$0x154FB]  }
0x274: {  	v13 =	vld [tilespmem:$0x1554C]  }
0x275: {  	v14 =	vld [tilespmem:$0x1559D];
	v1 =	vadd.f32 $0.0e+00, v1;
	v2 =	vadd.f32 $0.0e+00, v2  }
0x276: {  	v15 =	vld [tilespmem:$0x155EE];
	v3 =	vadd.f32 $0.0e+00, v3;
	v4 =	vadd.f32 $0.0e+00, v4  }
0x277: {  	v1 =	vadd.f32 v5, v1;
	v2 =	vadd.f32 v6, v2;
	v5 =	vld [tilespmem:$0x1563F]  }
0x278: {  	v3 =	vadd.f32 v7, v3;
	v4 =	vadd.f32 v8, v4  }
0x279: {  	v1 =	vadd.f32 v9, v1;
	v2 =	vadd.f32 v10, v2  }
0x27a: {  	v3 =	vadd.f32 v11, v3;
	v4 =	vadd.f32 v12, v4  }
0x27b: {  	v1 =	vadd.f32 v13, v1;
	v2 =	vadd.f32 v14, v2  }
0x27c: {  	v3 =	vadd.f32 v15, v3;
	v4 =	vadd.f32 v5, v4;
	_ =	sdelay $0x1  }
0x27d: {  	v1 =	vadd.f32 v2, v1;
	v2 =	vadd.f32 v4, v3;
	_ =	sdelay $0x1  }
0x27e: {  	v1 =	vadd.f32 v2, v1;
	_ =	sdelay $0x1  }
0x27f: {  	[tilespmem:s6+$0x12AC0] =	vst v1  }
0x280: {  	_ =	swait.ge [sflag:s21], $0x1400  }
0x281: {  	[sflag:s21] =	ssyncset.done $0x0  }
0x282: {  	[sflag:s21] =	ssyncadd.s32 $0xFFFFEC00  }
0x283: {  	_ =	swait.ge [sflag:s11], $0x1400  }
0x284: {  	[sflag:s11] =	ssyncset.done $0x0  }
0x285: {  	[sflag:s11] =	ssyncadd.s32 $0xFFFFEC00  }
0x286: {  	_ =	swait.ge [sflag:s12], $0x1400  }
0x287: {  	[sflag:s12] =	ssyncset.done $0x0  }
0x288: {  	s13 =	sadd.s32 $0x140, s6;
	[sflag:s12] =	ssyncadd.s32 $0xFFFFEC00  }
0x289: {  	[tilespmem:s18], [sflag:$0x2] =	stream.indirect.gather [hbm4b:s0+s14], $0x40, s13, s14, $0xb8;
	[tilespmem:$0x15650] =	vst v63  }
0x28a: {  	s4 =	sadd.s32 $0x2850, s6  }
0x28b: {  	[tilespmem:s20], [sflag:$0x5] =	stream.indirect.gather [hbm4b:s0+s14], $0x40, s4, s14, $0xb8;
	[tilespmem:$0x15650] =	vst v63  }
0x28c: {  	s3 =	simm.s32 $0x116B0;
	s8 =	sadd.s32 $0x4F60, s6  }
0x28d: {  	[tilespmem:s22], [sflag:$0x8] =	stream.indirect.gather [spmem:s2], $0x40, s8, s14, $0xb8;
	[tilespmem:$0x15650] =	vst v63  }
0x28e: {  	v1 =	vld [tilespmem:s3+$0x40]  }
0x28f: {  	s4 =	simm.s32 $0x9EB0;
	v2 =	vld [tilespmem:s3+$0x50]  }
0x290: {  	s9 =	simm.s32 $0xDAB0;
	v3 =	vld [tilespmem:s4+$0x40]  }
0x291: {  	v4 =	vld [tilespmem:s9+$0x40]  }
0x292: {  	v5 =	vld [tilespmem:s4+$0x50]  }
0x293: {  	v6 =	vld [tilespmem:s9+$0x50]  }
0x294: {  	v7 =	vld [tilespmem:s4+$0x60]  }
0x295: {  	v8 =	vld [tilespmem:s9+$0x60]  }
0x296: {  	v9 =	vld [tilespmem:s4+$0x70]  }
0x297: {  	v10 =	vld [tilespmem:s9+$0x70]  }
0x298: {  	v11 =	vld [tilespmem:s3+$0x60]  }
0x299: {  	v12 =	vld [tilespmem:s3+$0x70]  }
0x29a: {  	v13 =	vld [tilespmem:s9+$0xFFFFFF80]  }
0x29b: {  	v14 =	vld [tilespmem:s4+$0xFFFFFF90]  }
0x29c: {  	v15 =	vld [tilespmem:s9+$0xFFFFFF90]  }
0x29d: {  	v16 =	vld [tilespmem:s4+$0xFFFFFFA0]  }
0x29e: {  	v17 =	vld [tilespmem:s9+$0xFFFFFFA0]  }
0x29f: {  	v37 =	vld [tilespmem:s4+$0xFFFFFFB0]  }
0x2a0: {  	v38 =	vld [tilespmem:s9+$0xFFFFFFB0]  }
0x2a1: {  	v39 =	vld [tilespmem:s4+$0xFFFFFFC0]  }
0x2a2: {  	v40 =	vld [tilespmem:s9+$0xFFFFFFC0]  }
0x2a3: {  	v41 =	vld [tilespmem:s4+$0xFFFFFFD0]  }
0x2a4: {  	v42 =	vld [tilespmem:s9+$0xFFFFFFD0]  }
0x2a5: {  	v43 =	vld [tilespmem:s4+$0xFFFFFFE0]  }
0x2a6: {  	v44 =	vld [tilespmem:s9+$0xFFFFFFE0]  }
0x2a7: {  	v45 =	vld [tilespmem:s4+$0xFFFFFFF0]  }
0x2a8: {  	v46 =	vld [tilespmem:s9+$0xFFFFFFF0]  }
0x2a9: {  	v47 =	vld [tilespmem:s4+$0x0]  }
0x2aa: {  	v48 =	vld [tilespmem:s9+$0x0]  }
0x2ab: {  	v49 =	vld [tilespmem:s4+$0x10]  }
0x2ac: {  	v50 =	vld [tilespmem:s9+$0x10]  }
0x2ad: {  	v51 =	vld [tilespmem:s4+$0x20]  }
0x2ae: {  	v52 =	vld [tilespmem:s3+$0xFFFFFFB0];
	v3 =	vmul.bf16 v4, v3  }
0x2af: {  	v54 =	vld [tilespmem:s3+$0xFFFFFFC0];
	v5 =	vmul.bf16 v6, v5;
	v6 =	vmul.bf16 v8, v7  }
0x2b0: {  	v57 =	vld [tilespmem:s3+$0xFFFFFFE0];
	v8 =	vmul.bf16 v10, v9;
	v9 =	vmul.bf16 v15, v14  }
0x2b1: {  	v4 =	vld [tilespmem:s9+$0x20];
	v14 =	vmul.bf16 v42, v41;
	v53 =	vmul.bf16 v48, v47  }
0x2b2: {  	v7 =	vld [tilespmem:s4+$0x30];
	v1 =	vmul.bf16 v1, v3;
	v2 =	vmul.bf16 v2, v5  }
0x2b3: {  	v5 =	vmul.bf16 v11, v6;
	v6 =	vld [tilespmem:s4+$0xFFFFFF80];
	v8 =	vmul.bf16 v12, v8  }
0x2b4: {  	v10 =	vld [tilespmem:s3+$0xFFFFFF80];
	v56 =	vmul.bf16 v50, v49;
	v11 =	vmul.bf16 v38, v37;
	v1 =	vadd.bf16 v2, v1  }
0x2b5: {  	v12 =	vld [tilespmem:s3+$0xFFFFFF90];
	v2 =	vmul.bf16 v17, v16;
	v5 =	vadd.bf16 v8, v5;
	v8 =	vmul.bf16 v40, v39  }
0x2b6: {  	v15 =	vld [tilespmem:s3+$0xFFFFFFA0];
	v17 =	vmul.bf16 v44, v43;
	v4 =	vmul.bf16 v4, v51  }
0x2b7: {  	v3 =	vld [tilespmem:s9+$0x30];
	v16 =	vunpack.i.u.bf16.f32 v1;
	v1 =	vunpack.i.l.bf16.f32 v1;
	v55 =	vunpack.i.u.bf16.f32 v5  }
0x2b8: {  	v5 =	vunpack.i.l.bf16.f32 v5;
	v17 =	vmul.bf16 v57, v17;
	v6 =	vmul.bf16 v13, v6;
	v13 =	vld [tilespmem:s3+$0xFFFFFFD0]  }
0x2b9: {  	s13 =	simm.s32 $0x0;
	v1 =	vadd.f32 v1, v16;
	v16 =	vmul.bf16 v46, v45;
	v5 =	vadd.f32 v5, v55  }
0x2ba: {  	v58 =	vadd.s32 s13, v0;
	v9 =	vmul.bf16 v12, v9;
	v6 =	vmul.bf16 v10, v6;
	v10 =	vld [tilespmem:s3+$0xFFFFFFF0]  }
0x2bb: {  	s10 =	simm.s32 $0x3;
	v5 =	vadd.f32 v5, v1;
	v1 =	vmul.bf16 v15, v2;
	v2 =	vmul.bf16 v52, v11;
	v11 =	vld [tilespmem:s3+$0x0]  }
0x2bc: {  	v12 =	vmul.bf16 v3, v7;
	v7 =	vld [tilespmem:s3+$0x10];
	v15 =	vadd.s32 s10, v0;
	v3 =	vadd.bf16 v9, v6  }
0x2bd: {  	s9 =	simm.s32 $0x1;
	v6 =	vmul.bf16 v54, v8;
	v8 =	vadd.bf16 v2, v1;
	v9 =	vld [tilespmem:s3+$0x20];
	v13 =	vmul.bf16 v13, v14  }
0x2be: {  	s8 =	simm.s32 $0x117B0;
	v1 =	vadd.s32 s9, v0;
	v14 =	vld [tilespmem:s3+$0x30];
	v59 =	vunpack.i.u.bf16.f32 v3;
	v3 =	vunpack.i.l.bf16.f32 v3  }
0x2bf: {  	v2 =	vld [tilespmem:s8+$0x40];
	v10 =	vmul.bf16 v10, v16;
	v13 =	vadd.bf16 v13, v6;
	v16 =	vunpack.i.u.bf16.f32 v8  }
0x2c0: {  	s13 =	simm.s32 $0x9FB0;
	v20 =	vadd.f32 v3, v59;
	v3 =	vld [tilespmem:s8+$0x50];
	v8 =	vunpack.i.l.bf16.f32 v8;
	v11 =	vmul.bf16 v11, v53  }
0x2c1: {  	s3 =	simm.s32 $0xDBB0;
	v6 =	vld [tilespmem:s13+$0x40];
	v16 =	vadd.f32 v8, v16;
	v17 =	vadd.bf16 v10, v17;
	v10 =	vmul.bf16 v7, v56  }
0x2c2: {  	[tilespmem:v15+s30+$0x0] =	vst.idx.msk $0xffff, v5;
	v15 =	vld [tilespmem:s3+$0x70];
	v60 =	vunpack.i.u.bf16.f32 v13;
	v13 =	vunpack.i.l.bf16.f32 v13;
	v4 =	vmul.bf16 v9, v4  }
0x2c3: {  	v8 =	vld [tilespmem:s13+$0x50];
	v9 =	vmul.bf16 v14, v12;
	v16 =	vadd.f32 v16, v20;
	v12 =	vadd.bf16 v10, v11  }
0x2c4: {  	v7 =	vld [tilespmem:s3+$0x40];
	v13 =	vadd.f32 v13, v60;
	v14 =	vunpack.i.u.bf16.f32 v17;
	v17 =	vunpack.i.l.bf16.f32 v17  }
0x2c5: {  	v10 =	vld [tilespmem:s3+$0x50];
	v4 =	vadd.bf16 v9, v4;
	v9 =	vunpack.i.u.bf16.f32 v12;
	v61 =	vunpack.i.l.bf16.f32 v12  }
0x2c6: {  	s10 =	simm.s32 $0x2;
	v11 =	vld [tilespmem:s13+$0x60];
	v17 =	vadd.f32 v17, v14;
	v9 =	vadd.f32 v61, v9  }
0x2c7: {  	v14 =	vld [tilespmem:s13+$0x70];
	v62 =	vunpack.i.u.bf16.f32 v4;
	v63 =	vunpack.i.l.bf16.f32 v4;
	v4 =	vadd.s32 s10, v0  }
0x2c8: {  	s9 =	simm.s32 $0x4;
	[tilespmem:v58+s30+$0x0] =	vst.idx.msk $0xffff, v16;
	v12 =	vld [tilespmem:s3+$0x60];
	s10 =	simm.s32 $0x8;
	v5 =	vadd.f32 v17, v13;
	v13 =	vadd.f32 v63, v62  }
.LBB2_7:
0x2c9: {  	p1 =	slt.u32 s10, $0x4C;
	v16 =	vld [tilespmem:s8+$0x60]  }
0x2ca: {  	v17 =	vld [tilespmem:s8+$0x70];
	[tilespmem:v1+s30+$0x0] =	vst.idx.msk $0xffff, v5;
	v1 =	vadd.f32 v13, v9  }
0x2cb: {  	v5 =	vld [tilespmem:s3+$0xFFFFFF80]  }
0x2cc: {  	v6 =	vmul.bf16 v7, v6;
	v7 =	vmul.bf16 v10, v8;
	v9 =	vld [tilespmem:s13+$0xFFFFFF90];
	[tilespmem:v4+s30+$0x0] =	vst.idx.msk $0xffff, v1  }
0x2cd: {  	v4 =	vmul.bf16 v12, v11;
	v1 =	vld [tilespmem:s3+$0xFFFFFF90];
	v8 =	vmul.bf16 v15, v14  }
0x2ce: {  	v2 =	vmul.bf16 v2, v6;
	v3 =	vmul.bf16 v3, v7;
	v10 =	vld [tilespmem:s13+$0xFFFFFFA0]  }
0x2cf: {  	v4 =	vmul.bf16 v16, v4;
	v6 =	vld [tilespmem:s3+$0xFFFFFFA0];
	v7 =	vmul.bf16 v17, v8  }
0x2d0: {  	v2 =	vadd.bf16 v3, v2;
	v8 =	vld [tilespmem:s13+$0xFFFFFFB0]  }
0x2d1: {  	s4 =	sadd.s32 $0x3, s9;
	v3 =	vld [tilespmem:s3+$0xFFFFFFB0];
	v4 =	vadd.bf16 v7, v4  }
0x2d2: {  	v11 =	vadd.s32 s4, v0;
	v1 =	vmul.bf16 v1, v9;
	v7 =	vld [tilespmem:s13+$0xFFFFFFC0];
	v9 =	vunpack.i.u.bf16.f32 v2  }
0x2d3: {  	v2 =	vunpack.i.l.bf16.f32 v2;
	v12 =	vld [tilespmem:s3+$0xFFFFFFC0];
	v13 =	vunpack.i.u.bf16.f32 v4;
	v4 =	vunpack.i.l.bf16.f32 v4  }
0x2d4: {  	v2 =	vadd.f32 v2, v9;
	v6 =	vmul.bf16 v6, v10;
	v10 =	vld [tilespmem:s13+$0xFFFFFFD0];
	v4 =	vadd.f32 v4, v13  }
0x2d5: {  	v9 =	vld [tilespmem:s3+$0xFFFFFFD0]  }
0x2d6: {  	v3 =	vmul.bf16 v3, v8;
	v8 =	vld [tilespmem:s13+$0xFFFFFFE0];
	v2 =	vadd.f32 v4, v2  }
0x2d7: {  	v4 =	vld [tilespmem:s3+$0xFFFFFFE0]  }
0x2d8: {  	v7 =	vmul.bf16 v12, v7;
	v12 =	vld [tilespmem:s13+$0xFFFFFFF0];
	[tilespmem:v11+s30+$0x0] =	vst.idx.msk $0xffff, v2  }
0x2d9: {  	v2 =	vld [tilespmem:s3+$0xFFFFFFF0]  }
0x2da: {  	v9 =	vmul.bf16 v9, v10;
	v10 =	vld [tilespmem:s13+$0x0]  }
0x2db: {  	v11 =	vld [tilespmem:s3+$0x0]  }
0x2dc: {  	v4 =	vmul.bf16 v4, v8;
	v8 =	vld [tilespmem:s13+$0x10]  }
0x2dd: {  	v13 =	vld [tilespmem:s3+$0x10]  }
0x2de: {  	v12 =	vmul.bf16 v2, v12;
	v2 =	vld [tilespmem:s13+$0x20]  }
0x2df: {  	v14 =	vld [tilespmem:s3+$0x20]  }
0x2e0: {  	v10 =	vmul.bf16 v11, v10;
	v11 =	vld [tilespmem:s13+$0x30]  }
0x2e1: {  	v15 =	vld [tilespmem:s3+$0x30]  }
0x2e2: {  	v16 =	vld [tilespmem:s13+$0xFFFFFF80];
	v8 =	vmul.bf16 v13, v8  }
0x2e3: {  	v13 =	vld [tilespmem:s8+$0xFFFFFF80]  }
0x2e4: {  	v17 =	vld [tilespmem:s8+$0xFFFFFF90];
	v14 =	vmul.bf16 v14, v2  }
0x2e5: {  	v2 =	vld [tilespmem:s8+$0xFFFFFFA0]  }
0x2e6: {  	v18 =	vld [tilespmem:s8+$0xFFFFFFB0];
	v11 =	vmul.bf16 v15, v11  }
0x2e7: {  	v5 =	vmul.bf16 v5, v16;
	v15 =	vld [tilespmem:s8+$0xFFFFFFC0]  }
0x2e8: {  	v16 =	vld [tilespmem:s8+$0xFFFFFFD0]  }
0x2e9: {  	v5 =	vmul.bf16 v13, v5;
	v1 =	vmul.bf16 v17, v1;
	v13 =	vld [tilespmem:s8+$0xFFFFFFE0]  }
0x2ea: {  	v2 =	vmul.bf16 v2, v6;
	v6 =	vld [tilespmem:s8+$0xFFFFFFF0]  }
0x2eb: {  	v3 =	vmul.bf16 v18, v3;
	v1 =	vadd.bf16 v1, v5;
	v5 =	vld [tilespmem:s8+$0x0]  }
0x2ec: {  	v17 =	vadd.s32 s9, v0;
	v7 =	vmul.bf16 v15, v7;
	v15 =	vld [tilespmem:s8+$0x10]  }
0x2ed: {  	s4 =	sadd.s32 $0x1, s9;
	v18 =	vunpack.i.u.bf16.f32 v1;
	v19 =	vadd.bf16 v3, v2;
	v3 =	vmul.bf16 v16, v9;
	v9 =	vld [tilespmem:s8+$0x20]  }
0x2ee: {  	v16 =	vunpack.i.l.bf16.f32 v1;
	v1 =	vadd.s32 s4, v0;
	v4 =	vmul.bf16 v13, v4;
	v13 =	vld [tilespmem:s8+$0x30];
	s8 =	sadd.s32 $0x100, s8  }
0x2ef: {  	v2 =	vld [tilespmem:s8+$0x40];
	v20 =	vunpack.i.u.bf16.f32 v19;
	v12 =	vmul.bf16 v6, v12;
	v21 =	vadd.bf16 v3, v7  }
0x2f0: {  	s13 =	sadd.s32 $0x100, s13;
	v16 =	vadd.f32 v16, v18;
	v19 =	vunpack.i.l.bf16.f32 v19;
	v3 =	vld [tilespmem:s8+$0x50];
	v5 =	vmul.bf16 v5, v10  }
0x2f1: {  	s3 =	sadd.s32 $0x100, s3;
	v6 =	vld [tilespmem:s13+$0x40];
	v18 =	vunpack.i.u.bf16.f32 v21;
	v4 =	vadd.bf16 v12, v4;
	v10 =	vmul.bf16 v15, v8  }
0x2f2: {  	v12 =	vadd.f32 v19, v20;
	v15 =	vunpack.i.l.bf16.f32 v21;
	v7 =	vld [tilespmem:s3+$0x40];
	v9 =	vmul.bf16 v9, v14  }
0x2f3: {  	v8 =	vld [tilespmem:s13+$0x50];
	v14 =	vunpack.i.u.bf16.f32 v4;
	v13 =	vmul.bf16 v13, v11;
	v5 =	vadd.bf16 v10, v5  }
.Ltmp2:
0x2f4: {  	v18 =	vadd.f32 v15, v18;
	v16 =	vadd.f32 v12, v16;
	v4 =	vunpack.i.l.bf16.f32 v4;
	v10 =	vld [tilespmem:s3+$0x50];
	(pc) =	sbr.rel @p1 .LBB2_7-.Ltmp2, $4  }
0x2f5: {  	v11 =	vld [tilespmem:s13+$0x60];
	v15 =	vunpack.i.u.bf16.f32 v5;
	v5 =	vunpack.i.l.bf16.f32 v5;
	v13 =	vadd.bf16 v13, v9  }
0x2f6: {  	s4 =	sadd.s32 $0x2, s9;
	s9 =	smov.u32 s10;
	v12 =	vld [tilespmem:s3+$0x60];
	[tilespmem:v17+s30+$0x0] =	vst.idx.msk $0xffff, v16;
	v16 =	vadd.f32 v4, v14;
	v9 =	vadd.f32 v5, v15  }
0x2f7: {  	v4 =	vadd.s32 s4, v0;
	v14 =	vld [tilespmem:s13+$0x70];
	v17 =	vunpack.i.u.bf16.f32 v13;
	v13 =	vunpack.i.l.bf16.f32 v13  }
0x2f8: {  	s10 =	sadd.s32 $0x4, s10;
	v15 =	vld [tilespmem:s3+$0x70];
	v5 =	vadd.f32 v16, v18;
	v13 =	vadd.f32 v13, v17  }
0x2f9: {  	v16 =	vld [tilespmem:s8+$0x60]  }
0x2fa: {  	v17 =	vld [tilespmem:s8+$0x70]  }
0x2fb: {  	v18 =	vld [tilespmem:s3+$0xFFFFFF80]  }
0x2fc: {  	v19 =	vld [tilespmem:s13+$0xFFFFFF90]  }
0x2fd: {  	v20 =	vld [tilespmem:s3+$0xFFFFFF90]  }
0x2fe: {  	v21 =	vld [tilespmem:s13+$0xFFFFFFA0]  }
0x2ff: {  	v22 =	vld [tilespmem:s3+$0xFFFFFFA0]  }
0x300: {  	v23 =	vld [tilespmem:s13+$0xFFFFFFB0]  }
0x301: {  	v24 =	vld [tilespmem:s3+$0xFFFFFFB0]  }
0x302: {  	v25 =	vld [tilespmem:s13+$0xFFFFFFC0]  }
0x303: {  	v26 =	vld [tilespmem:s3+$0xFFFFFFC0]  }
0x304: {  	v27 =	vld [tilespmem:s13+$0xFFFFFFD0]  }
0x305: {  	v28 =	vld [tilespmem:s3+$0xFFFFFFD0]  }
0x306: {  	v29 =	vld [tilespmem:s13+$0xFFFFFFE0]  }
0x307: {  	v30 =	vld [tilespmem:s3+$0xFFFFFFE0]  }
0x308: {  	v31 =	vld [tilespmem:s13+$0xFFFFFFF0]  }
0x309: {  	v32 =	vld [tilespmem:s3+$0xFFFFFFF0]  }
0x30a: {  	v33 =	vld [tilespmem:s13+$0x0]  }
0x30b: {  	v34 =	vld [tilespmem:s3+$0x0]  }
0x30c: {  	v35 =	vld [tilespmem:s13+$0x10]  }
0x30d: {  	v36 =	vld [tilespmem:s3+$0x10]  }
0x30e: {  	v37 =	vld [tilespmem:s13+$0x20]  }
0x30f: {  	v38 =	vld [tilespmem:s3+$0x20]  }
0x310: {  	v6 =	vmul.bf16 v7, v6;
	v7 =	vld [tilespmem:s13+$0x30]  }
0x311: {  	v8 =	vmul.bf16 v10, v8;
	v40 =	vld [tilespmem:s3+$0x30]  }
0x312: {  	v42 =	vld [tilespmem:s13+$0xFFFFFF80];
	v39 =	vmul.bf16 v12, v11  }
0x313: {  	v44 =	vld [tilespmem:s8+$0xFFFFFF80];
	v2 =	vmul.bf16 v2, v6;
	v3 =	vmul.bf16 v3, v8  }
0x314: {  	v46 =	vld [tilespmem:s8+$0xFFFFFF90];
	v41 =	vmul.bf16 v15, v14;
	v43 =	vmul.bf16 v16, v39  }
0x315: {  	v48 =	vld [tilespmem:s8+$0xFFFFFFA0];
	v2 =	vadd.bf16 v3, v2;
	v45 =	vmul.bf16 v20, v19;
	v3 =	vmul.bf16 v22, v21  }
0x316: {  	v51 =	vld [tilespmem:s8+$0xFFFFFFB0];
	v47 =	vmul.bf16 v24, v23;
	v49 =	vmul.bf16 v26, v25  }
0x317: {  	v54 =	vld [tilespmem:s8+$0xFFFFFFC0];
	v50 =	vmul.bf16 v28, v27;
	v53 =	vmul.bf16 v30, v29  }
0x318: {  	v57 =	vld [tilespmem:s8+$0xFFFFFFD0];
	v55 =	vmul.bf16 v32, v31;
	v56 =	vmul.bf16 v34, v33  }
0x319: {  	v59 =	vld [tilespmem:s8+$0xFFFFFFE0];
	v6 =	vmul.bf16 v18, v42;
	v60 =	vmul.bf16 v36, v35  }
0x31a: {  	v62 =	vld [tilespmem:s8+$0xFFFFFFF0];
	s4 =	sadd.s32 $0x3, s9;
	v9 =	vadd.f32 v13, v9;
	v61 =	vmul.bf16 v38, v37;
	v7 =	vmul.bf16 v40, v7  }
0x31b: {  	v29 =	vld [tilespmem:s8+$0x0];
	v38 =	vadd.s32 s4, v0;
	v39 =	vadd.s32 s9, v0;
	v12 =	vmul.bf16 v17, v41  }
0x31c: {  	s10 =	sadd.s32 $0x1, s9;
	v31 =	vld [tilespmem:s8+$0x10];
	v52 =	vunpack.i.u.bf16.f32 v2;
	v2 =	vunpack.i.l.bf16.f32 v2;
	v6 =	vmul.bf16 v44, v6  }
0x31d: {  	v33 =	vld [tilespmem:s8+$0x20];
	v41 =	vadd.s32 s10, v0;
	v63 =	vmul.bf16 v46, v45;
	v3 =	vmul.bf16 v48, v3  }
0x31e: {  	v37 =	vld [tilespmem:s8+$0x30];
	v2 =	vadd.f32 v2, v52;
	v20 =	vmul.bf16 v51, v47;
	v30 =	vmul.bf16 v54, v49  }
0x31f: {  	v34 =	vmul.bf16 v59, v53;
	v36 =	vmul.bf16 v62, v55;
	v8 =	vadd.bf16 v12, v43  }
0x320: {  	v32 =	vmul.bf16 v57, v50;
	v6 =	vadd.bf16 v63, v6;
	v3 =	vadd.bf16 v20, v3  }
0x321: {  	v14 =	vadd.bf16 v36, v34;
	v58 =	vunpack.i.u.bf16.f32 v8;
	v13 =	vmul.bf16 v29, v56  }
0x322: {  	v8 =	vunpack.i.l.bf16.f32 v8;
	v11 =	vmul.bf16 v31, v60;
	v12 =	vmul.bf16 v33, v61  }
0x323: {  	v7 =	vmul.bf16 v37, v7;
	v8 =	vadd.f32 v8, v58;
	v35 =	vunpack.i.u.bf16.f32 v6  }
0x324: {  	s13 =	sadd.s32 $0x2, s9;
	v6 =	vunpack.i.l.bf16.f32 v6;
	v40 =	vunpack.i.u.bf16.f32 v3;
	v3 =	vunpack.i.l.bf16.f32 v3  }
0x325: {  	v47 =	vadd.s32 s13, v0;
	v6 =	vadd.f32 v6, v35;
	v3 =	vadd.f32 v3, v40  }
0x326: {  	v43 =	vunpack.i.u.bf16.f32 v14;
	v11 =	vadd.bf16 v11, v13;
	v7 =	vadd.bf16 v7, v12  }
0x327: {  	v44 =	vunpack.i.l.bf16.f32 v14;
	v2 =	vadd.f32 v8, v2;
	v8 =	vadd.bf16 v32, v30  }
0x328: {  	v3 =	vadd.f32 v3, v6;
	v45 =	vunpack.i.u.bf16.f32 v11;
	v11 =	vunpack.i.l.bf16.f32 v11  }
0x329: {  	[tilespmem:v1+s30+$0x0] =	vst.idx.msk $0xffff, v5;
	v1 =	vunpack.i.u.bf16.f32 v7;
	v46 =	vunpack.i.l.bf16.f32 v7;
	v42 =	vunpack.i.u.bf16.f32 v8  }
0x32a: {  	v8 =	vunpack.i.l.bf16.f32 v8;
	v48 =	vadd.f32 v11, v45;
	v1 =	vadd.f32 v46, v1  }
0x32b: {  	[tilespmem:v4+s30+$0x0] =	vst.idx.msk $0xffff, v9;
	v6 =	vadd.f32 v44, v43;
	v8 =	vadd.f32 v8, v42  }
0x32c: {  	[tilespmem:v38+s30+$0x0] =	vst.idx.msk $0xffff, v2;
	v1 =	vadd.f32 v1, v48  }
0x32d: {  	[tilespmem:v39+s30+$0x0] =	vst.idx.msk $0xffff, v3;
	v2 =	vadd.f32 v6, v8  }
0x32e: {  	[tilespmem:v47+s30+$0x0] =	vst.idx.msk $0xffff, v1  }
0x32f: {  	[tilespmem:v41+s30+$0x0] =	vst.idx.msk $0xffff, v2  }
0x330: {  	v1 =	vld [tilespmem:$0x15140]  }
0x331: {  	v2 =	vld [tilespmem:$0x15191]  }
0x332: {  	v3 =	vld [tilespmem:$0x151E2]  }
0x333: {  	v49 =	vld [tilespmem:$0x15233]  }
0x334: {  	v50 =	vld [tilespmem:$0x15284]  }
0x335: {  	v51 =	vld [tilespmem:$0x152D5]  }
0x336: {  	v7 =	vld [tilespmem:$0x15326]  }
0x337: {  	v52 =	vld [tilespmem:$0x15377]  }
0x338: {  	v9 =	vld [tilespmem:$0x153C8]  }
0x339: {  	v10 =	vld [tilespmem:$0x15419]  }
0x33a: {  	v53 =	vld [tilespmem:$0x1546A]  }
0x33b: {  	v54 =	vld [tilespmem:$0x154BB]  }
0x33c: {  	v55 =	vld [tilespmem:$0x1550C]  }
0x33d: {  	v56 =	vld [tilespmem:$0x1555D];
	v1 =	vadd.f32 $0.0e+00, v1;
	v2 =	vadd.f32 $0.0e+00, v2  }
0x33e: {  	v15 =	vld [tilespmem:$0x155AE];
	v3 =	vadd.f32 $0.0e+00, v3;
	v4 =	vadd.f32 $0.0e+00, v49  }
0x33f: {  	v57 =	vld [tilespmem:$0x155FF];
	v1 =	vadd.f32 v50, v1;
	v2 =	vadd.f32 v51, v2  }
0x340: {  	v3 =	vadd.f32 v7, v3;
	v4 =	vadd.f32 v52, v4  }
0x341: {  	v1 =	vadd.f32 v9, v1;
	v2 =	vadd.f32 v10, v2  }
0x342: {  	v3 =	vadd.f32 v53, v3;
	v4 =	vadd.f32 v54, v4  }
0x343: {  	v1 =	vadd.f32 v55, v1;
	v2 =	vadd.f32 v56, v2  }
0x344: {  	v3 =	vadd.f32 v15, v3;
	v4 =	vadd.f32 v57, v4;
	_ =	sdelay $0x1  }
0x345: {  	v1 =	vadd.f32 v2, v1;
	v2 =	vadd.f32 v4, v3;
	_ =	sdelay $0x1  }
0x346: {  	v1 =	vadd.f32 v2, v1;
	_ =	sdelay $0x1  }
0x347: {  	[tilespmem:s7+$0x12A30] =	vst v1  }
0x348: {  	v1 =	vld [tilespmem:$0x15150]  }
0x349: {  	v2 =	vld [tilespmem:$0x151A1]  }
0x34a: {  	v3 =	vld [tilespmem:$0x151F2]  }
0x34b: {  	v58 =	vld [tilespmem:$0x15243]  }
0x34c: {  	v59 =	vld [tilespmem:$0x15294]  }
0x34d: {  	v60 =	vld [tilespmem:$0x152E5]  }
0x34e: {  	v61 =	vld [tilespmem:$0x15336]  }
0x34f: {  	v62 =	vld [tilespmem:$0x15387]  }
0x350: {  	v63 =	vld [tilespmem:$0x153D8]  }
0x351: {  	v18 =	vld [tilespmem:$0x15429]  }
0x352: {  	v19 =	vld [tilespmem:$0x1547A]  }
0x353: {  	v20 =	vld [tilespmem:$0x154CB]  }
0x354: {  	v21 =	vld [tilespmem:$0x1551C]  }
0x355: {  	v22 =	vld [tilespmem:$0x1556D];
	v1 =	vadd.f32 $0.0e+00, v1;
	v2 =	vadd.f32 $0.0e+00, v2  }
0x356: {  	v23 =	vld [tilespmem:$0x155BE];
	v3 =	vadd.f32 $0.0e+00, v3;
	v4 =	vadd.f32 $0.0e+00, v58  }
0x357: {  	v24 =	vld [tilespmem:$0x1560F];
	v1 =	vadd.f32 v59, v1;
	v2 =	vadd.f32 v60, v2  }
0x358: {  	v3 =	vadd.f32 v61, v3;
	v4 =	vadd.f32 v62, v4  }
0x359: {  	v1 =	vadd.f32 v63, v1;
	v2 =	vadd.f32 v18, v2  }
0x35a: {  	v3 =	vadd.f32 v19, v3;
	v4 =	vadd.f32 v20, v4  }
0x35b: {  	v1 =	vadd.f32 v21, v1;
	v2 =	vadd.f32 v22, v2  }
0x35c: {  	v3 =	vadd.f32 v23, v3;
	v4 =	vadd.f32 v24, v4;
	_ =	sdelay $0x1  }
0x35d: {  	v1 =	vadd.f32 v2, v1;
	v2 =	vadd.f32 v4, v3;
	_ =	sdelay $0x1  }
0x35e: {  	v1 =	vadd.f32 v2, v1;
	_ =	sdelay $0x1  }
0x35f: {  	[tilespmem:s6+$0x12AE0] =	vst v1  }
0x360: {  	v1 =	vld [tilespmem:$0x15160]  }
0x361: {  	v2 =	vld [tilespmem:$0x151B1]  }
0x362: {  	v3 =	vld [tilespmem:$0x15202]  }
0x363: {  	v25 =	vld [tilespmem:$0x15253]  }
0x364: {  	v26 =	vld [tilespmem:$0x152A4]  }
0x365: {  	v27 =	vld [tilespmem:$0x152F5]  }
0x366: {  	v28 =	vld [tilespmem:$0x15346]  }
0x367: {  	v29 =	vld [tilespmem:$0x15397]  }
0x368: {  	v30 =	vld [tilespmem:$0x153E8]  }
0x369: {  	v31 =	vld [tilespmem:$0x15439]  }
0x36a: {  	v32 =	vld [tilespmem:$0x1548A]  }
0x36b: {  	v33 =	vld [tilespmem:$0x154DB]  }
0x36c: {  	v34 =	vld [tilespmem:$0x1552C]  }
0x36d: {  	v35 =	vld [tilespmem:$0x1557D];
	v1 =	vadd.f32 $0.0e+00, v1;
	v2 =	vadd.f32 $0.0e+00, v2  }
0x36e: {  	v36 =	vld [tilespmem:$0x155CE];
	v3 =	vadd.f32 $0.0e+00, v3;
	v4 =	vadd.f32 $0.0e+00, v25  }
0x36f: {  	v37 =	vld [tilespmem:$0x1561F];
	v1 =	vadd.f32 v26, v1;
	v2 =	vadd.f32 v27, v2  }
0x370: {  	v3 =	vadd.f32 v28, v3;
	v4 =	vadd.f32 v29, v4  }
0x371: {  	v1 =	vadd.f32 v30, v1;
	v2 =	vadd.f32 v31, v2  }
0x372: {  	v3 =	vadd.f32 v32, v3;
	v4 =	vadd.f32 v33, v4  }
0x373: {  	v1 =	vadd.f32 v34, v1;
	v2 =	vadd.f32 v35, v2  }
0x374: {  	v3 =	vadd.f32 v36, v3;
	v4 =	vadd.f32 v37, v4;
	_ =	sdelay $0x1  }
0x375: {  	v1 =	vadd.f32 v2, v1;
	v2 =	vadd.f32 v4, v3;
	_ =	sdelay $0x1  }
0x376: {  	v1 =	vadd.f32 v2, v1;
	_ =	sdelay $0x1  }
0x377: {  	[tilespmem:s6+$0x12AF0] =	vst v1  }
0x378: {  	v1 =	vld [tilespmem:$0x15170]  }
0x379: {  	v2 =	vld [tilespmem:$0x151C1]  }
0x37a: {  	v3 =	vld [tilespmem:$0x15212]  }
0x37b: {  	v38 =	vld [tilespmem:$0x15263]  }
0x37c: {  	v39 =	vld [tilespmem:$0x152B4]  }
0x37d: {  	v40 =	vld [tilespmem:$0x15305]  }
0x37e: {  	v41 =	vld [tilespmem:$0x15356]  }
0x37f: {  	v42 =	vld [tilespmem:$0x153A7]  }
0x380: {  	v43 =	vld [tilespmem:$0x153F8]  }
0x381: {  	v44 =	vld [tilespmem:$0x15449]  }
0x382: {  	v45 =	vld [tilespmem:$0x1549A]  }
0x383: {  	v46 =	vld [tilespmem:$0x154EB]  }
0x384: {  	v47 =	vld [tilespmem:$0x1553C]  }
0x385: {  	v48 =	vld [tilespmem:$0x1558D];
	v1 =	vadd.f32 $0.0e+00, v1;
	v2 =	vadd.f32 $0.0e+00, v2  }
0x386: {  	v49 =	vld [tilespmem:$0x155DE];
	v3 =	vadd.f32 $0.0e+00, v3;
	v4 =	vadd.f32 $0.0e+00, v38  }
0x387: {  	v50 =	vld [tilespmem:$0x1562F];
	v1 =	vadd.f32 v39, v1;
	v2 =	vadd.f32 v40, v2  }
0x388: {  	v3 =	vadd.f32 v41, v3;
	v4 =	vadd.f32 v42, v4  }
0x389: {  	v1 =	vadd.f32 v43, v1;
	v2 =	vadd.f32 v44, v2  }
0x38a: {  	v3 =	vadd.f32 v45, v3;
	v4 =	vadd.f32 v46, v4  }
0x38b: {  	v1 =	vadd.f32 v47, v1;
	v2 =	vadd.f32 v48, v2  }
0x38c: {  	v3 =	vadd.f32 v49, v3;
	v4 =	vadd.f32 v50, v4;
	_ =	sdelay $0x1  }
0x38d: {  	v1 =	vadd.f32 v2, v1;
	v2 =	vadd.f32 v4, v3;
	_ =	sdelay $0x1  }
0x38e: {  	v1 =	vadd.f32 v2, v1;
	_ =	sdelay $0x1  }
0x38f: {  	[tilespmem:s6+$0x12B00] =	vst v1  }
0x390: {  	v1 =	vld [tilespmem:$0x15180]  }
0x391: {  	v2 =	vld [tilespmem:$0x151D1]  }
0x392: {  	v3 =	vld [tilespmem:$0x15222]  }
0x393: {  	v51 =	vld [tilespmem:$0x15273]  }
0x394: {  	v52 =	vld [tilespmem:$0x152C4]  }
0x395: {  	v53 =	vld [tilespmem:$0x15315]  }
0x396: {  	v54 =	vld [tilespmem:$0x15366]  }
0x397: {  	v55 =	vld [tilespmem:$0x153B7]  }
0x398: {  	v56 =	vld [tilespmem:$0x15408]  }
0x399: {  	v57 =	vld [tilespmem:$0x15459]  }
0x39a: {  	v58 =	vld [tilespmem:$0x154AA]  }
0x39b: {  	v59 =	vld [tilespmem:$0x154FB]  }
0x39c: {  	v60 =	vld [tilespmem:$0x1554C]  }
0x39d: {  	v61 =	vld [tilespmem:$0x1559D];
	v1 =	vadd.f32 $0.0e+00, v1;
	v2 =	vadd.f32 $0.0e+00, v2  }
0x39e: {  	v62 =	vld [tilespmem:$0x155EE];
	v3 =	vadd.f32 $0.0e+00, v3;
	v4 =	vadd.f32 $0.0e+00, v51  }
0x39f: {  	v63 =	vld [tilespmem:$0x1563F];
	v1 =	vadd.f32 v52, v1;
	v2 =	vadd.f32 v53, v2  }
0x3a0: {  	v3 =	vadd.f32 v54, v3;
	v4 =	vadd.f32 v55, v4  }
0x3a1: {  	v1 =	vadd.f32 v56, v1;
	v2 =	vadd.f32 v57, v2  }
0x3a2: {  	v3 =	vadd.f32 v58, v3;
	v4 =	vadd.f32 v59, v4  }
0x3a3: {  	v1 =	vadd.f32 v60, v1;
	v2 =	vadd.f32 v61, v2  }
0x3a4: {  	s5 =	sadd.s32 $0x1, s5;
	v3 =	vadd.f32 v62, v3;
	v4 =	vadd.f32 v63, v4  }
0x3a5: {  	p1 =	sne.s32 s5, $0x29  }
.Ltmp3:
0x3a6: {  	v1 =	vadd.f32 v2, v1;
	v2 =	vadd.f32 v4, v3;
	(pc) =	sbr.rel @p1 .LBB2_2-.Ltmp3, $3  }
0x3a7: {  	_ = 	snop  }
0x3a8: {  	v1 =	vadd.f32 v2, v1;
	_ =	sdelay $0x1  }
0x3a9: {  	[tilespmem:s6+$0x12B10] =	vst v1  }
0x3aa: {  	_ =	swait.ge [sflag:s23], $0x1400  }
0x3ab: {  	[sflag:s23] =	ssyncset.done $0x0  }
0x3ac: {  	[sflag:s23] =	ssyncadd.s32 $0xFFFFEC00  }
0x3ad: {  	_ =	swait.ge [sflag:s24], $0x1400  }
0x3ae: {  	[sflag:s24] =	ssyncset.done $0x0  }
0x3af: {  	[sflag:s24] =	ssyncadd.s32 $0xFFFFEC00  }
0x3b0: {  	_ =	swait.ge [sflag:s25], $0x1400  }
0x3b1: {  	[sflag:s25] =	ssyncset.done $0x0  }
0x3b2: {  	s3 =	simm.s32 $0xEEB0;
	[sflag:s25] =	ssyncadd.s32 $0xFFFFEC00  }
0x3b3: {  	v1 =	vld [tilespmem:s3+$0x40]  }
0x3b4: {  	s4 =	simm.s32 $0x76B0;
	v2 =	vld [tilespmem:s3+$0x50]  }
0x3b5: {  	s5 =	simm.s32 $0xB2B0;
	v3 =	vld [tilespmem:s4+$0x40]  }
0x3b6: {  	v4 =	vld [tilespmem:s5+$0x40]  }
0x3b7: {  	v5 =	vld [tilespmem:s4+$0x50]  }
0x3b8: {  	v6 =	vld [tilespmem:s5+$0x50]  }
0x3b9: {  	v7 =	vld [tilespmem:s4+$0x60]  }
0x3ba: {  	v8 =	vld [tilespmem:s5+$0x60]  }
0x3bb: {  	v9 =	vld [tilespmem:s4+$0x70]  }
0x3bc: {  	v10 =	vld [tilespmem:s5+$0x70]  }
0x3bd: {  	v11 =	vld [tilespmem:s3+$0x60]  }
0x3be: {  	v12 =	vld [tilespmem:s3+$0x70]  }
0x3bf: {  	v13 =	vld [tilespmem:s5+$0xFFFFFF80]  }
0x3c0: {  	v14 =	vld [tilespmem:s4+$0xFFFFFF90]  }
0x3c1: {  	v15 =	vld [tilespmem:s5+$0xFFFFFF90]  }
0x3c2: {  	v16 =	vld [tilespmem:s4+$0xFFFFFFA0]  }
0x3c3: {  	v17 =	vld [tilespmem:s5+$0xFFFFFFA0]  }
0x3c4: {  	v18 =	vld [tilespmem:s4+$0xFFFFFFB0]  }
0x3c5: {  	v19 =	vld [tilespmem:s5+$0xFFFFFFB0]  }
0x3c6: {  	v20 =	vld [tilespmem:s4+$0xFFFFFFC0]  }
0x3c7: {  	v21 =	vld [tilespmem:s5+$0xFFFFFFC0]  }
0x3c8: {  	v22 =	vld [tilespmem:s4+$0xFFFFFFD0]  }
0x3c9: {  	v23 =	vld [tilespmem:s5+$0xFFFFFFD0]  }
0x3ca: {  	v24 =	vld [tilespmem:s4+$0xFFFFFFE0]  }
0x3cb: {  	v25 =	vld [tilespmem:s5+$0xFFFFFFE0]  }
0x3cc: {  	v26 =	vld [tilespmem:s4+$0xFFFFFFF0]  }
0x3cd: {  	v27 =	vld [tilespmem:s5+$0xFFFFFFF0]  }
0x3ce: {  	v28 =	vld [tilespmem:s4+$0x0]  }
0x3cf: {  	v29 =	vld [tilespmem:s5+$0x0]  }
0x3d0: {  	v30 =	vld [tilespmem:s4+$0x10]  }
0x3d1: {  	v31 =	vld [tilespmem:s5+$0x10]  }
0x3d2: {  	v32 =	vld [tilespmem:s4+$0x20]  }
0x3d3: {  	v52 =	vld [tilespmem:s3+$0xFFFFFFB0];
	v3 =	vmul.bf16 v4, v3  }
0x3d4: {  	v54 =	vld [tilespmem:s3+$0xFFFFFFC0];
	v5 =	vmul.bf16 v6, v5;
	v6 =	vmul.bf16 v8, v7  }
0x3d5: {  	v57 =	vld [tilespmem:s3+$0xFFFFFFE0];
	v8 =	vmul.bf16 v10, v9;
	v9 =	vmul.bf16 v15, v14  }
0x3d6: {  	v4 =	vld [tilespmem:s5+$0x20];
	v14 =	vmul.bf16 v23, v22;
	v53 =	vmul.bf16 v29, v28  }
0x3d7: {  	v7 =	vld [tilespmem:s4+$0x30];
	v1 =	vmul.bf16 v1, v3;
	v2 =	vmul.bf16 v2, v5  }
0x3d8: {  	v5 =	vmul.bf16 v11, v6;
	v6 =	vld [tilespmem:s4+$0xFFFFFF80];
	v8 =	vmul.bf16 v12, v8  }
0x3d9: {  	v10 =	vld [tilespmem:s3+$0xFFFFFF80];
	v56 =	vmul.bf16 v31, v30;
	v11 =	vmul.bf16 v19, v18;
	v1 =	vadd.bf16 v2, v1  }
0x3da: {  	v12 =	vld [tilespmem:s3+$0xFFFFFF90];
	v2 =	vmul.bf16 v17, v16;
	v5 =	vadd.bf16 v8, v5;
	v8 =	vmul.bf16 v21, v20  }
0x3db: {  	v15 =	vld [tilespmem:s3+$0xFFFFFFA0];
	v17 =	vmul.bf16 v25, v24;
	v4 =	vmul.bf16 v4, v32  }
0x3dc: {  	v3 =	vld [tilespmem:s5+$0x30];
	v16 =	vunpack.i.u.bf16.f32 v1;
	v1 =	vunpack.i.l.bf16.f32 v1;
	v55 =	vunpack.i.u.bf16.f32 v5  }
0x3dd: {  	v5 =	vunpack.i.l.bf16.f32 v5;
	v17 =	vmul.bf16 v57, v17;
	v6 =	vmul.bf16 v13, v6;
	v13 =	vld [tilespmem:s3+$0xFFFFFFD0]  }
0x3de: {  	s9 =	simm.s32 $0x0;
	v1 =	vadd.f32 v1, v16;
	v16 =	vmul.bf16 v27, v26;
	v5 =	vadd.f32 v5, v55  }
0x3df: {  	v58 =	vadd.s32 s9, v0;
	v9 =	vmul.bf16 v12, v9;
	v6 =	vmul.bf16 v10, v6;
	v10 =	vld [tilespmem:s3+$0xFFFFFFF0]  }
0x3e0: {  	s8 =	simm.s32 $0x3;
	v5 =	vadd.f32 v5, v1;
	v1 =	vmul.bf16 v15, v2;
	v2 =	vmul.bf16 v52, v11;
	v11 =	vld [tilespmem:s3+$0x0]  }
0x3e1: {  	v12 =	vadd.s32 s8, v0;
	v15 =	vmul.bf16 v3, v7;
	v7 =	vld [tilespmem:s3+$0x10];
	v3 =	vadd.bf16 v9, v6  }
0x3e2: {  	s10 =	simm.s32 $0x1;
	v6 =	vmul.bf16 v54, v8;
	v8 =	vadd.bf16 v2, v1;
	v9 =	vld [tilespmem:s3+$0x20];
	v13 =	vmul.bf16 v13, v14  }
0x3e3: {  	s5 =	simm.s32 $0xEFB0;
	v1 =	vadd.s32 s10, v0;
	v14 =	vld [tilespmem:s3+$0x30];
	v59 =	vunpack.i.u.bf16.f32 v3;
	v3 =	vunpack.i.l.bf16.f32 v3  }
0x3e4: {  	v2 =	vld [tilespmem:s5+$0x40];
	v10 =	vmul.bf16 v10, v16;
	v13 =	vadd.bf16 v13, v6;
	v16 =	vunpack.i.u.bf16.f32 v8  }
0x3e5: {  	s7 =	simm.s32 $0x77B0;
	v20 =	vadd.f32 v3, v59;
	v3 =	vld [tilespmem:s5+$0x50];
	v8 =	vunpack.i.l.bf16.f32 v8;
	v11 =	vmul.bf16 v11, v53  }
0x3e6: {  	s3 =	simm.s32 $0xB3B0;
	v6 =	vld [tilespmem:s7+$0x40];
	v60 =	vmul.bf16 v7, v56;
	v16 =	vadd.f32 v8, v16;
	v10 =	vadd.bf16 v10, v17  }
0x3e7: {  	v7 =	vld [tilespmem:s3+$0x40];
	v17 =	vunpack.i.u.bf16.f32 v13;
	v13 =	vunpack.i.l.bf16.f32 v13;
	v4 =	vmul.bf16 v9, v4  }
0x3e8: {  	v8 =	vld [tilespmem:s7+$0x50];
	v11 =	vadd.bf16 v60, v11;
	v14 =	vmul.bf16 v14, v15;
	v16 =	vadd.f32 v16, v20  }
0x3e9: {  	v9 =	vld [tilespmem:s3+$0x50];
	v17 =	vadd.f32 v13, v17;
	v15 =	vunpack.i.u.bf16.f32 v10;
	v61 =	vunpack.i.l.bf16.f32 v10  }
0x3ea: {  	v10 =	vld [tilespmem:s7+$0x60];
	v13 =	vunpack.i.u.bf16.f32 v11;
	v4 =	vadd.bf16 v14, v4;
	v14 =	vunpack.i.l.bf16.f32 v11  }
0x3eb: {  	s13 =	simm.s32 $0x2;
	[tilespmem:v12+s30+$0x0] =	vst.idx.msk $0xffff, v5;
	v11 =	vld [tilespmem:s3+$0x60];
	v15 =	vadd.f32 v61, v15;
	v12 =	vadd.f32 v14, v13  }
0x3ec: {  	v13 =	vld [tilespmem:s7+$0x70];
	v62 =	vunpack.i.u.bf16.f32 v4;
	v63 =	vunpack.i.l.bf16.f32 v4;
	v4 =	vadd.s32 s13, v0  }
0x3ed: {  	s6 =	simm.s32 $0x4;
	s8 =	simm.s32 $0x8;
	[tilespmem:v58+s30+$0x0] =	vst.idx.msk $0xffff, v16;
	v14 =	vld [tilespmem:s3+$0x70];
	v5 =	vadd.f32 v15, v17;
	v15 =	vadd.f32 v63, v62  }
.LBB2_10:
0x3ee: {  	p1 =	slt.u32 s8, $0x4C;
	v16 =	vld [tilespmem:s5+$0x60]  }
0x3ef: {  	v17 =	vld [tilespmem:s5+$0x70];
	[tilespmem:v1+s30+$0x0] =	vst.idx.msk $0xffff, v5;
	v1 =	vadd.f32 v15, v12  }
0x3f0: {  	v5 =	vld [tilespmem:s3+$0xFFFFFF80]  }
0x3f1: {  	v6 =	vmul.bf16 v7, v6;
	v7 =	vmul.bf16 v9, v8;
	v12 =	vld [tilespmem:s7+$0xFFFFFF90];
	[tilespmem:v4+s30+$0x0] =	vst.idx.msk $0xffff, v1  }
0x3f2: {  	v4 =	vmul.bf16 v11, v10;
	v1 =	vld [tilespmem:s3+$0xFFFFFF90];
	v8 =	vmul.bf16 v14, v13  }
0x3f3: {  	v2 =	vmul.bf16 v2, v6;
	v3 =	vmul.bf16 v3, v7;
	v9 =	vld [tilespmem:s7+$0xFFFFFFA0]  }
0x3f4: {  	v4 =	vmul.bf16 v16, v4;
	v6 =	vld [tilespmem:s3+$0xFFFFFFA0];
	v7 =	vmul.bf16 v17, v8  }
0x3f5: {  	v2 =	vadd.bf16 v3, v2;
	v8 =	vld [tilespmem:s7+$0xFFFFFFB0]  }
0x3f6: {  	s4 =	sadd.s32 $0x3, s6;
	v3 =	vld [tilespmem:s3+$0xFFFFFFB0];
	v4 =	vadd.bf16 v7, v4  }
0x3f7: {  	v11 =	vadd.s32 s4, v0;
	v10 =	vunpack.i.u.bf16.f32 v2;
	v1 =	vmul.bf16 v1, v12;
	v7 =	vld [tilespmem:s7+$0xFFFFFFC0]  }
0x3f8: {  	v2 =	vunpack.i.l.bf16.f32 v2;
	v12 =	vld [tilespmem:s3+$0xFFFFFFC0];
	v13 =	vunpack.i.u.bf16.f32 v4;
	v4 =	vunpack.i.l.bf16.f32 v4  }
0x3f9: {  	v2 =	vadd.f32 v2, v10;
	v6 =	vmul.bf16 v6, v9;
	v9 =	vld [tilespmem:s7+$0xFFFFFFD0];
	v4 =	vadd.f32 v4, v13  }
0x3fa: {  	v10 =	vld [tilespmem:s3+$0xFFFFFFD0]  }
0x3fb: {  	v3 =	vmul.bf16 v3, v8;
	v8 =	vld [tilespmem:s7+$0xFFFFFFE0];
	v2 =	vadd.f32 v4, v2  }
0x3fc: {  	v4 =	vld [tilespmem:s3+$0xFFFFFFE0]  }
0x3fd: {  	v7 =	vmul.bf16 v12, v7;
	v12 =	vld [tilespmem:s7+$0xFFFFFFF0];
	[tilespmem:v11+s30+$0x0] =	vst.idx.msk $0xffff, v2  }
0x3fe: {  	v2 =	vld [tilespmem:s3+$0xFFFFFFF0]  }
0x3ff: {  	v9 =	vmul.bf16 v10, v9;
	v10 =	vld [tilespmem:s7+$0x0]  }
0x400: {  	v11 =	vld [tilespmem:s3+$0x0]  }
0x401: {  	v4 =	vmul.bf16 v4, v8;
	v8 =	vld [tilespmem:s7+$0x10]  }
0x402: {  	v13 =	vld [tilespmem:s3+$0x10]  }
0x403: {  	v12 =	vmul.bf16 v2, v12;
	v2 =	vld [tilespmem:s7+$0x20]  }
0x404: {  	v14 =	vld [tilespmem:s3+$0x20]  }
0x405: {  	v10 =	vmul.bf16 v11, v10;
	v11 =	vld [tilespmem:s7+$0x30]  }
0x406: {  	v15 =	vld [tilespmem:s3+$0x30]  }
0x407: {  	v16 =	vld [tilespmem:s7+$0xFFFFFF80];
	v8 =	vmul.bf16 v13, v8  }
0x408: {  	v13 =	vld [tilespmem:s5+$0xFFFFFF80]  }
0x409: {  	v17 =	vld [tilespmem:s5+$0xFFFFFF90];
	v14 =	vmul.bf16 v14, v2  }
0x40a: {  	v2 =	vld [tilespmem:s5+$0xFFFFFFA0]  }
0x40b: {  	v18 =	vld [tilespmem:s5+$0xFFFFFFB0];
	v11 =	vmul.bf16 v15, v11  }
0x40c: {  	v5 =	vmul.bf16 v5, v16;
	v15 =	vld [tilespmem:s5+$0xFFFFFFC0]  }
0x40d: {  	v16 =	vld [tilespmem:s5+$0xFFFFFFD0]  }
0x40e: {  	v5 =	vmul.bf16 v13, v5;
	v1 =	vmul.bf16 v17, v1;
	v13 =	vld [tilespmem:s5+$0xFFFFFFE0]  }
0x40f: {  	v2 =	vmul.bf16 v2, v6;
	v6 =	vld [tilespmem:s5+$0xFFFFFFF0]  }
0x410: {  	v3 =	vmul.bf16 v18, v3;
	v1 =	vadd.bf16 v1, v5;
	v5 =	vld [tilespmem:s5+$0x0]  }
0x411: {  	v17 =	vadd.s32 s6, v0;
	v7 =	vmul.bf16 v15, v7;
	v15 =	vld [tilespmem:s5+$0x10]  }
0x412: {  	s4 =	sadd.s32 $0x1, s6;
	v18 =	vunpack.i.u.bf16.f32 v1;
	v19 =	vadd.bf16 v3, v2;
	v3 =	vmul.bf16 v16, v9;
	v9 =	vld [tilespmem:s5+$0x20]  }
0x413: {  	v16 =	vunpack.i.l.bf16.f32 v1;
	v1 =	vadd.s32 s4, v0;
	v4 =	vmul.bf16 v13, v4;
	v13 =	vld [tilespmem:s5+$0x30];
	s5 =	sadd.s32 $0x100, s5  }
0x414: {  	v2 =	vld [tilespmem:s5+$0x40];
	v20 =	vunpack.i.u.bf16.f32 v19;
	v12 =	vmul.bf16 v6, v12;
	v21 =	vadd.bf16 v3, v7  }
0x415: {  	s7 =	sadd.s32 $0x100, s7;
	v16 =	vadd.f32 v16, v18;
	v19 =	vunpack.i.l.bf16.f32 v19;
	v3 =	vld [tilespmem:s5+$0x50];
	v5 =	vmul.bf16 v5, v10  }
0x416: {  	s3 =	sadd.s32 $0x100, s3;
	v6 =	vld [tilespmem:s7+$0x40];
	v10 =	vunpack.i.u.bf16.f32 v21;
	v4 =	vadd.bf16 v12, v4;
	v12 =	vmul.bf16 v15, v8  }
0x417: {  	v15 =	vadd.f32 v19, v20;
	v18 =	vunpack.i.l.bf16.f32 v21;
	v7 =	vld [tilespmem:s3+$0x40];
	v14 =	vmul.bf16 v9, v14  }
0x418: {  	v8 =	vld [tilespmem:s7+$0x50];
	v19 =	vunpack.i.u.bf16.f32 v4;
	v11 =	vmul.bf16 v13, v11;
	v5 =	vadd.bf16 v12, v5  }
.Ltmp4:
0x419: {  	v12 =	vadd.f32 v15, v16;
	v4 =	vunpack.i.l.bf16.f32 v4;
	v15 =	vadd.f32 v18, v10;
	v9 =	vld [tilespmem:s3+$0x50];
	(pc) =	sbr.rel @p1 .LBB2_10-.Ltmp4, $4  }
0x41a: {  	v10 =	vld [tilespmem:s7+$0x60];
	v13 =	vunpack.i.u.bf16.f32 v5;
	v5 =	vunpack.i.l.bf16.f32 v5;
	v14 =	vadd.bf16 v11, v14  }
0x41b: {  	s4 =	sadd.s32 $0x2, s6;
	s6 =	smov.u32 s8;
	v16 =	vadd.f32 v4, v19;
	v11 =	vld [tilespmem:s3+$0x60];
	[tilespmem:v17+s30+$0x0] =	vst.idx.msk $0xffff, v12;
	v12 =	vadd.f32 v5, v13  }
0x41c: {  	v4 =	vadd.s32 s4, v0;
	v13 =	vld [tilespmem:s7+$0x70];
	v17 =	vunpack.i.u.bf16.f32 v14;
	v18 =	vunpack.i.l.bf16.f32 v14  }
0x41d: {  	s8 =	sadd.s32 $0x4, s8;
	v5 =	vadd.f32 v16, v15;
	v14 =	vld [tilespmem:s3+$0x70];
	v15 =	vadd.f32 v18, v17  }
0x41e: {  	v16 =	vld [tilespmem:s5+$0x60]  }
0x41f: {  	v17 =	vld [tilespmem:s5+$0x70]  }
0x420: {  	v18 =	vld [tilespmem:s3+$0xFFFFFF80]  }
0x421: {  	v19 =	vld [tilespmem:s7+$0xFFFFFF90]  }
0x422: {  	v20 =	vld [tilespmem:s3+$0xFFFFFF90]  }
0x423: {  	v21 =	vld [tilespmem:s7+$0xFFFFFFA0]  }
0x424: {  	v22 =	vld [tilespmem:s3+$0xFFFFFFA0]  }
0x425: {  	v23 =	vld [tilespmem:s7+$0xFFFFFFB0]  }
0x426: {  	v24 =	vld [tilespmem:s3+$0xFFFFFFB0]  }
0x427: {  	v25 =	vld [tilespmem:s7+$0xFFFFFFC0]  }
0x428: {  	v26 =	vld [tilespmem:s3+$0xFFFFFFC0]  }
0x429: {  	v27 =	vld [tilespmem:s7+$0xFFFFFFD0]  }
0x42a: {  	v28 =	vld [tilespmem:s3+$0xFFFFFFD0]  }
0x42b: {  	v29 =	vld [tilespmem:s7+$0xFFFFFFE0]  }
0x42c: {  	v30 =	vld [tilespmem:s3+$0xFFFFFFE0]  }
0x42d: {  	v31 =	vld [tilespmem:s7+$0xFFFFFFF0]  }
0x42e: {  	v32 =	vld [tilespmem:s3+$0xFFFFFFF0]  }
0x42f: {  	v33 =	vld [tilespmem:s7+$0x0]  }
0x430: {  	v35 =	vld [tilespmem:s7+$0x10]  }
0x431: {  	v36 =	vld [tilespmem:s3+$0x10]  }
0x432: {  	v37 =	vld [tilespmem:s7+$0x20]  }
0x433: {  	v6 =	vmul.bf16 v7, v6;
	v7 =	vmul.bf16 v9, v8;
	v8 =	vld [tilespmem:s3+$0x20]  }
0x434: {  	v39 =	vld [tilespmem:s5+$0xFFFFFFB0]  }
0x435: {  	v42 =	vld [tilespmem:s5+$0xFFFFFFC0];
	v9 =	vmul.bf16 v11, v10  }
0x436: {  	v11 =	vld [tilespmem:s7+$0x30];
	v2 =	vmul.bf16 v2, v6;
	v3 =	vmul.bf16 v3, v7  }
0x437: {  	v12 =	vadd.f32 v15, v12;
	v6 =	vld [tilespmem:s3+$0x30];
	v10 =	vmul.bf16 v14, v13;
	v7 =	vmul.bf16 v16, v9  }
0x438: {  	v2 =	vadd.bf16 v3, v2;
	v13 =	vld [tilespmem:s5+$0xFFFFFF90];
	v15 =	vmul.bf16 v22, v21;
	v63 =	vmul.bf16 v24, v23  }
0x439: {  	v16 =	vld [tilespmem:s5+$0xFFFFFFA0];
	v38 =	vmul.bf16 v26, v25;
	v9 =	vmul.bf16 v17, v10  }
0x43a: {  	v40 =	vmul.bf16 v28, v27;
	v41 =	vmul.bf16 v30, v29;
	v10 =	vld [tilespmem:s7+$0xFFFFFF80];
	v14 =	vunpack.i.u.bf16.f32 v2  }
0x43b: {  	v45 =	vld [tilespmem:s5+$0xFFFFFFE0];
	v2 =	vunpack.i.l.bf16.f32 v2;
	v7 =	vadd.bf16 v9, v7;
	v9 =	vmul.bf16 v20, v19  }
0x43c: {  	v3 =	vld [tilespmem:s5+$0xFFFFFF80];
	v44 =	vmul.bf16 v36, v35;
	v2 =	vadd.f32 v2, v14;
	v14 =	vmul.bf16 v32, v31  }
0x43d: {  	v43 =	vld [tilespmem:s5+$0xFFFFFFD0];
	s13 =	sadd.s32 $0x3, s6;
	v6 =	vmul.bf16 v6, v11;
	v9 =	vmul.bf16 v13, v9  }
0x43e: {  	v34 =	vld [tilespmem:s3+$0x0];
	v46 =	vadd.s32 s13, v0;
	v11 =	vmul.bf16 v16, v15;
	v13 =	vmul.bf16 v39, v63  }
0x43f: {  	v47 =	vld [tilespmem:s5+$0x20];
	v17 =	vunpack.i.u.bf16.f32 v7;
	v7 =	vunpack.i.l.bf16.f32 v7;
	v10 =	vmul.bf16 v18, v10  }
0x440: {  	s4 =	sadd.s32 $0x1, s6;
	v49 =	vmul.bf16 v45, v41;
	v7 =	vadd.f32 v7, v17;
	v11 =	vadd.bf16 v13, v11;
	v13 =	vld [tilespmem:s5+$0x30]  }
0x441: {  	v50 =	vadd.s32 s4, v0;
	v16 =	vmul.bf16 v42, v38;
	v3 =	vmul.bf16 v3, v10;
	v10 =	vld [tilespmem:s5+$0xFFFFFFF0]  }
0x442: {  	v18 =	vmul.bf16 v43, v40;
	v2 =	vadd.f32 v7, v2;
	v7 =	vmul.bf16 v8, v37;
	v8 =	vld [tilespmem:s5+$0x0]  }
0x443: {  	v15 =	vadd.s32 s6, v0;
	v17 =	vmul.bf16 v34, v33;
	v3 =	vadd.bf16 v9, v3;
	v9 =	vld [tilespmem:s5+$0x10]  }
0x444: {  	v16 =	vadd.bf16 v18, v16;
	v51 =	vunpack.i.u.bf16.f32 v11;
	v11 =	vunpack.i.l.bf16.f32 v11  }
0x445: {  	v11 =	vadd.f32 v11, v51;
	v7 =	vmul.bf16 v47, v7;
	v6 =	vmul.bf16 v13, v6  }
0x446: {  	v48 =	vunpack.i.u.bf16.f32 v3;
	v3 =	vunpack.i.l.bf16.f32 v3;
	v10 =	vmul.bf16 v10, v14  }
0x447: {  	v3 =	vadd.f32 v3, v48;
	v8 =	vmul.bf16 v8, v17;
	v6 =	vadd.bf16 v6, v7  }
0x448: {  	v14 =	vunpack.i.u.bf16.f32 v16;
	v16 =	vunpack.i.l.bf16.f32 v16;
	v9 =	vmul.bf16 v9, v44  }
0x449: {  	[tilespmem:v1+s30+$0x0] =	vst.idx.msk $0xffff, v5;
	s5 =	sadd.s32 $0x2, s6;
	v10 =	vadd.bf16 v10, v49;
	v3 =	vadd.f32 v11, v3;
	v1 =	vunpack.i.u.bf16.f32 v6  }
0x44a: {  	v5 =	vunpack.i.l.bf16.f32 v6;
	v6 =	vadd.s32 s5, v0;
	v8 =	vadd.bf16 v9, v8  }
0x44b: {  	v13 =	vunpack.i.u.bf16.f32 v10;
	v9 =	vunpack.i.l.bf16.f32 v10;
	v10 =	vadd.f32 v16, v14  }
0x44c: {  	v9 =	vadd.f32 v9, v13;
	v7 =	vunpack.i.u.bf16.f32 v8;
	v8 =	vunpack.i.l.bf16.f32 v8  }
0x44d: {  	[tilespmem:v4+s30+$0x0] =	vst.idx.msk $0xffff, v12;
	v1 =	vadd.f32 v5, v1;
	v4 =	vadd.f32 v8, v7  }
0x44e: {  	[tilespmem:v46+s30+$0x0] =	vst.idx.msk $0xffff, v2;
	v2 =	vadd.f32 v9, v10  }
0x44f: {  	[tilespmem:v15+s30+$0x0] =	vst.idx.msk $0xffff, v3;
	v1 =	vadd.f32 v1, v4  }
0x450: {  	[tilespmem:v50+s30+$0x0] =	vst.idx.msk $0xffff, v2  }
0x451: {  	[tilespmem:v6+s30+$0x0] =	vst.idx.msk $0xffff, v1  }
0x452: {  	v1 =	vld [tilespmem:$0x15140]  }
0x453: {  	v2 =	vld [tilespmem:$0x15191]  }
0x454: {  	v3 =	vld [tilespmem:$0x151E2]  }
0x455: {  	v4 =	vld [tilespmem:$0x15233]  }
0x456: {  	v5 =	vld [tilespmem:$0x15284]  }
0x457: {  	v6 =	vld [tilespmem:$0x152D5]  }
0x458: {  	v7 =	vld [tilespmem:$0x15326]  }
0x459: {  	v8 =	vld [tilespmem:$0x15377]  }
0x45a: {  	v9 =	vld [tilespmem:$0x153C8]  }
0x45b: {  	v10 =	vld [tilespmem:$0x15419]  }
0x45c: {  	v11 =	vld [tilespmem:$0x1546A]  }
0x45d: {  	v12 =	vld [tilespmem:$0x154BB]  }
0x45e: {  	v13 =	vld [tilespmem:$0x1550C]  }
0x45f: {  	v14 =	vld [tilespmem:$0x1555D]  }
0x460: {  	v15 =	vld [tilespmem:$0x155AE]  }
0x461: {  	v16 =	vld [tilespmem:$0x155FF]  }
0x462: {  	v17 =	vld [tilespmem:$0x15150]  }
0x463: {  	v52 =	vld [tilespmem:$0x151A1]  }
0x464: {  	v53 =	vld [tilespmem:$0x151F2]  }
0x465: {  	v54 =	vld [tilespmem:$0x15243]  }
0x466: {  	v55 =	vld [tilespmem:$0x15294]  }
0x467: {  	v22 =	vld [tilespmem:$0x152E5]  }
0x468: {  	v56 =	vld [tilespmem:$0x15336]  }
0x469: {  	v57 =	vld [tilespmem:$0x15387]  }
0x46a: {  	v58 =	vld [tilespmem:$0x153D8]  }
0x46b: {  	v59 =	vld [tilespmem:$0x15429]  }
0x46c: {  	v27 =	vld [tilespmem:$0x1547A]  }
0x46d: {  	v60 =	vld [tilespmem:$0x154CB]  }
0x46e: {  	v61 =	vld [tilespmem:$0x1551C]  }
0x46f: {  	v62 =	vld [tilespmem:$0x1556D]  }
0x470: {  	v63 =	vld [tilespmem:$0x155BE]  }
0x471: {  	v44 =	vld [tilespmem:$0x1560F]  }
0x472: {  	v45 =	vld [tilespmem:$0x15160]  }
0x473: {  	v46 =	vld [tilespmem:$0x151B1]  }
0x474: {  	v47 =	vld [tilespmem:$0x15202]  }
0x475: {  	v48 =	vld [tilespmem:$0x15253]  }
0x476: {  	v49 =	vld [tilespmem:$0x152A4]  }
0x477: {  	v38 =	vld [tilespmem:$0x152F5]  }
0x478: {  	v39 =	vld [tilespmem:$0x15346]  }
0x479: {  	v40 =	vld [tilespmem:$0x15397]  }
0x47a: {  	v41 =	vld [tilespmem:$0x153E8];
	v1 =	vadd.f32 $0.0e+00, v1  }
0x47b: {  	v50 =	vld [tilespmem:$0x152B4];
	v2 =	vadd.f32 $0.0e+00, v2;
	v3 =	vadd.f32 $0.0e+00, v3  }
0x47c: {  	v51 =	vld [tilespmem:$0x15305];
	v4 =	vadd.f32 $0.0e+00, v4;
	v1 =	vadd.f32 v5, v1  }
0x47d: {  	v31 =	vld [tilespmem:$0x155DE];
	v2 =	vadd.f32 v6, v2;
	v3 =	vadd.f32 v7, v3  }
0x47e: {  	v32 =	vld [tilespmem:$0x15459];
	v4 =	vadd.f32 v8, v4;
	v1 =	vadd.f32 v9, v1  }
0x47f: {  	v33 =	vld [tilespmem:$0x154AA];
	v2 =	vadd.f32 v10, v2;
	v3 =	vadd.f32 v11, v3  }
0x480: {  	v34 =	vld [tilespmem:$0x154FB];
	v4 =	vadd.f32 v12, v4;
	v12 =	vadd.f32 $0.0e+00, v52  }
0x481: {  	v35 =	vld [tilespmem:$0x1559D];
	v1 =	vadd.f32 v13, v1;
	v2 =	vadd.f32 v14, v2  }
0x482: {  	v5 =	vld [tilespmem:$0x15439];
	v3 =	vadd.f32 v15, v3;
	v4 =	vadd.f32 v16, v4  }
0x483: {  	v6 =	vld [tilespmem:$0x1548A];
	v14 =	vadd.f32 $0.0e+00, v53;
	v15 =	vadd.f32 $0.0e+00, v54  }
0x484: {  	v7 =	vld [tilespmem:$0x154DB];
	v12 =	vadd.f32 v22, v12;
	v1 =	vadd.f32 v2, v1  }
0x485: {  	v8 =	vld [tilespmem:$0x1552C];
	v2 =	vadd.f32 v4, v3;
	v4 =	vadd.f32 $0.0e+00, v17  }
0x486: {  	v9 =	vld [tilespmem:$0x1557D];
	v14 =	vadd.f32 v56, v14;
	v15 =	vadd.f32 v57, v15  }
0x487: {  	v10 =	vld [tilespmem:$0x155CE];
	v12 =	vadd.f32 v59, v12;
	v56 =	vadd.f32 $0.0e+00, v46  }
0x488: {  	v11 =	vld [tilespmem:$0x1561F];
	v59 =	vadd.f32 $0.0e+00, v48;
	v4 =	vadd.f32 v55, v4  }
0x489: {  	v52 =	vld [tilespmem:$0x15356];
	v14 =	vadd.f32 v27, v14;
	v15 =	vadd.f32 v60, v15  }
0x48a: {  	v13 =	vld [tilespmem:$0x151C1];
	v12 =	vadd.f32 v62, v12;
	v55 =	vadd.f32 $0.0e+00, v45  }
0x48b: {  	v3 =	vld [tilespmem:$0x15170];
	v24 =	vadd.f32 v38, v56;
	v27 =	vadd.f32 v40, v59  }
0x48c: {  	v16 =	vld [tilespmem:$0x15212];
	v1 =	vadd.f32 v2, v1;
	v4 =	vadd.f32 v58, v4  }
0x48d: {  	v53 =	vld [tilespmem:$0x153A7];
	v14 =	vadd.f32 v63, v14;
	v15 =	vadd.f32 v44, v15  }
0x48e: {  	v17 =	vld [tilespmem:$0x15263];
	v58 =	vadd.f32 $0.0e+00, v47;
	v23 =	vadd.f32 v49, v55  }
0x48f: {  	v2 =	vld [tilespmem:$0x15273];
	v5 =	vadd.f32 v5, v24;
	v7 =	vadd.f32 v7, v27  }
0x490: {  	v54 =	vld [tilespmem:$0x153F8];
	v3 =	vadd.f32 $0.0e+00, v3;
	v4 =	vadd.f32 v61, v4  }
0x491: {  	v57 =	vld [tilespmem:$0x15449];
	v26 =	vadd.f32 v39, v58;
	v23 =	vadd.f32 v41, v23  }
0x492: {  	v60 =	vld [tilespmem:$0x1549A];
	v5 =	vadd.f32 v9, v5;
	v7 =	vadd.f32 v11, v7  }
0x493: {  	v62 =	vld [tilespmem:$0x1553C];
	v11 =	vadd.f32 v15, v14;
	v14 =	vadd.f32 $0.0e+00, v17  }
0x494: {  	v63 =	vld [tilespmem:$0x1558D];
	v3 =	vadd.f32 v50, v3;
	v2 =	vadd.f32 $0.0e+00, v2  }
0x495: {  	v61 =	vld [tilespmem:$0x154EB];
	v6 =	vadd.f32 v6, v26;
	v8 =	vadd.f32 v8, v23  }
0x496: {  	v9 =	vld [tilespmem:$0x1562F];
	v4 =	vadd.f32 v12, v4;
	v14 =	vadd.f32 v53, v14  }
0x497: {  	v12 =	vld [tilespmem:$0x151D1];
	v3 =	vadd.f32 v54, v3;
	v6 =	vadd.f32 v10, v6  }
0x498: {  	v10 =	vld [tilespmem:$0x15180];
	v5 =	vadd.f32 v5, v8;
	v4 =	vadd.f32 v11, v4  }
0x499: {  	v8 =	vadd.f32 $0.0e+00, v13;
	v11 =	vld [tilespmem:$0x15315];
	v13 =	vadd.f32 $0.0e+00, v16  }
0x49a: {  	v16 =	vld [tilespmem:$0x153B7];
	v14 =	vadd.f32 v61, v14;
	v6 =	vadd.f32 v7, v6  }
0x49b: {  	v3 =	vadd.f32 v62, v3;
	v7 =	vld [tilespmem:$0x15222];
	v8 =	vadd.f32 v51, v8  }
0x49c: {  	v13 =	vadd.f32 v52, v13;
	v5 =	vadd.f32 v6, v5;
	v6 =	vld [tilespmem:$0x152C4]  }
0x49d: {  	v15 =	vld [tilespmem:$0x15366];
	v9 =	vadd.f32 v9, v14;
	v12 =	vadd.f32 $0.0e+00, v12  }
0x49e: {  	v17 =	vld [tilespmem:$0x15408];
	v8 =	vadd.f32 v57, v8;
	v13 =	vadd.f32 v60, v13  }
0x49f: {  	v36 =	vld [tilespmem:$0x155EE];
	v10 =	vadd.f32 $0.0e+00, v10;
	v2 =	vadd.f32 v16, v2  }
0x4a0: {  	v14 =	vld [tilespmem:$0x1554C];
	v8 =	vadd.f32 v63, v8;
	v7 =	vadd.f32 $0.0e+00, v7  }
0x4a1: {  	v6 =	vadd.f32 v6, v10;
	v10 =	vadd.f32 v11, v12;
	v11 =	vld [tilespmem:$0x1563F]  }
0x4a2: {  	v13 =	vadd.f32 v31, v13;
	v7 =	vadd.f32 v15, v7  }
0x4a3: {  	v6 =	vadd.f32 v17, v6;
	v10 =	vadd.f32 v32, v10  }
0x4a4: {  	v2 =	vadd.f32 v34, v2;
	v7 =	vadd.f32 v33, v7  }
0x4a5: {  	v6 =	vadd.f32 v14, v6;
	v10 =	vadd.f32 v35, v10  }
0x4a6: {  	v7 =	vadd.f32 v36, v7;
	v2 =	vadd.f32 v11, v2  }
0x4a7: {  	v3 =	vadd.f32 v8, v3;
	v8 =	vadd.f32 v9, v13  }
0x4a8: {  	[tilespmem:$0x150A0] =	vst v1;
	v1 =	vadd.f32 v10, v6;
	v2 =	vadd.f32 v2, v7  }
0x4a9: {  	[tilespmem:$0x150B0] =	vst v4;
	v3 =	vadd.f32 v8, v3  }
0x4aa: {  	[tilespmem:$0x150C0] =	vst v5;
	v1 =	vadd.f32 v2, v1  }
0x4ab: {  	[tilespmem:$0x150D0] =	vst v3  }
0x4ac: {  	[tilespmem:$0x150E0] =	vst v1  }
0x4ad: {  	_ =	swait.ge [sflag:s31], $0x1400  }
0x4ae: {  	[sflag:s31] =	ssyncset.done $0x0  }
0x4af: {  	[sflag:s31] =	ssyncadd.s32 $0xFFFFEC00  }
0x4b0: {  	_ =	swait.ge [sflag:s1], $0x1400  }
0x4b1: {  	[sflag:s1] =	ssyncset.done $0x0  }
0x4b2: {  	[sflag:s1] =	ssyncadd.s32 $0xFFFFEC00  }
0x4b3: {  	_ =	swait.ge [sflag:s19], $0x1400  }
0x4b4: {  	[sflag:s19] =	ssyncset.done $0x0  }
0x4b5: {  	s6 =	simm.s32 $0x102B0;
	[sflag:s19] =	ssyncadd.s32 $0xFFFFEC00  }
0x4b6: {  	v1 =	vld [tilespmem:s6+$0x40]  }
0x4b7: {  	s4 =	simm.s32 $0x8AB0;
	v2 =	vld [tilespmem:s6+$0x50]  }
0x4b8: {  	s7 =	simm.s32 $0xC6B0;
	v3 =	vld [tilespmem:s4+$0x40]  }
0x4b9: {  	v4 =	vld [tilespmem:s7+$0x40]  }
0x4ba: {  	v5 =	vld [tilespmem:s4+$0x50]  }
0x4bb: {  	v6 =	vld [tilespmem:s7+$0x50]  }
0x4bc: {  	v7 =	vld [tilespmem:s4+$0x60]  }
0x4bd: {  	v8 =	vld [tilespmem:s7+$0x60]  }
0x4be: {  	v9 =	vld [tilespmem:s4+$0x70]  }
0x4bf: {  	v10 =	vld [tilespmem:s7+$0x70]  }
0x4c0: {  	v11 =	vld [tilespmem:s6+$0x60]  }
0x4c1: {  	v12 =	vld [tilespmem:s6+$0x70]  }
0x4c2: {  	v13 =	vld [tilespmem:s7+$0xFFFFFF80]  }
0x4c3: {  	v14 =	vld [tilespmem:s4+$0xFFFFFF90]  }
0x4c4: {  	v15 =	vld [tilespmem:s7+$0xFFFFFF90]  }
0x4c5: {  	v16 =	vld [tilespmem:s4+$0xFFFFFFA0]  }
0x4c6: {  	v17 =	vld [tilespmem:s7+$0xFFFFFFA0]  }
0x4c7: {  	v37 =	vld [tilespmem:s4+$0xFFFFFFB0]  }
0x4c8: {  	v38 =	vld [tilespmem:s7+$0xFFFFFFB0]  }
0x4c9: {  	v39 =	vld [tilespmem:s4+$0xFFFFFFC0]  }
0x4ca: {  	v40 =	vld [tilespmem:s7+$0xFFFFFFC0]  }
0x4cb: {  	v41 =	vld [tilespmem:s4+$0xFFFFFFD0]  }
0x4cc: {  	v42 =	vld [tilespmem:s7+$0xFFFFFFD0]  }
0x4cd: {  	v43 =	vld [tilespmem:s4+$0xFFFFFFE0]  }
0x4ce: {  	v44 =	vld [tilespmem:s7+$0xFFFFFFE0]  }
0x4cf: {  	v45 =	vld [tilespmem:s4+$0xFFFFFFF0]  }
0x4d0: {  	v46 =	vld [tilespmem:s7+$0xFFFFFFF0]  }
0x4d1: {  	v47 =	vld [tilespmem:s4+$0x0]  }
0x4d2: {  	v48 =	vld [tilespmem:s7+$0x0]  }
0x4d3: {  	v49 =	vld [tilespmem:s4+$0x10]  }
0x4d4: {  	v50 =	vld [tilespmem:s7+$0x10]  }
0x4d5: {  	v51 =	vld [tilespmem:s4+$0x20]  }
0x4d6: {  	v52 =	vld [tilespmem:s6+$0xFFFFFFB0];
	v3 =	vmul.bf16 v4, v3  }
0x4d7: {  	v54 =	vld [tilespmem:s6+$0xFFFFFFC0];
	v5 =	vmul.bf16 v6, v5;
	v6 =	vmul.bf16 v8, v7  }
0x4d8: {  	v57 =	vld [tilespmem:s6+$0xFFFFFFE0];
	v8 =	vmul.bf16 v10, v9;
	v9 =	vmul.bf16 v15, v14  }
0x4d9: {  	v4 =	vld [tilespmem:s7+$0x20];
	v14 =	vmul.bf16 v42, v41;
	v53 =	vmul.bf16 v48, v47  }
0x4da: {  	v7 =	vld [tilespmem:s4+$0x30];
	v1 =	vmul.bf16 v1, v3;
	v2 =	vmul.bf16 v2, v5  }
0x4db: {  	v5 =	vmul.bf16 v11, v6;
	v6 =	vld [tilespmem:s4+$0xFFFFFF80];
	v8 =	vmul.bf16 v12, v8  }
0x4dc: {  	v10 =	vld [tilespmem:s6+$0xFFFFFF80];
	v56 =	vmul.bf16 v50, v49;
	v11 =	vmul.bf16 v38, v37;
	v1 =	vadd.bf16 v2, v1  }
0x4dd: {  	v12 =	vld [tilespmem:s6+$0xFFFFFF90];
	v2 =	vmul.bf16 v17, v16;
	v5 =	vadd.bf16 v8, v5;
	v8 =	vmul.bf16 v40, v39  }
0x4de: {  	v15 =	vld [tilespmem:s6+$0xFFFFFFA0];
	v17 =	vmul.bf16 v44, v43;
	v4 =	vmul.bf16 v4, v51  }
0x4df: {  	v3 =	vld [tilespmem:s7+$0x30];
	v16 =	vunpack.i.u.bf16.f32 v1;
	v1 =	vunpack.i.l.bf16.f32 v1;
	v55 =	vunpack.i.u.bf16.f32 v5  }
0x4e0: {  	v5 =	vunpack.i.l.bf16.f32 v5;
	v17 =	vmul.bf16 v57, v17;
	v6 =	vmul.bf16 v13, v6;
	v13 =	vld [tilespmem:s6+$0xFFFFFFD0]  }
0x4e1: {  	s9 =	simm.s32 $0x0;
	v1 =	vadd.f32 v1, v16;
	v16 =	vmul.bf16 v46, v45;
	v5 =	vadd.f32 v5, v55  }
0x4e2: {  	v58 =	vadd.s32 s9, v0;
	v9 =	vmul.bf16 v12, v9;
	v6 =	vmul.bf16 v10, v6;
	v10 =	vld [tilespmem:s6+$0xFFFFFFF0]  }
0x4e3: {  	s8 =	simm.s32 $0x3;
	v5 =	vadd.f32 v5, v1;
	v1 =	vmul.bf16 v15, v2;
	v2 =	vmul.bf16 v52, v11;
	v11 =	vld [tilespmem:s6+$0x0]  }
0x4e4: {  	v12 =	vadd.s32 s8, v0;
	v15 =	vmul.bf16 v3, v7;
	v7 =	vld [tilespmem:s6+$0x10];
	v3 =	vadd.bf16 v9, v6  }
0x4e5: {  	s10 =	simm.s32 $0x1;
	v6 =	vmul.bf16 v54, v8;
	v8 =	vadd.bf16 v2, v1;
	v9 =	vld [tilespmem:s6+$0x20];
	v13 =	vmul.bf16 v13, v14  }
0x4e6: {  	s5 =	simm.s32 $0x103B0;
	v1 =	vadd.s32 s10, v0;
	v14 =	vld [tilespmem:s6+$0x30];
	v59 =	vunpack.i.u.bf16.f32 v3;
	v3 =	vunpack.i.l.bf16.f32 v3  }
0x4e7: {  	v2 =	vld [tilespmem:s5+$0x40];
	v10 =	vmul.bf16 v10, v16;
	v13 =	vadd.bf16 v13, v6;
	v16 =	vunpack.i.u.bf16.f32 v8  }
0x4e8: {  	s7 =	simm.s32 $0x8BB0;
	v20 =	vadd.f32 v3, v59;
	v3 =	vld [tilespmem:s5+$0x50];
	v8 =	vunpack.i.l.bf16.f32 v8;
	v11 =	vmul.bf16 v11, v53  }
0x4e9: {  	s3 =	simm.s32 $0xC7B0;
	v6 =	vld [tilespmem:s7+$0x40];
	v60 =	vmul.bf16 v7, v56;
	v16 =	vadd.f32 v8, v16;
	v10 =	vadd.bf16 v10, v17  }
0x4ea: {  	v7 =	vld [tilespmem:s3+$0x40];
	v17 =	vunpack.i.u.bf16.f32 v13;
	v13 =	vunpack.i.l.bf16.f32 v13;
	v4 =	vmul.bf16 v9, v4  }
0x4eb: {  	v8 =	vld [tilespmem:s7+$0x50];
	v11 =	vadd.bf16 v60, v11;
	v14 =	vmul.bf16 v14, v15;
	v16 =	vadd.f32 v16, v20  }
0x4ec: {  	v9 =	vld [tilespmem:s3+$0x50];
	v17 =	vadd.f32 v13, v17;
	v15 =	vunpack.i.u.bf16.f32 v10;
	v61 =	vunpack.i.l.bf16.f32 v10  }
0x4ed: {  	v10 =	vld [tilespmem:s7+$0x60];
	v13 =	vunpack.i.u.bf16.f32 v11;
	v4 =	vadd.bf16 v14, v4;
	v14 =	vunpack.i.l.bf16.f32 v11  }
0x4ee: {  	s13 =	simm.s32 $0x2;
	[tilespmem:v12+s30+$0x0] =	vst.idx.msk $0xffff, v5;
	v11 =	vld [tilespmem:s3+$0x60];
	v15 =	vadd.f32 v61, v15;
	v12 =	vadd.f32 v14, v13  }
0x4ef: {  	v13 =	vld [tilespmem:s7+$0x70];
	v62 =	vunpack.i.u.bf16.f32 v4;
	v63 =	vunpack.i.l.bf16.f32 v4;
	v4 =	vadd.s32 s13, v0  }
0x4f0: {  	s8 =	simm.s32 $0x8;
	s10 =	simm.s32 $0x0;
	s6 =	simm.s32 $0x4;
	[tilespmem:v58+s30+$0x0] =	vst.idx.msk $0xffff, v16;
	v14 =	vld [tilespmem:s3+$0x70];
	v5 =	vadd.f32 v15, v17;
	v15 =	vadd.f32 v63, v62  }
.LBB2_12:
0x4f1: {  	p1 =	slt.u32 s8, $0x4C;
	v16 =	vld [tilespmem:s5+$0x60]  }
0x4f2: {  	v17 =	vld [tilespmem:s5+$0x70];
	[tilespmem:v1+s30+$0x0] =	vst.idx.msk $0xffff, v5;
	v1 =	vadd.f32 v15, v12  }
0x4f3: {  	v5 =	vld [tilespmem:s3+$0xFFFFFF80]  }
0x4f4: {  	v6 =	vmul.bf16 v7, v6;
	v7 =	vmul.bf16 v9, v8;
	v12 =	vld [tilespmem:s7+$0xFFFFFF90];
	[tilespmem:v4+s30+$0x0] =	vst.idx.msk $0xffff, v1  }
0x4f5: {  	v4 =	vmul.bf16 v11, v10;
	v1 =	vld [tilespmem:s3+$0xFFFFFF90];
	v8 =	vmul.bf16 v14, v13  }
0x4f6: {  	v2 =	vmul.bf16 v2, v6;
	v3 =	vmul.bf16 v3, v7;
	v9 =	vld [tilespmem:s7+$0xFFFFFFA0]  }
0x4f7: {  	v4 =	vmul.bf16 v16, v4;
	v6 =	vld [tilespmem:s3+$0xFFFFFFA0];
	v7 =	vmul.bf16 v17, v8  }
0x4f8: {  	v2 =	vadd.bf16 v3, v2;
	v8 =	vld [tilespmem:s7+$0xFFFFFFB0]  }
0x4f9: {  	s4 =	sadd.s32 $0x3, s6;
	v3 =	vld [tilespmem:s3+$0xFFFFFFB0];
	v4 =	vadd.bf16 v7, v4  }
0x4fa: {  	v11 =	vadd.s32 s4, v0;
	v10 =	vunpack.i.u.bf16.f32 v2;
	v1 =	vmul.bf16 v1, v12;
	v7 =	vld [tilespmem:s7+$0xFFFFFFC0]  }
0x4fb: {  	v2 =	vunpack.i.l.bf16.f32 v2;
	v12 =	vld [tilespmem:s3+$0xFFFFFFC0];
	v13 =	vunpack.i.u.bf16.f32 v4;
	v4 =	vunpack.i.l.bf16.f32 v4  }
0x4fc: {  	v2 =	vadd.f32 v2, v10;
	v6 =	vmul.bf16 v6, v9;
	v9 =	vld [tilespmem:s7+$0xFFFFFFD0];
	v4 =	vadd.f32 v4, v13  }
0x4fd: {  	v10 =	vld [tilespmem:s3+$0xFFFFFFD0]  }
0x4fe: {  	v3 =	vmul.bf16 v3, v8;
	v8 =	vld [tilespmem:s7+$0xFFFFFFE0];
	v2 =	vadd.f32 v4, v2  }
0x4ff: {  	v4 =	vld [tilespmem:s3+$0xFFFFFFE0]  }
0x500: {  	v7 =	vmul.bf16 v12, v7;
	v12 =	vld [tilespmem:s7+$0xFFFFFFF0];
	[tilespmem:v11+s30+$0x0] =	vst.idx.msk $0xffff, v2  }
0x501: {  	v2 =	vld [tilespmem:s3+$0xFFFFFFF0]  }
0x502: {  	v9 =	vmul.bf16 v10, v9;
	v10 =	vld [tilespmem:s7+$0x0]  }
0x503: {  	v11 =	vld [tilespmem:s3+$0x0]  }
0x504: {  	v4 =	vmul.bf16 v4, v8;
	v8 =	vld [tilespmem:s7+$0x10]  }
0x505: {  	v13 =	vld [tilespmem:s3+$0x10]  }
0x506: {  	v12 =	vmul.bf16 v2, v12;
	v2 =	vld [tilespmem:s7+$0x20]  }
0x507: {  	v14 =	vld [tilespmem:s3+$0x20]  }
0x508: {  	v10 =	vmul.bf16 v11, v10;
	v11 =	vld [tilespmem:s7+$0x30]  }
0x509: {  	v15 =	vld [tilespmem:s3+$0x30]  }
0x50a: {  	v16 =	vld [tilespmem:s7+$0xFFFFFF80];
	v8 =	vmul.bf16 v13, v8  }
0x50b: {  	v13 =	vld [tilespmem:s5+$0xFFFFFF80]  }
0x50c: {  	v17 =	vld [tilespmem:s5+$0xFFFFFF90];
	v14 =	vmul.bf16 v14, v2  }
0x50d: {  	v2 =	vld [tilespmem:s5+$0xFFFFFFA0]  }
0x50e: {  	v18 =	vld [tilespmem:s5+$0xFFFFFFB0];
	v11 =	vmul.bf16 v15, v11  }
0x50f: {  	v5 =	vmul.bf16 v5, v16;
	v15 =	vld [tilespmem:s5+$0xFFFFFFC0]  }
0x510: {  	v16 =	vld [tilespmem:s5+$0xFFFFFFD0]  }
0x511: {  	v5 =	vmul.bf16 v13, v5;
	v1 =	vmul.bf16 v17, v1;
	v13 =	vld [tilespmem:s5+$0xFFFFFFE0]  }
0x512: {  	v2 =	vmul.bf16 v2, v6;
	v6 =	vld [tilespmem:s5+$0xFFFFFFF0]  }
0x513: {  	v3 =	vmul.bf16 v18, v3;
	v1 =	vadd.bf16 v1, v5;
	v5 =	vld [tilespmem:s5+$0x0]  }
0x514: {  	v17 =	vadd.s32 s6, v0;
	v7 =	vmul.bf16 v15, v7;
	v15 =	vld [tilespmem:s5+$0x10]  }
0x515: {  	s4 =	sadd.s32 $0x1, s6;
	v18 =	vunpack.i.u.bf16.f32 v1;
	v19 =	vadd.bf16 v3, v2;
	v3 =	vmul.bf16 v16, v9;
	v9 =	vld [tilespmem:s5+$0x20]  }
0x516: {  	v16 =	vunpack.i.l.bf16.f32 v1;
	v1 =	vadd.s32 s4, v0;
	v4 =	vmul.bf16 v13, v4;
	v13 =	vld [tilespmem:s5+$0x30];
	s5 =	sadd.s32 $0x100, s5  }
0x517: {  	v2 =	vld [tilespmem:s5+$0x40];
	v20 =	vunpack.i.u.bf16.f32 v19;
	v12 =	vmul.bf16 v6, v12;
	v21 =	vadd.bf16 v3, v7  }
0x518: {  	s7 =	sadd.s32 $0x100, s7;
	v16 =	vadd.f32 v16, v18;
	v19 =	vunpack.i.l.bf16.f32 v19;
	v3 =	vld [tilespmem:s5+$0x50];
	v5 =	vmul.bf16 v5, v10  }
0x519: {  	s3 =	sadd.s32 $0x100, s3;
	v6 =	vld [tilespmem:s7+$0x40];
	v10 =	vunpack.i.u.bf16.f32 v21;
	v4 =	vadd.bf16 v12, v4;
	v12 =	vmul.bf16 v15, v8  }
0x51a: {  	v15 =	vadd.f32 v19, v20;
	v18 =	vunpack.i.l.bf16.f32 v21;
	v7 =	vld [tilespmem:s3+$0x40];
	v14 =	vmul.bf16 v9, v14  }
0x51b: {  	v8 =	vld [tilespmem:s7+$0x50];
	v19 =	vunpack.i.u.bf16.f32 v4;
	v11 =	vmul.bf16 v13, v11;
	v5 =	vadd.bf16 v12, v5  }
.Ltmp5:
0x51c: {  	v12 =	vadd.f32 v15, v16;
	v4 =	vunpack.i.l.bf16.f32 v4;
	v15 =	vadd.f32 v18, v10;
	v9 =	vld [tilespmem:s3+$0x50];
	(pc) =	sbr.rel @p1 .LBB2_12-.Ltmp5, $4  }
0x51d: {  	v10 =	vld [tilespmem:s7+$0x60];
	v13 =	vunpack.i.u.bf16.f32 v5;
	v5 =	vunpack.i.l.bf16.f32 v5;
	v14 =	vadd.bf16 v11, v14  }
0x51e: {  	s4 =	sadd.s32 $0x2, s6;
	s6 =	smov.u32 s8;
	v16 =	vadd.f32 v4, v19;
	v11 =	vld [tilespmem:s3+$0x60];
	[tilespmem:v17+s30+$0x0] =	vst.idx.msk $0xffff, v12;
	v12 =	vadd.f32 v5, v13  }
0x51f: {  	v4 =	vadd.s32 s4, v0;
	v13 =	vld [tilespmem:s7+$0x70];
	v17 =	vunpack.i.u.bf16.f32 v14;
	v18 =	vunpack.i.l.bf16.f32 v14  }
0x520: {  	s8 =	sadd.s32 $0x4, s8;
	v5 =	vadd.f32 v16, v15;
	v14 =	vld [tilespmem:s3+$0x70];
	v15 =	vadd.f32 v18, v17  }
0x521: {  	v16 =	vld [tilespmem:s5+$0x60]  }
0x522: {  	v17 =	vld [tilespmem:s5+$0x70]  }
0x523: {  	v18 =	vld [tilespmem:s3+$0xFFFFFF80]  }
0x524: {  	v19 =	vld [tilespmem:s7+$0xFFFFFF90]  }
0x525: {  	v20 =	vld [tilespmem:s3+$0xFFFFFF90]  }
0x526: {  	v21 =	vld [tilespmem:s7+$0xFFFFFFA0]  }
0x527: {  	v22 =	vld [tilespmem:s3+$0xFFFFFFA0]  }
0x528: {  	v23 =	vld [tilespmem:s7+$0xFFFFFFB0]  }
0x529: {  	v24 =	vld [tilespmem:s3+$0xFFFFFFB0]  }
0x52a: {  	v25 =	vld [tilespmem:s7+$0xFFFFFFC0]  }
0x52b: {  	v26 =	vld [tilespmem:s3+$0xFFFFFFC0]  }
0x52c: {  	v27 =	vld [tilespmem:s7+$0xFFFFFFD0]  }
0x52d: {  	v28 =	vld [tilespmem:s3+$0xFFFFFFD0]  }
0x52e: {  	v29 =	vld [tilespmem:s7+$0xFFFFFFE0]  }
0x52f: {  	v30 =	vld [tilespmem:s3+$0xFFFFFFE0]  }
0x530: {  	v31 =	vld [tilespmem:s7+$0xFFFFFFF0]  }
0x531: {  	v32 =	vld [tilespmem:s3+$0xFFFFFFF0]  }
0x532: {  	v33 =	vld [tilespmem:s7+$0x0]  }
0x533: {  	v34 =	vld [tilespmem:s3+$0x0]  }
0x534: {  	v35 =	vld [tilespmem:s7+$0x10]  }
0x535: {  	v36 =	vld [tilespmem:s3+$0x10]  }
0x536: {  	v37 =	vld [tilespmem:s7+$0x20]  }
0x537: {  	v59 =	vld [tilespmem:s3+$0x20]  }
0x538: {  	v6 =	vmul.bf16 v7, v6;
	v62 =	vld [tilespmem:s7+$0x30]  }
0x539: {  	v58 =	vmul.bf16 v9, v8;
	v63 =	vld [tilespmem:s3+$0x30]  }
0x53a: {  	v39 =	vld [tilespmem:s7+$0xFFFFFF80];
	v60 =	vmul.bf16 v11, v10;
	v2 =	vmul.bf16 v2, v6  }
0x53b: {  	v41 =	vld [tilespmem:s5+$0xFFFFFF90];
	v3 =	vmul.bf16 v3, v58;
	v61 =	vmul.bf16 v14, v13  }
0x53c: {  	v44 =	vld [tilespmem:s5+$0xFFFFFFA0];
	v16 =	vmul.bf16 v16, v60;
	v40 =	vmul.bf16 v20, v19  }
0x53d: {  	v48 =	vld [tilespmem:s5+$0xFFFFFFB0];
	v43 =	vmul.bf16 v22, v21;
	v46 =	vmul.bf16 v24, v23  }
0x53e: {  	v51 =	vld [tilespmem:s5+$0xFFFFFFC0];
	v47 =	vmul.bf16 v26, v25;
	v49 =	vmul.bf16 v28, v27  }
0x53f: {  	v53 =	vld [tilespmem:s5+$0xFFFFFFD0];
	s13 =	sadd.s32 $0x3, s6;
	v12 =	vadd.f32 v15, v12;
	v50 =	vmul.bf16 v30, v29;
	v52 =	vmul.bf16 v32, v31  }
0x540: {  	v56 =	vld [tilespmem:s5+$0xFFFFFFE0];
	v57 =	vadd.s32 s13, v0;
	v10 =	vmul.bf16 v18, v39;
	v54 =	vmul.bf16 v34, v33  }
0x541: {  	s4 =	sadd.s32 $0x1, s6;
	v58 =	vld [tilespmem:s5+$0xFFFFFFF0];
	v2 =	vadd.bf16 v3, v2;
	v55 =	vmul.bf16 v36, v35;
	v59 =	vmul.bf16 v59, v37  }
0x542: {  	v3 =	vld [tilespmem:s5+$0xFFFFFF80];
	v6 =	vmul.bf16 v63, v62;
	v28 =	vadd.s32 s6, v0;
	v34 =	vadd.s32 s4, v0  }
0x543: {  	v60 =	vld [tilespmem:s5+$0x0];
	v38 =	vmul.bf16 v17, v61;
	v42 =	vunpack.i.u.bf16.f32 v2;
	v9 =	vmul.bf16 v41, v40  }
0x544: {  	v32 =	vld [tilespmem:s5+$0x30];
	v2 =	vunpack.i.l.bf16.f32 v2;
	v61 =	vmul.bf16 v44, v43;
	v62 =	vmul.bf16 v48, v46  }
0x545: {  	s7 =	sadd.s32 $0x2, s6;
	v2 =	vadd.f32 v2, v42;
	v29 =	vmul.bf16 v51, v47;
	v18 =	vmul.bf16 v53, v49  }
0x546: {  	v33 =	vmul.bf16 v56, v50;
	v42 =	vadd.s32 s7, v0;
	v7 =	vadd.bf16 v38, v16  }
0x547: {  	v63 =	vld [tilespmem:s5+$0x10];
	v3 =	vmul.bf16 v3, v10;
	v11 =	vadd.bf16 v62, v61;
	v16 =	vadd.bf16 v18, v29  }
0x548: {  	v30 =	vld [tilespmem:s5+$0x20];
	v10 =	vmul.bf16 v58, v52;
	v45 =	vunpack.i.u.bf16.f32 v7;
	v7 =	vunpack.i.l.bf16.f32 v7  }
0x549: {  	v8 =	vmul.bf16 v60, v54;
	v6 =	vmul.bf16 v32, v6;
	v7 =	vadd.f32 v7, v45  }
0x54a: {  	v3 =	vadd.bf16 v9, v3;
	v35 =	vunpack.i.u.bf16.f32 v11;
	v11 =	vunpack.i.l.bf16.f32 v11  }
0x54b: {  	v36 =	vunpack.i.u.bf16.f32 v16;
	v10 =	vadd.bf16 v10, v33;
	v16 =	vunpack.i.l.bf16.f32 v16  }
0x54c: {  	v9 =	vmul.bf16 v63, v55;
	v11 =	vadd.f32 v11, v35;
	v39 =	vadd.f32 v16, v36  }
0x54d: {  	v2 =	vadd.f32 v7, v2;
	v31 =	vunpack.i.u.bf16.f32 v3;
	v7 =	vmul.bf16 v30, v59  }
0x54e: {  	v3 =	vunpack.i.l.bf16.f32 v3;
	v37 =	vunpack.i.u.bf16.f32 v10;
	v8 =	vadd.bf16 v9, v8  }
0x54f: {  	v38 =	vunpack.i.l.bf16.f32 v10;
	v3 =	vadd.f32 v3, v31;
	v6 =	vadd.bf16 v6, v7  }
0x550: {  	v9 =	vadd.f32 v38, v37;
	v40 =	vunpack.i.u.bf16.f32 v8;
	v8 =	vunpack.i.l.bf16.f32 v8  }
0x551: {  	[tilespmem:v1+s30+$0x0] =	vst.idx.msk $0xffff, v5;
	v3 =	vadd.f32 v11, v3;
	v1 =	vunpack.i.u.bf16.f32 v6;
	v41 =	vunpack.i.l.bf16.f32 v6  }
0x552: {  	[tilespmem:v4+s30+$0x0] =	vst.idx.msk $0xffff, v12;
	v43 =	vadd.f32 v8, v40;
	v1 =	vadd.f32 v41, v1  }
0x553: {  	[tilespmem:v57+s30+$0x0] =	vst.idx.msk $0xffff, v2;
	v2 =	vadd.f32 v9, v39  }
0x554: {  	[tilespmem:v28+s30+$0x0] =	vst.idx.msk $0xffff, v3;
	v1 =	vadd.f32 v1, v43  }
0x555: {  	[tilespmem:v34+s30+$0x0] =	vst.idx.msk $0xffff, v2  }
0x556: {  	[tilespmem:v42+s30+$0x0] =	vst.idx.msk $0xffff, v1  }
0x557: {  	v1 =	vld [tilespmem:$0x15140]  }
0x558: {  	v2 =	vld [tilespmem:$0x15191]  }
0x559: {  	v3 =	vld [tilespmem:$0x151E2]  }
0x55a: {  	v4 =	vld [tilespmem:$0x15233]  }
0x55b: {  	v44 =	vld [tilespmem:$0x15284]  }
0x55c: {  	v6 =	vld [tilespmem:$0x152D5]  }
0x55d: {  	v45 =	vld [tilespmem:$0x15326]  }
0x55e: {  	v46 =	vld [tilespmem:$0x15377]  }
0x55f: {  	v47 =	vld [tilespmem:$0x153C8]  }
0x560: {  	v48 =	vld [tilespmem:$0x15419]  }
0x561: {  	v49 =	vld [tilespmem:$0x1546A]  }
0x562: {  	v12 =	vld [tilespmem:$0x154BB]  }
0x563: {  	v50 =	vld [tilespmem:$0x1550C]  }
0x564: {  	v51 =	vld [tilespmem:$0x1555D]  }
0x565: {  	v15 =	vld [tilespmem:$0x155AE]  }
0x566: {  	v52 =	vld [tilespmem:$0x155FF]  }
0x567: {  	v53 =	vld [tilespmem:$0x15150]  }
0x568: {  	v54 =	vld [tilespmem:$0x151A1]  }
0x569: {  	v55 =	vld [tilespmem:$0x151F2]  }
0x56a: {  	v56 =	vld [tilespmem:$0x15243]  }
0x56b: {  	v57 =	vld [tilespmem:$0x15294]  }
0x56c: {  	v22 =	vld [tilespmem:$0x152E5]  }
0x56d: {  	v23 =	vld [tilespmem:$0x15336]  }
0x56e: {  	v58 =	vld [tilespmem:$0x15387]  }
0x56f: {  	v25 =	vld [tilespmem:$0x153D8]  }
0x570: {  	v59 =	vld [tilespmem:$0x15429]  }
0x571: {  	v27 =	vld [tilespmem:$0x1547A]  }
0x572: {  	v60 =	vld [tilespmem:$0x154CB]  }
0x573: {  	v29 =	vld [tilespmem:$0x1551C]  }
0x574: {  	v61 =	vld [tilespmem:$0x1556D]  }
0x575: {  	v31 =	vld [tilespmem:$0x155BE]  }
0x576: {  	v62 =	vld [tilespmem:$0x1560F]  }
0x577: {  	v63 =	vld [tilespmem:$0x15160]  }
0x578: {  	v34 =	vld [tilespmem:$0x151B1]  }
0x579: {  	v35 =	vld [tilespmem:$0x15202]  }
0x57a: {  	v36 =	vld [tilespmem:$0x15253]  }
0x57b: {  	v37 =	vld [tilespmem:$0x152A4]  }
0x57c: {  	v38 =	vld [tilespmem:$0x152F5]  }
0x57d: {  	v39 =	vld [tilespmem:$0x15346]  }
0x57e: {  	v43 =	vld [tilespmem:$0x15180]  }
0x57f: {  	v40 =	vld [tilespmem:$0x15397];
	v1 =	vadd.f32 $0.0e+00, v1  }
0x580: {  	v41 =	vld [tilespmem:$0x153E8];
	v2 =	vadd.f32 $0.0e+00, v2;
	v3 =	vadd.f32 $0.0e+00, v3  }
0x581: {  	v33 =	vld [tilespmem:$0x15449];
	v4 =	vadd.f32 $0.0e+00, v4;
	v63 =	vadd.f32 $0.0e+00, v63  }
0x582: {  	v42 =	vld [tilespmem:$0x1562F];
	v32 =	vadd.f32 $0.0e+00, v34;
	v34 =	vadd.f32 $0.0e+00, v35  }
0x583: {  	v35 =	vadd.f32 $0.0e+00, v36;
	v36 =	vld [tilespmem:$0x1549A];
	v10 =	vadd.f32 $0.0e+00, v43  }
0x584: {  	v1 =	vadd.f32 v44, v1;
	v2 =	vadd.f32 v6, v2;
	v44 =	vld [tilespmem:$0x15439]  }
0x585: {  	v3 =	vadd.f32 v45, v3;
	v4 =	vadd.f32 v46, v4;
	v45 =	vld [tilespmem:$0x1548A]  }
0x586: {  	v46 =	vld [tilespmem:$0x154DB];
	v24 =	vadd.f32 v38, v32;
	v26 =	vadd.f32 v39, v34  }
0x587: {  	v38 =	vld [tilespmem:$0x154EB];
	v1 =	vadd.f32 v47, v1;
	v2 =	vadd.f32 v48, v2  }
0x588: {  	v39 =	vld [tilespmem:$0x1553C];
	v3 =	vadd.f32 v49, v3;
	v4 =	vadd.f32 v12, v4  }
0x589: {  	v47 =	vld [tilespmem:$0x1552C];
	v1 =	vadd.f32 v50, v1;
	v2 =	vadd.f32 v51, v2  }
0x58a: {  	v48 =	vld [tilespmem:$0x1557D];
	v3 =	vadd.f32 v15, v3;
	v4 =	vadd.f32 v52, v4  }
0x58b: {  	v49 =	vld [tilespmem:$0x155CE];
	v51 =	vadd.f32 $0.0e+00, v53;
	v52 =	vadd.f32 $0.0e+00, v54  }
0x58c: {  	v50 =	vld [tilespmem:$0x1561F];
	v54 =	vadd.f32 $0.0e+00, v55;
	v55 =	vadd.f32 $0.0e+00, v56  }
0x58d: {  	v53 =	vld [tilespmem:$0x151C1];
	v5 =	vadd.f32 v44, v24;
	v6 =	vadd.f32 v45, v26  }
0x58e: {  	v56 =	vld [tilespmem:$0x15212];
	v1 =	vadd.f32 v2, v1;
	v2 =	vadd.f32 v4, v3  }
0x58f: {  	v45 =	vld [tilespmem:$0x151D1];
	v4 =	vadd.f32 v57, v51;
	v12 =	vadd.f32 v22, v52  }
0x590: {  	v3 =	vld [tilespmem:$0x15170];
	v14 =	vadd.f32 v23, v54;
	v15 =	vadd.f32 v58, v55  }
0x591: {  	v57 =	vld [tilespmem:$0x15263];
	v23 =	vadd.f32 v37, v63;
	v5 =	vadd.f32 v48, v5  }
0x592: {  	v58 =	vld [tilespmem:$0x152B4];
	v6 =	vadd.f32 v49, v6;
	v4 =	vadd.f32 v25, v4  }
0x593: {  	v52 =	vld [tilespmem:$0x15366];
	v12 =	vadd.f32 v59, v12;
	v14 =	vadd.f32 v27, v14  }
0x594: {  	v54 =	vld [tilespmem:$0x15408];
	v15 =	vadd.f32 v60, v15;
	v27 =	vadd.f32 v40, v35  }
0x595: {  	v55 =	vld [tilespmem:$0x15459];
	v23 =	vadd.f32 v41, v23;
	v1 =	vadd.f32 v2, v1  }
0x596: {  	v49 =	vld [tilespmem:$0x15315];
	v48 =	vadd.f32 $0.0e+00, v53;
	v4 =	vadd.f32 v29, v4  }
0x597: {  	v59 =	vld [tilespmem:$0x15305];
	v12 =	vadd.f32 v61, v12;
	v14 =	vadd.f32 v31, v14  }
0x598: {  	v60 =	vld [tilespmem:$0x15356];
	v15 =	vadd.f32 v62, v15;
	v7 =	vadd.f32 v46, v27  }
0x599: {  	v2 =	vld [tilespmem:$0x15273];
	v8 =	vadd.f32 v47, v23;
	v3 =	vadd.f32 $0.0e+00, v3  }
0x59a: {  	v40 =	vld [tilespmem:$0x1558D];
	v51 =	vadd.f32 $0.0e+00, v57;
	v7 =	vadd.f32 v50, v7  }
0x59b: {  	v61 =	vld [tilespmem:$0x153A7];
	v4 =	vadd.f32 v12, v4;
	v44 =	vadd.f32 v15, v14  }
0x59c: {  	v62 =	vld [tilespmem:$0x153F8];
	v5 =	vadd.f32 v5, v8;
	v50 =	vadd.f32 $0.0e+00, v56  }
0x59d: {  	v46 =	vld [tilespmem:$0x15222];
	v12 =	vadd.f32 $0.0e+00, v45;
	v3 =	vadd.f32 v58, v3  }
0x59e: {  	v53 =	vld [tilespmem:$0x153B7];
	v8 =	vadd.f32 v59, v48;
	v2 =	vadd.f32 $0.0e+00, v2  }
0x59f: {  	v47 =	vld [tilespmem:$0x152C4];
	v6 =	vadd.f32 v7, v6;
	v4 =	vadd.f32 v44, v4  }
0x5a0: {  	v41 =	vld [tilespmem:$0x155DE];
	v13 =	vadd.f32 v60, v50;
	v14 =	vadd.f32 v61, v51  }
0x5a1: {  	v57 =	vld [tilespmem:$0x154FB];
	v3 =	vadd.f32 v62, v3;
	v8 =	vadd.f32 v33, v8  }
0x5a2: {  	v56 =	vld [tilespmem:$0x154AA];
	v7 =	vadd.f32 $0.0e+00, v46;
	v61 =	vadd.f32 v49, v12  }
0x5a3: {  	v58 =	vld [tilespmem:$0x1554C];
	v2 =	vadd.f32 v53, v2;
	v5 =	vadd.f32 v6, v5  }
0x5a4: {  	v59 =	vld [tilespmem:$0x1559D];
	v13 =	vadd.f32 v36, v13;
	v6 =	vadd.f32 v47, v10  }
0x5a5: {  	v60 =	vld [tilespmem:$0x155EE];
	v14 =	vadd.f32 v38, v14;
	v3 =	vadd.f32 v39, v3  }
0x5a6: {  	v62 =	vld [tilespmem:$0x1563F];
	v8 =	vadd.f32 v40, v8;
	v7 =	vadd.f32 v52, v7  }
0x5a7: {  	v10 =	vadd.f32 v55, v61;
	v2 =	vadd.f32 v57, v2  }
0x5a8: {  	v13 =	vadd.f32 v41, v13;
	v6 =	vadd.f32 v54, v6  }
0x5a9: {  	v9 =	vadd.f32 v42, v14;
	v7 =	vadd.f32 v56, v7  }
0x5aa: {  	v10 =	vadd.f32 v59, v10;
	v6 =	vadd.f32 v58, v6  }
0x5ab: {  	v2 =	vadd.f32 v62, v2;
	v7 =	vadd.f32 v60, v7  }
0x5ac: {  	v3 =	vadd.f32 v8, v3;
	v63 =	vadd.f32 v9, v13  }
0x5ad: {  	[tilespmem:$0x150F0] =	vst v1;
	v1 =	vadd.f32 v10, v6;
	v2 =	vadd.f32 v2, v7  }
0x5ae: {  	[tilespmem:$0x15100] =	vst v4;
	v3 =	vadd.f32 v63, v3  }
0x5af: {  	[tilespmem:$0x15110] =	vst v5;
	v1 =	vadd.f32 v2, v1  }
0x5b0: {  	[tilespmem:$0x15120] =	vst v3  }
0x5b1: {  	s4 =	simm.s32 $0x12A30;
	s8 =	rddreg [dreg:$0xb];
	[tilespmem:$0x15130] =	vst v1  }
0x5b2: {  	[hbm4b:s8+s10] =	stream.linear.scatter [tilespmem:s4], [sflag:$0xA], $0x2710, $0x38;
	[tilespmem:$0x15650] =	vst v63  }
0x5b3: {  	s4 =	simm.s32 $0xA  }
0x5b4: {  	_ =	swait.ge [sflag:s4], $0x2710  }
0x5b5: {  	s9 =	rddreg [dreg:$0xe]  }
0x5b6: {  	s13 =	rddreg [dreg:$0xc];
	s5 =	sadd.s32 $0x1, s9  }
0x5b7: {  	p1 =	sne.s32 s5, s13  }
.Ltmp6:
0x5b8: {  	_ = 	snop;
	(pc) =	sbr.rel @p1 .LBB2_1-.Ltmp6, $3  }
0x5b9: {  	_ =	sdelay $0x1  }
0x5ba: {  	[sflag:s4] =	ssyncset.done $0x0  }
0x5bb: {  	[sflag:s4] =	ssyncadd.s32 $0xFFFFD8F0  }
0x5bc: {  	_ =	sfence.sel $0x180000  }
0x5bd: {  	[bflag:$0x0] =	sbarrier.arrive $0xFFFF  }
0x5be: {  	_ =	strace $0x90000047  }
0x5bf: {  	[bflag:$0x2] =	sbarrier.arrive $0xFFFF  }
0x5c0: {  	s0 =	rddreg [dreg:$0x6]  }
0x5c1: {  	s0 =	sadd.s32 @!p0 $0x100000, s0  }
0x5c2: {  	[sflag:s0] =	ssyncadd.tile.s32 @!p0 $0x1;
	_ =	shalt  }
.Lfunc_end2:
_tile_overlayer_lowered:
.L_overlay_start_2:
0x5c3: {  	(tag) =	ssettag $0x2  }
0x5c4: {  	s0 =	rddreg [dreg:$0x0];
	s2 =	stileid.u32  }
0x5c5: {  	s1 =	rddreg [dreg:$0x1];
	p0 =	sne.s32 s2, $0x0  }
0x5c6: {  	s3 =	rddreg [dreg:$0x2];
	[bflag:$0x3] =	sbarrier.arrive $0xFFFF;
	s2 =	simm.s32 @!p0 $0x1C0A  }
0x5c7: {  	[timem:s3], [sflag:s2] =	dma.local @!p0 [hbm:s0], s1  }
0x5c8: {  	s0 =	simm.s32 @!p0 $0xA  }
0x5c9: {  	_ =	swait.ge @!p0 [sflag:s0], s1  }
0x5ca: {  	s1 =	ssub.s32 @!p0 $0x0, s1;
	[sflag:s0] =	ssyncset.done @!p0 $0x0  }
0x5cb: {  	[sflag:s0] =	ssyncadd.s32 @!p0 s1  }
0x5cc: {  	[bflag:$0x3] =	sbarrier.arrive $0xFFFF  }
0x5cd: {  	_ =	shalt  }

</sc_bundles>
